<compile_context>
chip_gen: v7x
topology: tpu7x:2x2x1
jax: 0.10.2.dev20260603
libtpu: 0.0.44.dev20260713+nightly
codegen_flags: <defaults>
</compile_context>

<pallas_src>
import jax
import jax.numpy as jnp
from jax import lax
from jax.experimental import pallas as pl
from jax.experimental.pallas import tpu as pltpu
from jax.experimental.pallas import tpu_sc as plsc

N = 10000
E = 320000
H = 16
D = 128

NC = 2
NS = 16
NW = NC * NS
EPT = E // NW
GC = 2000
NG = EPT // GC
TBL_ROWS = 10112
RPT = TBL_ROWS // NS
PR = TBL_ROWS * H // 128
PN = N * H // 128

_MESH = plsc.VectorSubcoreMesh(core_axis_name="c", subcore_axis_name="s")
_SC_PARAMS = pltpu.CompilerParams(use_tc_tiling_on_sc=False)



def _prop_body(hp_hbm, ei_hbm, zeros_hbm, out_hbm,
               srcix_v, dstix_v, rows_v, isem, gsem, acc_sh, hp_sh):
    c = lax.axis_index("c")
    s = lax.axis_index("s")
    base = (c * NS + s) * EPT
    pltpu.sync_copy(zeros_hbm, acc_sh.at[pl.ds(s * RPT, RPT)])
    pltpu.sync_copy(hp_hbm.at[pl.ds(s * RPT, RPT)],
                    hp_sh.at[pl.ds(s * RPT, RPT)])

    def load_idx(g, buf):
        pltpu.async_copy(
            ei_hbm.at[0].at[pl.ds(base + g * GC, GC)], srcix_v.at[buf], isem)
        pltpu.async_copy(
            ei_hbm.at[1].at[pl.ds(base + g * GC, GC)], dstix_v.at[buf], isem)

    def wait_idx():
        pltpu.make_async_copy(
            ei_hbm.at[0].at[pl.ds(0, GC)], srcix_v.at[0], isem).wait()
        pltpu.make_async_copy(
            ei_hbm.at[1].at[pl.ds(0, GC)], dstix_v.at[0], isem).wait()

    load_idx(0, 0)
    wait_idx()
    plsc.subcore_barrier()
    pltpu.async_copy(hp_sh.at[srcix_v.at[0]], rows_v.at[0], gsem)
    load_idx(1, 1)

    def chunk(g, carry):
        pltpu.make_async_copy(
            hp_sh.at[srcix_v.at[0]], rows_v.at[0], gsem).wait()

        @pl.when(g + 1 < NG)
        def _():
            wait_idx()
            pltpu.async_copy(
                hp_sh.at[srcix_v.at[(g + 1) % 2]], rows_v.at[(g + 1) % 2],
                gsem)

        pltpu.sync_copy(rows_v.at[g % 2], acc_sh.at[dstix_v.at[g % 2]],
                        add=True)

        @pl.when(g + 2 < NG)
        def _():
            load_idx(g + 2, g % 2)

        return carry

    lax.fori_loop(0, NG, chunk, 0)
    plsc.subcore_barrier()
    pltpu.sync_copy(acc_sh.at[pl.ds(s * RPT, RPT)],
                    out_hbm.at[c].at[pl.ds(s * RPT, RPT)])


_prop_call = pl.kernel(
    _prop_body,
    out_type=jax.ShapeDtypeStruct((NC, TBL_ROWS, H), jnp.float32),
    mesh=_MESH,
    scratch_types=[
        pltpu.VMEM((2, GC), jnp.int32),
        pltpu.VMEM((2, GC), jnp.int32),
        pltpu.VMEM((2, GC, H), jnp.float32),
        pltpu.SemaphoreType.DMA,
        pltpu.SemaphoreType.DMA,
        pltpu.VMEM_SHARED((TBL_ROWS, H), jnp.float32),
        pltpu.VMEM_SHARED((TBL_ROWS, H), jnp.float32),
    ],
    compiler_params=_SC_PARAMS,
)


def _deg_body(ei_hbm, ones_hbm, zeros_hbm, out_hbm,
              dstix_v, ones_v, isem, acc_sh):
    c = lax.axis_index("c")
    s = lax.axis_index("s")
    base = (c * NS + s) * EPT
    pltpu.sync_copy(zeros_hbm, acc_sh.at[pl.ds(s * RPT, RPT)])
    pltpu.sync_copy(ones_hbm, ones_v)
    pltpu.async_copy(ei_hbm.at[1].at[pl.ds(base, GC)], dstix_v.at[0], isem)
    plsc.subcore_barrier()

    def chunk(g, carry):
        pltpu.make_async_copy(
            ei_hbm.at[1].at[pl.ds(0, GC)], dstix_v.at[0], isem).wait()

        @pl.when(g + 1 < NG)
        def _():
            pltpu.async_copy(
                ei_hbm.at[1].at[pl.ds(base + (g + 1) * GC, GC)],
                dstix_v.at[(g + 1) % 2], isem)

        pltpu.sync_copy(ones_v, acc_sh.at[dstix_v.at[g % 2]], add=True)
        return carry

    lax.fori_loop(0, NG, chunk, 0)
    plsc.subcore_barrier()
    pltpu.sync_copy(acc_sh.at[pl.ds(s * RPT, RPT)],
                    out_hbm.at[c].at[pl.ds(s * RPT, RPT)])


_deg_call = pl.kernel(
    _deg_body,
    out_type=jax.ShapeDtypeStruct((NC, TBL_ROWS, H), jnp.float32),
    mesh=_MESH,
    scratch_types=[
        pltpu.VMEM((2, GC), jnp.int32),
        pltpu.VMEM((GC, H), jnp.float32),
        pltpu.SemaphoreType.DMA,
        pltpu.VMEM_SHARED((TBL_ROWS, H), jnp.float32),
    ],
    compiler_params=_SC_PARAMS,
)



def _dotf(a, b):
    return jnp.dot(a, b, preferred_element_type=jnp.float32)


def _dotbf(a, b):
    return jnp.dot(a.astype(jnp.bfloat16), b.astype(jnp.bfloat16),
                   preferred_element_type=jnp.float32)


def _tile_lanes(v, copies):
    return jnp.concatenate([v[None, :]] * copies, axis=1)


def _group_reduce(s, k):
    copies = s.shape[1] // k
    tot = s[:, 0:k]
    for a in range(1, copies):
        tot = tot + s[:, a * k:(a + 1) * k]
    return _tile_lanes(tot[0], copies)


def _colsum(p):
    return _dotf(jnp.ones((1, p.shape[0]), jnp.float32), p)


def _bn_gelu_packed(p, g_t, be_t, k):
    s1 = _group_reduce(_colsum(p), k)
    m = s1 * (1.0 / N)
    d = p - m
    s2 = _group_reduce(_colsum(d * d), k)
    var = s2 * (1.0 / N)
    return jax.nn.gelu(d / jnp.sqrt(var + 1e-5) * g_t + be_t)


def _packed_matmul(u_p, w, dot=None):
    dot = dot or _dotbf
    k = w.shape[0]
    return jnp.concatenate(
        [dot(u_p[:, a * k:(a + 1) * k], w) for a in range(8)], axis=1)


def _tc_pre_body(degacc_ref, xp_ref, w1_ref, dinv_ref, hp1_ref):
    dinv_p = lax.rsqrt(degacc_ref[0, :PN, :] + degacc_ref[1, :PN, :] + 1.0)
    t1_p = _packed_matmul(xp_ref[...], w1_ref[...])
    dinv_ref[:PN, :] = dinv_p
    hp1_ref[:PN, :] = t1_p * dinv_p


def _tc_mid_body(acc_ref, hp_ref, dinv_ref, b_ref, g_ref, be_ref, wn_ref,
                 hpn_ref):
    dinv_p = dinv_ref[:PN, :]
    p_p = (acc_ref[0, :PN, :] + acc_ref[1, :PN, :] + hp_ref[:PN, :]) * dinv_p
    u = _bn_gelu_packed(p_p + _tile_lanes(b_ref[...], 8),
                        _tile_lanes(g_ref[...], 8),
                        _tile_lanes(be_ref[...], 8), H)
    hpn_ref[:PN, :] = _packed_matmul(u, wn_ref[...]) * dinv_p


def _tc_mid2_body(acc_ref, hp_ref, dinv_ref, b_ref, g_ref, be_ref, hpn_ref):
    dinv_p = dinv_ref[:PN, :]
    p_p = (acc_ref[0, :PN, :] + acc_ref[1, :PN, :] + hp_ref[:PN, :]) * dinv_p
    u = _bn_gelu_packed(p_p + _tile_lanes(b_ref[...], 8),
                        _tile_lanes(g_ref[...], 8),
                        _tile_lanes(be_ref[...], 8), H)
    hpn_ref[:PN, :] = u * dinv_p


def _tc_post_body(acc_ref, hp_ref, dinv_ref, x_ref, w3_ref, b3_ref, g3_ref,
                  be3_ref, fw1_ref, fb1_ref, fw2_ref, fb2_ref, fw3_ref,
                  fb3_ref, fw4_ref, fb4_ref, out_ref):
    p3_p = (acc_ref[0, :PN, :] + acc_ref[1, :PN, :] + hp_ref[:PN, :]) \
        * dinv_ref[:PN, :]
    t3_p = _packed_matmul(p3_p, w3_ref[...], dot=_dotf)
    u3_p = _bn_gelu_packed(t3_p + _tile_lanes(b3_ref[...], 8),
                           _tile_lanes(g3_ref[...], 8),
                           _tile_lanes(be3_ref[...], 8), D)
    vu = _group_reduce(_colsum(u3_p), D)[:, 0:D]
    v = (_colsum(x_ref[...]) + vu) * (1.0 / N)
    v = jax.nn.gelu(_dotbf(v, fw1_ref[...]) + fb1_ref[...])
    v = jax.nn.gelu(_dotbf(v, fw2_ref[...]) + fb2_ref[...])
    v = jax.nn.gelu(_dotbf(v, fw3_ref[...]) + fb3_ref[...])
    out_ref[...] = _dotbf(v, fw4_ref[...]) + fb4_ref[...]


_pre_call = pl.pallas_call(_tc_pre_body, out_shape=(
    jax.ShapeDtypeStruct((PR, 128), jnp.float32),
    jax.ShapeDtypeStruct((PR, 128), jnp.float32),
))
_mid_call = pl.pallas_call(
    _tc_mid_body, out_shape=jax.ShapeDtypeStruct((PR, 128), jnp.float32))
_mid2_call = pl.pallas_call(
    _tc_mid2_body, out_shape=jax.ShapeDtypeStruct((PR, 128), jnp.float32))
_post_call = pl.pallas_call(
    _tc_post_body, out_shape=jax.ShapeDtypeStruct((1, 1), jnp.float32))



def kernel(x, edge_index, W1, b1, g1, be1, W2, b2, g2, be2, W3, b3, g3, be3,
           fw1, fb1, fw2, fb2, fw3, fb3, fw4, fb4):
    ei = edge_index.astype(jnp.int32)
    zeros_rows = jnp.zeros((RPT, H), jnp.float32)
    ones_rows = jnp.ones((GC, H), jnp.float32)

    def pack(a):
        return jnp.reshape(a, a.shape[:-2] + (PR, 128))

    def unpack(a):
        return jnp.reshape(a, (TBL_ROWS, H))

    degacc = _deg_call(ei, ones_rows, zeros_rows)
    dinv, hp1 = _pre_call(pack(degacc), x.reshape(PN, 8 * D), W1)

    acc1 = _prop_call(unpack(hp1), ei, zeros_rows)
    hp2 = _mid_call(pack(acc1), hp1, dinv, b1, g1, be1, W2)

    acc2 = _prop_call(unpack(hp2), ei, zeros_rows)
    hp3 = _mid2_call(pack(acc2), hp2, dinv, b2, g2, be2)

    acc3 = _prop_call(unpack(hp3), ei, zeros_rows)
    out = _post_call(pack(acc3), hp3, dinv, x, W3, b3, g3, be3,
                     fw1, fb1, fw2, fb2, fw3, fb3, fw4, fb4)
    return out.reshape(1)

# --- scband reference (transcript-rebuilt; emitter-appended) ---
"""Pipeline reference for scband-gnn-5480378269924 (READ-ONLY COPY).

The authoritative reference and input builder live on the scoring server;
editing this copy changes nothing except your own understanding.
"""

import jax, jax.numpy as jnp
import numpy as np

N = 10000
E = 320000
D = 128
H = 16


def _gcn_conv(x, edge_index, W, b):
    n = x.shape[0]
    loop = jnp.arange(n, dtype=edge_index.dtype)
    src = jnp.concatenate([edge_index[0], loop])
    dst = jnp.concatenate([edge_index[1], loop])
    deg = jnp.zeros((n,), dtype=x.dtype).at[dst].add(1.0)
    dinv = jnp.where(deg > 0, deg ** -0.5, 0.0)
    norm = dinv[src] * dinv[dst]
    h = x @ W
    msg = h[src] * norm[:, None]
    out = jax.ops.segment_sum(msg, dst, num_segments=n)
    return out + b


def _bn(x, gamma, beta, eps=1e-5):
    m = jnp.mean(x, axis=0)
    v = jnp.var(x, axis=0)
    return (x - m) / jnp.sqrt(v + eps) * gamma + beta


def setup_inputs(seed: int = 0) -> dict:
    key = jax.random.key(seed)
    ks = jax.random.split(key, 24)
    inp = {}
    inp["x"] = jax.random.normal(ks[0], (N, D), dtype=jnp.float32)
    inp["edge_index"] = jax.random.randint(ks[1], (2, E), 0, N)
    inp["W1"] = jax.random.normal(ks[2], (D, H), dtype=jnp.float32) * 0.1
    inp["b1"] = jnp.zeros((H,), dtype=jnp.float32)
    inp["g1"] = jnp.ones((H,), dtype=jnp.float32)
    inp["be1"] = jnp.zeros((H,), dtype=jnp.float32)
    inp["W2"] = jax.random.normal(ks[3], (H, H), dtype=jnp.float32) * 0.1
    inp["b2"] = jnp.zeros((H,), dtype=jnp.float32)
    inp["g2"] = jnp.ones((H,), dtype=jnp.float32)
    inp["be2"] = jnp.zeros((H,), dtype=jnp.float32)
    inp["W3"] = jax.random.normal(ks[4], (H, D), dtype=jnp.float32) * 0.1
    inp["b3"] = jnp.zeros((D,), dtype=jnp.float32)
    inp["g3"] = jnp.ones((D,), dtype=jnp.float32)
    inp["be3"] = jnp.zeros((D,), dtype=jnp.float32)
    inp["fw1"] = jax.random.normal(ks[5], (D, 128), dtype=jnp.float32) * 0.1
    inp["fb1"] = jnp.zeros((128,), dtype=jnp.float32)
    inp["fw2"] = jax.random.normal(ks[6], (128, 64), dtype=jnp.float32) * 0.1
    inp["fb2"] = jnp.zeros((64,), dtype=jnp.float32)
    inp["fw3"] = jax.random.normal(ks[7], (64, 32), dtype=jnp.float32) * 0.1
    inp["fb3"] = jnp.zeros((32,), dtype=jnp.float32)
    inp["fw4"] = jax.random.normal(ks[8], (32, 1), dtype=jnp.float32) * 0.1
    inp["fb4"] = jnp.zeros((1,), dtype=jnp.float32)
    return inp


def reference(x, edge_index, W1, b1, g1, be1, W2, b2, g2, be2, W3, b3, g3, be3, fw1, fb1, fw2, fb2, fw3, fb3, fw4, fb4):
    x_ori = x
    h = jax.nn.gelu(_bn(_gcn_conv(x, edge_index, W1, b1), g1, be1))
    h = jax.nn.gelu(_bn(_gcn_conv(h, edge_index, W2, b2), g2, be2))
    h = jax.nn.gelu(_bn(_gcn_conv(h, edge_index, W3, b3), g3, be3))
    h = x_ori + h
    v = jnp.mean(h, axis=0)
    v = jax.nn.gelu(v @ fw1 + fb1)
    v = jax.nn.gelu(v @ fw2 + fb2)
    v = jax.nn.gelu(v @ fw3 + fb3)
    v = v @ fw4 + fb4
    return v

if __name__ == "__main__":
    import jax
    _d = setup_inputs()
    print(jax.jit(kernel)(*tuple(_d.values())))

</pallas_src>

<mosaic_0001>
#map = affine_map<(d0, d1) -> (0, 0)>
#map1 = affine_map<(d0, d1) -> (0, 0, 0)>
module attributes {stable_mosaic.version = 14 : i64} {
  func.func @_deg_body(%arg0: i32, %arg1: i32, %arg2: memref<2x320000xi32, #tpu.memory_space<hbm>>, %arg3: memref<2000x16xf32, #tpu.memory_space<hbm>>, %arg4: memref<632x16xf32, #tpu.memory_space<hbm>>, %arg5: memref<2x10112x16xf32, #tpu.memory_space<hbm>>, %arg6: memref<2x2000xi32, #tpu.memory_space<vmem>>, %arg7: memref<2000x16xf32, #tpu.memory_space<vmem>>, %arg8: memref<!tpu.dma_semaphore, #tpu.memory_space<semaphore_mem>>, %arg9: memref<10112x16xf32, #tpu.memory_space<vmem_shared>>) attributes {dimension_semantics = [#tpu.dimension_semantics<core_parallel>, #tpu.dimension_semantics<subcore_parallel>], iteration_bounds = array<i64: 2, 16>, scalar_prefetch = 0 : i64, scratch_operands = 4 : i64, tpu.core_type = #tpu.core_type<sc_vector_subcore>, window_params = [{transform_indices = #map}, {transform_indices = #map}, {transform_indices = #map}, {transform_indices = #map1}]} {
    %mul3A = arith.constant 16 : i32
    %mul3A_0 = arith.muli %arg0, %mul3A : i32
    %add3A = arith.addi %mul3A_0, %arg1 : i32
    %mul3A_1 = arith.constant 10000 : i32
    %mul3A_2 = arith.muli %add3A, %mul3A_1 : i32
    %mul3A_3 = arith.constant 632 : i32
    %mul3A_4 = arith.muli %arg1, %mul3A_3 : i32
    "tpu.region"() ({
      %run_scoped3A = tpu.sem_alloc : memref<!tpu.dma_semaphore, #tpu.memory_space<semaphore_mem>>
      %dma_start3A_30 = arith.constant 0 : i32
      %dma_start3A_31 = tpu.memref_slice %arg9[%mul3A_4, %dma_start3A_30] : memref<10112x16xf32, #tpu.memory_space<vmem_shared>> -> memref<632x16xf32, #tpu.memory_space<vmem_shared>>
      tpu.enqueue_dma source(%arg4 : memref<632x16xf32, #tpu.memory_space<hbm>>) target(%dma_start3A_31 : memref<632x16xf32, #tpu.memory_space<vmem_shared>>) target_semaphore(%run_scoped3A : memref<!tpu.dma_semaphore, #tpu.memory_space<semaphore_mem>>)
      %dma_wait3A = arith.constant 0 : i32
      %dma_wait3A_32 = tpu.memref_slice %arg9[%mul3A_4, %dma_wait3A] : memref<10112x16xf32, #tpu.memory_space<vmem_shared>> -> memref<632x16xf32, #tpu.memory_space<vmem_shared>>
      tpu.wait_dma2 semaphore(%run_scoped3A : memref<!tpu.dma_semaphore, #tpu.memory_space<semaphore_mem>>) src(%arg4 : memref<632x16xf32, #tpu.memory_space<hbm>>) dst(%dma_wait3A_32 : memref<632x16xf32, #tpu.memory_space<vmem_shared>>)
      tpu.yield
    }) : () -> ()
    "tpu.region"() ({
      %run_scoped3A = tpu.sem_alloc : memref<!tpu.dma_semaphore, #tpu.memory_space<semaphore_mem>>
      tpu.enqueue_dma source(%arg3 : memref<2000x16xf32, #tpu.memory_space<hbm>>) target(%arg7 : memref<2000x16xf32, #tpu.memory_space<vmem>>) target_semaphore(%run_scoped3A : memref<!tpu.dma_semaphore, #tpu.memory_space<semaphore_mem>>)
      tpu.wait_dma2 semaphore(%run_scoped3A : memref<!tpu.dma_semaphore, #tpu.memory_space<semaphore_mem>>) src(%arg3 : memref<2000x16xf32, #tpu.memory_space<hbm>>) dst(%arg7 : memref<2000x16xf32, #tpu.memory_space<vmem>>)
      tpu.yield
    }) : () -> ()
    %dma_start3A = arith.constant 1 : i32
    %dma_start3A_5 = arith.constant 0 : i32
    %dma_start3A_6 = arith.constant 0 : i32
    %dma_start3A_7 = tpu.memref_slice %arg6[%dma_start3A_5, %dma_start3A_6] : memref<2x2000xi32, #tpu.memory_space<vmem>> -> memref<1x2000xi32, #tpu.memory_space<vmem>>
    %dma_start3A_8 = tpu.memref_squeeze %dma_start3A_7 : memref<1x2000xi32, #tpu.memory_space<vmem>> -> memref<2000xi32, #tpu.memory_space<vmem>>
    %dma_start3A_9 = arith.constant 0 : i32
    %dma_start3A_10 = tpu.memref_slice %arg2[%dma_start3A, %dma_start3A_9] : memref<2x320000xi32, #tpu.memory_space<hbm>> -> memref<1x320000xi32, #tpu.memory_space<hbm>>
    %dma_start3A_11 = tpu.memref_squeeze %dma_start3A_10 : memref<1x320000xi32, #tpu.memory_space<hbm>> -> memref<320000xi32, #tpu.memory_space<hbm>>
    %dma_start3A_12 = tpu.memref_slice %dma_start3A_11[%mul3A_2] : memref<320000xi32, #tpu.memory_space<hbm>> -> memref<2000xi32, #tpu.memory_space<hbm>>
    %dma_start3A_13 = arith.constant 0 : i32
    %dma_start3A_14 = tpu.memref_slice %arg6[%dma_start3A_5, %dma_start3A_13] : memref<2x2000xi32, #tpu.memory_space<vmem>> -> memref<1x2000xi32, #tpu.memory_space<vmem>>
    %dma_start3A_15 = tpu.memref_squeeze %dma_start3A_14 : memref<1x2000xi32, #tpu.memory_space<vmem>> -> memref<2000xi32, #tpu.memory_space<vmem>>
    %dma_start3A_16 = arith.constant 0 : i32
    %dma_start3A_17 = tpu.memref_slice %arg2[%dma_start3A, %dma_start3A_16] : memref<2x320000xi32, #tpu.memory_space<hbm>> -> memref<1x320000xi32, #tpu.memory_space<hbm>>
    %dma_start3A_18 = tpu.memref_squeeze %dma_start3A_17 : memref<1x320000xi32, #tpu.memory_space<hbm>> -> memref<320000xi32, #tpu.memory_space<hbm>>
    %dma_start3A_19 = tpu.memref_slice %dma_start3A_18[%mul3A_2] : memref<320000xi32, #tpu.memory_space<hbm>> -> memref<2000xi32, #tpu.memory_space<hbm>>
    tpu.enqueue_dma source(%dma_start3A_19 : memref<2000xi32, #tpu.memory_space<hbm>>) target(%dma_start3A_15 : memref<2000xi32, #tpu.memory_space<vmem>>) target_semaphore(%arg8 : memref<!tpu.dma_semaphore, #tpu.memory_space<semaphore_mem>>)
    %barrier3A = arith.constant 0 : index
    tpu.barrier barrier_id(%barrier3A)
    %scan3A = arith.constant 0 : i32
    %scan3A_20 = arith.constant 0 : i32
    %scan3A_21 = arith.constant 5 : i32
    %scan3A_22 = arith.addi %scan3A_20, %scan3A_21 : i32
    %scan3A_23 = arith.constant 1 : i32
    scf.for %scan3A_30 = %scan3A_20 to %scan3A_22 step %scan3A_23  : i32 {
      %dma_wait3A = arith.constant 1 : i32
      %dma_wait3A_31 = arith.constant 0 : i32
      %dma_wait3A_32 = arith.constant 0 : i32
      %dma_wait3A_33 = tpu.memref_slice %arg6[%dma_wait3A_31, %dma_wait3A_32] : memref<2x2000xi32, #tpu.memory_space<vmem>> -> memref<1x2000xi32, #tpu.memory_space<vmem>>
      %dma_wait3A_34 = tpu.memref_squeeze %dma_wait3A_33 : memref<1x2000xi32, #tpu.memory_space<vmem>> -> memref<2000xi32, #tpu.memory_space<vmem>>
      %dma_wait3A_35 = arith.constant 0 : i32
      %dma_wait3A_36 = tpu.memref_slice %arg2[%dma_wait3A, %dma_wait3A_35] : memref<2x320000xi32, #tpu.memory_space<hbm>> -> memref<1x320000xi32, #tpu.memory_space<hbm>>
      %dma_wait3A_37 = tpu.memref_squeeze %dma_wait3A_36 : memref<1x320000xi32, #tpu.memory_space<hbm>> -> memref<320000xi32, #tpu.memory_space<hbm>>
      %dma_wait3A_38 = arith.constant 0 : i32
      %dma_wait3A_39 = tpu.memref_slice %dma_wait3A_37[%dma_wait3A_38] : memref<320000xi32, #tpu.memory_space<hbm>> -> memref<2000xi32, #tpu.memory_space<hbm>>
      %dma_wait3A_40 = arith.constant 0 : i32
      %dma_wait3A_41 = tpu.memref_slice %arg6[%dma_wait3A_31, %dma_wait3A_40] : memref<2x2000xi32, #tpu.memory_space<vmem>> -> memref<1x2000xi32, #tpu.memory_space<vmem>>
      %dma_wait3A_42 = tpu.memref_squeeze %dma_wait3A_41 : memref<1x2000xi32, #tpu.memory_space<vmem>> -> memref<2000xi32, #tpu.memory_space<vmem>>
      %dma_wait3A_43 = arith.constant 0 : i32
      %dma_wait3A_44 = tpu.memref_slice %arg2[%dma_wait3A, %dma_wait3A_43] : memref<2x320000xi32, #tpu.memory_space<hbm>> -> memref<1x320000xi32, #tpu.memory_space<hbm>>
      %dma_wait3A_45 = tpu.memref_squeeze %dma_wait3A_44 : memref<1x320000xi32, #tpu.memory_space<hbm>> -> memref<320000xi32, #tpu.memory_space<hbm>>
      %dma_wait3A_46 = arith.constant 0 : i32
      %dma_wait3A_47 = tpu.memref_slice %dma_wait3A_45[%dma_wait3A_46] : memref<320000xi32, #tpu.memory_space<hbm>> -> memref<2000xi32, #tpu.memory_space<hbm>>
      tpu.wait_dma2 semaphore(%arg8 : memref<!tpu.dma_semaphore, #tpu.memory_space<semaphore_mem>>) src(%dma_wait3A_47 : memref<2000xi32, #tpu.memory_space<hbm>>) dst(%dma_wait3A_42 : memref<2000xi32, #tpu.memory_space<vmem>>)
      %add3A_48 = arith.constant 1 : i32
      %add3A_49 = arith.addi %scan3A_30, %add3A_48 : i32
      %lt3A = arith.constant 5 : i32
      %lt3A_50 = arith.cmpi slt, %add3A_49, %lt3A : i32
      %convert_element_type3A = arith.extui %lt3A_50 : i1 to i32
      %cond3A = arith.constant 0 : i32
      %cond3A_51 = arith.cmpi ne, %convert_element_type3A, %cond3A : i32
      scf.if %cond3A_51 {
        %add3A_62 = arith.constant 1 : i32
        %add3A_63 = arith.addi %scan3A_30, %add3A_62 : i32
        %mul3A_64 = arith.constant 2000 : i32
        %mul3A_65 = arith.muli %add3A_63, %mul3A_64 : i32
        %add3A_66 = arith.addi %mul3A_2, %mul3A_65 : i32
        %add3A_67 = arith.constant 1 : i32
        %add3A_68 = arith.addi %scan3A_30, %add3A_67 : i32
        %jit3A_69 = arith.constant 2 : i32
        %eq3A_70 = arith.constant 0 : i32
        %eq3A_71 = arith.cmpi eq, %jit3A_69, %eq3A_70 : i32
        %jit3A_72 = arith.constant 1 : i32
        %select_n3A_73 = arith.select %eq3A_71, %jit3A_72, %jit3A_69 : i32
        %rem3A_74 = arith.remsi %add3A_68, %select_n3A_73 : i32
        %ne3A_75 = arith.constant 0 : i32
        %ne3A_76 = arith.cmpi ne, %rem3A_74, %ne3A_75 : i32
        %lt3A_77 = arith.constant 0 : i32
        %lt3A_78 = arith.cmpi slt, %rem3A_74, %lt3A_77 : i32
        %lt3A_79 = arith.constant 0 : i32
        %lt3A_80 = arith.cmpi slt, %select_n3A_73, %lt3A_79 : i32
        %ne3A_81 = arith.xori %lt3A_78, %lt3A_80 : i1
        %and3A_82 = arith.andi %ne3A_81, %ne3A_76 : i1
        %add3A_83 = arith.addi %rem3A_74, %select_n3A_73 : i32
        %select_n3A_84 = arith.select %and3A_82, %add3A_83, %rem3A_74 : i32
        %dma_start3A_85 = arith.constant 1 : i32
        %dma_start3A_86 = arith.constant 0 : i32
        %dma_start3A_87 = tpu.memref_slice %arg6[%select_n3A_84, %dma_start3A_86] : memref<2x2000xi32, #tpu.memory_space<vmem>> -> memref<1x2000xi32, #tpu.memory_space<vmem>>
        %dma_start3A_88 = tpu.memref_squeeze %dma_start3A_87 : memref<1x2000xi32, #tpu.memory_space<vmem>> -> memref<2000xi32, #tpu.memory_space<vmem>>
        %dma_start3A_89 = arith.constant 0 : i32
        %dma_start3A_90 = tpu.memref_slice %arg2[%dma_start3A_85, %dma_start3A_89] : memref<2x320000xi32, #tpu.memory_space<hbm>> -> memref<1x320000xi32, #tpu.memory_space<hbm>>
        %dma_start3A_91 = tpu.memref_squeeze %dma_start3A_90 : memref<1x320000xi32, #tpu.memory_space<hbm>> -> memref<320000xi32, #tpu.memory_space<hbm>>
        %dma_start3A_92 = tpu.memref_slice %dma_start3A_91[%add3A_66] : memref<320000xi32, #tpu.memory_space<hbm>> -> memref<2000xi32, #tpu.memory_space<hbm>>
        %dma_start3A_93 = arith.constant 0 : i32
        %dma_start3A_94 = tpu.memref_slice %arg6[%select_n3A_84, %dma_start3A_93] : memref<2x2000xi32, #tpu.memory_space<vmem>> -> memref<1x2000xi32, #tpu.memory_space<vmem>>
        %dma_start3A_95 = tpu.memref_squeeze %dma_start3A_94 : memref<1x2000xi32, #tpu.memory_space<vmem>> -> memref<2000xi32, #tpu.memory_space<vmem>>
        %dma_start3A_96 = arith.constant 0 : i32
        %dma_start3A_97 = tpu.memref_slice %arg2[%dma_start3A_85, %dma_start3A_96] : memref<2x320000xi32, #tpu.memory_space<hbm>> -> memref<1x320000xi32, #tpu.memory_space<hbm>>
        %dma_start3A_98 = tpu.memref_squeeze %dma_start3A_97 : memref<1x320000xi32, #tpu.memory_space<hbm>> -> memref<320000xi32, #tpu.memory_space<hbm>>
        %dma_start3A_99 = tpu.memref_slice %dma_start3A_98[%add3A_66] : memref<320000xi32, #tpu.memory_space<hbm>> -> memref<2000xi32, #tpu.memory_space<hbm>>
        tpu.enqueue_dma source(%dma_start3A_99 : memref<2000xi32, #tpu.memory_space<hbm>>) target(%dma_start3A_95 : memref<2000xi32, #tpu.memory_space<vmem>>) target_semaphore(%arg8 : memref<!tpu.dma_semaphore, #tpu.memory_space<semaphore_mem>>)
      } else {
      }
      %jit3A = arith.constant 2 : i32
      %eq3A = arith.constant 0 : i32
      %eq3A_52 = arith.cmpi eq, %jit3A, %eq3A : i32
      %jit3A_53 = arith.constant 1 : i32
      %select_n3A = arith.select %eq3A_52, %jit3A_53, %jit3A : i32
      %rem3A = arith.remsi %scan3A_30, %select_n3A : i32
      %ne3A = arith.constant 0 : i32
      %ne3A_54 = arith.cmpi ne, %rem3A, %ne3A : i32
      %lt3A_55 = arith.constant 0 : i32
      %lt3A_56 = arith.cmpi slt, %rem3A, %lt3A_55 : i32
      %lt3A_57 = arith.constant 0 : i32
      %lt3A_58 = arith.cmpi slt, %select_n3A, %lt3A_57 : i32
      %ne3A_59 = arith.xori %lt3A_56, %lt3A_58 : i1
      %and3A = arith.andi %ne3A_59, %ne3A_54 : i1
      %add3A_60 = arith.addi %rem3A, %select_n3A : i32
      %select_n3A_61 = arith.select %and3A, %add3A_60, %rem3A : i32
      "tpu.region"() ({
        %run_scoped3A = tpu.sem_alloc : memref<!tpu.dma_semaphore, #tpu.memory_space<semaphore_mem>>
        %dma_start3A_62 = arith.constant 0 : i32
        %dma_start3A_63 = tpu.memref_slice %arg6[%select_n3A_61, %dma_start3A_62] : memref<2x2000xi32, #tpu.memory_space<vmem>> -> memref<1x2000xi32, #tpu.memory_space<vmem>>
        %dma_start3A_64 = tpu.memref_squeeze %dma_start3A_63 : memref<1x2000xi32, #tpu.memory_space<vmem>> -> memref<2000xi32, #tpu.memory_space<vmem>>
        %dma_start3A_65 = arith.constant 0 : i32
        %dma_start3A_66 = arith.constant 0 : i32
        %dma_start3A_67 = tpu.memref_slice %arg9[%dma_start3A_65, %dma_start3A_66] : memref<10112x16xf32, #tpu.memory_space<vmem_shared>> -> memref<10112x16xf32, #tpu.memory_space<vmem_shared>>
        tpu.enqueue_indirect_dma source(%arg7 : memref<2000x16xf32, #tpu.memory_space<vmem>>) target(%dma_start3A_67 : memref<10112x16xf32, #tpu.memory_space<vmem_shared>>) offsets(%dma_start3A_64 : memref<2000xi32, #tpu.memory_space<vmem>>) semaphore(%run_scoped3A : memref<!tpu.dma_semaphore, #tpu.memory_space<semaphore_mem>>) {add = true}
        %dma_wait3A_68 = arith.constant 0 : i32
        %dma_wait3A_69 = tpu.memref_slice %arg6[%select_n3A_61, %dma_wait3A_68] : memref<2x2000xi32, #tpu.memory_space<vmem>> -> memref<1x2000xi32, #tpu.memory_space<vmem>>
        %dma_wait3A_70 = tpu.memref_squeeze %dma_wait3A_69 : memref<1x2000xi32, #tpu.memory_space<vmem>> -> memref<2000xi32, #tpu.memory_space<vmem>>
        %dma_wait3A_71 = arith.constant 0 : i32
        %dma_wait3A_72 = arith.constant 0 : i32
        %dma_wait3A_73 = tpu.memref_slice %arg9[%dma_wait3A_71, %dma_wait3A_72] : memref<10112x16xf32, #tpu.memory_space<vmem_shared>> -> memref<10112x16xf32, #tpu.memory_space<vmem_shared>>
        tpu.wait_indirect_dma semaphore(%run_scoped3A : memref<!tpu.dma_semaphore, #tpu.memory_space<semaphore_mem>>) src(%arg7 : memref<2000x16xf32, #tpu.memory_space<vmem>>) dst(%dma_wait3A_73 : memref<10112x16xf32, #tpu.memory_space<vmem_shared>>)
        tpu.yield
      }) : () -> ()
    }
    %scan3A_24 = arith.constant 5 : i32
    %barrier3A_25 = arith.constant 0 : index
    tpu.barrier barrier_id(%barrier3A_25)
    %mul3A_26 = arith.constant 632 : i32
    %mul3A_27 = arith.muli %arg1, %mul3A_26 : i32
    %mul3A_28 = arith.constant 632 : i32
    %mul3A_29 = arith.muli %arg1, %mul3A_28 : i32
    "tpu.region"() ({
      %run_scoped3A = tpu.sem_alloc : memref<!tpu.dma_semaphore, #tpu.memory_space<semaphore_mem>>
      %dma_start3A_30 = arith.constant 0 : i32
      %dma_start3A_31 = arith.constant 0 : i32
      %dma_start3A_32 = tpu.memref_slice %arg5[%arg0, %dma_start3A_30, %dma_start3A_31] : memref<2x10112x16xf32, #tpu.memory_space<hbm>> -> memref<1x10112x16xf32, #tpu.memory_space<hbm>>
      %dma_start3A_33 = tpu.memref_squeeze %dma_start3A_32 : memref<1x10112x16xf32, #tpu.memory_space<hbm>> -> memref<10112x16xf32, #tpu.memory_space<hbm>>
      %dma_start3A_34 = arith.constant 0 : i32
      %dma_start3A_35 = tpu.memref_slice %dma_start3A_33[%mul3A_29, %dma_start3A_34] : memref<10112x16xf32, #tpu.memory_space<hbm>> -> memref<632x16xf32, #tpu.memory_space<hbm>>
      %dma_start3A_36 = arith.constant 0 : i32
      %dma_start3A_37 = tpu.memref_slice %arg9[%mul3A_27, %dma_start3A_36] : memref<10112x16xf32, #tpu.memory_space<vmem_shared>> -> memref<632x16xf32, #tpu.memory_space<vmem_shared>>
      tpu.enqueue_dma source(%dma_start3A_37 : memref<632x16xf32, #tpu.memory_space<vmem_shared>>) target(%dma_start3A_35 : memref<632x16xf32, #tpu.memory_space<hbm>>) target_semaphore(%run_scoped3A : memref<!tpu.dma_semaphore, #tpu.memory_space<semaphore_mem>>)
      %dma_wait3A = arith.constant 0 : i32
      %dma_wait3A_38 = arith.constant 0 : i32
      %dma_wait3A_39 = tpu.memref_slice %arg5[%arg0, %dma_wait3A, %dma_wait3A_38] : memref<2x10112x16xf32, #tpu.memory_space<hbm>> -> memref<1x10112x16xf32, #tpu.memory_space<hbm>>
      %dma_wait3A_40 = tpu.memref_squeeze %dma_wait3A_39 : memref<1x10112x16xf32, #tpu.memory_space<hbm>> -> memref<10112x16xf32, #tpu.memory_space<hbm>>
      %dma_wait3A_41 = arith.constant 0 : i32
      %dma_wait3A_42 = tpu.memref_slice %dma_wait3A_40[%mul3A_29, %dma_wait3A_41] : memref<10112x16xf32, #tpu.memory_space<hbm>> -> memref<632x16xf32, #tpu.memory_space<hbm>>
      %dma_wait3A_43 = arith.constant 0 : i32
      %dma_wait3A_44 = tpu.memref_slice %arg9[%mul3A_27, %dma_wait3A_43] : memref<10112x16xf32, #tpu.memory_space<vmem_shared>> -> memref<632x16xf32, #tpu.memory_space<vmem_shared>>
      tpu.wait_dma2 semaphore(%run_scoped3A : memref<!tpu.dma_semaphore, #tpu.memory_space<semaphore_mem>>) src(%dma_wait3A_44 : memref<632x16xf32, #tpu.memory_space<vmem_shared>>) dst(%dma_wait3A_42 : memref<632x16xf32, #tpu.memory_space<hbm>>)
      tpu.yield
    }) : () -> ()
    return
  }
}

#map = affine_map<(d0, d1) -> (0, 0)>
#map1 = affine_map<(d0, d1) -> (0, 0, 0)>
module attributes {stable_mosaic.version = 14 : i64} {
  func.func @_prop_body(%arg0: i32, %arg1: i32, %arg2: memref<10112x16xf32, #tpu.memory_space<hbm>>, %arg3: memref<2x320000xi32, #tpu.memory_space<hbm>>, %arg4: memref<632x16xf32, #tpu.memory_space<hbm>>, %arg5: memref<2x10112x16xf32, #tpu.memory_space<hbm>>, %arg6: memref<2x2000xi32, #tpu.memory_space<vmem>>, %arg7: memref<2x2000xi32, #tpu.memory_space<vmem>>, %arg8: memref<2x2000x16xf32, #tpu.memory_space<vmem>>, %arg9: memref<!tpu.dma_semaphore, #tpu.memory_space<semaphore_mem>>, %arg10: memref<!tpu.dma_semaphore, #tpu.memory_space<semaphore_mem>>, %arg11: memref<10112x16xf32, #tpu.memory_space<vmem_shared>>, %arg12: memref<10112x16xf32, #tpu.memory_space<vmem_shared>>) attributes {dimension_semantics = [#tpu.dimension_semantics<core_parallel>, #tpu.dimension_semantics<subcore_parallel>], iteration_bounds = array<i64: 2, 16>, scalar_prefetch = 0 : i64, scratch_operands = 7 : i64, tpu.core_type = #tpu.core_type<sc_vector_subcore>, window_params = [{transform_indices = #map}, {transform_indices = #map}, {transform_indices = #map}, {transform_indices = #map1}]} {
    %mul3A = arith.constant 16 : i32
    %mul3A_0 = arith.muli %arg0, %mul3A : i32
    %add3A = arith.addi %mul3A_0, %arg1 : i32
    %mul3A_1 = arith.constant 10000 : i32
    %mul3A_2 = arith.muli %add3A, %mul3A_1 : i32
    %mul3A_3 = arith.constant 632 : i32
    %mul3A_4 = arith.muli %arg1, %mul3A_3 : i32
    "tpu.region"() ({
      %run_scoped3A = tpu.sem_alloc : memref<!tpu.dma_semaphore, #tpu.memory_space<semaphore_mem>>
      %dma_start3A_137 = arith.constant 0 : i32
      %dma_start3A_138 = tpu.memref_slice %arg11[%mul3A_4, %dma_start3A_137] : memref<10112x16xf32, #tpu.memory_space<vmem_shared>> -> memref<632x16xf32, #tpu.memory_space<vmem_shared>>
      tpu.enqueue_dma source(%arg4 : memref<632x16xf32, #tpu.memory_space<hbm>>) target(%dma_start3A_138 : memref<632x16xf32, #tpu.memory_space<vmem_shared>>) target_semaphore(%run_scoped3A : memref<!tpu.dma_semaphore, #tpu.memory_space<semaphore_mem>>)
      %dma_wait3A_139 = arith.constant 0 : i32
      %dma_wait3A_140 = tpu.memref_slice %arg11[%mul3A_4, %dma_wait3A_139] : memref<10112x16xf32, #tpu.memory_space<vmem_shared>> -> memref<632x16xf32, #tpu.memory_space<vmem_shared>>
      tpu.wait_dma2 semaphore(%run_scoped3A : memref<!tpu.dma_semaphore, #tpu.memory_space<semaphore_mem>>) src(%arg4 : memref<632x16xf32, #tpu.memory_space<hbm>>) dst(%dma_wait3A_140 : memref<632x16xf32, #tpu.memory_space<vmem_shared>>)
      tpu.yield
    }) : () -> ()
    %mul3A_5 = arith.constant 632 : i32
    %mul3A_6 = arith.muli %arg1, %mul3A_5 : i32
    %mul3A_7 = arith.constant 632 : i32
    %mul3A_8 = arith.muli %arg1, %mul3A_7 : i32
    "tpu.region"() ({
      %run_scoped3A = tpu.sem_alloc : memref<!tpu.dma_semaphore, #tpu.memory_space<semaphore_mem>>
      %dma_start3A_137 = arith.constant 0 : i32
      %dma_start3A_138 = tpu.memref_slice %arg12[%mul3A_8, %dma_start3A_137] : memref<10112x16xf32, #tpu.memory_space<vmem_shared>> -> memref<632x16xf32, #tpu.memory_space<vmem_shared>>
      %dma_start3A_139 = arith.constant 0 : i32
      %dma_start3A_140 = tpu.memref_slice %arg2[%mul3A_6, %dma_start3A_139] : memref<10112x16xf32, #tpu.memory_space<hbm>> -> memref<632x16xf32, #tpu.memory_space<hbm>>
      tpu.enqueue_dma source(%dma_start3A_140 : memref<632x16xf32, #tpu.memory_space<hbm>>) target(%dma_start3A_138 : memref<632x16xf32, #tpu.memory_space<vmem_shared>>) target_semaphore(%run_scoped3A : memref<!tpu.dma_semaphore, #tpu.memory_space<semaphore_mem>>)
      %dma_wait3A_141 = arith.constant 0 : i32
      %dma_wait3A_142 = tpu.memref_slice %arg12[%mul3A_8, %dma_wait3A_141] : memref<10112x16xf32, #tpu.memory_space<vmem_shared>> -> memref<632x16xf32, #tpu.memory_space<vmem_shared>>
      %dma_wait3A_143 = arith.constant 0 : i32
      %dma_wait3A_144 = tpu.memref_slice %arg2[%mul3A_6, %dma_wait3A_143] : memref<10112x16xf32, #tpu.memory_space<hbm>> -> memref<632x16xf32, #tpu.memory_space<hbm>>
      tpu.wait_dma2 semaphore(%run_scoped3A : memref<!tpu.dma_semaphore, #tpu.memory_space<semaphore_mem>>) src(%dma_wait3A_144 : memref<632x16xf32, #tpu.memory_space<hbm>>) dst(%dma_wait3A_142 : memref<632x16xf32, #tpu.memory_space<vmem_shared>>)
      tpu.yield
    }) : () -> ()
    %add3A_9 = arith.constant 0 : i32
    %add3A_10 = arith.addi %mul3A_2, %add3A_9 : i32
    %dma_start3A = arith.constant 0 : i32
    %dma_start3A_11 = arith.constant 0 : i32
    %dma_start3A_12 = arith.constant 0 : i32
    %dma_start3A_13 = tpu.memref_slice %arg6[%dma_start3A_11, %dma_start3A_12] : memref<2x2000xi32, #tpu.memory_space<vmem>> -> memref<1x2000xi32, #tpu.memory_space<vmem>>
    %dma_start3A_14 = tpu.memref_squeeze %dma_start3A_13 : memref<1x2000xi32, #tpu.memory_space<vmem>> -> memref<2000xi32, #tpu.memory_space<vmem>>
    %dma_start3A_15 = arith.constant 0 : i32
    %dma_start3A_16 = tpu.memref_slice %arg3[%dma_start3A, %dma_start3A_15] : memref<2x320000xi32, #tpu.memory_space<hbm>> -> memref<1x320000xi32, #tpu.memory_space<hbm>>
    %dma_start3A_17 = tpu.memref_squeeze %dma_start3A_16 : memref<1x320000xi32, #tpu.memory_space<hbm>> -> memref<320000xi32, #tpu.memory_space<hbm>>
    %dma_start3A_18 = tpu.memref_slice %dma_start3A_17[%add3A_10] : memref<320000xi32, #tpu.memory_space<hbm>> -> memref<2000xi32, #tpu.memory_space<hbm>>
    %dma_start3A_19 = arith.constant 0 : i32
    %dma_start3A_20 = tpu.memref_slice %arg6[%dma_start3A_11, %dma_start3A_19] : memref<2x2000xi32, #tpu.memory_space<vmem>> -> memref<1x2000xi32, #tpu.memory_space<vmem>>
    %dma_start3A_21 = tpu.memref_squeeze %dma_start3A_20 : memref<1x2000xi32, #tpu.memory_space<vmem>> -> memref<2000xi32, #tpu.memory_space<vmem>>
    %dma_start3A_22 = arith.constant 0 : i32
    %dma_start3A_23 = tpu.memref_slice %arg3[%dma_start3A, %dma_start3A_22] : memref<2x320000xi32, #tpu.memory_space<hbm>> -> memref<1x320000xi32, #tpu.memory_space<hbm>>
    %dma_start3A_24 = tpu.memref_squeeze %dma_start3A_23 : memref<1x320000xi32, #tpu.memory_space<hbm>> -> memref<320000xi32, #tpu.memory_space<hbm>>
    %dma_start3A_25 = tpu.memref_slice %dma_start3A_24[%add3A_10] : memref<320000xi32, #tpu.memory_space<hbm>> -> memref<2000xi32, #tpu.memory_space<hbm>>
    tpu.enqueue_dma source(%dma_start3A_25 : memref<2000xi32, #tpu.memory_space<hbm>>) target(%dma_start3A_21 : memref<2000xi32, #tpu.memory_space<vmem>>) target_semaphore(%arg9 : memref<!tpu.dma_semaphore, #tpu.memory_space<semaphore_mem>>)
    %add3A_26 = arith.constant 0 : i32
    %add3A_27 = arith.addi %mul3A_2, %add3A_26 : i32
    %dma_start3A_28 = arith.constant 1 : i32
    %dma_start3A_29 = arith.constant 0 : i32
    %dma_start3A_30 = arith.constant 0 : i32
    %dma_start3A_31 = tpu.memref_slice %arg7[%dma_start3A_29, %dma_start3A_30] : memref<2x2000xi32, #tpu.memory_space<vmem>> -> memref<1x2000xi32, #tpu.memory_space<vmem>>
    %dma_start3A_32 = tpu.memref_squeeze %dma_start3A_31 : memref<1x2000xi32, #tpu.memory_space<vmem>> -> memref<2000xi32, #tpu.memory_space<vmem>>
    %dma_start3A_33 = arith.constant 0 : i32
    %dma_start3A_34 = tpu.memref_slice %arg3[%dma_start3A_28, %dma_start3A_33] : memref<2x320000xi32, #tpu.memory_space<hbm>> -> memref<1x320000xi32, #tpu.memory_space<hbm>>
    %dma_start3A_35 = tpu.memref_squeeze %dma_start3A_34 : memref<1x320000xi32, #tpu.memory_space<hbm>> -> memref<320000xi32, #tpu.memory_space<hbm>>
    %dma_start3A_36 = tpu.memref_slice %dma_start3A_35[%add3A_27] : memref<320000xi32, #tpu.memory_space<hbm>> -> memref<2000xi32, #tpu.memory_space<hbm>>
    %dma_start3A_37 = arith.constant 0 : i32
    %dma_start3A_38 = tpu.memref_slice %arg7[%dma_start3A_29, %dma_start3A_37] : memref<2x2000xi32, #tpu.memory_space<vmem>> -> memref<1x2000xi32, #tpu.memory_space<vmem>>
    %dma_start3A_39 = tpu.memref_squeeze %dma_start3A_38 : memref<1x2000xi32, #tpu.memory_space<vmem>> -> memref<2000xi32, #tpu.memory_space<vmem>>
    %dma_start3A_40 = arith.constant 0 : i32
    %dma_start3A_41 = tpu.memref_slice %arg3[%dma_start3A_28, %dma_start3A_40] : memref<2x320000xi32, #tpu.memory_space<hbm>> -> memref<1x320000xi32, #tpu.memory_space<hbm>>
    %dma_start3A_42 = tpu.memref_squeeze %dma_start3A_41 : memref<1x320000xi32, #tpu.memory_space<hbm>> -> memref<320000xi32, #tpu.memory_space<hbm>>
    %dma_start3A_43 = tpu.memref_slice %dma_start3A_42[%add3A_27] : memref<320000xi32, #tpu.memory_space<hbm>> -> memref<2000xi32, #tpu.memory_space<hbm>>
    tpu.enqueue_dma source(%dma_start3A_43 : memref<2000xi32, #tpu.memory_space<hbm>>) target(%dma_start3A_39 : memref<2000xi32, #tpu.memory_space<vmem>>) target_semaphore(%arg9 : memref<!tpu.dma_semaphore, #tpu.memory_space<semaphore_mem>>)
    %dma_wait3A = arith.constant 0 : i32
    %dma_wait3A_44 = arith.constant 0 : i32
    %dma_wait3A_45 = arith.constant 0 : i32
    %dma_wait3A_46 = tpu.memref_slice %arg6[%dma_wait3A_44, %dma_wait3A_45] : memref<2x2000xi32, #tpu.memory_space<vmem>> -> memref<1x2000xi32, #tpu.memory_space<vmem>>
    %dma_wait3A_47 = tpu.memref_squeeze %dma_wait3A_46 : memref<1x2000xi32, #tpu.memory_space<vmem>> -> memref<2000xi32, #tpu.memory_space<vmem>>
    %dma_wait3A_48 = arith.constant 0 : i32
    %dma_wait3A_49 = tpu.memref_slice %arg3[%dma_wait3A, %dma_wait3A_48] : memref<2x320000xi32, #tpu.memory_space<hbm>> -> memref<1x320000xi32, #tpu.memory_space<hbm>>
    %dma_wait3A_50 = tpu.memref_squeeze %dma_wait3A_49 : memref<1x320000xi32, #tpu.memory_space<hbm>> -> memref<320000xi32, #tpu.memory_space<hbm>>
    %dma_wait3A_51 = arith.constant 0 : i32
    %dma_wait3A_52 = tpu.memref_slice %dma_wait3A_50[%dma_wait3A_51] : memref<320000xi32, #tpu.memory_space<hbm>> -> memref<2000xi32, #tpu.memory_space<hbm>>
    %dma_wait3A_53 = arith.constant 0 : i32
    %dma_wait3A_54 = tpu.memref_slice %arg6[%dma_wait3A_44, %dma_wait3A_53] : memref<2x2000xi32, #tpu.memory_space<vmem>> -> memref<1x2000xi32, #tpu.memory_space<vmem>>
    %dma_wait3A_55 = tpu.memref_squeeze %dma_wait3A_54 : memref<1x2000xi32, #tpu.memory_space<vmem>> -> memref<2000xi32, #tpu.memory_space<vmem>>
    %dma_wait3A_56 = arith.constant 0 : i32
    %dma_wait3A_57 = tpu.memref_slice %arg3[%dma_wait3A, %dma_wait3A_56] : memref<2x320000xi32, #tpu.memory_space<hbm>> -> memref<1x320000xi32, #tpu.memory_space<hbm>>
    %dma_wait3A_58 = tpu.memref_squeeze %dma_wait3A_57 : memref<1x320000xi32, #tpu.memory_space<hbm>> -> memref<320000xi32, #tpu.memory_space<hbm>>
    %dma_wait3A_59 = arith.constant 0 : i32
    %dma_wait3A_60 = tpu.memref_slice %dma_wait3A_58[%dma_wait3A_59] : memref<320000xi32, #tpu.memory_space<hbm>> -> memref<2000xi32, #tpu.memory_space<hbm>>
    tpu.wait_dma2 semaphore(%arg9 : memref<!tpu.dma_semaphore, #tpu.memory_space<semaphore_mem>>) src(%dma_wait3A_60 : memref<2000xi32, #tpu.memory_space<hbm>>) dst(%dma_wait3A_55 : memref<2000xi32, #tpu.memory_space<vmem>>)
    %dma_wait3A_61 = arith.constant 1 : i32
    %dma_wait3A_62 = arith.constant 0 : i32
    %dma_wait3A_63 = arith.constant 0 : i32
    %dma_wait3A_64 = tpu.memref_slice %arg7[%dma_wait3A_62, %dma_wait3A_63] : memref<2x2000xi32, #tpu.memory_space<vmem>> -> memref<1x2000xi32, #tpu.memory_space<vmem>>
    %dma_wait3A_65 = tpu.memref_squeeze %dma_wait3A_64 : memref<1x2000xi32, #tpu.memory_space<vmem>> -> memref<2000xi32, #tpu.memory_space<vmem>>
    %dma_wait3A_66 = arith.constant 0 : i32
    %dma_wait3A_67 = tpu.memref_slice %arg3[%dma_wait3A_61, %dma_wait3A_66] : memref<2x320000xi32, #tpu.memory_space<hbm>> -> memref<1x320000xi32, #tpu.memory_space<hbm>>
    %dma_wait3A_68 = tpu.memref_squeeze %dma_wait3A_67 : memref<1x320000xi32, #tpu.memory_space<hbm>> -> memref<320000xi32, #tpu.memory_space<hbm>>
    %dma_wait3A_69 = arith.constant 0 : i32
    %dma_wait3A_70 = tpu.memref_slice %dma_wait3A_68[%dma_wait3A_69] : memref<320000xi32, #tpu.memory_space<hbm>> -> memref<2000xi32, #tpu.memory_space<hbm>>
    %dma_wait3A_71 = arith.constant 0 : i32
    %dma_wait3A_72 = tpu.memref_slice %arg7[%dma_wait3A_62, %dma_wait3A_71] : memref<2x2000xi32, #tpu.memory_space<vmem>> -> memref<1x2000xi32, #tpu.memory_space<vmem>>
    %dma_wait3A_73 = tpu.memref_squeeze %dma_wait3A_72 : memref<1x2000xi32, #tpu.memory_space<vmem>> -> memref<2000xi32, #tpu.memory_space<vmem>>
    %dma_wait3A_74 = arith.constant 0 : i32
    %dma_wait3A_75 = tpu.memref_slice %arg3[%dma_wait3A_61, %dma_wait3A_74] : memref<2x320000xi32, #tpu.memory_space<hbm>> -> memref<1x320000xi32, #tpu.memory_space<hbm>>
    %dma_wait3A_76 = tpu.memref_squeeze %dma_wait3A_75 : memref<1x320000xi32, #tpu.memory_space<hbm>> -> memref<320000xi32, #tpu.memory_space<hbm>>
    %dma_wait3A_77 = arith.constant 0 : i32
    %dma_wait3A_78 = tpu.memref_slice %dma_wait3A_76[%dma_wait3A_77] : memref<320000xi32, #tpu.memory_space<hbm>> -> memref<2000xi32, #tpu.memory_space<hbm>>
    tpu.wait_dma2 semaphore(%arg9 : memref<!tpu.dma_semaphore, #tpu.memory_space<semaphore_mem>>) src(%dma_wait3A_78 : memref<2000xi32, #tpu.memory_space<hbm>>) dst(%dma_wait3A_73 : memref<2000xi32, #tpu.memory_space<vmem>>)
    %barrier3A = arith.constant 0 : index
    tpu.barrier barrier_id(%barrier3A)
    %dma_start3A_79 = arith.constant 0 : i32
    %dma_start3A_80 = arith.constant 0 : i32
    %dma_start3A_81 = arith.constant 0 : i32
    %dma_start3A_82 = arith.constant 0 : i32
    %dma_start3A_83 = tpu.memref_slice %arg8[%dma_start3A_80, %dma_start3A_81, %dma_start3A_82] : memref<2x2000x16xf32, #tpu.memory_space<vmem>> -> memref<1x2000x16xf32, #tpu.memory_space<vmem>>
    %dma_start3A_84 = tpu.memref_squeeze %dma_start3A_83 : memref<1x2000x16xf32, #tpu.memory_space<vmem>> -> memref<2000x16xf32, #tpu.memory_space<vmem>>
    %dma_start3A_85 = arith.constant 0 : i32
    %dma_start3A_86 = tpu.memref_slice %arg6[%dma_start3A_79, %dma_start3A_85] : memref<2x2000xi32, #tpu.memory_space<vmem>> -> memref<1x2000xi32, #tpu.memory_space<vmem>>
    %dma_start3A_87 = tpu.memref_squeeze %dma_start3A_86 : memref<1x2000xi32, #tpu.memory_space<vmem>> -> memref<2000xi32, #tpu.memory_space<vmem>>
    %dma_start3A_88 = arith.constant 0 : i32
    %dma_start3A_89 = arith.constant 0 : i32
    %dma_start3A_90 = tpu.memref_slice %arg12[%dma_start3A_88, %dma_start3A_89] : memref<10112x16xf32, #tpu.memory_space<vmem_shared>> -> memref<10112x16xf32, #tpu.memory_space<vmem_shared>>
    tpu.enqueue_indirect_dma source(%dma_start3A_90 : memref<10112x16xf32, #tpu.memory_space<vmem_shared>>) target(%dma_start3A_84 : memref<2000x16xf32, #tpu.memory_space<vmem>>) offsets(%dma_start3A_87 : memref<2000xi32, #tpu.memory_space<vmem>>) semaphore(%arg10 : memref<!tpu.dma_semaphore, #tpu.memory_space<semaphore_mem>>)
    %add3A_91 = arith.constant 2000 : i32
    %add3A_92 = arith.addi %mul3A_2, %add3A_91 : i32
    %dma_start3A_93 = arith.constant 0 : i32
    %dma_start3A_94 = arith.constant 1 : i32
    %dma_start3A_95 = arith.constant 0 : i32
    %dma_start3A_96 = tpu.memref_slice %arg6[%dma_start3A_94, %dma_start3A_95] : memref<2x2000xi32, #tpu.memory_space<vmem>> -> memref<1x2000xi32, #tpu.memory_space<vmem>>
    %dma_start3A_97 = tpu.memref_squeeze %dma_start3A_96 : memref<1x2000xi32, #tpu.memory_space<vmem>> -> memref<2000xi32, #tpu.memory_space<vmem>>
    %dma_start3A_98 = arith.constant 0 : i32
    %dma_start3A_99 = tpu.memref_slice %arg3[%dma_start3A_93, %dma_start3A_98] : memref<2x320000xi32, #tpu.memory_space<hbm>> -> memref<1x320000xi32, #tpu.memory_space<hbm>>
    %dma_start3A_100 = tpu.memref_squeeze %dma_start3A_99 : memref<1x320000xi32, #tpu.memory_space<hbm>> -> memref<320000xi32, #tpu.memory_space<hbm>>
    %dma_start3A_101 = tpu.memref_slice %dma_start3A_100[%add3A_92] : memref<320000xi32, #tpu.memory_space<hbm>> -> memref<2000xi32, #tpu.memory_space<hbm>>
    %dma_start3A_102 = arith.constant 0 : i32
    %dma_start3A_103 = tpu.memref_slice %arg6[%dma_start3A_94, %dma_start3A_102] : memref<2x2000xi32, #tpu.memory_space<vmem>> -> memref<1x2000xi32, #tpu.memory_space<vmem>>
    %dma_start3A_104 = tpu.memref_squeeze %dma_start3A_103 : memref<1x2000xi32, #tpu.memory_space<vmem>> -> memref<2000xi32, #tpu.memory_space<vmem>>
    %dma_start3A_105 = arith.constant 0 : i32
    %dma_start3A_106 = tpu.memref_slice %arg3[%dma_start3A_93, %dma_start3A_105] : memref<2x320000xi32, #tpu.memory_space<hbm>> -> memref<1x320000xi32, #tpu.memory_space<hbm>>
    %dma_start3A_107 = tpu.memref_squeeze %dma_start3A_106 : memref<1x320000xi32, #tpu.memory_space<hbm>> -> memref<320000xi32, #tpu.memory_space<hbm>>
    %dma_start3A_108 = tpu.memref_slice %dma_start3A_107[%add3A_92] : memref<320000xi32, #tpu.memory_space<hbm>> -> memref<2000xi32, #tpu.memory_space<hbm>>
    tpu.enqueue_dma source(%dma_start3A_108 : memref<2000xi32, #tpu.memory_space<hbm>>) target(%dma_start3A_104 : memref<2000xi32, #tpu.memory_space<vmem>>) target_semaphore(%arg9 : memref<!tpu.dma_semaphore, #tpu.memory_space<semaphore_mem>>)
    %add3A_109 = arith.constant 2000 : i32
    %add3A_110 = arith.addi %mul3A_2, %add3A_109 : i32
    %dma_start3A_111 = arith.constant 1 : i32
    %dma_start3A_112 = arith.constant 1 : i32
    %dma_start3A_113 = arith.constant 0 : i32
    %dma_start3A_114 = tpu.memref_slice %arg7[%dma_start3A_112, %dma_start3A_113] : memref<2x2000xi32, #tpu.memory_space<vmem>> -> memref<1x2000xi32, #tpu.memory_space<vmem>>
    %dma_start3A_115 = tpu.memref_squeeze %dma_start3A_114 : memref<1x2000xi32, #tpu.memory_space<vmem>> -> memref<2000xi32, #tpu.memory_space<vmem>>
    %dma_start3A_116 = arith.constant 0 : i32
    %dma_start3A_117 = tpu.memref_slice %arg3[%dma_start3A_111, %dma_start3A_116] : memref<2x320000xi32, #tpu.memory_space<hbm>> -> memref<1x320000xi32, #tpu.memory_space<hbm>>
    %dma_start3A_118 = tpu.memref_squeeze %dma_start3A_117 : memref<1x320000xi32, #tpu.memory_space<hbm>> -> memref<320000xi32, #tpu.memory_space<hbm>>
    %dma_start3A_119 = tpu.memref_slice %dma_start3A_118[%add3A_110] : memref<320000xi32, #tpu.memory_space<hbm>> -> memref<2000xi32, #tpu.memory_space<hbm>>
    %dma_start3A_120 = arith.constant 0 : i32
    %dma_start3A_121 = tpu.memref_slice %arg7[%dma_start3A_112, %dma_start3A_120] : memref<2x2000xi32, #tpu.memory_space<vmem>> -> memref<1x2000xi32, #tpu.memory_space<vmem>>
    %dma_start3A_122 = tpu.memref_squeeze %dma_start3A_121 : memref<1x2000xi32, #tpu.memory_space<vmem>> -> memref<2000xi32, #tpu.memory_space<vmem>>
    %dma_start3A_123 = arith.constant 0 : i32
    %dma_start3A_124 = tpu.memref_slice %arg3[%dma_start3A_111, %dma_start3A_123] : memref<2x320000xi32, #tpu.memory_space<hbm>> -> memref<1x320000xi32, #tpu.memory_space<hbm>>
    %dma_start3A_125 = tpu.memref_squeeze %dma_start3A_124 : memref<1x320000xi32, #tpu.memory_space<hbm>> -> memref<320000xi32, #tpu.memory_space<hbm>>
    %dma_start3A_126 = tpu.memref_slice %dma_start3A_125[%add3A_110] : memref<320000xi32, #tpu.memory_space<hbm>> -> memref<2000xi32, #tpu.memory_space<hbm>>
    tpu.enqueue_dma source(%dma_start3A_126 : memref<2000xi32, #tpu.memory_space<hbm>>) target(%dma_start3A_122 : memref<2000xi32, #tpu.memory_space<vmem>>) target_semaphore(%arg9 : memref<!tpu.dma_semaphore, #tpu.memory_space<semaphore_mem>>)
    %scan3A = arith.constant 0 : i32
    %scan3A_127 = arith.constant 0 : i32
    %scan3A_128 = arith.constant 5 : i32
    %scan3A_129 = arith.addi %scan3A_127, %scan3A_128 : i32
    %scan3A_130 = arith.constant 1 : i32
    scf.for %scan3A_137 = %scan3A_127 to %scan3A_129 step %scan3A_130  : i32 {
      %dma_wait3A_138 = arith.constant 0 : i32
      %dma_wait3A_139 = arith.constant 0 : i32
      %dma_wait3A_140 = arith.constant 0 : i32
      %dma_wait3A_141 = arith.constant 0 : i32
      %dma_wait3A_142 = tpu.memref_slice %arg8[%dma_wait3A_139, %dma_wait3A_140, %dma_wait3A_141] : memref<2x2000x16xf32, #tpu.memory_space<vmem>> -> memref<1x2000x16xf32, #tpu.memory_space<vmem>>
      %dma_wait3A_143 = tpu.memref_squeeze %dma_wait3A_142 : memref<1x2000x16xf32, #tpu.memory_space<vmem>> -> memref<2000x16xf32, #tpu.memory_space<vmem>>
      %dma_wait3A_144 = arith.constant 0 : i32
      %dma_wait3A_145 = tpu.memref_slice %arg6[%dma_wait3A_138, %dma_wait3A_144] : memref<2x2000xi32, #tpu.memory_space<vmem>> -> memref<1x2000xi32, #tpu.memory_space<vmem>>
      %dma_wait3A_146 = tpu.memref_squeeze %dma_wait3A_145 : memref<1x2000xi32, #tpu.memory_space<vmem>> -> memref<2000xi32, #tpu.memory_space<vmem>>
      %dma_wait3A_147 = arith.constant 0 : i32
      %dma_wait3A_148 = arith.constant 0 : i32
      %dma_wait3A_149 = tpu.memref_slice %arg12[%dma_wait3A_147, %dma_wait3A_148] : memref<10112x16xf32, #tpu.memory_space<vmem_shared>> -> memref<10112x16xf32, #tpu.memory_space<vmem_shared>>
      tpu.wait_indirect_dma semaphore(%arg10 : memref<!tpu.dma_semaphore, #tpu.memory_space<semaphore_mem>>) src(%dma_wait3A_149 : memref<10112x16xf32, #tpu.memory_space<vmem_shared>>) dst(%dma_wait3A_143 : memref<2000x16xf32, #tpu.memory_space<vmem>>)
      %add3A_150 = arith.constant 1 : i32
      %add3A_151 = arith.addi %scan3A_137, %add3A_150 : i32
      %lt3A = arith.constant 5 : i32
      %lt3A_152 = arith.cmpi slt, %add3A_151, %lt3A : i32
      %convert_element_type3A = arith.extui %lt3A_152 : i1 to i32
      %cond3A = arith.constant 0 : i32
      %cond3A_153 = arith.cmpi ne, %convert_element_type3A, %cond3A : i32
      scf.if %cond3A_153 {
        %dma_wait3A_187 = arith.constant 0 : i32
        %dma_wait3A_188 = arith.constant 0 : i32
        %dma_wait3A_189 = arith.constant 0 : i32
        %dma_wait3A_190 = tpu.memref_slice %arg6[%dma_wait3A_188, %dma_wait3A_189] : memref<2x2000xi32, #tpu.memory_space<vmem>> -> memref<1x2000xi32, #tpu.memory_space<vmem>>
        %dma_wait3A_191 = tpu.memref_squeeze %dma_wait3A_190 : memref<1x2000xi32, #tpu.memory_space<vmem>> -> memref<2000xi32, #tpu.memory_space<vmem>>
        %dma_wait3A_192 = arith.constant 0 : i32
        %dma_wait3A_193 = tpu.memref_slice %arg3[%dma_wait3A_187, %dma_wait3A_192] : memref<2x320000xi32, #tpu.memory_space<hbm>> -> memref<1x320000xi32, #tpu.memory_space<hbm>>
        %dma_wait3A_194 = tpu.memref_squeeze %dma_wait3A_193 : memref<1x320000xi32, #tpu.memory_space<hbm>> -> memref<320000xi32, #tpu.memory_space<hbm>>
        %dma_wait3A_195 = arith.constant 0 : i32
        %dma_wait3A_196 = tpu.memref_slice %dma_wait3A_194[%dma_wait3A_195] : memref<320000xi32, #tpu.memory_space<hbm>> -> memref<2000xi32, #tpu.memory_space<hbm>>
        %dma_wait3A_197 = arith.constant 0 : i32
        %dma_wait3A_198 = tpu.memref_slice %arg6[%dma_wait3A_188, %dma_wait3A_197] : memref<2x2000xi32, #tpu.memory_space<vmem>> -> memref<1x2000xi32, #tpu.memory_space<vmem>>
        %dma_wait3A_199 = tpu.memref_squeeze %dma_wait3A_198 : memref<1x2000xi32, #tpu.memory_space<vmem>> -> memref<2000xi32, #tpu.memory_space<vmem>>
        %dma_wait3A_200 = arith.constant 0 : i32
        %dma_wait3A_201 = tpu.memref_slice %arg3[%dma_wait3A_187, %dma_wait3A_200] : memref<2x320000xi32, #tpu.memory_space<hbm>> -> memref<1x320000xi32, #tpu.memory_space<hbm>>
        %dma_wait3A_202 = tpu.memref_squeeze %dma_wait3A_201 : memref<1x320000xi32, #tpu.memory_space<hbm>> -> memref<320000xi32, #tpu.memory_space<hbm>>
        %dma_wait3A_203 = arith.constant 0 : i32
        %dma_wait3A_204 = tpu.memref_slice %dma_wait3A_202[%dma_wait3A_203] : memref<320000xi32, #tpu.memory_space<hbm>> -> memref<2000xi32, #tpu.memory_space<hbm>>
        tpu.wait_dma2 semaphore(%arg9 : memref<!tpu.dma_semaphore, #tpu.memory_space<semaphore_mem>>) src(%dma_wait3A_204 : memref<2000xi32, #tpu.memory_space<hbm>>) dst(%dma_wait3A_199 : memref<2000xi32, #tpu.memory_space<vmem>>)
        %dma_wait3A_205 = arith.constant 1 : i32
        %dma_wait3A_206 = arith.constant 0 : i32
        %dma_wait3A_207 = arith.constant 0 : i32
        %dma_wait3A_208 = tpu.memref_slice %arg7[%dma_wait3A_206, %dma_wait3A_207] : memref<2x2000xi32, #tpu.memory_space<vmem>> -> memref<1x2000xi32, #tpu.memory_space<vmem>>
        %dma_wait3A_209 = tpu.memref_squeeze %dma_wait3A_208 : memref<1x2000xi32, #tpu.memory_space<vmem>> -> memref<2000xi32, #tpu.memory_space<vmem>>
        %dma_wait3A_210 = arith.constant 0 : i32
        %dma_wait3A_211 = tpu.memref_slice %arg3[%dma_wait3A_205, %dma_wait3A_210] : memref<2x320000xi32, #tpu.memory_space<hbm>> -> memref<1x320000xi32, #tpu.memory_space<hbm>>
        %dma_wait3A_212 = tpu.memref_squeeze %dma_wait3A_211 : memref<1x320000xi32, #tpu.memory_space<hbm>> -> memref<320000xi32, #tpu.memory_space<hbm>>
        %dma_wait3A_213 = arith.constant 0 : i32
        %dma_wait3A_214 = tpu.memref_slice %dma_wait3A_212[%dma_wait3A_213] : memref<320000xi32, #tpu.memory_space<hbm>> -> memref<2000xi32, #tpu.memory_space<hbm>>
        %dma_wait3A_215 = arith.constant 0 : i32
        %dma_wait3A_216 = tpu.memref_slice %arg7[%dma_wait3A_206, %dma_wait3A_215] : memref<2x2000xi32, #tpu.memory_space<vmem>> -> memref<1x2000xi32, #tpu.memory_space<vmem>>
        %dma_wait3A_217 = tpu.memref_squeeze %dma_wait3A_216 : memref<1x2000xi32, #tpu.memory_space<vmem>> -> memref<2000xi32, #tpu.memory_space<vmem>>
        %dma_wait3A_218 = arith.constant 0 : i32
        %dma_wait3A_219 = tpu.memref_slice %arg3[%dma_wait3A_205, %dma_wait3A_218] : memref<2x320000xi32, #tpu.memory_space<hbm>> -> memref<1x320000xi32, #tpu.memory_space<hbm>>
        %dma_wait3A_220 = tpu.memref_squeeze %dma_wait3A_219 : memref<1x320000xi32, #tpu.memory_space<hbm>> -> memref<320000xi32, #tpu.memory_space<hbm>>
        %dma_wait3A_221 = arith.constant 0 : i32
        %dma_wait3A_222 = tpu.memref_slice %dma_wait3A_220[%dma_wait3A_221] : memref<320000xi32, #tpu.memory_space<hbm>> -> memref<2000xi32, #tpu.memory_space<hbm>>
        tpu.wait_dma2 semaphore(%arg9 : memref<!tpu.dma_semaphore, #tpu.memory_space<semaphore_mem>>) src(%dma_wait3A_222 : memref<2000xi32, #tpu.memory_space<hbm>>) dst(%dma_wait3A_217 : memref<2000xi32, #tpu.memory_space<vmem>>)
        %add3A_223 = arith.constant 1 : i32
        %add3A_224 = arith.addi %scan3A_137, %add3A_223 : i32
        %jit3A_225 = arith.constant 2 : i32
        %eq3A_226 = arith.constant 0 : i32
        %eq3A_227 = arith.cmpi eq, %jit3A_225, %eq3A_226 : i32
        %jit3A_228 = arith.constant 1 : i32
        %select_n3A_229 = arith.select %eq3A_227, %jit3A_228, %jit3A_225 : i32
        %rem3A_230 = arith.remsi %add3A_224, %select_n3A_229 : i32
        %ne3A_231 = arith.constant 0 : i32
        %ne3A_232 = arith.cmpi ne, %rem3A_230, %ne3A_231 : i32
        %lt3A_233 = arith.constant 0 : i32
        %lt3A_234 = arith.cmpi slt, %rem3A_230, %lt3A_233 : i32
        %lt3A_235 = arith.constant 0 : i32
        %lt3A_236 = arith.cmpi slt, %select_n3A_229, %lt3A_235 : i32
        %ne3A_237 = arith.xori %lt3A_234, %lt3A_236 : i1
        %and3A_238 = arith.andi %ne3A_237, %ne3A_232 : i1
        %add3A_239 = arith.addi %rem3A_230, %select_n3A_229 : i32
        %select_n3A_240 = arith.select %and3A_238, %add3A_239, %rem3A_230 : i32
        %add3A_241 = arith.constant 1 : i32
        %add3A_242 = arith.addi %scan3A_137, %add3A_241 : i32
        %jit3A_243 = arith.constant 2 : i32
        %eq3A_244 = arith.constant 0 : i32
        %eq3A_245 = arith.cmpi eq, %jit3A_243, %eq3A_244 : i32
        %jit3A_246 = arith.constant 1 : i32
        %select_n3A_247 = arith.select %eq3A_245, %jit3A_246, %jit3A_243 : i32
        %rem3A_248 = arith.remsi %add3A_242, %select_n3A_247 : i32
        %ne3A_249 = arith.constant 0 : i32
        %ne3A_250 = arith.cmpi ne, %rem3A_248, %ne3A_249 : i32
        %lt3A_251 = arith.constant 0 : i32
        %lt3A_252 = arith.cmpi slt, %rem3A_248, %lt3A_251 : i32
        %lt3A_253 = arith.constant 0 : i32
        %lt3A_254 = arith.cmpi slt, %select_n3A_247, %lt3A_253 : i32
        %ne3A_255 = arith.xori %lt3A_252, %lt3A_254 : i1
        %and3A_256 = arith.andi %ne3A_255, %ne3A_250 : i1
        %add3A_257 = arith.addi %rem3A_248, %select_n3A_247 : i32
        %select_n3A_258 = arith.select %and3A_256, %add3A_257, %rem3A_248 : i32
        %dma_start3A_259 = arith.constant 0 : i32
        %dma_start3A_260 = arith.constant 0 : i32
        %dma_start3A_261 = tpu.memref_slice %arg8[%select_n3A_258, %dma_start3A_259, %dma_start3A_260] : memref<2x2000x16xf32, #tpu.memory_space<vmem>> -> memref<1x2000x16xf32, #tpu.memory_space<vmem>>
        %dma_start3A_262 = tpu.memref_squeeze %dma_start3A_261 : memref<1x2000x16xf32, #tpu.memory_space<vmem>> -> memref<2000x16xf32, #tpu.memory_space<vmem>>
        %dma_start3A_263 = arith.constant 0 : i32
        %dma_start3A_264 = tpu.memref_slice %arg6[%select_n3A_240, %dma_start3A_263] : memref<2x2000xi32, #tpu.memory_space<vmem>> -> memref<1x2000xi32, #tpu.memory_space<vmem>>
        %dma_start3A_265 = tpu.memref_squeeze %dma_start3A_264 : memref<1x2000xi32, #tpu.memory_space<vmem>> -> memref<2000xi32, #tpu.memory_space<vmem>>
        %dma_start3A_266 = arith.constant 0 : i32
        %dma_start3A_267 = arith.constant 0 : i32
        %dma_start3A_268 = tpu.memref_slice %arg12[%dma_start3A_266, %dma_start3A_267] : memref<10112x16xf32, #tpu.memory_space<vmem_shared>> -> memref<10112x16xf32, #tpu.memory_space<vmem_shared>>
        tpu.enqueue_indirect_dma source(%dma_start3A_268 : memref<10112x16xf32, #tpu.memory_space<vmem_shared>>) target(%dma_start3A_262 : memref<2000x16xf32, #tpu.memory_space<vmem>>) offsets(%dma_start3A_265 : memref<2000xi32, #tpu.memory_space<vmem>>) semaphore(%arg10 : memref<!tpu.dma_semaphore, #tpu.memory_space<semaphore_mem>>)
      } else {
      }
      %jit3A = arith.constant 2 : i32
      %eq3A = arith.constant 0 : i32
      %eq3A_154 = arith.cmpi eq, %jit3A, %eq3A : i32
      %jit3A_155 = arith.constant 1 : i32
      %select_n3A = arith.select %eq3A_154, %jit3A_155, %jit3A : i32
      %rem3A = arith.remsi %scan3A_137, %select_n3A : i32
      %ne3A = arith.constant 0 : i32
      %ne3A_156 = arith.cmpi ne, %rem3A, %ne3A : i32
      %lt3A_157 = arith.constant 0 : i32
      %lt3A_158 = arith.cmpi slt, %rem3A, %lt3A_157 : i32
      %lt3A_159 = arith.constant 0 : i32
      %lt3A_160 = arith.cmpi slt, %select_n3A, %lt3A_159 : i32
      %ne3A_161 = arith.xori %lt3A_158, %lt3A_160 : i1
      %and3A = arith.andi %ne3A_161, %ne3A_156 : i1
      %add3A_162 = arith.addi %rem3A, %select_n3A : i32
      %select_n3A_163 = arith.select %and3A, %add3A_162, %rem3A : i32
      %jit3A_164 = arith.constant 2 : i32
      %eq3A_165 = arith.constant 0 : i32
      %eq3A_166 = arith.cmpi eq, %jit3A_164, %eq3A_165 : i32
      %jit3A_167 = arith.constant 1 : i32
      %select_n3A_168 = arith.select %eq3A_166, %jit3A_167, %jit3A_164 : i32
      %rem3A_169 = arith.remsi %scan3A_137, %select_n3A_168 : i32
      %ne3A_170 = arith.constant 0 : i32
      %ne3A_171 = arith.cmpi ne, %rem3A_169, %ne3A_170 : i32
      %lt3A_172 = arith.constant 0 : i32
      %lt3A_173 = arith.cmpi slt, %rem3A_169, %lt3A_172 : i32
      %lt3A_174 = arith.constant 0 : i32
      %lt3A_175 = arith.cmpi slt, %select_n3A_168, %lt3A_174 : i32
      %ne3A_176 = arith.xori %lt3A_173, %lt3A_175 : i1
      %and3A_177 = arith.andi %ne3A_176, %ne3A_171 : i1
      %add3A_178 = arith.addi %rem3A_169, %select_n3A_168 : i32
      %select_n3A_179 = arith.select %and3A_177, %add3A_178, %rem3A_169 : i32
      "tpu.region"() ({
        %run_scoped3A = tpu.sem_alloc : memref<!tpu.dma_semaphore, #tpu.memory_space<semaphore_mem>>
        %dma_start3A_187 = arith.constant 0 : i32
        %dma_start3A_188 = arith.constant 0 : i32
        %dma_start3A_189 = tpu.memref_slice %arg8[%select_n3A_163, %dma_start3A_187, %dma_start3A_188] : memref<2x2000x16xf32, #tpu.memory_space<vmem>> -> memref<1x2000x16xf32, #tpu.memory_space<vmem>>
        %dma_start3A_190 = tpu.memref_squeeze %dma_start3A_189 : memref<1x2000x16xf32, #tpu.memory_space<vmem>> -> memref<2000x16xf32, #tpu.memory_space<vmem>>
        %dma_start3A_191 = arith.constant 0 : i32
        %dma_start3A_192 = tpu.memref_slice %arg7[%select_n3A_179, %dma_start3A_191] : memref<2x2000xi32, #tpu.memory_space<vmem>> -> memref<1x2000xi32, #tpu.memory_space<vmem>>
        %dma_start3A_193 = tpu.memref_squeeze %dma_start3A_192 : memref<1x2000xi32, #tpu.memory_space<vmem>> -> memref<2000xi32, #tpu.memory_space<vmem>>
        %dma_start3A_194 = arith.constant 0 : i32
        %dma_start3A_195 = arith.constant 0 : i32
        %dma_start3A_196 = tpu.memref_slice %arg11[%dma_start3A_194, %dma_start3A_195] : memref<10112x16xf32, #tpu.memory_space<vmem_shared>> -> memref<10112x16xf32, #tpu.memory_space<vmem_shared>>
        tpu.enqueue_indirect_dma source(%dma_start3A_190 : memref<2000x16xf32, #tpu.memory_space<vmem>>) target(%dma_start3A_196 : memref<10112x16xf32, #tpu.memory_space<vmem_shared>>) offsets(%dma_start3A_193 : memref<2000xi32, #tpu.memory_space<vmem>>) semaphore(%run_scoped3A : memref<!tpu.dma_semaphore, #tpu.memory_space<semaphore_mem>>) {add = true}
        %dma_wait3A_197 = arith.constant 0 : i32
        %dma_wait3A_198 = arith.constant 0 : i32
        %dma_wait3A_199 = tpu.memref_slice %arg8[%select_n3A_163, %dma_wait3A_197, %dma_wait3A_198] : memref<2x2000x16xf32, #tpu.memory_space<vmem>> -> memref<1x2000x16xf32, #tpu.memory_space<vmem>>
        %dma_wait3A_200 = tpu.memref_squeeze %dma_wait3A_199 : memref<1x2000x16xf32, #tpu.memory_space<vmem>> -> memref<2000x16xf32, #tpu.memory_space<vmem>>
        %dma_wait3A_201 = arith.constant 0 : i32
        %dma_wait3A_202 = tpu.memref_slice %arg7[%select_n3A_179, %dma_wait3A_201] : memref<2x2000xi32, #tpu.memory_space<vmem>> -> memref<1x2000xi32, #tpu.memory_space<vmem>>
        %dma_wait3A_203 = tpu.memref_squeeze %dma_wait3A_202 : memref<1x2000xi32, #tpu.memory_space<vmem>> -> memref<2000xi32, #tpu.memory_space<vmem>>
        %dma_wait3A_204 = arith.constant 0 : i32
        %dma_wait3A_205 = arith.constant 0 : i32
        %dma_wait3A_206 = tpu.memref_slice %arg11[%dma_wait3A_204, %dma_wait3A_205] : memref<10112x16xf32, #tpu.memory_space<vmem_shared>> -> memref<10112x16xf32, #tpu.memory_space<vmem_shared>>
        tpu.wait_indirect_dma semaphore(%run_scoped3A : memref<!tpu.dma_semaphore, #tpu.memory_space<semaphore_mem>>) src(%dma_wait3A_200 : memref<2000x16xf32, #tpu.memory_space<vmem>>) dst(%dma_wait3A_206 : memref<10112x16xf32, #tpu.memory_space<vmem_shared>>)
        tpu.yield
      }) : () -> ()
      %add3A_180 = arith.constant 2 : i32
      %add3A_181 = arith.addi %scan3A_137, %add3A_180 : i32
      %lt3A_182 = arith.constant 5 : i32
      %lt3A_183 = arith.cmpi slt, %add3A_181, %lt3A_182 : i32
      %convert_element_type3A_184 = arith.extui %lt3A_183 : i1 to i32
      %cond3A_185 = arith.constant 0 : i32
      %cond3A_186 = arith.cmpi ne, %convert_element_type3A_184, %cond3A_185 : i32
      scf.if %cond3A_186 {
        %add3A_187 = arith.constant 2 : i32
        %add3A_188 = arith.addi %scan3A_137, %add3A_187 : i32
        %jit3A_189 = arith.constant 2 : i32
        %eq3A_190 = arith.constant 0 : i32
        %eq3A_191 = arith.cmpi eq, %jit3A_189, %eq3A_190 : i32
        %jit3A_192 = arith.constant 1 : i32
        %select_n3A_193 = arith.select %eq3A_191, %jit3A_192, %jit3A_189 : i32
        %rem3A_194 = arith.remsi %scan3A_137, %select_n3A_193 : i32
        %ne3A_195 = arith.constant 0 : i32
        %ne3A_196 = arith.cmpi ne, %rem3A_194, %ne3A_195 : i32
        %lt3A_197 = arith.constant 0 : i32
        %lt3A_198 = arith.cmpi slt, %rem3A_194, %lt3A_197 : i32
        %lt3A_199 = arith.constant 0 : i32
        %lt3A_200 = arith.cmpi slt, %select_n3A_193, %lt3A_199 : i32
        %ne3A_201 = arith.xori %lt3A_198, %lt3A_200 : i1
        %and3A_202 = arith.andi %ne3A_201, %ne3A_196 : i1
        %add3A_203 = arith.addi %rem3A_194, %select_n3A_193 : i32
        %select_n3A_204 = arith.select %and3A_202, %add3A_203, %rem3A_194 : i32
        %mul3A_205 = arith.constant 2000 : i32
        %mul3A_206 = arith.muli %add3A_188, %mul3A_205 : i32
        %add3A_207 = arith.addi %mul3A_2, %mul3A_206 : i32
        %dma_start3A_208 = arith.constant 0 : i32
        %dma_start3A_209 = arith.constant 0 : i32
        %dma_start3A_210 = tpu.memref_slice %arg6[%select_n3A_204, %dma_start3A_209] : memref<2x2000xi32, #tpu.memory_space<vmem>> -> memref<1x2000xi32, #tpu.memory_space<vmem>>
        %dma_start3A_211 = tpu.memref_squeeze %dma_start3A_210 : memref<1x2000xi32, #tpu.memory_space<vmem>> -> memref<2000xi32, #tpu.memory_space<vmem>>
        %dma_start3A_212 = arith.constant 0 : i32
        %dma_start3A_213 = tpu.memref_slice %arg3[%dma_start3A_208, %dma_start3A_212] : memref<2x320000xi32, #tpu.memory_space<hbm>> -> memref<1x320000xi32, #tpu.memory_space<hbm>>
        %dma_start3A_214 = tpu.memref_squeeze %dma_start3A_213 : memref<1x320000xi32, #tpu.memory_space<hbm>> -> memref<320000xi32, #tpu.memory_space<hbm>>
        %dma_start3A_215 = tpu.memref_slice %dma_start3A_214[%add3A_207] : memref<320000xi32, #tpu.memory_space<hbm>> -> memref<2000xi32, #tpu.memory_space<hbm>>
        %dma_start3A_216 = arith.constant 0 : i32
        %dma_start3A_217 = tpu.memref_slice %arg6[%select_n3A_204, %dma_start3A_216] : memref<2x2000xi32, #tpu.memory_space<vmem>> -> memref<1x2000xi32, #tpu.memory_space<vmem>>
        %dma_start3A_218 = tpu.memref_squeeze %dma_start3A_217 : memref<1x2000xi32, #tpu.memory_space<vmem>> -> memref<2000xi32, #tpu.memory_space<vmem>>
        %dma_start3A_219 = arith.constant 0 : i32
        %dma_start3A_220 = tpu.memref_slice %arg3[%dma_start3A_208, %dma_start3A_219] : memref<2x320000xi32, #tpu.memory_space<hbm>> -> memref<1x320000xi32, #tpu.memory_space<hbm>>
        %dma_start3A_221 = tpu.memref_squeeze %dma_start3A_220 : memref<1x320000xi32, #tpu.memory_space<hbm>> -> memref<320000xi32, #tpu.memory_space<hbm>>
        %dma_start3A_222 = tpu.memref_slice %dma_start3A_221[%add3A_207] : memref<320000xi32, #tpu.memory_space<hbm>> -> memref<2000xi32, #tpu.memory_space<hbm>>
        tpu.enqueue_dma source(%dma_start3A_222 : memref<2000xi32, #tpu.memory_space<hbm>>) target(%dma_start3A_218 : memref<2000xi32, #tpu.memory_space<vmem>>) target_semaphore(%arg9 : memref<!tpu.dma_semaphore, #tpu.memory_space<semaphore_mem>>)
        %mul3A_223 = arith.constant 2000 : i32
        %mul3A_224 = arith.muli %add3A_188, %mul3A_223 : i32
        %add3A_225 = arith.addi %mul3A_2, %mul3A_224 : i32
        %dma_start3A_226 = arith.constant 1 : i32
        %dma_start3A_227 = arith.constant 0 : i32
        %dma_start3A_228 = tpu.memref_slice %arg7[%select_n3A_204, %dma_start3A_227] : memref<2x2000xi32, #tpu.memory_space<vmem>> -> memref<1x2000xi32, #tpu.memory_space<vmem>>
        %dma_start3A_229 = tpu.memref_squeeze %dma_start3A_228 : memref<1x2000xi32, #tpu.memory_space<vmem>> -> memref<2000xi32, #tpu.memory_space<vmem>>
        %dma_start3A_230 = arith.constant 0 : i32
        %dma_start3A_231 = tpu.memref_slice %arg3[%dma_start3A_226, %dma_start3A_230] : memref<2x320000xi32, #tpu.memory_space<hbm>> -> memref<1x320000xi32, #tpu.memory_space<hbm>>
        %dma_start3A_232 = tpu.memref_squeeze %dma_start3A_231 : memref<1x320000xi32, #tpu.memory_space<hbm>> -> memref<320000xi32, #tpu.memory_space<hbm>>
        %dma_start3A_233 = tpu.memref_slice %dma_start3A_232[%add3A_225] : memref<320000xi32, #tpu.memory_space<hbm>> -> memref<2000xi32, #tpu.memory_space<hbm>>
        %dma_start3A_234 = arith.constant 0 : i32
        %dma_start3A_235 = tpu.memref_slice %arg7[%select_n3A_204, %dma_start3A_234] : memref<2x2000xi32, #tpu.memory_space<vmem>> -> memref<1x2000xi32, #tpu.memory_space<vmem>>
        %dma_start3A_236 = tpu.memref_squeeze %dma_start3A_235 : memref<1x2000xi32, #tpu.memory_space<vmem>> -> memref<2000xi32, #tpu.memory_space<vmem>>
        %dma_start3A_237 = arith.constant 0 : i32
        %dma_start3A_238 = tpu.memref_slice %arg3[%dma_start3A_226, %dma_start3A_237] : memref<2x320000xi32, #tpu.memory_space<hbm>> -> memref<1x320000xi32, #tpu.memory_space<hbm>>
        %dma_start3A_239 = tpu.memref_squeeze %dma_start3A_238 : memref<1x320000xi32, #tpu.memory_space<hbm>> -> memref<320000xi32, #tpu.memory_space<hbm>>
        %dma_start3A_240 = tpu.memref_slice %dma_start3A_239[%add3A_225] : memref<320000xi32, #tpu.memory_space<hbm>> -> memref<2000xi32, #tpu.memory_space<hbm>>
        tpu.enqueue_dma source(%dma_start3A_240 : memref<2000xi32, #tpu.memory_space<hbm>>) target(%dma_start3A_236 : memref<2000xi32, #tpu.memory_space<vmem>>) target_semaphore(%arg9 : memref<!tpu.dma_semaphore, #tpu.memory_space<semaphore_mem>>)
      } else {
      }
    }
    %scan3A_131 = arith.constant 5 : i32
    %barrier3A_132 = arith.constant 0 : index
    tpu.barrier barrier_id(%barrier3A_132)
    %mul3A_133 = arith.constant 632 : i32
    %mul3A_134 = arith.muli %arg1, %mul3A_133 : i32
    %mul3A_135 = arith.constant 632 : i32
    %mul3A_136 = arith.muli %arg1, %mul3A_135 : i32
    "tpu.region"() ({
      %run_scoped3A = tpu.sem_alloc : memref<!tpu.dma_semaphore, #tpu.memory_space<semaphore_mem>>
      %dma_start3A_137 = arith.constant 0 : i32
      %dma_start3A_138 = arith.constant 0 : i32
      %dma_start3A_139 = tpu.memref_slice %arg5[%arg0, %dma_start3A_137, %dma_start3A_138] : memref<2x10112x16xf32, #tpu.memory_space<hbm>> -> memref<1x10112x16xf32, #tpu.memory_space<hbm>>
      %dma_start3A_140 = tpu.memref_squeeze %dma_start3A_139 : memref<1x10112x16xf32, #tpu.memory_space<hbm>> -> memref<10112x16xf32, #tpu.memory_space<hbm>>
      %dma_start3A_141 = arith.constant 0 : i32
      %dma_start3A_142 = tpu.memref_slice %dma_start3A_140[%mul3A_136, %dma_start3A_141] : memref<10112x16xf32, #tpu.memory_space<hbm>> -> memref<632x16xf32, #tpu.memory_space<hbm>>
      %dma_start3A_143 = arith.constant 0 : i32
      %dma_start3A_144 = tpu.memref_slice %arg11[%mul3A_134, %dma_start3A_143] : memref<10112x16xf32, #tpu.memory_space<vmem_shared>> -> memref<632x16xf32, #tpu.memory_space<vmem_shared>>
      tpu.enqueue_dma source(%dma_start3A_144 : memref<632x16xf32, #tpu.memory_space<vmem_shared>>) target(%dma_start3A_142 : memref<632x16xf32, #tpu.memory_space<hbm>>) target_semaphore(%run_scoped3A : memref<!tpu.dma_semaphore, #tpu.memory_space<semaphore_mem>>)
      %dma_wait3A_145 = arith.constant 0 : i32
      %dma_wait3A_146 = arith.constant 0 : i32
      %dma_wait3A_147 = tpu.memref_slice %arg5[%arg0, %dma_wait3A_145, %dma_wait3A_146] : memref<2x10112x16xf32, #tpu.memory_space<hbm>> -> memref<1x10112x16xf32, #tpu.memory_space<hbm>>
      %dma_wait3A_148 = tpu.memref_squeeze %dma_wait3A_147 : memref<1x10112x16xf32, #tpu.memory_space<hbm>> -> memref<10112x16xf32, #tpu.memory_space<hbm>>
      %dma_wait3A_149 = arith.constant 0 : i32
      %dma_wait3A_150 = tpu.memref_slice %dma_wait3A_148[%mul3A_136, %dma_wait3A_149] : memref<10112x16xf32, #tpu.memory_space<hbm>> -> memref<632x16xf32, #tpu.memory_space<hbm>>
      %dma_wait3A_151 = arith.constant 0 : i32
      %dma_wait3A_152 = tpu.memref_slice %arg11[%mul3A_134, %dma_wait3A_151] : memref<10112x16xf32, #tpu.memory_space<vmem_shared>> -> memref<632x16xf32, #tpu.memory_space<vmem_shared>>
      tpu.wait_dma2 semaphore(%run_scoped3A : memref<!tpu.dma_semaphore, #tpu.memory_space<semaphore_mem>>) src(%dma_wait3A_152 : memref<632x16xf32, #tpu.memory_space<vmem_shared>>) dst(%dma_wait3A_150 : memref<632x16xf32, #tpu.memory_space<hbm>>)
      tpu.yield
    }) : () -> ()
    return
  }
}

#map = affine_map<(d0, d1) -> (0, 0)>
#map1 = affine_map<(d0, d1) -> (0, 0, 0)>
module attributes {stable_mosaic.version = 14 : i64} {
  func.func @_prop_body(%arg0: i32, %arg1: i32, %arg2: memref<10112x16xf32, #tpu.memory_space<hbm>>, %arg3: memref<2x320000xi32, #tpu.memory_space<hbm>>, %arg4: memref<632x16xf32, #tpu.memory_space<hbm>>, %arg5: memref<2x10112x16xf32, #tpu.memory_space<hbm>>, %arg6: memref<2x2000xi32, #tpu.memory_space<vmem>>, %arg7: memref<2x2000xi32, #tpu.memory_space<vmem>>, %arg8: memref<2x2000x16xf32, #tpu.memory_space<vmem>>, %arg9: memref<!tpu.dma_semaphore, #tpu.memory_space<semaphore_mem>>, %arg10: memref<!tpu.dma_semaphore, #tpu.memory_space<semaphore_mem>>, %arg11: memref<10112x16xf32, #tpu.memory_space<vmem_shared>>, %arg12: memref<10112x16xf32, #tpu.memory_space<vmem_shared>>) attributes {dimension_semantics = [#tpu.dimension_semantics<core_parallel>, #tpu.dimension_semantics<subcore_parallel>], iteration_bounds = array<i64: 2, 16>, scalar_prefetch = 0 : i64, scratch_operands = 7 : i64, tpu.core_type = #tpu.core_type<sc_vector_subcore>, window_params = [{transform_indices = #map}, {transform_indices = #map}, {transform_indices = #map}, {transform_indices = #map1}]} {
    %mul3A = arith.constant 16 : i32
    %mul3A_0 = arith.muli %arg0, %mul3A : i32
    %add3A = arith.addi %mul3A_0, %arg1 : i32
    %mul3A_1 = arith.constant 10000 : i32
    %mul3A_2 = arith.muli %add3A, %mul3A_1 : i32
    %mul3A_3 = arith.constant 632 : i32
    %mul3A_4 = arith.muli %arg1, %mul3A_3 : i32
    "tpu.region"() ({
      %run_scoped3A = tpu.sem_alloc : memref<!tpu.dma_semaphore, #tpu.memory_space<semaphore_mem>>
      %dma_start3A_137 = arith.constant 0 : i32
      %dma_start3A_138 = tpu.memref_slice %arg11[%mul3A_4, %dma_start3A_137] : memref<10112x16xf32, #tpu.memory_space<vmem_shared>> -> memref<632x16xf32, #tpu.memory_space<vmem_shared>>
      tpu.enqueue_dma source(%arg4 : memref<632x16xf32, #tpu.memory_space<hbm>>) target(%dma_start3A_138 : memref<632x16xf32, #tpu.memory_space<vmem_shared>>) target_semaphore(%run_scoped3A : memref<!tpu.dma_semaphore, #tpu.memory_space<semaphore_mem>>)
      %dma_wait3A_139 = arith.constant 0 : i32
      %dma_wait3A_140 = tpu.memref_slice %arg11[%mul3A_4, %dma_wait3A_139] : memref<10112x16xf32, #tpu.memory_space<vmem_shared>> -> memref<632x16xf32, #tpu.memory_space<vmem_shared>>
      tpu.wait_dma2 semaphore(%run_scoped3A : memref<!tpu.dma_semaphore, #tpu.memory_space<semaphore_mem>>) src(%arg4 : memref<632x16xf32, #tpu.memory_space<hbm>>) dst(%dma_wait3A_140 : memref<632x16xf32, #tpu.memory_space<vmem_shared>>)
      tpu.yield
    }) : () -> ()
    %mul3A_5 = arith.constant 632 : i32
    %mul3A_6 = arith.muli %arg1, %mul3A_5 : i32
    %mul3A_7 = arith.constant 632 : i32
    %mul3A_8 = arith.muli %arg1, %mul3A_7 : i32
    "tpu.region"() ({
      %run_scoped3A = tpu.sem_alloc : memref<!tpu.dma_semaphore, #tpu.memory_space<semaphore_mem>>
      %dma_start3A_137 = arith.constant 0 : i32
      %dma_start3A_138 = tpu.memref_slice %arg12[%mul3A_8, %dma_start3A_137] : memref<10112x16xf32, #tpu.memory_space<vmem_shared>> -> memref<632x16xf32, #tpu.memory_space<vmem_shared>>
      %dma_start3A_139 = arith.constant 0 : i32
      %dma_start3A_140 = tpu.memref_slice %arg2[%mul3A_6, %dma_start3A_139] : memref<10112x16xf32, #tpu.memory_space<hbm>> -> memref<632x16xf32, #tpu.memory_space<hbm>>
      tpu.enqueue_dma source(%dma_start3A_140 : memref<632x16xf32, #tpu.memory_space<hbm>>) target(%dma_start3A_138 : memref<632x16xf32, #tpu.memory_space<vmem_shared>>) target_semaphore(%run_scoped3A : memref<!tpu.dma_semaphore, #tpu.memory_space<semaphore_mem>>)
      %dma_wait3A_141 = arith.constant 0 : i32
      %dma_wait3A_142 = tpu.memref_slice %arg12[%mul3A_8, %dma_wait3A_141] : memref<10112x16xf32, #tpu.memory_space<vmem_shared>> -> memref<632x16xf32, #tpu.memory_space<vmem_shared>>
      %dma_wait3A_143 = arith.constant 0 : i32
      %dma_wait3A_144 = tpu.memref_slice %arg2[%mul3A_6, %dma_wait3A_143] : memref<10112x16xf32, #tpu.memory_space<hbm>> -> memref<632x16xf32, #tpu.memory_space<hbm>>
      tpu.wait_dma2 semaphore(%run_scoped3A : memref<!tpu.dma_semaphore, #tpu.memory_space<semaphore_mem>>) src(%dma_wait3A_144 : memref<632x16xf32, #tpu.memory_space<hbm>>) dst(%dma_wait3A_142 : memref<632x16xf32, #tpu.memory_space<vmem_shared>>)
      tpu.yield
    }) : () -> ()
    %add3A_9 = arith.constant 0 : i32
    %add3A_10 = arith.addi %mul3A_2, %add3A_9 : i32
    %dma_start3A = arith.constant 0 : i32
    %dma_start3A_11 = arith.constant 0 : i32
    %dma_start3A_12 = arith.constant 0 : i32
    %dma_start3A_13 = tpu.memref_slice %arg6[%dma_start3A_11, %dma_start3A_12] : memref<2x2000xi32, #tpu.memory_space<vmem>> -> memref<1x2000xi32, #tpu.memory_space<vmem>>
    %dma_start3A_14 = tpu.memref_squeeze %dma_start3A_13 : memref<1x2000xi32, #tpu.memory_space<vmem>> -> memref<2000xi32, #tpu.memory_space<vmem>>
    %dma_start3A_15 = arith.constant 0 : i32
    %dma_start3A_16 = tpu.memref_slice %arg3[%dma_start3A, %dma_start3A_15] : memref<2x320000xi32, #tpu.memory_space<hbm>> -> memref<1x320000xi32, #tpu.memory_space<hbm>>
    %dma_start3A_17 = tpu.memref_squeeze %dma_start3A_16 : memref<1x320000xi32, #tpu.memory_space<hbm>> -> memref<320000xi32, #tpu.memory_space<hbm>>
    %dma_start3A_18 = tpu.memref_slice %dma_start3A_17[%add3A_10] : memref<320000xi32, #tpu.memory_space<hbm>> -> memref<2000xi32, #tpu.memory_space<hbm>>
    %dma_start3A_19 = arith.constant 0 : i32
    %dma_start3A_20 = tpu.memref_slice %arg6[%dma_start3A_11, %dma_start3A_19] : memref<2x2000xi32, #tpu.memory_space<vmem>> -> memref<1x2000xi32, #tpu.memory_space<vmem>>
    %dma_start3A_21 = tpu.memref_squeeze %dma_start3A_20 : memref<1x2000xi32, #tpu.memory_space<vmem>> -> memref<2000xi32, #tpu.memory_space<vmem>>
    %dma_start3A_22 = arith.constant 0 : i32
    %dma_start3A_23 = tpu.memref_slice %arg3[%dma_start3A, %dma_start3A_22] : memref<2x320000xi32, #tpu.memory_space<hbm>> -> memref<1x320000xi32, #tpu.memory_space<hbm>>
    %dma_start3A_24 = tpu.memref_squeeze %dma_start3A_23 : memref<1x320000xi32, #tpu.memory_space<hbm>> -> memref<320000xi32, #tpu.memory_space<hbm>>
    %dma_start3A_25 = tpu.memref_slice %dma_start3A_24[%add3A_10] : memref<320000xi32, #tpu.memory_space<hbm>> -> memref<2000xi32, #tpu.memory_space<hbm>>
    tpu.enqueue_dma source(%dma_start3A_25 : memref<2000xi32, #tpu.memory_space<hbm>>) target(%dma_start3A_21 : memref<2000xi32, #tpu.memory_space<vmem>>) target_semaphore(%arg9 : memref<!tpu.dma_semaphore, #tpu.memory_space<semaphore_mem>>)
    %add3A_26 = arith.constant 0 : i32
    %add3A_27 = arith.addi %mul3A_2, %add3A_26 : i32
    %dma_start3A_28 = arith.constant 1 : i32
    %dma_start3A_29 = arith.constant 0 : i32
    %dma_start3A_30 = arith.constant 0 : i32
    %dma_start3A_31 = tpu.memref_slice %arg7[%dma_start3A_29, %dma_start3A_30] : memref<2x2000xi32, #tpu.memory_space<vmem>> -> memref<1x2000xi32, #tpu.memory_space<vmem>>
    %dma_start3A_32 = tpu.memref_squeeze %dma_start3A_31 : memref<1x2000xi32, #tpu.memory_space<vmem>> -> memref<2000xi32, #tpu.memory_space<vmem>>
    %dma_start3A_33 = arith.constant 0 : i32
    %dma_start3A_34 = tpu.memref_slice %arg3[%dma_start3A_28, %dma_start3A_33] : memref<2x320000xi32, #tpu.memory_space<hbm>> -> memref<1x320000xi32, #tpu.memory_space<hbm>>
    %dma_start3A_35 = tpu.memref_squeeze %dma_start3A_34 : memref<1x320000xi32, #tpu.memory_space<hbm>> -> memref<320000xi32, #tpu.memory_space<hbm>>
    %dma_start3A_36 = tpu.memref_slice %dma_start3A_35[%add3A_27] : memref<320000xi32, #tpu.memory_space<hbm>> -> memref<2000xi32, #tpu.memory_space<hbm>>
    %dma_start3A_37 = arith.constant 0 : i32
    %dma_start3A_38 = tpu.memref_slice %arg7[%dma_start3A_29, %dma_start3A_37] : memref<2x2000xi32, #tpu.memory_space<vmem>> -> memref<1x2000xi32, #tpu.memory_space<vmem>>
    %dma_start3A_39 = tpu.memref_squeeze %dma_start3A_38 : memref<1x2000xi32, #tpu.memory_space<vmem>> -> memref<2000xi32, #tpu.memory_space<vmem>>
    %dma_start3A_40 = arith.constant 0 : i32
    %dma_start3A_41 = tpu.memref_slice %arg3[%dma_start3A_28, %dma_start3A_40] : memref<2x320000xi32, #tpu.memory_space<hbm>> -> memref<1x320000xi32, #tpu.memory_space<hbm>>
    %dma_start3A_42 = tpu.memref_squeeze %dma_start3A_41 : memref<1x320000xi32, #tpu.memory_space<hbm>> -> memref<320000xi32, #tpu.memory_space<hbm>>
    %dma_start3A_43 = tpu.memref_slice %dma_start3A_42[%add3A_27] : memref<320000xi32, #tpu.memory_space<hbm>> -> memref<2000xi32, #tpu.memory_space<hbm>>
    tpu.enqueue_dma source(%dma_start3A_43 : memref<2000xi32, #tpu.memory_space<hbm>>) target(%dma_start3A_39 : memref<2000xi32, #tpu.memory_space<vmem>>) target_semaphore(%arg9 : memref<!tpu.dma_semaphore, #tpu.memory_space<semaphore_mem>>)
    %dma_wait3A = arith.constant 0 : i32
    %dma_wait3A_44 = arith.constant 0 : i32
    %dma_wait3A_45 = arith.constant 0 : i32
    %dma_wait3A_46 = tpu.memref_slice %arg6[%dma_wait3A_44, %dma_wait3A_45] : memref<2x2000xi32, #tpu.memory_space<vmem>> -> memref<1x2000xi32, #tpu.memory_space<vmem>>
    %dma_wait3A_47 = tpu.memref_squeeze %dma_wait3A_46 : memref<1x2000xi32, #tpu.memory_space<vmem>> -> memref<2000xi32, #tpu.memory_space<vmem>>
    %dma_wait3A_48 = arith.constant 0 : i32
    %dma_wait3A_49 = tpu.memref_slice %arg3[%dma_wait3A, %dma_wait3A_48] : memref<2x320000xi32, #tpu.memory_space<hbm>> -> memref<1x320000xi32, #tpu.memory_space<hbm>>
    %dma_wait3A_50 = tpu.memref_squeeze %dma_wait3A_49 : memref<1x320000xi32, #tpu.memory_space<hbm>> -> memref<320000xi32, #tpu.memory_space<hbm>>
    %dma_wait3A_51 = arith.constant 0 : i32
    %dma_wait3A_52 = tpu.memref_slice %dma_wait3A_50[%dma_wait3A_51] : memref<320000xi32, #tpu.memory_space<hbm>> -> memref<2000xi32, #tpu.memory_space<hbm>>
    %dma_wait3A_53 = arith.constant 0 : i32
    %dma_wait3A_54 = tpu.memref_slice %arg6[%dma_wait3A_44, %dma_wait3A_53] : memref<2x2000xi32, #tpu.memory_space<vmem>> -> memref<1x2000xi32, #tpu.memory_space<vmem>>
    %dma_wait3A_55 = tpu.memref_squeeze %dma_wait3A_54 : memref<1x2000xi32, #tpu.memory_space<vmem>> -> memref<2000xi32, #tpu.memory_space<vmem>>
    %dma_wait3A_56 = arith.constant 0 : i32
    %dma_wait3A_57 = tpu.memref_slice %arg3[%dma_wait3A, %dma_wait3A_56] : memref<2x320000xi32, #tpu.memory_space<hbm>> -> memref<1x320000xi32, #tpu.memory_space<hbm>>
    %dma_wait3A_58 = tpu.memref_squeeze %dma_wait3A_57 : memref<1x320000xi32, #tpu.memory_space<hbm>> -> memref<320000xi32, #tpu.memory_space<hbm>>
    %dma_wait3A_59 = arith.constant 0 : i32
    %dma_wait3A_60 = tpu.memref_slice %dma_wait3A_58[%dma_wait3A_59] : memref<320000xi32, #tpu.memory_space<hbm>> -> memref<2000xi32, #tpu.memory_space<hbm>>
    tpu.wait_dma2 semaphore(%arg9 : memref<!tpu.dma_semaphore, #tpu.memory_space<semaphore_mem>>) src(%dma_wait3A_60 : memref<2000xi32, #tpu.memory_space<hbm>>) dst(%dma_wait3A_55 : memref<2000xi32, #tpu.memory_space<vmem>>)
    %dma_wait3A_61 = arith.constant 1 : i32
    %dma_wait3A_62 = arith.constant 0 : i32
    %dma_wait3A_63 = arith.constant 0 : i32
    %dma_wait3A_64 = tpu.memref_slice %arg7[%dma_wait3A_62, %dma_wait3A_63] : memref<2x2000xi32, #tpu.memory_space<vmem>> -> memref<1x2000xi32, #tpu.memory_space<vmem>>
    %dma_wait3A_65 = tpu.memref_squeeze %dma_wait3A_64 : memref<1x2000xi32, #tpu.memory_space<vmem>> -> memref<2000xi32, #tpu.memory_space<vmem>>
    %dma_wait3A_66 = arith.constant 0 : i32
    %dma_wait3A_67 = tpu.memref_slice %arg3[%dma_wait3A_61, %dma_wait3A_66] : memref<2x320000xi32, #tpu.memory_space<hbm>> -> memref<1x320000xi32, #tpu.memory_space<hbm>>
    %dma_wait3A_68 = tpu.memref_squeeze %dma_wait3A_67 : memref<1x320000xi32, #tpu.memory_space<hbm>> -> memref<320000xi32, #tpu.memory_space<hbm>>
    %dma_wait3A_69 = arith.constant 0 : i32
    %dma_wait3A_70 = tpu.memref_slice %dma_wait3A_68[%dma_wait3A_69] : memref<320000xi32, #tpu.memory_space<hbm>> -> memref<2000xi32, #tpu.memory_space<hbm>>
    %dma_wait3A_71 = arith.constant 0 : i32
    %dma_wait3A_72 = tpu.memref_slice %arg7[%dma_wait3A_62, %dma_wait3A_71] : memref<2x2000xi32, #tpu.memory_space<vmem>> -> memref<1x2000xi32, #tpu.memory_space<vmem>>
    %dma_wait3A_73 = tpu.memref_squeeze %dma_wait3A_72 : memref<1x2000xi32, #tpu.memory_space<vmem>> -> memref<2000xi32, #tpu.memory_space<vmem>>
    %dma_wait3A_74 = arith.constant 0 : i32
    %dma_wait3A_75 = tpu.memref_slice %arg3[%dma_wait3A_61, %dma_wait3A_74] : memref<2x320000xi32, #tpu.memory_space<hbm>> -> memref<1x320000xi32, #tpu.memory_space<hbm>>
    %dma_wait3A_76 = tpu.memref_squeeze %dma_wait3A_75 : memref<1x320000xi32, #tpu.memory_space<hbm>> -> memref<320000xi32, #tpu.memory_space<hbm>>
    %dma_wait3A_77 = arith.constant 0 : i32
    %dma_wait3A_78 = tpu.memref_slice %dma_wait3A_76[%dma_wait3A_77] : memref<320000xi32, #tpu.memory_space<hbm>> -> memref<2000xi32, #tpu.memory_space<hbm>>
    tpu.wait_dma2 semaphore(%arg9 : memref<!tpu.dma_semaphore, #tpu.memory_space<semaphore_mem>>) src(%dma_wait3A_78 : memref<2000xi32, #tpu.memory_space<hbm>>) dst(%dma_wait3A_73 : memref<2000xi32, #tpu.memory_space<vmem>>)
    %barrier3A = arith.constant 0 : index
    tpu.barrier barrier_id(%barrier3A)
    %dma_start3A_79 = arith.constant 0 : i32
    %dma_start3A_80 = arith.constant 0 : i32
    %dma_start3A_81 = arith.constant 0 : i32
    %dma_start3A_82 = arith.constant 0 : i32
    %dma_start3A_83 = tpu.memref_slice %arg8[%dma_start3A_80, %dma_start3A_81, %dma_start3A_82] : memref<2x2000x16xf32, #tpu.memory_space<vmem>> -> memref<1x2000x16xf32, #tpu.memory_space<vmem>>
    %dma_start3A_84 = tpu.memref_squeeze %dma_start3A_83 : memref<1x2000x16xf32, #tpu.memory_space<vmem>> -> memref<2000x16xf32, #tpu.memory_space<vmem>>
    %dma_start3A_85 = arith.constant 0 : i32
    %dma_start3A_86 = tpu.memref_slice %arg6[%dma_start3A_79, %dma_start3A_85] : memref<2x2000xi32, #tpu.memory_space<vmem>> -> memref<1x2000xi32, #tpu.memory_space<vmem>>
    %dma_start3A_87 = tpu.memref_squeeze %dma_start3A_86 : memref<1x2000xi32, #tpu.memory_space<vmem>> -> memref<2000xi32, #tpu.memory_space<vmem>>
    %dma_start3A_88 = arith.constant 0 : i32
    %dma_start3A_89 = arith.constant 0 : i32
    %dma_start3A_90 = tpu.memref_slice %arg12[%dma_start3A_88, %dma_start3A_89] : memref<10112x16xf32, #tpu.memory_space<vmem_shared>> -> memref<10112x16xf32, #tpu.memory_space<vmem_shared>>
    tpu.enqueue_indirect_dma source(%dma_start3A_90 : memref<10112x16xf32, #tpu.memory_space<vmem_shared>>) target(%dma_start3A_84 : memref<2000x16xf32, #tpu.memory_space<vmem>>) offsets(%dma_start3A_87 : memref<2000xi32, #tpu.memory_space<vmem>>) semaphore(%arg10 : memref<!tpu.dma_semaphore, #tpu.memory_space<semaphore_mem>>)
    %add3A_91 = arith.constant 2000 : i32
    %add3A_92 = arith.addi %mul3A_2, %add3A_91 : i32
    %dma_start3A_93 = arith.constant 0 : i32
    %dma_start3A_94 = arith.constant 1 : i32
    %dma_start3A_95 = arith.constant 0 : i32
    %dma_start3A_96 = tpu.memref_slice %arg6[%dma_start3A_94, %dma_start3A_95] : memref<2x2000xi32, #tpu.memory_space<vmem>> -> memref<1x2000xi32, #tpu.memory_space<vmem>>
    %dma_start3A_97 = tpu.memref_squeeze %dma_start3A_96 : memref<1x2000xi32, #tpu.memory_space<vmem>> -> memref<2000xi32, #tpu.memory_space<vmem>>
    %dma_start3A_98 = arith.constant 0 : i32
    %dma_start3A_99 = tpu.memref_slice %arg3[%dma_start3A_93, %dma_start3A_98] : memref<2x320000xi32, #tpu.memory_space<hbm>> -> memref<1x320000xi32, #tpu.memory_space<hbm>>
    %dma_start3A_100 = tpu.memref_squeeze %dma_start3A_99 : memref<1x320000xi32, #tpu.memory_space<hbm>> -> memref<320000xi32, #tpu.memory_space<hbm>>
    %dma_start3A_101 = tpu.memref_slice %dma_start3A_100[%add3A_92] : memref<320000xi32, #tpu.memory_space<hbm>> -> memref<2000xi32, #tpu.memory_space<hbm>>
    %dma_start3A_102 = arith.constant 0 : i32
    %dma_start3A_103 = tpu.memref_slice %arg6[%dma_start3A_94, %dma_start3A_102] : memref<2x2000xi32, #tpu.memory_space<vmem>> -> memref<1x2000xi32, #tpu.memory_space<vmem>>
    %dma_start3A_104 = tpu.memref_squeeze %dma_start3A_103 : memref<1x2000xi32, #tpu.memory_space<vmem>> -> memref<2000xi32, #tpu.memory_space<vmem>>
    %dma_start3A_105 = arith.constant 0 : i32
    %dma_start3A_106 = tpu.memref_slice %arg3[%dma_start3A_93, %dma_start3A_105] : memref<2x320000xi32, #tpu.memory_space<hbm>> -> memref<1x320000xi32, #tpu.memory_space<hbm>>
    %dma_start3A_107 = tpu.memref_squeeze %dma_start3A_106 : memref<1x320000xi32, #tpu.memory_space<hbm>> -> memref<320000xi32, #tpu.memory_space<hbm>>
    %dma_start3A_108 = tpu.memref_slice %dma_start3A_107[%add3A_92] : memref<320000xi32, #tpu.memory_space<hbm>> -> memref<2000xi32, #tpu.memory_space<hbm>>
    tpu.enqueue_dma source(%dma_start3A_108 : memref<2000xi32, #tpu.memory_space<hbm>>) target(%dma_start3A_104 : memref<2000xi32, #tpu.memory_space<vmem>>) target_semaphore(%arg9 : memref<!tpu.dma_semaphore, #tpu.memory_space<semaphore_mem>>)
    %add3A_109 = arith.constant 2000 : i32
    %add3A_110 = arith.addi %mul3A_2, %add3A_109 : i32
    %dma_start3A_111 = arith.constant 1 : i32
    %dma_start3A_112 = arith.constant 1 : i32
    %dma_start3A_113 = arith.constant 0 : i32
    %dma_start3A_114 = tpu.memref_slice %arg7[%dma_start3A_112, %dma_start3A_113] : memref<2x2000xi32, #tpu.memory_space<vmem>> -> memref<1x2000xi32, #tpu.memory_space<vmem>>
    %dma_start3A_115 = tpu.memref_squeeze %dma_start3A_114 : memref<1x2000xi32, #tpu.memory_space<vmem>> -> memref<2000xi32, #tpu.memory_space<vmem>>
    %dma_start3A_116 = arith.constant 0 : i32
    %dma_start3A_117 = tpu.memref_slice %arg3[%dma_start3A_111, %dma_start3A_116] : memref<2x320000xi32, #tpu.memory_space<hbm>> -> memref<1x320000xi32, #tpu.memory_space<hbm>>
    %dma_start3A_118 = tpu.memref_squeeze %dma_start3A_117 : memref<1x320000xi32, #tpu.memory_space<hbm>> -> memref<320000xi32, #tpu.memory_space<hbm>>
    %dma_start3A_119 = tpu.memref_slice %dma_start3A_118[%add3A_110] : memref<320000xi32, #tpu.memory_space<hbm>> -> memref<2000xi32, #tpu.memory_space<hbm>>
    %dma_start3A_120 = arith.constant 0 : i32
    %dma_start3A_121 = tpu.memref_slice %arg7[%dma_start3A_112, %dma_start3A_120] : memref<2x2000xi32, #tpu.memory_space<vmem>> -> memref<1x2000xi32, #tpu.memory_space<vmem>>
    %dma_start3A_122 = tpu.memref_squeeze %dma_start3A_121 : memref<1x2000xi32, #tpu.memory_space<vmem>> -> memref<2000xi32, #tpu.memory_space<vmem>>
    %dma_start3A_123 = arith.constant 0 : i32
    %dma_start3A_124 = tpu.memref_slice %arg3[%dma_start3A_111, %dma_start3A_123] : memref<2x320000xi32, #tpu.memory_space<hbm>> -> memref<1x320000xi32, #tpu.memory_space<hbm>>
    %dma_start3A_125 = tpu.memref_squeeze %dma_start3A_124 : memref<1x320000xi32, #tpu.memory_space<hbm>> -> memref<320000xi32, #tpu.memory_space<hbm>>
    %dma_start3A_126 = tpu.memref_slice %dma_start3A_125[%add3A_110] : memref<320000xi32, #tpu.memory_space<hbm>> -> memref<2000xi32, #tpu.memory_space<hbm>>
    tpu.enqueue_dma source(%dma_start3A_126 : memref<2000xi32, #tpu.memory_space<hbm>>) target(%dma_start3A_122 : memref<2000xi32, #tpu.memory_space<vmem>>) target_semaphore(%arg9 : memref<!tpu.dma_semaphore, #tpu.memory_space<semaphore_mem>>)
    %scan3A = arith.constant 0 : i32
    %scan3A_127 = arith.constant 0 : i32
    %scan3A_128 = arith.constant 5 : i32
    %scan3A_129 = arith.addi %scan3A_127, %scan3A_128 : i32
    %scan3A_130 = arith.constant 1 : i32
    scf.for %scan3A_137 = %scan3A_127 to %scan3A_129 step %scan3A_130  : i32 {
      %dma_wait3A_138 = arith.constant 0 : i32
      %dma_wait3A_139 = arith.constant 0 : i32
      %dma_wait3A_140 = arith.constant 0 : i32
      %dma_wait3A_141 = arith.constant 0 : i32
      %dma_wait3A_142 = tpu.memref_slice %arg8[%dma_wait3A_139, %dma_wait3A_140, %dma_wait3A_141] : memref<2x2000x16xf32, #tpu.memory_space<vmem>> -> memref<1x2000x16xf32, #tpu.memory_space<vmem>>
      %dma_wait3A_143 = tpu.memref_squeeze %dma_wait3A_142 : memref<1x2000x16xf32, #tpu.memory_space<vmem>> -> memref<2000x16xf32, #tpu.memory_space<vmem>>
      %dma_wait3A_144 = arith.constant 0 : i32
      %dma_wait3A_145 = tpu.memref_slice %arg6[%dma_wait3A_138, %dma_wait3A_144] : memref<2x2000xi32, #tpu.memory_space<vmem>> -> memref<1x2000xi32, #tpu.memory_space<vmem>>
      %dma_wait3A_146 = tpu.memref_squeeze %dma_wait3A_145 : memref<1x2000xi32, #tpu.memory_space<vmem>> -> memref<2000xi32, #tpu.memory_space<vmem>>
      %dma_wait3A_147 = arith.constant 0 : i32
      %dma_wait3A_148 = arith.constant 0 : i32
      %dma_wait3A_149 = tpu.memref_slice %arg12[%dma_wait3A_147, %dma_wait3A_148] : memref<10112x16xf32, #tpu.memory_space<vmem_shared>> -> memref<10112x16xf32, #tpu.memory_space<vmem_shared>>
      tpu.wait_indirect_dma semaphore(%arg10 : memref<!tpu.dma_semaphore, #tpu.memory_space<semaphore_mem>>) src(%dma_wait3A_149 : memref<10112x16xf32, #tpu.memory_space<vmem_shared>>) dst(%dma_wait3A_143 : memref<2000x16xf32, #tpu.memory_space<vmem>>)
      %add3A_150 = arith.constant 1 : i32
      %add3A_151 = arith.addi %scan3A_137, %add3A_150 : i32
      %lt3A = arith.constant 5 : i32
      %lt3A_152 = arith.cmpi slt, %add3A_151, %lt3A : i32
      %convert_element_type3A = arith.extui %lt3A_152 : i1 to i32
      %cond3A = arith.constant 0 : i32
      %cond3A_153 = arith.cmpi ne, %convert_element_type3A, %cond3A : i32
      scf.if %cond3A_153 {
        %dma_wait3A_187 = arith.constant 0 : i32
        %dma_wait3A_188 = arith.constant 0 : i32
        %dma_wait3A_189 = arith.constant 0 : i32
        %dma_wait3A_190 = tpu.memref_slice %arg6[%dma_wait3A_188, %dma_wait3A_189] : memref<2x2000xi32, #tpu.memory_space<vmem>> -> memref<1x2000xi32, #tpu.memory_space<vmem>>
        %dma_wait3A_191 = tpu.memref_squeeze %dma_wait3A_190 : memref<1x2000xi32, #tpu.memory_space<vmem>> -> memref<2000xi32, #tpu.memory_space<vmem>>
        %dma_wait3A_192 = arith.constant 0 : i32
        %dma_wait3A_193 = tpu.memref_slice %arg3[%dma_wait3A_187, %dma_wait3A_192] : memref<2x320000xi32, #tpu.memory_space<hbm>> -> memref<1x320000xi32, #tpu.memory_space<hbm>>
        %dma_wait3A_194 = tpu.memref_squeeze %dma_wait3A_193 : memref<1x320000xi32, #tpu.memory_space<hbm>> -> memref<320000xi32, #tpu.memory_space<hbm>>
        %dma_wait3A_195 = arith.constant 0 : i32
        %dma_wait3A_196 = tpu.memref_slice %dma_wait3A_194[%dma_wait3A_195] : memref<320000xi32, #tpu.memory_space<hbm>> -> memref<2000xi32, #tpu.memory_space<hbm>>
        %dma_wait3A_197 = arith.constant 0 : i32
        %dma_wait3A_198 = tpu.memref_slice %arg6[%dma_wait3A_188, %dma_wait3A_197] : memref<2x2000xi32, #tpu.memory_space<vmem>> -> memref<1x2000xi32, #tpu.memory_space<vmem>>
        %dma_wait3A_199 = tpu.memref_squeeze %dma_wait3A_198 : memref<1x2000xi32, #tpu.memory_space<vmem>> -> memref<2000xi32, #tpu.memory_space<vmem>>
        %dma_wait3A_200 = arith.constant 0 : i32
        %dma_wait3A_201 = tpu.memref_slice %arg3[%dma_wait3A_187, %dma_wait3A_200] : memref<2x320000xi32, #tpu.memory_space<hbm>> -> memref<1x320000xi32, #tpu.memory_space<hbm>>
        %dma_wait3A_202 = tpu.memref_squeeze %dma_wait3A_201 : memref<1x320000xi32, #tpu.memory_space<hbm>> -> memref<320000xi32, #tpu.memory_space<hbm>>
        %dma_wait3A_203 = arith.constant 0 : i32
        %dma_wait3A_204 = tpu.memref_slice %dma_wait3A_202[%dma_wait3A_203] : memref<320000xi32, #tpu.memory_space<hbm>> -> memref<2000xi32, #tpu.memory_space<hbm>>
        tpu.wait_dma2 semaphore(%arg9 : memref<!tpu.dma_semaphore, #tpu.memory_space<semaphore_mem>>) src(%dma_wait3A_204 : memref<2000xi32, #tpu.memory_space<hbm>>) dst(%dma_wait3A_199 : memref<2000xi32, #tpu.memory_space<vmem>>)
        %dma_wait3A_205 = arith.constant 1 : i32
        %dma_wait3A_206 = arith.constant 0 : i32
        %dma_wait3A_207 = arith.constant 0 : i32
        %dma_wait3A_208 = tpu.memref_slice %arg7[%dma_wait3A_206, %dma_wait3A_207] : memref<2x2000xi32, #tpu.memory_space<vmem>> -> memref<1x2000xi32, #tpu.memory_space<vmem>>
        %dma_wait3A_209 = tpu.memref_squeeze %dma_wait3A_208 : memref<1x2000xi32, #tpu.memory_space<vmem>> -> memref<2000xi32, #tpu.memory_space<vmem>>
        %dma_wait3A_210 = arith.constant 0 : i32
        %dma_wait3A_211 = tpu.memref_slice %arg3[%dma_wait3A_205, %dma_wait3A_210] : memref<2x320000xi32, #tpu.memory_space<hbm>> -> memref<1x320000xi32, #tpu.memory_space<hbm>>
        %dma_wait3A_212 = tpu.memref_squeeze %dma_wait3A_211 : memref<1x320000xi32, #tpu.memory_space<hbm>> -> memref<320000xi32, #tpu.memory_space<hbm>>
        %dma_wait3A_213 = arith.constant 0 : i32
        %dma_wait3A_214 = tpu.memref_slice %dma_wait3A_212[%dma_wait3A_213] : memref<320000xi32, #tpu.memory_space<hbm>> -> memref<2000xi32, #tpu.memory_space<hbm>>
        %dma_wait3A_215 = arith.constant 0 : i32
        %dma_wait3A_216 = tpu.memref_slice %arg7[%dma_wait3A_206, %dma_wait3A_215] : memref<2x2000xi32, #tpu.memory_space<vmem>> -> memref<1x2000xi32, #tpu.memory_space<vmem>>
        %dma_wait3A_217 = tpu.memref_squeeze %dma_wait3A_216 : memref<1x2000xi32, #tpu.memory_space<vmem>> -> memref<2000xi32, #tpu.memory_space<vmem>>
        %dma_wait3A_218 = arith.constant 0 : i32
        %dma_wait3A_219 = tpu.memref_slice %arg3[%dma_wait3A_205, %dma_wait3A_218] : memref<2x320000xi32, #tpu.memory_space<hbm>> -> memref<1x320000xi32, #tpu.memory_space<hbm>>
        %dma_wait3A_220 = tpu.memref_squeeze %dma_wait3A_219 : memref<1x320000xi32, #tpu.memory_space<hbm>> -> memref<320000xi32, #tpu.memory_space<hbm>>
        %dma_wait3A_221 = arith.constant 0 : i32
        %dma_wait3A_222 = tpu.memref_slice %dma_wait3A_220[%dma_wait3A_221] : memref<320000xi32, #tpu.memory_space<hbm>> -> memref<2000xi32, #tpu.memory_space<hbm>>
        tpu.wait_dma2 semaphore(%arg9 : memref<!tpu.dma_semaphore, #tpu.memory_space<semaphore_mem>>) src(%dma_wait3A_222 : memref<2000xi32, #tpu.memory_space<hbm>>) dst(%dma_wait3A_217 : memref<2000xi32, #tpu.memory_space<vmem>>)
        %add3A_223 = arith.constant 1 : i32
        %add3A_224 = arith.addi %scan3A_137, %add3A_223 : i32
        %jit3A_225 = arith.constant 2 : i32
        %eq3A_226 = arith.constant 0 : i32
        %eq3A_227 = arith.cmpi eq, %jit3A_225, %eq3A_226 : i32
        %jit3A_228 = arith.constant 1 : i32
        %select_n3A_229 = arith.select %eq3A_227, %jit3A_228, %jit3A_225 : i32
        %rem3A_230 = arith.remsi %add3A_224, %select_n3A_229 : i32
        %ne3A_231 = arith.constant 0 : i32
        %ne3A_232 = arith.cmpi ne, %rem3A_230, %ne3A_231 : i32
        %lt3A_233 = arith.constant 0 : i32
        %lt3A_234 = arith.cmpi slt, %rem3A_230, %lt3A_233 : i32
        %lt3A_235 = arith.constant 0 : i32
        %lt3A_236 = arith.cmpi slt, %select_n3A_229, %lt3A_235 : i32
        %ne3A_237 = arith.xori %lt3A_234, %lt3A_236 : i1
        %and3A_238 = arith.andi %ne3A_237, %ne3A_232 : i1
        %add3A_239 = arith.addi %rem3A_230, %select_n3A_229 : i32
        %select_n3A_240 = arith.select %and3A_238, %add3A_239, %rem3A_230 : i32
        %add3A_241 = arith.constant 1 : i32
        %add3A_242 = arith.addi %scan3A_137, %add3A_241 : i32
        %jit3A_243 = arith.constant 2 : i32
        %eq3A_244 = arith.constant 0 : i32
        %eq3A_245 = arith.cmpi eq, %jit3A_243, %eq3A_244 : i32
        %jit3A_246 = arith.constant 1 : i32
        %select_n3A_247 = arith.select %eq3A_245, %jit3A_246, %jit3A_243 : i32
        %rem3A_248 = arith.remsi %add3A_242, %select_n3A_247 : i32
        %ne3A_249 = arith.constant 0 : i32
        %ne3A_250 = arith.cmpi ne, %rem3A_248, %ne3A_249 : i32
        %lt3A_251 = arith.constant 0 : i32
        %lt3A_252 = arith.cmpi slt, %rem3A_248, %lt3A_251 : i32
        %lt3A_253 = arith.constant 0 : i32
        %lt3A_254 = arith.cmpi slt, %select_n3A_247, %lt3A_253 : i32
        %ne3A_255 = arith.xori %lt3A_252, %lt3A_254 : i1
        %and3A_256 = arith.andi %ne3A_255, %ne3A_250 : i1
        %add3A_257 = arith.addi %rem3A_248, %select_n3A_247 : i32
        %select_n3A_258 = arith.select %and3A_256, %add3A_257, %rem3A_248 : i32
        %dma_start3A_259 = arith.constant 0 : i32
        %dma_start3A_260 = arith.constant 0 : i32
        %dma_start3A_261 = tpu.memref_slice %arg8[%select_n3A_258, %dma_start3A_259, %dma_start3A_260] : memref<2x2000x16xf32, #tpu.memory_space<vmem>> -> memref<1x2000x16xf32, #tpu.memory_space<vmem>>
        %dma_start3A_262 = tpu.memref_squeeze %dma_start3A_261 : memref<1x2000x16xf32, #tpu.memory_space<vmem>> -> memref<2000x16xf32, #tpu.memory_space<vmem>>
        %dma_start3A_263 = arith.constant 0 : i32
        %dma_start3A_264 = tpu.memref_slice %arg6[%select_n3A_240, %dma_start3A_263] : memref<2x2000xi32, #tpu.memory_space<vmem>> -> memref<1x2000xi32, #tpu.memory_space<vmem>>
        %dma_start3A_265 = tpu.memref_squeeze %dma_start3A_264 : memref<1x2000xi32, #tpu.memory_space<vmem>> -> memref<2000xi32, #tpu.memory_space<vmem>>
        %dma_start3A_266 = arith.constant 0 : i32
        %dma_start3A_267 = arith.constant 0 : i32
        %dma_start3A_268 = tpu.memref_slice %arg12[%dma_start3A_266, %dma_start3A_267] : memref<10112x16xf32, #tpu.memory_space<vmem_shared>> -> memref<10112x16xf32, #tpu.memory_space<vmem_shared>>
        tpu.enqueue_indirect_dma source(%dma_start3A_268 : memref<10112x16xf32, #tpu.memory_space<vmem_shared>>) target(%dma_start3A_262 : memref<2000x16xf32, #tpu.memory_space<vmem>>) offsets(%dma_start3A_265 : memref<2000xi32, #tpu.memory_space<vmem>>) semaphore(%arg10 : memref<!tpu.dma_semaphore, #tpu.memory_space<semaphore_mem>>)
      } else {
      }
      %jit3A = arith.constant 2 : i32
      %eq3A = arith.constant 0 : i32
      %eq3A_154 = arith.cmpi eq, %jit3A, %eq3A : i32
      %jit3A_155 = arith.constant 1 : i32
      %select_n3A = arith.select %eq3A_154, %jit3A_155, %jit3A : i32
      %rem3A = arith.remsi %scan3A_137, %select_n3A : i32
      %ne3A = arith.constant 0 : i32
      %ne3A_156 = arith.cmpi ne, %rem3A, %ne3A : i32
      %lt3A_157 = arith.constant 0 : i32
      %lt3A_158 = arith.cmpi slt, %rem3A, %lt3A_157 : i32
      %lt3A_159 = arith.constant 0 : i32
      %lt3A_160 = arith.cmpi slt, %select_n3A, %lt3A_159 : i32
      %ne3A_161 = arith.xori %lt3A_158, %lt3A_160 : i1
      %and3A = arith.andi %ne3A_161, %ne3A_156 : i1
      %add3A_162 = arith.addi %rem3A, %select_n3A : i32
      %select_n3A_163 = arith.select %and3A, %add3A_162, %rem3A : i32
      %jit3A_164 = arith.constant 2 : i32
      %eq3A_165 = arith.constant 0 : i32
      %eq3A_166 = arith.cmpi eq, %jit3A_164, %eq3A_165 : i32
      %jit3A_167 = arith.constant 1 : i32
      %select_n3A_168 = arith.select %eq3A_166, %jit3A_167, %jit3A_164 : i32
      %rem3A_169 = arith.remsi %scan3A_137, %select_n3A_168 : i32
      %ne3A_170 = arith.constant 0 : i32
      %ne3A_171 = arith.cmpi ne, %rem3A_169, %ne3A_170 : i32
      %lt3A_172 = arith.constant 0 : i32
      %lt3A_173 = arith.cmpi slt, %rem3A_169, %lt3A_172 : i32
      %lt3A_174 = arith.constant 0 : i32
      %lt3A_175 = arith.cmpi slt, %select_n3A_168, %lt3A_174 : i32
      %ne3A_176 = arith.xori %lt3A_173, %lt3A_175 : i1
      %and3A_177 = arith.andi %ne3A_176, %ne3A_171 : i1
      %add3A_178 = arith.addi %rem3A_169, %select_n3A_168 : i32
      %select_n3A_179 = arith.select %and3A_177, %add3A_178, %rem3A_169 : i32
      "tpu.region"() ({
        %run_scoped3A = tpu.sem_alloc : memref<!tpu.dma_semaphore, #tpu.memory_space<semaphore_mem>>
        %dma_start3A_187 = arith.constant 0 : i32
        %dma_start3A_188 = arith.constant 0 : i32
        %dma_start3A_189 = tpu.memref_slice %arg8[%select_n3A_163, %dma_start3A_187, %dma_start3A_188] : memref<2x2000x16xf32, #tpu.memory_space<vmem>> -> memref<1x2000x16xf32, #tpu.memory_space<vmem>>
        %dma_start3A_190 = tpu.memref_squeeze %dma_start3A_189 : memref<1x2000x16xf32, #tpu.memory_space<vmem>> -> memref<2000x16xf32, #tpu.memory_space<vmem>>
        %dma_start3A_191 = arith.constant 0 : i32
        %dma_start3A_192 = tpu.memref_slice %arg7[%select_n3A_179, %dma_start3A_191] : memref<2x2000xi32, #tpu.memory_space<vmem>> -> memref<1x2000xi32, #tpu.memory_space<vmem>>
        %dma_start3A_193 = tpu.memref_squeeze %dma_start3A_192 : memref<1x2000xi32, #tpu.memory_space<vmem>> -> memref<2000xi32, #tpu.memory_space<vmem>>
        %dma_start3A_194 = arith.constant 0 : i32
        %dma_start3A_195 = arith.constant 0 : i32
        %dma_start3A_196 = tpu.memref_slice %arg11[%dma_start3A_194, %dma_start3A_195] : memref<10112x16xf32, #tpu.memory_space<vmem_shared>> -> memref<10112x16xf32, #tpu.memory_space<vmem_shared>>
        tpu.enqueue_indirect_dma source(%dma_start3A_190 : memref<2000x16xf32, #tpu.memory_space<vmem>>) target(%dma_start3A_196 : memref<10112x16xf32, #tpu.memory_space<vmem_shared>>) offsets(%dma_start3A_193 : memref<2000xi32, #tpu.memory_space<vmem>>) semaphore(%run_scoped3A : memref<!tpu.dma_semaphore, #tpu.memory_space<semaphore_mem>>) {add = true}
        %dma_wait3A_197 = arith.constant 0 : i32
        %dma_wait3A_198 = arith.constant 0 : i32
        %dma_wait3A_199 = tpu.memref_slice %arg8[%select_n3A_163, %dma_wait3A_197, %dma_wait3A_198] : memref<2x2000x16xf32, #tpu.memory_space<vmem>> -> memref<1x2000x16xf32, #tpu.memory_space<vmem>>
        %dma_wait3A_200 = tpu.memref_squeeze %dma_wait3A_199 : memref<1x2000x16xf32, #tpu.memory_space<vmem>> -> memref<2000x16xf32, #tpu.memory_space<vmem>>
        %dma_wait3A_201 = arith.constant 0 : i32
        %dma_wait3A_202 = tpu.memref_slice %arg7[%select_n3A_179, %dma_wait3A_201] : memref<2x2000xi32, #tpu.memory_space<vmem>> -> memref<1x2000xi32, #tpu.memory_space<vmem>>
        %dma_wait3A_203 = tpu.memref_squeeze %dma_wait3A_202 : memref<1x2000xi32, #tpu.memory_space<vmem>> -> memref<2000xi32, #tpu.memory_space<vmem>>
        %dma_wait3A_204 = arith.constant 0 : i32
        %dma_wait3A_205 = arith.constant 0 : i32
        %dma_wait3A_206 = tpu.memref_slice %arg11[%dma_wait3A_204, %dma_wait3A_205] : memref<10112x16xf32, #tpu.memory_space<vmem_shared>> -> memref<10112x16xf32, #tpu.memory_space<vmem_shared>>
        tpu.wait_indirect_dma semaphore(%run_scoped3A : memref<!tpu.dma_semaphore, #tpu.memory_space<semaphore_mem>>) src(%dma_wait3A_200 : memref<2000x16xf32, #tpu.memory_space<vmem>>) dst(%dma_wait3A_206 : memref<10112x16xf32, #tpu.memory_space<vmem_shared>>)
        tpu.yield
      }) : () -> ()
      %add3A_180 = arith.constant 2 : i32
      %add3A_181 = arith.addi %scan3A_137, %add3A_180 : i32
      %lt3A_182 = arith.constant 5 : i32
      %lt3A_183 = arith.cmpi slt, %add3A_181, %lt3A_182 : i32
      %convert_element_type3A_184 = arith.extui %lt3A_183 : i1 to i32
      %cond3A_185 = arith.constant 0 : i32
      %cond3A_186 = arith.cmpi ne, %convert_element_type3A_184, %cond3A_185 : i32
      scf.if %cond3A_186 {
        %add3A_187 = arith.constant 2 : i32
        %add3A_188 = arith.addi %scan3A_137, %add3A_187 : i32
        %jit3A_189 = arith.constant 2 : i32
        %eq3A_190 = arith.constant 0 : i32
        %eq3A_191 = arith.cmpi eq, %jit3A_189, %eq3A_190 : i32
        %jit3A_192 = arith.constant 1 : i32
        %select_n3A_193 = arith.select %eq3A_191, %jit3A_192, %jit3A_189 : i32
        %rem3A_194 = arith.remsi %scan3A_137, %select_n3A_193 : i32
        %ne3A_195 = arith.constant 0 : i32
        %ne3A_196 = arith.cmpi ne, %rem3A_194, %ne3A_195 : i32
        %lt3A_197 = arith.constant 0 : i32
        %lt3A_198 = arith.cmpi slt, %rem3A_194, %lt3A_197 : i32
        %lt3A_199 = arith.constant 0 : i32
        %lt3A_200 = arith.cmpi slt, %select_n3A_193, %lt3A_199 : i32
        %ne3A_201 = arith.xori %lt3A_198, %lt3A_200 : i1
        %and3A_202 = arith.andi %ne3A_201, %ne3A_196 : i1
        %add3A_203 = arith.addi %rem3A_194, %select_n3A_193 : i32
        %select_n3A_204 = arith.select %and3A_202, %add3A_203, %rem3A_194 : i32
        %mul3A_205 = arith.constant 2000 : i32
        %mul3A_206 = arith.muli %add3A_188, %mul3A_205 : i32
        %add3A_207 = arith.addi %mul3A_2, %mul3A_206 : i32
        %dma_start3A_208 = arith.constant 0 : i32
        %dma_start3A_209 = arith.constant 0 : i32
        %dma_start3A_210 = tpu.memref_slice %arg6[%select_n3A_204, %dma_start3A_209] : memref<2x2000xi32, #tpu.memory_space<vmem>> -> memref<1x2000xi32, #tpu.memory_space<vmem>>
        %dma_start3A_211 = tpu.memref_squeeze %dma_start3A_210 : memref<1x2000xi32, #tpu.memory_space<vmem>> -> memref<2000xi32, #tpu.memory_space<vmem>>
        %dma_start3A_212 = arith.constant 0 : i32
        %dma_start3A_213 = tpu.memref_slice %arg3[%dma_start3A_208, %dma_start3A_212] : memref<2x320000xi32, #tpu.memory_space<hbm>> -> memref<1x320000xi32, #tpu.memory_space<hbm>>
        %dma_start3A_214 = tpu.memref_squeeze %dma_start3A_213 : memref<1x320000xi32, #tpu.memory_space<hbm>> -> memref<320000xi32, #tpu.memory_space<hbm>>
        %dma_start3A_215 = tpu.memref_slice %dma_start3A_214[%add3A_207] : memref<320000xi32, #tpu.memory_space<hbm>> -> memref<2000xi32, #tpu.memory_space<hbm>>
        %dma_start3A_216 = arith.constant 0 : i32
        %dma_start3A_217 = tpu.memref_slice %arg6[%select_n3A_204, %dma_start3A_216] : memref<2x2000xi32, #tpu.memory_space<vmem>> -> memref<1x2000xi32, #tpu.memory_space<vmem>>
        %dma_start3A_218 = tpu.memref_squeeze %dma_start3A_217 : memref<1x2000xi32, #tpu.memory_space<vmem>> -> memref<2000xi32, #tpu.memory_space<vmem>>
        %dma_start3A_219 = arith.constant 0 : i32
        %dma_start3A_220 = tpu.memref_slice %arg3[%dma_start3A_208, %dma_start3A_219] : memref<2x320000xi32, #tpu.memory_space<hbm>> -> memref<1x320000xi32, #tpu.memory_space<hbm>>
        %dma_start3A_221 = tpu.memref_squeeze %dma_start3A_220 : memref<1x320000xi32, #tpu.memory_space<hbm>> -> memref<320000xi32, #tpu.memory_space<hbm>>
        %dma_start3A_222 = tpu.memref_slice %dma_start3A_221[%add3A_207] : memref<320000xi32, #tpu.memory_space<hbm>> -> memref<2000xi32, #tpu.memory_space<hbm>>
        tpu.enqueue_dma source(%dma_start3A_222 : memref<2000xi32, #tpu.memory_space<hbm>>) target(%dma_start3A_218 : memref<2000xi32, #tpu.memory_space<vmem>>) target_semaphore(%arg9 : memref<!tpu.dma_semaphore, #tpu.memory_space<semaphore_mem>>)
        %mul3A_223 = arith.constant 2000 : i32
        %mul3A_224 = arith.muli %add3A_188, %mul3A_223 : i32
        %add3A_225 = arith.addi %mul3A_2, %mul3A_224 : i32
        %dma_start3A_226 = arith.constant 1 : i32
        %dma_start3A_227 = arith.constant 0 : i32
        %dma_start3A_228 = tpu.memref_slice %arg7[%select_n3A_204, %dma_start3A_227] : memref<2x2000xi32, #tpu.memory_space<vmem>> -> memref<1x2000xi32, #tpu.memory_space<vmem>>
        %dma_start3A_229 = tpu.memref_squeeze %dma_start3A_228 : memref<1x2000xi32, #tpu.memory_space<vmem>> -> memref<2000xi32, #tpu.memory_space<vmem>>
        %dma_start3A_230 = arith.constant 0 : i32
        %dma_start3A_231 = tpu.memref_slice %arg3[%dma_start3A_226, %dma_start3A_230] : memref<2x320000xi32, #tpu.memory_space<hbm>> -> memref<1x320000xi32, #tpu.memory_space<hbm>>
        %dma_start3A_232 = tpu.memref_squeeze %dma_start3A_231 : memref<1x320000xi32, #tpu.memory_space<hbm>> -> memref<320000xi32, #tpu.memory_space<hbm>>
        %dma_start3A_233 = tpu.memref_slice %dma_start3A_232[%add3A_225] : memref<320000xi32, #tpu.memory_space<hbm>> -> memref<2000xi32, #tpu.memory_space<hbm>>
        %dma_start3A_234 = arith.constant 0 : i32
        %dma_start3A_235 = tpu.memref_slice %arg7[%select_n3A_204, %dma_start3A_234] : memref<2x2000xi32, #tpu.memory_space<vmem>> -> memref<1x2000xi32, #tpu.memory_space<vmem>>
        %dma_start3A_236 = tpu.memref_squeeze %dma_start3A_235 : memref<1x2000xi32, #tpu.memory_space<vmem>> -> memref<2000xi32, #tpu.memory_space<vmem>>
        %dma_start3A_237 = arith.constant 0 : i32
        %dma_start3A_238 = tpu.memref_slice %arg3[%dma_start3A_226, %dma_start3A_237] : memref<2x320000xi32, #tpu.memory_space<hbm>> -> memref<1x320000xi32, #tpu.memory_space<hbm>>
        %dma_start3A_239 = tpu.memref_squeeze %dma_start3A_238 : memref<1x320000xi32, #tpu.memory_space<hbm>> -> memref<320000xi32, #tpu.memory_space<hbm>>
        %dma_start3A_240 = tpu.memref_slice %dma_start3A_239[%add3A_225] : memref<320000xi32, #tpu.memory_space<hbm>> -> memref<2000xi32, #tpu.memory_space<hbm>>
        tpu.enqueue_dma source(%dma_start3A_240 : memref<2000xi32, #tpu.memory_space<hbm>>) target(%dma_start3A_236 : memref<2000xi32, #tpu.memory_space<vmem>>) target_semaphore(%arg9 : memref<!tpu.dma_semaphore, #tpu.memory_space<semaphore_mem>>)
      } else {
      }
    }
    %scan3A_131 = arith.constant 5 : i32
    %barrier3A_132 = arith.constant 0 : index
    tpu.barrier barrier_id(%barrier3A_132)
    %mul3A_133 = arith.constant 632 : i32
    %mul3A_134 = arith.muli %arg1, %mul3A_133 : i32
    %mul3A_135 = arith.constant 632 : i32
    %mul3A_136 = arith.muli %arg1, %mul3A_135 : i32
    "tpu.region"() ({
      %run_scoped3A = tpu.sem_alloc : memref<!tpu.dma_semaphore, #tpu.memory_space<semaphore_mem>>
      %dma_start3A_137 = arith.constant 0 : i32
      %dma_start3A_138 = arith.constant 0 : i32
      %dma_start3A_139 = tpu.memref_slice %arg5[%arg0, %dma_start3A_137, %dma_start3A_138] : memref<2x10112x16xf32, #tpu.memory_space<hbm>> -> memref<1x10112x16xf32, #tpu.memory_space<hbm>>
      %dma_start3A_140 = tpu.memref_squeeze %dma_start3A_139 : memref<1x10112x16xf32, #tpu.memory_space<hbm>> -> memref<10112x16xf32, #tpu.memory_space<hbm>>
      %dma_start3A_141 = arith.constant 0 : i32
      %dma_start3A_142 = tpu.memref_slice %dma_start3A_140[%mul3A_136, %dma_start3A_141] : memref<10112x16xf32, #tpu.memory_space<hbm>> -> memref<632x16xf32, #tpu.memory_space<hbm>>
      %dma_start3A_143 = arith.constant 0 : i32
      %dma_start3A_144 = tpu.memref_slice %arg11[%mul3A_134, %dma_start3A_143] : memref<10112x16xf32, #tpu.memory_space<vmem_shared>> -> memref<632x16xf32, #tpu.memory_space<vmem_shared>>
      tpu.enqueue_dma source(%dma_start3A_144 : memref<632x16xf32, #tpu.memory_space<vmem_shared>>) target(%dma_start3A_142 : memref<632x16xf32, #tpu.memory_space<hbm>>) target_semaphore(%run_scoped3A : memref<!tpu.dma_semaphore, #tpu.memory_space<semaphore_mem>>)
      %dma_wait3A_145 = arith.constant 0 : i32
      %dma_wait3A_146 = arith.constant 0 : i32
      %dma_wait3A_147 = tpu.memref_slice %arg5[%arg0, %dma_wait3A_145, %dma_wait3A_146] : memref<2x10112x16xf32, #tpu.memory_space<hbm>> -> memref<1x10112x16xf32, #tpu.memory_space<hbm>>
      %dma_wait3A_148 = tpu.memref_squeeze %dma_wait3A_147 : memref<1x10112x16xf32, #tpu.memory_space<hbm>> -> memref<10112x16xf32, #tpu.memory_space<hbm>>
      %dma_wait3A_149 = arith.constant 0 : i32
      %dma_wait3A_150 = tpu.memref_slice %dma_wait3A_148[%mul3A_136, %dma_wait3A_149] : memref<10112x16xf32, #tpu.memory_space<hbm>> -> memref<632x16xf32, #tpu.memory_space<hbm>>
      %dma_wait3A_151 = arith.constant 0 : i32
      %dma_wait3A_152 = tpu.memref_slice %arg11[%mul3A_134, %dma_wait3A_151] : memref<10112x16xf32, #tpu.memory_space<vmem_shared>> -> memref<632x16xf32, #tpu.memory_space<vmem_shared>>
      tpu.wait_dma2 semaphore(%run_scoped3A : memref<!tpu.dma_semaphore, #tpu.memory_space<semaphore_mem>>) src(%dma_wait3A_152 : memref<632x16xf32, #tpu.memory_space<vmem_shared>>) dst(%dma_wait3A_150 : memref<632x16xf32, #tpu.memory_space<hbm>>)
      tpu.yield
    }) : () -> ()
    return
  }
}

#map = affine_map<(d0, d1) -> (0, 0)>
#map1 = affine_map<(d0, d1) -> (0, 0, 0)>
module attributes {stable_mosaic.version = 14 : i64} {
  func.func @_prop_body(%arg0: i32, %arg1: i32, %arg2: memref<10112x16xf32, #tpu.memory_space<hbm>>, %arg3: memref<2x320000xi32, #tpu.memory_space<hbm>>, %arg4: memref<632x16xf32, #tpu.memory_space<hbm>>, %arg5: memref<2x10112x16xf32, #tpu.memory_space<hbm>>, %arg6: memref<2x2000xi32, #tpu.memory_space<vmem>>, %arg7: memref<2x2000xi32, #tpu.memory_space<vmem>>, %arg8: memref<2x2000x16xf32, #tpu.memory_space<vmem>>, %arg9: memref<!tpu.dma_semaphore, #tpu.memory_space<semaphore_mem>>, %arg10: memref<!tpu.dma_semaphore, #tpu.memory_space<semaphore_mem>>, %arg11: memref<10112x16xf32, #tpu.memory_space<vmem_shared>>, %arg12: memref<10112x16xf32, #tpu.memory_space<vmem_shared>>) attributes {dimension_semantics = [#tpu.dimension_semantics<core_parallel>, #tpu.dimension_semantics<subcore_parallel>], iteration_bounds = array<i64: 2, 16>, scalar_prefetch = 0 : i64, scratch_operands = 7 : i64, tpu.core_type = #tpu.core_type<sc_vector_subcore>, window_params = [{transform_indices = #map}, {transform_indices = #map}, {transform_indices = #map}, {transform_indices = #map1}]} {
    %mul3A = arith.constant 16 : i32
    %mul3A_0 = arith.muli %arg0, %mul3A : i32
    %add3A = arith.addi %mul3A_0, %arg1 : i32
    %mul3A_1 = arith.constant 10000 : i32
    %mul3A_2 = arith.muli %add3A, %mul3A_1 : i32
    %mul3A_3 = arith.constant 632 : i32
    %mul3A_4 = arith.muli %arg1, %mul3A_3 : i32
    "tpu.region"() ({
      %run_scoped3A = tpu.sem_alloc : memref<!tpu.dma_semaphore, #tpu.memory_space<semaphore_mem>>
      %dma_start3A_137 = arith.constant 0 : i32
      %dma_start3A_138 = tpu.memref_slice %arg11[%mul3A_4, %dma_start3A_137] : memref<10112x16xf32, #tpu.memory_space<vmem_shared>> -> memref<632x16xf32, #tpu.memory_space<vmem_shared>>
      tpu.enqueue_dma source(%arg4 : memref<632x16xf32, #tpu.memory_space<hbm>>) target(%dma_start3A_138 : memref<632x16xf32, #tpu.memory_space<vmem_shared>>) target_semaphore(%run_scoped3A : memref<!tpu.dma_semaphore, #tpu.memory_space<semaphore_mem>>)
      %dma_wait3A_139 = arith.constant 0 : i32
      %dma_wait3A_140 = tpu.memref_slice %arg11[%mul3A_4, %dma_wait3A_139] : memref<10112x16xf32, #tpu.memory_space<vmem_shared>> -> memref<632x16xf32, #tpu.memory_space<vmem_shared>>
      tpu.wait_dma2 semaphore(%run_scoped3A : memref<!tpu.dma_semaphore, #tpu.memory_space<semaphore_mem>>) src(%arg4 : memref<632x16xf32, #tpu.memory_space<hbm>>) dst(%dma_wait3A_140 : memref<632x16xf32, #tpu.memory_space<vmem_shared>>)
      tpu.yield
    }) : () -> ()
    %mul3A_5 = arith.constant 632 : i32
    %mul3A_6 = arith.muli %arg1, %mul3A_5 : i32
    %mul3A_7 = arith.constant 632 : i32
    %mul3A_8 = arith.muli %arg1, %mul3A_7 : i32
    "tpu.region"() ({
      %run_scoped3A = tpu.sem_alloc : memref<!tpu.dma_semaphore, #tpu.memory_space<semaphore_mem>>
      %dma_start3A_137 = arith.constant 0 : i32
      %dma_start3A_138 = tpu.memref_slice %arg12[%mul3A_8, %dma_start3A_137] : memref<10112x16xf32, #tpu.memory_space<vmem_shared>> -> memref<632x16xf32, #tpu.memory_space<vmem_shared>>
      %dma_start3A_139 = arith.constant 0 : i32
      %dma_start3A_140 = tpu.memref_slice %arg2[%mul3A_6, %dma_start3A_139] : memref<10112x16xf32, #tpu.memory_space<hbm>> -> memref<632x16xf32, #tpu.memory_space<hbm>>
      tpu.enqueue_dma source(%dma_start3A_140 : memref<632x16xf32, #tpu.memory_space<hbm>>) target(%dma_start3A_138 : memref<632x16xf32, #tpu.memory_space<vmem_shared>>) target_semaphore(%run_scoped3A : memref<!tpu.dma_semaphore, #tpu.memory_space<semaphore_mem>>)
      %dma_wait3A_141 = arith.constant 0 : i32
      %dma_wait3A_142 = tpu.memref_slice %arg12[%mul3A_8, %dma_wait3A_141] : memref<10112x16xf32, #tpu.memory_space<vmem_shared>> -> memref<632x16xf32, #tpu.memory_space<vmem_shared>>
      %dma_wait3A_143 = arith.constant 0 : i32
      %dma_wait3A_144 = tpu.memref_slice %arg2[%mul3A_6, %dma_wait3A_143] : memref<10112x16xf32, #tpu.memory_space<hbm>> -> memref<632x16xf32, #tpu.memory_space<hbm>>
      tpu.wait_dma2 semaphore(%run_scoped3A : memref<!tpu.dma_semaphore, #tpu.memory_space<semaphore_mem>>) src(%dma_wait3A_144 : memref<632x16xf32, #tpu.memory_space<hbm>>) dst(%dma_wait3A_142 : memref<632x16xf32, #tpu.memory_space<vmem_shared>>)
      tpu.yield
    }) : () -> ()
    %add3A_9 = arith.constant 0 : i32
    %add3A_10 = arith.addi %mul3A_2, %add3A_9 : i32
    %dma_start3A = arith.constant 0 : i32
    %dma_start3A_11 = arith.constant 0 : i32
    %dma_start3A_12 = arith.constant 0 : i32
    %dma_start3A_13 = tpu.memref_slice %arg6[%dma_start3A_11, %dma_start3A_12] : memref<2x2000xi32, #tpu.memory_space<vmem>> -> memref<1x2000xi32, #tpu.memory_space<vmem>>
    %dma_start3A_14 = tpu.memref_squeeze %dma_start3A_13 : memref<1x2000xi32, #tpu.memory_space<vmem>> -> memref<2000xi32, #tpu.memory_space<vmem>>
    %dma_start3A_15 = arith.constant 0 : i32
    %dma_start3A_16 = tpu.memref_slice %arg3[%dma_start3A, %dma_start3A_15] : memref<2x320000xi32, #tpu.memory_space<hbm>> -> memref<1x320000xi32, #tpu.memory_space<hbm>>
    %dma_start3A_17 = tpu.memref_squeeze %dma_start3A_16 : memref<1x320000xi32, #tpu.memory_space<hbm>> -> memref<320000xi32, #tpu.memory_space<hbm>>
    %dma_start3A_18 = tpu.memref_slice %dma_start3A_17[%add3A_10] : memref<320000xi32, #tpu.memory_space<hbm>> -> memref<2000xi32, #tpu.memory_space<hbm>>
    %dma_start3A_19 = arith.constant 0 : i32
    %dma_start3A_20 = tpu.memref_slice %arg6[%dma_start3A_11, %dma_start3A_19] : memref<2x2000xi32, #tpu.memory_space<vmem>> -> memref<1x2000xi32, #tpu.memory_space<vmem>>
    %dma_start3A_21 = tpu.memref_squeeze %dma_start3A_20 : memref<1x2000xi32, #tpu.memory_space<vmem>> -> memref<2000xi32, #tpu.memory_space<vmem>>
    %dma_start3A_22 = arith.constant 0 : i32
    %dma_start3A_23 = tpu.memref_slice %arg3[%dma_start3A, %dma_start3A_22] : memref<2x320000xi32, #tpu.memory_space<hbm>> -> memref<1x320000xi32, #tpu.memory_space<hbm>>
    %dma_start3A_24 = tpu.memref_squeeze %dma_start3A_23 : memref<1x320000xi32, #tpu.memory_space<hbm>> -> memref<320000xi32, #tpu.memory_space<hbm>>
    %dma_start3A_25 = tpu.memref_slice %dma_start3A_24[%add3A_10] : memref<320000xi32, #tpu.memory_space<hbm>> -> memref<2000xi32, #tpu.memory_space<hbm>>
    tpu.enqueue_dma source(%dma_start3A_25 : memref<2000xi32, #tpu.memory_space<hbm>>) target(%dma_start3A_21 : memref<2000xi32, #tpu.memory_space<vmem>>) target_semaphore(%arg9 : memref<!tpu.dma_semaphore, #tpu.memory_space<semaphore_mem>>)
    %add3A_26 = arith.constant 0 : i32
    %add3A_27 = arith.addi %mul3A_2, %add3A_26 : i32
    %dma_start3A_28 = arith.constant 1 : i32
    %dma_start3A_29 = arith.constant 0 : i32
    %dma_start3A_30 = arith.constant 0 : i32
    %dma_start3A_31 = tpu.memref_slice %arg7[%dma_start3A_29, %dma_start3A_30] : memref<2x2000xi32, #tpu.memory_space<vmem>> -> memref<1x2000xi32, #tpu.memory_space<vmem>>
    %dma_start3A_32 = tpu.memref_squeeze %dma_start3A_31 : memref<1x2000xi32, #tpu.memory_space<vmem>> -> memref<2000xi32, #tpu.memory_space<vmem>>
    %dma_start3A_33 = arith.constant 0 : i32
    %dma_start3A_34 = tpu.memref_slice %arg3[%dma_start3A_28, %dma_start3A_33] : memref<2x320000xi32, #tpu.memory_space<hbm>> -> memref<1x320000xi32, #tpu.memory_space<hbm>>
    %dma_start3A_35 = tpu.memref_squeeze %dma_start3A_34 : memref<1x320000xi32, #tpu.memory_space<hbm>> -> memref<320000xi32, #tpu.memory_space<hbm>>
    %dma_start3A_36 = tpu.memref_slice %dma_start3A_35[%add3A_27] : memref<320000xi32, #tpu.memory_space<hbm>> -> memref<2000xi32, #tpu.memory_space<hbm>>
    %dma_start3A_37 = arith.constant 0 : i32
    %dma_start3A_38 = tpu.memref_slice %arg7[%dma_start3A_29, %dma_start3A_37] : memref<2x2000xi32, #tpu.memory_space<vmem>> -> memref<1x2000xi32, #tpu.memory_space<vmem>>
    %dma_start3A_39 = tpu.memref_squeeze %dma_start3A_38 : memref<1x2000xi32, #tpu.memory_space<vmem>> -> memref<2000xi32, #tpu.memory_space<vmem>>
    %dma_start3A_40 = arith.constant 0 : i32
    %dma_start3A_41 = tpu.memref_slice %arg3[%dma_start3A_28, %dma_start3A_40] : memref<2x320000xi32, #tpu.memory_space<hbm>> -> memref<1x320000xi32, #tpu.memory_space<hbm>>
    %dma_start3A_42 = tpu.memref_squeeze %dma_start3A_41 : memref<1x320000xi32, #tpu.memory_space<hbm>> -> memref<320000xi32, #tpu.memory_space<hbm>>
    %dma_start3A_43 = tpu.memref_slice %dma_start3A_42[%add3A_27] : memref<320000xi32, #tpu.memory_space<hbm>> -> memref<2000xi32, #tpu.memory_space<hbm>>
    tpu.enqueue_dma source(%dma_start3A_43 : memref<2000xi32, #tpu.memory_space<hbm>>) target(%dma_start3A_39 : memref<2000xi32, #tpu.memory_space<vmem>>) target_semaphore(%arg9 : memref<!tpu.dma_semaphore, #tpu.memory_space<semaphore_mem>>)
    %dma_wait3A = arith.constant 0 : i32
    %dma_wait3A_44 = arith.constant 0 : i32
    %dma_wait3A_45 = arith.constant 0 : i32
    %dma_wait3A_46 = tpu.memref_slice %arg6[%dma_wait3A_44, %dma_wait3A_45] : memref<2x2000xi32, #tpu.memory_space<vmem>> -> memref<1x2000xi32, #tpu.memory_space<vmem>>
    %dma_wait3A_47 = tpu.memref_squeeze %dma_wait3A_46 : memref<1x2000xi32, #tpu.memory_space<vmem>> -> memref<2000xi32, #tpu.memory_space<vmem>>
    %dma_wait3A_48 = arith.constant 0 : i32
    %dma_wait3A_49 = tpu.memref_slice %arg3[%dma_wait3A, %dma_wait3A_48] : memref<2x320000xi32, #tpu.memory_space<hbm>> -> memref<1x320000xi32, #tpu.memory_space<hbm>>
    %dma_wait3A_50 = tpu.memref_squeeze %dma_wait3A_49 : memref<1x320000xi32, #tpu.memory_space<hbm>> -> memref<320000xi32, #tpu.memory_space<hbm>>
    %dma_wait3A_51 = arith.constant 0 : i32
    %dma_wait3A_52 = tpu.memref_slice %dma_wait3A_50[%dma_wait3A_51] : memref<320000xi32, #tpu.memory_space<hbm>> -> memref<2000xi32, #tpu.memory_space<hbm>>
    %dma_wait3A_53 = arith.constant 0 : i32
    %dma_wait3A_54 = tpu.memref_slice %arg6[%dma_wait3A_44, %dma_wait3A_53] : memref<2x2000xi32, #tpu.memory_space<vmem>> -> memref<1x2000xi32, #tpu.memory_space<vmem>>
    %dma_wait3A_55 = tpu.memref_squeeze %dma_wait3A_54 : memref<1x2000xi32, #tpu.memory_space<vmem>> -> memref<2000xi32, #tpu.memory_space<vmem>>
    %dma_wait3A_56 = arith.constant 0 : i32
    %dma_wait3A_57 = tpu.memref_slice %arg3[%dma_wait3A, %dma_wait3A_56] : memref<2x320000xi32, #tpu.memory_space<hbm>> -> memref<1x320000xi32, #tpu.memory_space<hbm>>
    %dma_wait3A_58 = tpu.memref_squeeze %dma_wait3A_57 : memref<1x320000xi32, #tpu.memory_space<hbm>> -> memref<320000xi32, #tpu.memory_space<hbm>>
    %dma_wait3A_59 = arith.constant 0 : i32
    %dma_wait3A_60 = tpu.memref_slice %dma_wait3A_58[%dma_wait3A_59] : memref<320000xi32, #tpu.memory_space<hbm>> -> memref<2000xi32, #tpu.memory_space<hbm>>
    tpu.wait_dma2 semaphore(%arg9 : memref<!tpu.dma_semaphore, #tpu.memory_space<semaphore_mem>>) src(%dma_wait3A_60 : memref<2000xi32, #tpu.memory_space<hbm>>) dst(%dma_wait3A_55 : memref<2000xi32, #tpu.memory_space<vmem>>)
    %dma_wait3A_61 = arith.constant 1 : i32
    %dma_wait3A_62 = arith.constant 0 : i32
    %dma_wait3A_63 = arith.constant 0 : i32
    %dma_wait3A_64 = tpu.memref_slice %arg7[%dma_wait3A_62, %dma_wait3A_63] : memref<2x2000xi32, #tpu.memory_space<vmem>> -> memref<1x2000xi32, #tpu.memory_space<vmem>>
    %dma_wait3A_65 = tpu.memref_squeeze %dma_wait3A_64 : memref<1x2000xi32, #tpu.memory_space<vmem>> -> memref<2000xi32, #tpu.memory_space<vmem>>
    %dma_wait3A_66 = arith.constant 0 : i32
    %dma_wait3A_67 = tpu.memref_slice %arg3[%dma_wait3A_61, %dma_wait3A_66] : memref<2x320000xi32, #tpu.memory_space<hbm>> -> memref<1x320000xi32, #tpu.memory_space<hbm>>
    %dma_wait3A_68 = tpu.memref_squeeze %dma_wait3A_67 : memref<1x320000xi32, #tpu.memory_space<hbm>> -> memref<320000xi32, #tpu.memory_space<hbm>>
    %dma_wait3A_69 = arith.constant 0 : i32
    %dma_wait3A_70 = tpu.memref_slice %dma_wait3A_68[%dma_wait3A_69] : memref<320000xi32, #tpu.memory_space<hbm>> -> memref<2000xi32, #tpu.memory_space<hbm>>
    %dma_wait3A_71 = arith.constant 0 : i32
    %dma_wait3A_72 = tpu.memref_slice %arg7[%dma_wait3A_62, %dma_wait3A_71] : memref<2x2000xi32, #tpu.memory_space<vmem>> -> memref<1x2000xi32, #tpu.memory_space<vmem>>
    %dma_wait3A_73 = tpu.memref_squeeze %dma_wait3A_72 : memref<1x2000xi32, #tpu.memory_space<vmem>> -> memref<2000xi32, #tpu.memory_space<vmem>>
    %dma_wait3A_74 = arith.constant 0 : i32
    %dma_wait3A_75 = tpu.memref_slice %arg3[%dma_wait3A_61, %dma_wait3A_74] : memref<2x320000xi32, #tpu.memory_space<hbm>> -> memref<1x320000xi32, #tpu.memory_space<hbm>>
    %dma_wait3A_76 = tpu.memref_squeeze %dma_wait3A_75 : memref<1x320000xi32, #tpu.memory_space<hbm>> -> memref<320000xi32, #tpu.memory_space<hbm>>
    %dma_wait3A_77 = arith.constant 0 : i32
    %dma_wait3A_78 = tpu.memref_slice %dma_wait3A_76[%dma_wait3A_77] : memref<320000xi32, #tpu.memory_space<hbm>> -> memref<2000xi32, #tpu.memory_space<hbm>>
    tpu.wait_dma2 semaphore(%arg9 : memref<!tpu.dma_semaphore, #tpu.memory_space<semaphore_mem>>) src(%dma_wait3A_78 : memref<2000xi32, #tpu.memory_space<hbm>>) dst(%dma_wait3A_73 : memref<2000xi32, #tpu.memory_space<vmem>>)
    %barrier3A = arith.constant 0 : index
    tpu.barrier barrier_id(%barrier3A)
    %dma_start3A_79 = arith.constant 0 : i32
    %dma_start3A_80 = arith.constant 0 : i32
    %dma_start3A_81 = arith.constant 0 : i32
    %dma_start3A_82 = arith.constant 0 : i32
    %dma_start3A_83 = tpu.memref_slice %arg8[%dma_start3A_80, %dma_start3A_81, %dma_start3A_82] : memref<2x2000x16xf32, #tpu.memory_space<vmem>> -> memref<1x2000x16xf32, #tpu.memory_space<vmem>>
    %dma_start3A_84 = tpu.memref_squeeze %dma_start3A_83 : memref<1x2000x16xf32, #tpu.memory_space<vmem>> -> memref<2000x16xf32, #tpu.memory_space<vmem>>
    %dma_start3A_85 = arith.constant 0 : i32
    %dma_start3A_86 = tpu.memref_slice %arg6[%dma_start3A_79, %dma_start3A_85] : memref<2x2000xi32, #tpu.memory_space<vmem>> -> memref<1x2000xi32, #tpu.memory_space<vmem>>
    %dma_start3A_87 = tpu.memref_squeeze %dma_start3A_86 : memref<1x2000xi32, #tpu.memory_space<vmem>> -> memref<2000xi32, #tpu.memory_space<vmem>>
    %dma_start3A_88 = arith.constant 0 : i32
    %dma_start3A_89 = arith.constant 0 : i32
    %dma_start3A_90 = tpu.memref_slice %arg12[%dma_start3A_88, %dma_start3A_89] : memref<10112x16xf32, #tpu.memory_space<vmem_shared>> -> memref<10112x16xf32, #tpu.memory_space<vmem_shared>>
    tpu.enqueue_indirect_dma source(%dma_start3A_90 : memref<10112x16xf32, #tpu.memory_space<vmem_shared>>) target(%dma_start3A_84 : memref<2000x16xf32, #tpu.memory_space<vmem>>) offsets(%dma_start3A_87 : memref<2000xi32, #tpu.memory_space<vmem>>) semaphore(%arg10 : memref<!tpu.dma_semaphore, #tpu.memory_space<semaphore_mem>>)
    %add3A_91 = arith.constant 2000 : i32
    %add3A_92 = arith.addi %mul3A_2, %add3A_91 : i32
    %dma_start3A_93 = arith.constant 0 : i32
    %dma_start3A_94 = arith.constant 1 : i32
    %dma_start3A_95 = arith.constant 0 : i32
    %dma_start3A_96 = tpu.memref_slice %arg6[%dma_start3A_94, %dma_start3A_95] : memref<2x2000xi32, #tpu.memory_space<vmem>> -> memref<1x2000xi32, #tpu.memory_space<vmem>>
    %dma_start3A_97 = tpu.memref_squeeze %dma_start3A_96 : memref<1x2000xi32, #tpu.memory_space<vmem>> -> memref<2000xi32, #tpu.memory_space<vmem>>
    %dma_start3A_98 = arith.constant 0 : i32
    %dma_start3A_99 = tpu.memref_slice %arg3[%dma_start3A_93, %dma_start3A_98] : memref<2x320000xi32, #tpu.memory_space<hbm>> -> memref<1x320000xi32, #tpu.memory_space<hbm>>
    %dma_start3A_100 = tpu.memref_squeeze %dma_start3A_99 : memref<1x320000xi32, #tpu.memory_space<hbm>> -> memref<320000xi32, #tpu.memory_space<hbm>>
    %dma_start3A_101 = tpu.memref_slice %dma_start3A_100[%add3A_92] : memref<320000xi32, #tpu.memory_space<hbm>> -> memref<2000xi32, #tpu.memory_space<hbm>>
    %dma_start3A_102 = arith.constant 0 : i32
    %dma_start3A_103 = tpu.memref_slice %arg6[%dma_start3A_94, %dma_start3A_102] : memref<2x2000xi32, #tpu.memory_space<vmem>> -> memref<1x2000xi32, #tpu.memory_space<vmem>>
    %dma_start3A_104 = tpu.memref_squeeze %dma_start3A_103 : memref<1x2000xi32, #tpu.memory_space<vmem>> -> memref<2000xi32, #tpu.memory_space<vmem>>
    %dma_start3A_105 = arith.constant 0 : i32
    %dma_start3A_106 = tpu.memref_slice %arg3[%dma_start3A_93, %dma_start3A_105] : memref<2x320000xi32, #tpu.memory_space<hbm>> -> memref<1x320000xi32, #tpu.memory_space<hbm>>
    %dma_start3A_107 = tpu.memref_squeeze %dma_start3A_106 : memref<1x320000xi32, #tpu.memory_space<hbm>> -> memref<320000xi32, #tpu.memory_space<hbm>>
    %dma_start3A_108 = tpu.memref_slice %dma_start3A_107[%add3A_92] : memref<320000xi32, #tpu.memory_space<hbm>> -> memref<2000xi32, #tpu.memory_space<hbm>>
    tpu.enqueue_dma source(%dma_start3A_108 : memref<2000xi32, #tpu.memory_space<hbm>>) target(%dma_start3A_104 : memref<2000xi32, #tpu.memory_space<vmem>>) target_semaphore(%arg9 : memref<!tpu.dma_semaphore, #tpu.memory_space<semaphore_mem>>)
    %add3A_109 = arith.constant 2000 : i32
    %add3A_110 = arith.addi %mul3A_2, %add3A_109 : i32
    %dma_start3A_111 = arith.constant 1 : i32
    %dma_start3A_112 = arith.constant 1 : i32
    %dma_start3A_113 = arith.constant 0 : i32
    %dma_start3A_114 = tpu.memref_slice %arg7[%dma_start3A_112, %dma_start3A_113] : memref<2x2000xi32, #tpu.memory_space<vmem>> -> memref<1x2000xi32, #tpu.memory_space<vmem>>
    %dma_start3A_115 = tpu.memref_squeeze %dma_start3A_114 : memref<1x2000xi32, #tpu.memory_space<vmem>> -> memref<2000xi32, #tpu.memory_space<vmem>>
    %dma_start3A_116 = arith.constant 0 : i32
    %dma_start3A_117 = tpu.memref_slice %arg3[%dma_start3A_111, %dma_start3A_116] : memref<2x320000xi32, #tpu.memory_space<hbm>> -> memref<1x320000xi32, #tpu.memory_space<hbm>>
    %dma_start3A_118 = tpu.memref_squeeze %dma_start3A_117 : memref<1x320000xi32, #tpu.memory_space<hbm>> -> memref<320000xi32, #tpu.memory_space<hbm>>
    %dma_start3A_119 = tpu.memref_slice %dma_start3A_118[%add3A_110] : memref<320000xi32, #tpu.memory_space<hbm>> -> memref<2000xi32, #tpu.memory_space<hbm>>
    %dma_start3A_120 = arith.constant 0 : i32
    %dma_start3A_121 = tpu.memref_slice %arg7[%dma_start3A_112, %dma_start3A_120] : memref<2x2000xi32, #tpu.memory_space<vmem>> -> memref<1x2000xi32, #tpu.memory_space<vmem>>
    %dma_start3A_122 = tpu.memref_squeeze %dma_start3A_121 : memref<1x2000xi32, #tpu.memory_space<vmem>> -> memref<2000xi32, #tpu.memory_space<vmem>>
    %dma_start3A_123 = arith.constant 0 : i32
    %dma_start3A_124 = tpu.memref_slice %arg3[%dma_start3A_111, %dma_start3A_123] : memref<2x320000xi32, #tpu.memory_space<hbm>> -> memref<1x320000xi32, #tpu.memory_space<hbm>>
    %dma_start3A_125 = tpu.memref_squeeze %dma_start3A_124 : memref<1x320000xi32, #tpu.memory_space<hbm>> -> memref<320000xi32, #tpu.memory_space<hbm>>
    %dma_start3A_126 = tpu.memref_slice %dma_start3A_125[%add3A_110] : memref<320000xi32, #tpu.memory_space<hbm>> -> memref<2000xi32, #tpu.memory_space<hbm>>
    tpu.enqueue_dma source(%dma_start3A_126 : memref<2000xi32, #tpu.memory_space<hbm>>) target(%dma_start3A_122 : memref<2000xi32, #tpu.memory_space<vmem>>) target_semaphore(%arg9 : memref<!tpu.dma_semaphore, #tpu.memory_space<semaphore_mem>>)
    %scan3A = arith.constant 0 : i32
    %scan3A_127 = arith.constant 0 : i32
    %scan3A_128 = arith.constant 5 : i32
    %scan3A_129 = arith.addi %scan3A_127, %scan3A_128 : i32
    %scan3A_130 = arith.constant 1 : i32
    scf.for %scan3A_137 = %scan3A_127 to %scan3A_129 step %scan3A_130  : i32 {
      %dma_wait3A_138 = arith.constant 0 : i32
      %dma_wait3A_139 = arith.constant 0 : i32
      %dma_wait3A_140 = arith.constant 0 : i32
      %dma_wait3A_141 = arith.constant 0 : i32
      %dma_wait3A_142 = tpu.memref_slice %arg8[%dma_wait3A_139, %dma_wait3A_140, %dma_wait3A_141] : memref<2x2000x16xf32, #tpu.memory_space<vmem>> -> memref<1x2000x16xf32, #tpu.memory_space<vmem>>
      %dma_wait3A_143 = tpu.memref_squeeze %dma_wait3A_142 : memref<1x2000x16xf32, #tpu.memory_space<vmem>> -> memref<2000x16xf32, #tpu.memory_space<vmem>>
      %dma_wait3A_144 = arith.constant 0 : i32
      %dma_wait3A_145 = tpu.memref_slice %arg6[%dma_wait3A_138, %dma_wait3A_144] : memref<2x2000xi32, #tpu.memory_space<vmem>> -> memref<1x2000xi32, #tpu.memory_space<vmem>>
      %dma_wait3A_146 = tpu.memref_squeeze %dma_wait3A_145 : memref<1x2000xi32, #tpu.memory_space<vmem>> -> memref<2000xi32, #tpu.memory_space<vmem>>
      %dma_wait3A_147 = arith.constant 0 : i32
      %dma_wait3A_148 = arith.constant 0 : i32
      %dma_wait3A_149 = tpu.memref_slice %arg12[%dma_wait3A_147, %dma_wait3A_148] : memref<10112x16xf32, #tpu.memory_space<vmem_shared>> -> memref<10112x16xf32, #tpu.memory_space<vmem_shared>>
      tpu.wait_indirect_dma semaphore(%arg10 : memref<!tpu.dma_semaphore, #tpu.memory_space<semaphore_mem>>) src(%dma_wait3A_149 : memref<10112x16xf32, #tpu.memory_space<vmem_shared>>) dst(%dma_wait3A_143 : memref<2000x16xf32, #tpu.memory_space<vmem>>)
      %add3A_150 = arith.constant 1 : i32
      %add3A_151 = arith.addi %scan3A_137, %add3A_150 : i32
      %lt3A = arith.constant 5 : i32
      %lt3A_152 = arith.cmpi slt, %add3A_151, %lt3A : i32
      %convert_element_type3A = arith.extui %lt3A_152 : i1 to i32
      %cond3A = arith.constant 0 : i32
      %cond3A_153 = arith.cmpi ne, %convert_element_type3A, %cond3A : i32
      scf.if %cond3A_153 {
        %dma_wait3A_187 = arith.constant 0 : i32
        %dma_wait3A_188 = arith.constant 0 : i32
        %dma_wait3A_189 = arith.constant 0 : i32
        %dma_wait3A_190 = tpu.memref_slice %arg6[%dma_wait3A_188, %dma_wait3A_189] : memref<2x2000xi32, #tpu.memory_space<vmem>> -> memref<1x2000xi32, #tpu.memory_space<vmem>>
        %dma_wait3A_191 = tpu.memref_squeeze %dma_wait3A_190 : memref<1x2000xi32, #tpu.memory_space<vmem>> -> memref<2000xi32, #tpu.memory_space<vmem>>
        %dma_wait3A_192 = arith.constant 0 : i32
        %dma_wait3A_193 = tpu.memref_slice %arg3[%dma_wait3A_187, %dma_wait3A_192] : memref<2x320000xi32, #tpu.memory_space<hbm>> -> memref<1x320000xi32, #tpu.memory_space<hbm>>
        %dma_wait3A_194 = tpu.memref_squeeze %dma_wait3A_193 : memref<1x320000xi32, #tpu.memory_space<hbm>> -> memref<320000xi32, #tpu.memory_space<hbm>>
        %dma_wait3A_195 = arith.constant 0 : i32
        %dma_wait3A_196 = tpu.memref_slice %dma_wait3A_194[%dma_wait3A_195] : memref<320000xi32, #tpu.memory_space<hbm>> -> memref<2000xi32, #tpu.memory_space<hbm>>
        %dma_wait3A_197 = arith.constant 0 : i32
        %dma_wait3A_198 = tpu.memref_slice %arg6[%dma_wait3A_188, %dma_wait3A_197] : memref<2x2000xi32, #tpu.memory_space<vmem>> -> memref<1x2000xi32, #tpu.memory_space<vmem>>
        %dma_wait3A_199 = tpu.memref_squeeze %dma_wait3A_198 : memref<1x2000xi32, #tpu.memory_space<vmem>> -> memref<2000xi32, #tpu.memory_space<vmem>>
        %dma_wait3A_200 = arith.constant 0 : i32
        %dma_wait3A_201 = tpu.memref_slice %arg3[%dma_wait3A_187, %dma_wait3A_200] : memref<2x320000xi32, #tpu.memory_space<hbm>> -> memref<1x320000xi32, #tpu.memory_space<hbm>>
        %dma_wait3A_202 = tpu.memref_squeeze %dma_wait3A_201 : memref<1x320000xi32, #tpu.memory_space<hbm>> -> memref<320000xi32, #tpu.memory_space<hbm>>
        %dma_wait3A_203 = arith.constant 0 : i32
        %dma_wait3A_204 = tpu.memref_slice %dma_wait3A_202[%dma_wait3A_203] : memref<320000xi32, #tpu.memory_space<hbm>> -> memref<2000xi32, #tpu.memory_space<hbm>>
        tpu.wait_dma2 semaphore(%arg9 : memref<!tpu.dma_semaphore, #tpu.memory_space<semaphore_mem>>) src(%dma_wait3A_204 : memref<2000xi32, #tpu.memory_space<hbm>>) dst(%dma_wait3A_199 : memref<2000xi32, #tpu.memory_space<vmem>>)
        %dma_wait3A_205 = arith.constant 1 : i32
        %dma_wait3A_206 = arith.constant 0 : i32
        %dma_wait3A_207 = arith.constant 0 : i32
        %dma_wait3A_208 = tpu.memref_slice %arg7[%dma_wait3A_206, %dma_wait3A_207] : memref<2x2000xi32, #tpu.memory_space<vmem>> -> memref<1x2000xi32, #tpu.memory_space<vmem>>
        %dma_wait3A_209 = tpu.memref_squeeze %dma_wait3A_208 : memref<1x2000xi32, #tpu.memory_space<vmem>> -> memref<2000xi32, #tpu.memory_space<vmem>>
        %dma_wait3A_210 = arith.constant 0 : i32
        %dma_wait3A_211 = tpu.memref_slice %arg3[%dma_wait3A_205, %dma_wait3A_210] : memref<2x320000xi32, #tpu.memory_space<hbm>> -> memref<1x320000xi32, #tpu.memory_space<hbm>>
        %dma_wait3A_212 = tpu.memref_squeeze %dma_wait3A_211 : memref<1x320000xi32, #tpu.memory_space<hbm>> -> memref<320000xi32, #tpu.memory_space<hbm>>
        %dma_wait3A_213 = arith.constant 0 : i32
        %dma_wait3A_214 = tpu.memref_slice %dma_wait3A_212[%dma_wait3A_213] : memref<320000xi32, #tpu.memory_space<hbm>> -> memref<2000xi32, #tpu.memory_space<hbm>>
        %dma_wait3A_215 = arith.constant 0 : i32
        %dma_wait3A_216 = tpu.memref_slice %arg7[%dma_wait3A_206, %dma_wait3A_215] : memref<2x2000xi32, #tpu.memory_space<vmem>> -> memref<1x2000xi32, #tpu.memory_space<vmem>>
        %dma_wait3A_217 = tpu.memref_squeeze %dma_wait3A_216 : memref<1x2000xi32, #tpu.memory_space<vmem>> -> memref<2000xi32, #tpu.memory_space<vmem>>
        %dma_wait3A_218 = arith.constant 0 : i32
        %dma_wait3A_219 = tpu.memref_slice %arg3[%dma_wait3A_205, %dma_wait3A_218] : memref<2x320000xi32, #tpu.memory_space<hbm>> -> memref<1x320000xi32, #tpu.memory_space<hbm>>
        %dma_wait3A_220 = tpu.memref_squeeze %dma_wait3A_219 : memref<1x320000xi32, #tpu.memory_space<hbm>> -> memref<320000xi32, #tpu.memory_space<hbm>>
        %dma_wait3A_221 = arith.constant 0 : i32
        %dma_wait3A_222 = tpu.memref_slice %dma_wait3A_220[%dma_wait3A_221] : memref<320000xi32, #tpu.memory_space<hbm>> -> memref<2000xi32, #tpu.memory_space<hbm>>
        tpu.wait_dma2 semaphore(%arg9 : memref<!tpu.dma_semaphore, #tpu.memory_space<semaphore_mem>>) src(%dma_wait3A_222 : memref<2000xi32, #tpu.memory_space<hbm>>) dst(%dma_wait3A_217 : memref<2000xi32, #tpu.memory_space<vmem>>)
        %add3A_223 = arith.constant 1 : i32
        %add3A_224 = arith.addi %scan3A_137, %add3A_223 : i32
        %jit3A_225 = arith.constant 2 : i32
        %eq3A_226 = arith.constant 0 : i32
        %eq3A_227 = arith.cmpi eq, %jit3A_225, %eq3A_226 : i32
        %jit3A_228 = arith.constant 1 : i32
        %select_n3A_229 = arith.select %eq3A_227, %jit3A_228, %jit3A_225 : i32
        %rem3A_230 = arith.remsi %add3A_224, %select_n3A_229 : i32
        %ne3A_231 = arith.constant 0 : i32
        %ne3A_232 = arith.cmpi ne, %rem3A_230, %ne3A_231 : i32
        %lt3A_233 = arith.constant 0 : i32
        %lt3A_234 = arith.cmpi slt, %rem3A_230, %lt3A_233 : i32
        %lt3A_235 = arith.constant 0 : i32
        %lt3A_236 = arith.cmpi slt, %select_n3A_229, %lt3A_235 : i32
        %ne3A_237 = arith.xori %lt3A_234, %lt3A_236 : i1
        %and3A_238 = arith.andi %ne3A_237, %ne3A_232 : i1
        %add3A_239 = arith.addi %rem3A_230, %select_n3A_229 : i32
        %select_n3A_240 = arith.select %and3A_238, %add3A_239, %rem3A_230 : i32
        %add3A_241 = arith.constant 1 : i32
        %add3A_242 = arith.addi %scan3A_137, %add3A_241 : i32
        %jit3A_243 = arith.constant 2 : i32
        %eq3A_244 = arith.constant 0 : i32
        %eq3A_245 = arith.cmpi eq, %jit3A_243, %eq3A_244 : i32
        %jit3A_246 = arith.constant 1 : i32
        %select_n3A_247 = arith.select %eq3A_245, %jit3A_246, %jit3A_243 : i32
        %rem3A_248 = arith.remsi %add3A_242, %select_n3A_247 : i32
        %ne3A_249 = arith.constant 0 : i32
        %ne3A_250 = arith.cmpi ne, %rem3A_248, %ne3A_249 : i32
        %lt3A_251 = arith.constant 0 : i32
        %lt3A_252 = arith.cmpi slt, %rem3A_248, %lt3A_251 : i32
        %lt3A_253 = arith.constant 0 : i32
        %lt3A_254 = arith.cmpi slt, %select_n3A_247, %lt3A_253 : i32
        %ne3A_255 = arith.xori %lt3A_252, %lt3A_254 : i1
        %and3A_256 = arith.andi %ne3A_255, %ne3A_250 : i1
        %add3A_257 = arith.addi %rem3A_248, %select_n3A_247 : i32
        %select_n3A_258 = arith.select %and3A_256, %add3A_257, %rem3A_248 : i32
        %dma_start3A_259 = arith.constant 0 : i32
        %dma_start3A_260 = arith.constant 0 : i32
        %dma_start3A_261 = tpu.memref_slice %arg8[%select_n3A_258, %dma_start3A_259, %dma_start3A_260] : memref<2x2000x16xf32, #tpu.memory_space<vmem>> -> memref<1x2000x16xf32, #tpu.memory_space<vmem>>
        %dma_start3A_262 = tpu.memref_squeeze %dma_start3A_261 : memref<1x2000x16xf32, #tpu.memory_space<vmem>> -> memref<2000x16xf32, #tpu.memory_space<vmem>>
        %dma_start3A_263 = arith.constant 0 : i32
        %dma_start3A_264 = tpu.memref_slice %arg6[%select_n3A_240, %dma_start3A_263] : memref<2x2000xi32, #tpu.memory_space<vmem>> -> memref<1x2000xi32, #tpu.memory_space<vmem>>
        %dma_start3A_265 = tpu.memref_squeeze %dma_start3A_264 : memref<1x2000xi32, #tpu.memory_space<vmem>> -> memref<2000xi32, #tpu.memory_space<vmem>>
        %dma_start3A_266 = arith.constant 0 : i32
        %dma_start3A_267 = arith.constant 0 : i32
        %dma_start3A_268 = tpu.memref_slice %arg12[%dma_start3A_266, %dma_start3A_267] : memref<10112x16xf32, #tpu.memory_space<vmem_shared>> -> memref<10112x16xf32, #tpu.memory_space<vmem_shared>>
        tpu.enqueue_indirect_dma source(%dma_start3A_268 : memref<10112x16xf32, #tpu.memory_space<vmem_shared>>) target(%dma_start3A_262 : memref<2000x16xf32, #tpu.memory_space<vmem>>) offsets(%dma_start3A_265 : memref<2000xi32, #tpu.memory_space<vmem>>) semaphore(%arg10 : memref<!tpu.dma_semaphore, #tpu.memory_space<semaphore_mem>>)
      } else {
      }
      %jit3A = arith.constant 2 : i32
      %eq3A = arith.constant 0 : i32
      %eq3A_154 = arith.cmpi eq, %jit3A, %eq3A : i32
      %jit3A_155 = arith.constant 1 : i32
      %select_n3A = arith.select %eq3A_154, %jit3A_155, %jit3A : i32
      %rem3A = arith.remsi %scan3A_137, %select_n3A : i32
      %ne3A = arith.constant 0 : i32
      %ne3A_156 = arith.cmpi ne, %rem3A, %ne3A : i32
      %lt3A_157 = arith.constant 0 : i32
      %lt3A_158 = arith.cmpi slt, %rem3A, %lt3A_157 : i32
      %lt3A_159 = arith.constant 0 : i32
      %lt3A_160 = arith.cmpi slt, %select_n3A, %lt3A_159 : i32
      %ne3A_161 = arith.xori %lt3A_158, %lt3A_160 : i1
      %and3A = arith.andi %ne3A_161, %ne3A_156 : i1
      %add3A_162 = arith.addi %rem3A, %select_n3A : i32
      %select_n3A_163 = arith.select %and3A, %add3A_162, %rem3A : i32
      %jit3A_164 = arith.constant 2 : i32
      %eq3A_165 = arith.constant 0 : i32
      %eq3A_166 = arith.cmpi eq, %jit3A_164, %eq3A_165 : i32
      %jit3A_167 = arith.constant 1 : i32
      %select_n3A_168 = arith.select %eq3A_166, %jit3A_167, %jit3A_164 : i32
      %rem3A_169 = arith.remsi %scan3A_137, %select_n3A_168 : i32
      %ne3A_170 = arith.constant 0 : i32
      %ne3A_171 = arith.cmpi ne, %rem3A_169, %ne3A_170 : i32
      %lt3A_172 = arith.constant 0 : i32
      %lt3A_173 = arith.cmpi slt, %rem3A_169, %lt3A_172 : i32
      %lt3A_174 = arith.constant 0 : i32
      %lt3A_175 = arith.cmpi slt, %select_n3A_168, %lt3A_174 : i32
      %ne3A_176 = arith.xori %lt3A_173, %lt3A_175 : i1
      %and3A_177 = arith.andi %ne3A_176, %ne3A_171 : i1
      %add3A_178 = arith.addi %rem3A_169, %select_n3A_168 : i32
      %select_n3A_179 = arith.select %and3A_177, %add3A_178, %rem3A_169 : i32
      "tpu.region"() ({
        %run_scoped3A = tpu.sem_alloc : memref<!tpu.dma_semaphore, #tpu.memory_space<semaphore_mem>>
        %dma_start3A_187 = arith.constant 0 : i32
        %dma_start3A_188 = arith.constant 0 : i32
        %dma_start3A_189 = tpu.memref_slice %arg8[%select_n3A_163, %dma_start3A_187, %dma_start3A_188] : memref<2x2000x16xf32, #tpu.memory_space<vmem>> -> memref<1x2000x16xf32, #tpu.memory_space<vmem>>
        %dma_start3A_190 = tpu.memref_squeeze %dma_start3A_189 : memref<1x2000x16xf32, #tpu.memory_space<vmem>> -> memref<2000x16xf32, #tpu.memory_space<vmem>>
        %dma_start3A_191 = arith.constant 0 : i32
        %dma_start3A_192 = tpu.memref_slice %arg7[%select_n3A_179, %dma_start3A_191] : memref<2x2000xi32, #tpu.memory_space<vmem>> -> memref<1x2000xi32, #tpu.memory_space<vmem>>
        %dma_start3A_193 = tpu.memref_squeeze %dma_start3A_192 : memref<1x2000xi32, #tpu.memory_space<vmem>> -> memref<2000xi32, #tpu.memory_space<vmem>>
        %dma_start3A_194 = arith.constant 0 : i32
        %dma_start3A_195 = arith.constant 0 : i32
        %dma_start3A_196 = tpu.memref_slice %arg11[%dma_start3A_194, %dma_start3A_195] : memref<10112x16xf32, #tpu.memory_space<vmem_shared>> -> memref<10112x16xf32, #tpu.memory_space<vmem_shared>>
        tpu.enqueue_indirect_dma source(%dma_start3A_190 : memref<2000x16xf32, #tpu.memory_space<vmem>>) target(%dma_start3A_196 : memref<10112x16xf32, #tpu.memory_space<vmem_shared>>) offsets(%dma_start3A_193 : memref<2000xi32, #tpu.memory_space<vmem>>) semaphore(%run_scoped3A : memref<!tpu.dma_semaphore, #tpu.memory_space<semaphore_mem>>) {add = true}
        %dma_wait3A_197 = arith.constant 0 : i32
        %dma_wait3A_198 = arith.constant 0 : i32
        %dma_wait3A_199 = tpu.memref_slice %arg8[%select_n3A_163, %dma_wait3A_197, %dma_wait3A_198] : memref<2x2000x16xf32, #tpu.memory_space<vmem>> -> memref<1x2000x16xf32, #tpu.memory_space<vmem>>
        %dma_wait3A_200 = tpu.memref_squeeze %dma_wait3A_199 : memref<1x2000x16xf32, #tpu.memory_space<vmem>> -> memref<2000x16xf32, #tpu.memory_space<vmem>>
        %dma_wait3A_201 = arith.constant 0 : i32
        %dma_wait3A_202 = tpu.memref_slice %arg7[%select_n3A_179, %dma_wait3A_201] : memref<2x2000xi32, #tpu.memory_space<vmem>> -> memref<1x2000xi32, #tpu.memory_space<vmem>>
        %dma_wait3A_203 = tpu.memref_squeeze %dma_wait3A_202 : memref<1x2000xi32, #tpu.memory_space<vmem>> -> memref<2000xi32, #tpu.memory_space<vmem>>
        %dma_wait3A_204 = arith.constant 0 : i32
        %dma_wait3A_205 = arith.constant 0 : i32
        %dma_wait3A_206 = tpu.memref_slice %arg11[%dma_wait3A_204, %dma_wait3A_205] : memref<10112x16xf32, #tpu.memory_space<vmem_shared>> -> memref<10112x16xf32, #tpu.memory_space<vmem_shared>>
        tpu.wait_indirect_dma semaphore(%run_scoped3A : memref<!tpu.dma_semaphore, #tpu.memory_space<semaphore_mem>>) src(%dma_wait3A_200 : memref<2000x16xf32, #tpu.memory_space<vmem>>) dst(%dma_wait3A_206 : memref<10112x16xf32, #tpu.memory_space<vmem_shared>>)
        tpu.yield
      }) : () -> ()
      %add3A_180 = arith.constant 2 : i32
      %add3A_181 = arith.addi %scan3A_137, %add3A_180 : i32
      %lt3A_182 = arith.constant 5 : i32
      %lt3A_183 = arith.cmpi slt, %add3A_181, %lt3A_182 : i32
      %convert_element_type3A_184 = arith.extui %lt3A_183 : i1 to i32
      %cond3A_185 = arith.constant 0 : i32
      %cond3A_186 = arith.cmpi ne, %convert_element_type3A_184, %cond3A_185 : i32
      scf.if %cond3A_186 {
        %add3A_187 = arith.constant 2 : i32
        %add3A_188 = arith.addi %scan3A_137, %add3A_187 : i32
        %jit3A_189 = arith.constant 2 : i32
        %eq3A_190 = arith.constant 0 : i32
        %eq3A_191 = arith.cmpi eq, %jit3A_189, %eq3A_190 : i32
        %jit3A_192 = arith.constant 1 : i32
        %select_n3A_193 = arith.select %eq3A_191, %jit3A_192, %jit3A_189 : i32
        %rem3A_194 = arith.remsi %scan3A_137, %select_n3A_193 : i32
        %ne3A_195 = arith.constant 0 : i32
        %ne3A_196 = arith.cmpi ne, %rem3A_194, %ne3A_195 : i32
        %lt3A_197 = arith.constant 0 : i32
        %lt3A_198 = arith.cmpi slt, %rem3A_194, %lt3A_197 : i32
        %lt3A_199 = arith.constant 0 : i32
        %lt3A_200 = arith.cmpi slt, %select_n3A_193, %lt3A_199 : i32
        %ne3A_201 = arith.xori %lt3A_198, %lt3A_200 : i1
        %and3A_202 = arith.andi %ne3A_201, %ne3A_196 : i1
        %add3A_203 = arith.addi %rem3A_194, %select_n3A_193 : i32
        %select_n3A_204 = arith.select %and3A_202, %add3A_203, %rem3A_194 : i32
        %mul3A_205 = arith.constant 2000 : i32
        %mul3A_206 = arith.muli %add3A_188, %mul3A_205 : i32
        %add3A_207 = arith.addi %mul3A_2, %mul3A_206 : i32
        %dma_start3A_208 = arith.constant 0 : i32
        %dma_start3A_209 = arith.constant 0 : i32
        %dma_start3A_210 = tpu.memref_slice %arg6[%select_n3A_204, %dma_start3A_209] : memref<2x2000xi32, #tpu.memory_space<vmem>> -> memref<1x2000xi32, #tpu.memory_space<vmem>>
        %dma_start3A_211 = tpu.memref_squeeze %dma_start3A_210 : memref<1x2000xi32, #tpu.memory_space<vmem>> -> memref<2000xi32, #tpu.memory_space<vmem>>
        %dma_start3A_212 = arith.constant 0 : i32
        %dma_start3A_213 = tpu.memref_slice %arg3[%dma_start3A_208, %dma_start3A_212] : memref<2x320000xi32, #tpu.memory_space<hbm>> -> memref<1x320000xi32, #tpu.memory_space<hbm>>
        %dma_start3A_214 = tpu.memref_squeeze %dma_start3A_213 : memref<1x320000xi32, #tpu.memory_space<hbm>> -> memref<320000xi32, #tpu.memory_space<hbm>>
        %dma_start3A_215 = tpu.memref_slice %dma_start3A_214[%add3A_207] : memref<320000xi32, #tpu.memory_space<hbm>> -> memref<2000xi32, #tpu.memory_space<hbm>>
        %dma_start3A_216 = arith.constant 0 : i32
        %dma_start3A_217 = tpu.memref_slice %arg6[%select_n3A_204, %dma_start3A_216] : memref<2x2000xi32, #tpu.memory_space<vmem>> -> memref<1x2000xi32, #tpu.memory_space<vmem>>
        %dma_start3A_218 = tpu.memref_squeeze %dma_start3A_217 : memref<1x2000xi32, #tpu.memory_space<vmem>> -> memref<2000xi32, #tpu.memory_space<vmem>>
        %dma_start3A_219 = arith.constant 0 : i32
        %dma_start3A_220 = tpu.memref_slice %arg3[%dma_start3A_208, %dma_start3A_219] : memref<2x320000xi32, #tpu.memory_space<hbm>> -> memref<1x320000xi32, #tpu.memory_space<hbm>>
        %dma_start3A_221 = tpu.memref_squeeze %dma_start3A_220 : memref<1x320000xi32, #tpu.memory_space<hbm>> -> memref<320000xi32, #tpu.memory_space<hbm>>
        %dma_start3A_222 = tpu.memref_slice %dma_start3A_221[%add3A_207] : memref<320000xi32, #tpu.memory_space<hbm>> -> memref<2000xi32, #tpu.memory_space<hbm>>
        tpu.enqueue_dma source(%dma_start3A_222 : memref<2000xi32, #tpu.memory_space<hbm>>) target(%dma_start3A_218 : memref<2000xi32, #tpu.memory_space<vmem>>) target_semaphore(%arg9 : memref<!tpu.dma_semaphore, #tpu.memory_space<semaphore_mem>>)
        %mul3A_223 = arith.constant 2000 : i32
        %mul3A_224 = arith.muli %add3A_188, %mul3A_223 : i32
        %add3A_225 = arith.addi %mul3A_2, %mul3A_224 : i32
        %dma_start3A_226 = arith.constant 1 : i32
        %dma_start3A_227 = arith.constant 0 : i32
        %dma_start3A_228 = tpu.memref_slice %arg7[%select_n3A_204, %dma_start3A_227] : memref<2x2000xi32, #tpu.memory_space<vmem>> -> memref<1x2000xi32, #tpu.memory_space<vmem>>
        %dma_start3A_229 = tpu.memref_squeeze %dma_start3A_228 : memref<1x2000xi32, #tpu.memory_space<vmem>> -> memref<2000xi32, #tpu.memory_space<vmem>>
        %dma_start3A_230 = arith.constant 0 : i32
        %dma_start3A_231 = tpu.memref_slice %arg3[%dma_start3A_226, %dma_start3A_230] : memref<2x320000xi32, #tpu.memory_space<hbm>> -> memref<1x320000xi32, #tpu.memory_space<hbm>>
        %dma_start3A_232 = tpu.memref_squeeze %dma_start3A_231 : memref<1x320000xi32, #tpu.memory_space<hbm>> -> memref<320000xi32, #tpu.memory_space<hbm>>
        %dma_start3A_233 = tpu.memref_slice %dma_start3A_232[%add3A_225] : memref<320000xi32, #tpu.memory_space<hbm>> -> memref<2000xi32, #tpu.memory_space<hbm>>
        %dma_start3A_234 = arith.constant 0 : i32
        %dma_start3A_235 = tpu.memref_slice %arg7[%select_n3A_204, %dma_start3A_234] : memref<2x2000xi32, #tpu.memory_space<vmem>> -> memref<1x2000xi32, #tpu.memory_space<vmem>>
        %dma_start3A_236 = tpu.memref_squeeze %dma_start3A_235 : memref<1x2000xi32, #tpu.memory_space<vmem>> -> memref<2000xi32, #tpu.memory_space<vmem>>
        %dma_start3A_237 = arith.constant 0 : i32
        %dma_start3A_238 = tpu.memref_slice %arg3[%dma_start3A_226, %dma_start3A_237] : memref<2x320000xi32, #tpu.memory_space<hbm>> -> memref<1x320000xi32, #tpu.memory_space<hbm>>
        %dma_start3A_239 = tpu.memref_squeeze %dma_start3A_238 : memref<1x320000xi32, #tpu.memory_space<hbm>> -> memref<320000xi32, #tpu.memory_space<hbm>>
        %dma_start3A_240 = tpu.memref_slice %dma_start3A_239[%add3A_225] : memref<320000xi32, #tpu.memory_space<hbm>> -> memref<2000xi32, #tpu.memory_space<hbm>>
        tpu.enqueue_dma source(%dma_start3A_240 : memref<2000xi32, #tpu.memory_space<hbm>>) target(%dma_start3A_236 : memref<2000xi32, #tpu.memory_space<vmem>>) target_semaphore(%arg9 : memref<!tpu.dma_semaphore, #tpu.memory_space<semaphore_mem>>)
      } else {
      }
    }
    %scan3A_131 = arith.constant 5 : i32
    %barrier3A_132 = arith.constant 0 : index
    tpu.barrier barrier_id(%barrier3A_132)
    %mul3A_133 = arith.constant 632 : i32
    %mul3A_134 = arith.muli %arg1, %mul3A_133 : i32
    %mul3A_135 = arith.constant 632 : i32
    %mul3A_136 = arith.muli %arg1, %mul3A_135 : i32
    "tpu.region"() ({
      %run_scoped3A = tpu.sem_alloc : memref<!tpu.dma_semaphore, #tpu.memory_space<semaphore_mem>>
      %dma_start3A_137 = arith.constant 0 : i32
      %dma_start3A_138 = arith.constant 0 : i32
      %dma_start3A_139 = tpu.memref_slice %arg5[%arg0, %dma_start3A_137, %dma_start3A_138] : memref<2x10112x16xf32, #tpu.memory_space<hbm>> -> memref<1x10112x16xf32, #tpu.memory_space<hbm>>
      %dma_start3A_140 = tpu.memref_squeeze %dma_start3A_139 : memref<1x10112x16xf32, #tpu.memory_space<hbm>> -> memref<10112x16xf32, #tpu.memory_space<hbm>>
      %dma_start3A_141 = arith.constant 0 : i32
      %dma_start3A_142 = tpu.memref_slice %dma_start3A_140[%mul3A_136, %dma_start3A_141] : memref<10112x16xf32, #tpu.memory_space<hbm>> -> memref<632x16xf32, #tpu.memory_space<hbm>>
      %dma_start3A_143 = arith.constant 0 : i32
      %dma_start3A_144 = tpu.memref_slice %arg11[%mul3A_134, %dma_start3A_143] : memref<10112x16xf32, #tpu.memory_space<vmem_shared>> -> memref<632x16xf32, #tpu.memory_space<vmem_shared>>
      tpu.enqueue_dma source(%dma_start3A_144 : memref<632x16xf32, #tpu.memory_space<vmem_shared>>) target(%dma_start3A_142 : memref<632x16xf32, #tpu.memory_space<hbm>>) target_semaphore(%run_scoped3A : memref<!tpu.dma_semaphore, #tpu.memory_space<semaphore_mem>>)
      %dma_wait3A_145 = arith.constant 0 : i32
      %dma_wait3A_146 = arith.constant 0 : i32
      %dma_wait3A_147 = tpu.memref_slice %arg5[%arg0, %dma_wait3A_145, %dma_wait3A_146] : memref<2x10112x16xf32, #tpu.memory_space<hbm>> -> memref<1x10112x16xf32, #tpu.memory_space<hbm>>
      %dma_wait3A_148 = tpu.memref_squeeze %dma_wait3A_147 : memref<1x10112x16xf32, #tpu.memory_space<hbm>> -> memref<10112x16xf32, #tpu.memory_space<hbm>>
      %dma_wait3A_149 = arith.constant 0 : i32
      %dma_wait3A_150 = tpu.memref_slice %dma_wait3A_148[%mul3A_136, %dma_wait3A_149] : memref<10112x16xf32, #tpu.memory_space<hbm>> -> memref<632x16xf32, #tpu.memory_space<hbm>>
      %dma_wait3A_151 = arith.constant 0 : i32
      %dma_wait3A_152 = tpu.memref_slice %arg11[%mul3A_134, %dma_wait3A_151] : memref<10112x16xf32, #tpu.memory_space<vmem_shared>> -> memref<632x16xf32, #tpu.memory_space<vmem_shared>>
      tpu.wait_dma2 semaphore(%run_scoped3A : memref<!tpu.dma_semaphore, #tpu.memory_space<semaphore_mem>>) src(%dma_wait3A_152 : memref<632x16xf32, #tpu.memory_space<vmem_shared>>) dst(%dma_wait3A_150 : memref<632x16xf32, #tpu.memory_space<hbm>>)
      tpu.yield
    }) : () -> ()
    return
  }
}

module attributes {stable_mosaic.version = 14 : i64} {
  func.func @_tc_pre_body(%arg0: memref<2x1264x128xf32, #tpu.memory_space<vmem>>, %arg1: memref<1250x1024xf32, #tpu.memory_space<vmem>>, %arg2: memref<128x16xf32, #tpu.memory_space<vmem>>, %arg3: memref<1264x128xf32, #tpu.memory_space<vmem>>, %arg4: memref<1264x128xf32, #tpu.memory_space<vmem>>) attributes {dimension_semantics = [], scalar_prefetch = 0 : i64, scratch_operands = 0 : i64, tpu.core_type = #tpu.core_type<tc>} {
    %get3A = arith.constant 0 : index
    %get3A_0 = arith.constant 0 : index
    %get3A_1 = arith.constant 0 : index
    %get3A_2 = vector.load %arg0[%get3A, %get3A_0, %get3A_1] : memref<2x1264x128xf32, #tpu.memory_space<vmem>>, vector<1x1250x128xf32>
    %get3A_3 = vector.shape_cast %get3A_2 : vector<1x1250x128xf32> to vector<1250x128xf32>
    %get3A_4 = arith.constant 1 : index
    %get3A_5 = arith.constant 0 : index
    %get3A_6 = arith.constant 0 : index
    %get3A_7 = vector.load %arg0[%get3A_4, %get3A_5, %get3A_6] : memref<2x1264x128xf32, #tpu.memory_space<vmem>>, vector<1x1250x128xf32>
    %get3A_8 = vector.shape_cast %get3A_7 : vector<1x1250x128xf32> to vector<1250x128xf32>
    %add3A = arith.addf %get3A_3, %get3A_8 : vector<1250x128xf32>
    %add3A_9 = arith.constant 1.000000e+00 : f32
    %add3A_10 = vector.broadcast %add3A_9 : f32 to vector<1250x128xf32>
    %add3A_11 = arith.addf %add3A, %add3A_10 : vector<1250x128xf32>
    %rsqrt3A = math.rsqrt %add3A_11 : vector<1250x128xf32>
    %get3A_12 = arith.constant 0 : index
    %get3A_13 = arith.constant 0 : index
    %get3A_14 = vector.load %arg1[%get3A_12, %get3A_13] : memref<1250x1024xf32, #tpu.memory_space<vmem>>, vector<1250x1024xf32>
    %get3A_15 = arith.constant 0 : index
    %get3A_16 = arith.constant 0 : index
    %get3A_17 = vector.load %arg2[%get3A_15, %get3A_16] : memref<128x16xf32, #tpu.memory_space<vmem>>, vector<128x16xf32>
    %slice3A = vector.extract_strided_slice %get3A_14 {offsets = [0, 0], sizes = [1250, 128], strides = [1, 1]} : vector<1250x1024xf32> to vector<1250x128xf32>
    %convert_element_type3A = arith.truncf %slice3A : vector<1250x128xf32> to vector<1250x128xbf16>
    %convert_element_type3A_18 = arith.truncf %get3A_17 : vector<128x16xf32> to vector<128x16xbf16>
    %dot_general3A = arith.constant dense<0.000000e+00> : vector<1250x16xf32>
    %dot_general3A_19 = tpu.matmul %convert_element_type3A, %convert_element_type3A_18, %dot_general3A {dimension_numbers = #tpu.dot_dimension_numbers<[1], [0], [0], [1], [0, 0, 1, 1], [], []>, transpose_lhs_hint = false} : vector<1250x128xbf16>, vector<128x16xbf16>, vector<1250x16xf32> -> vector<1250x16xf32>
    %slice3A_20 = vector.extract_strided_slice %get3A_14 {offsets = [0, 128], sizes = [1250, 128], strides = [1, 1]} : vector<1250x1024xf32> to vector<1250x128xf32>
    %convert_element_type3A_21 = arith.truncf %slice3A_20 : vector<1250x128xf32> to vector<1250x128xbf16>
    %convert_element_type3A_22 = arith.truncf %get3A_17 : vector<128x16xf32> to vector<128x16xbf16>
    %dot_general3A_23 = arith.constant dense<0.000000e+00> : vector<1250x16xf32>
    %dot_general3A_24 = tpu.matmul %convert_element_type3A_21, %convert_element_type3A_22, %dot_general3A_23 {dimension_numbers = #tpu.dot_dimension_numbers<[1], [0], [0], [1], [0, 0, 1, 1], [], []>, transpose_lhs_hint = false} : vector<1250x128xbf16>, vector<128x16xbf16>, vector<1250x16xf32> -> vector<1250x16xf32>
    %slice3A_25 = vector.extract_strided_slice %get3A_14 {offsets = [0, 256], sizes = [1250, 128], strides = [1, 1]} : vector<1250x1024xf32> to vector<1250x128xf32>
    %convert_element_type3A_26 = arith.truncf %slice3A_25 : vector<1250x128xf32> to vector<1250x128xbf16>
    %convert_element_type3A_27 = arith.truncf %get3A_17 : vector<128x16xf32> to vector<128x16xbf16>
    %dot_general3A_28 = arith.constant dense<0.000000e+00> : vector<1250x16xf32>
    %dot_general3A_29 = tpu.matmul %convert_element_type3A_26, %convert_element_type3A_27, %dot_general3A_28 {dimension_numbers = #tpu.dot_dimension_numbers<[1], [0], [0], [1], [0, 0, 1, 1], [], []>, transpose_lhs_hint = false} : vector<1250x128xbf16>, vector<128x16xbf16>, vector<1250x16xf32> -> vector<1250x16xf32>
    %slice3A_30 = vector.extract_strided_slice %get3A_14 {offsets = [0, 384], sizes = [1250, 128], strides = [1, 1]} : vector<1250x1024xf32> to vector<1250x128xf32>
    %convert_element_type3A_31 = arith.truncf %slice3A_30 : vector<1250x128xf32> to vector<1250x128xbf16>
    %convert_element_type3A_32 = arith.truncf %get3A_17 : vector<128x16xf32> to vector<128x16xbf16>
    %dot_general3A_33 = arith.constant dense<0.000000e+00> : vector<1250x16xf32>
    %dot_general3A_34 = tpu.matmul %convert_element_type3A_31, %convert_element_type3A_32, %dot_general3A_33 {dimension_numbers = #tpu.dot_dimension_numbers<[1], [0], [0], [1], [0, 0, 1, 1], [], []>, transpose_lhs_hint = false} : vector<1250x128xbf16>, vector<128x16xbf16>, vector<1250x16xf32> -> vector<1250x16xf32>
    %slice3A_35 = vector.extract_strided_slice %get3A_14 {offsets = [0, 512], sizes = [1250, 128], strides = [1, 1]} : vector<1250x1024xf32> to vector<1250x128xf32>
    %convert_element_type3A_36 = arith.truncf %slice3A_35 : vector<1250x128xf32> to vector<1250x128xbf16>
    %convert_element_type3A_37 = arith.truncf %get3A_17 : vector<128x16xf32> to vector<128x16xbf16>
    %dot_general3A_38 = arith.constant dense<0.000000e+00> : vector<1250x16xf32>
    %dot_general3A_39 = tpu.matmul %convert_element_type3A_36, %convert_element_type3A_37, %dot_general3A_38 {dimension_numbers = #tpu.dot_dimension_numbers<[1], [0], [0], [1], [0, 0, 1, 1], [], []>, transpose_lhs_hint = false} : vector<1250x128xbf16>, vector<128x16xbf16>, vector<1250x16xf32> -> vector<1250x16xf32>
    %slice3A_40 = vector.extract_strided_slice %get3A_14 {offsets = [0, 640], sizes = [1250, 128], strides = [1, 1]} : vector<1250x1024xf32> to vector<1250x128xf32>
    %convert_element_type3A_41 = arith.truncf %slice3A_40 : vector<1250x128xf32> to vector<1250x128xbf16>
    %convert_element_type3A_42 = arith.truncf %get3A_17 : vector<128x16xf32> to vector<128x16xbf16>
    %dot_general3A_43 = arith.constant dense<0.000000e+00> : vector<1250x16xf32>
    %dot_general3A_44 = tpu.matmul %convert_element_type3A_41, %convert_element_type3A_42, %dot_general3A_43 {dimension_numbers = #tpu.dot_dimension_numbers<[1], [0], [0], [1], [0, 0, 1, 1], [], []>, transpose_lhs_hint = false} : vector<1250x128xbf16>, vector<128x16xbf16>, vector<1250x16xf32> -> vector<1250x16xf32>
    %slice3A_45 = vector.extract_strided_slice %get3A_14 {offsets = [0, 768], sizes = [1250, 128], strides = [1, 1]} : vector<1250x1024xf32> to vector<1250x128xf32>
    %convert_element_type3A_46 = arith.truncf %slice3A_45 : vector<1250x128xf32> to vector<1250x128xbf16>
    %convert_element_type3A_47 = arith.truncf %get3A_17 : vector<128x16xf32> to vector<128x16xbf16>
    %dot_general3A_48 = arith.constant dense<0.000000e+00> : vector<1250x16xf32>
    %dot_general3A_49 = tpu.matmul %convert_element_type3A_46, %convert_element_type3A_47, %dot_general3A_48 {dimension_numbers = #tpu.dot_dimension_numbers<[1], [0], [0], [1], [0, 0, 1, 1], [], []>, transpose_lhs_hint = false} : vector<1250x128xbf16>, vector<128x16xbf16>, vector<1250x16xf32> -> vector<1250x16xf32>
    %slice3A_50 = vector.extract_strided_slice %get3A_14 {offsets = [0, 896], sizes = [1250, 128], strides = [1, 1]} : vector<1250x1024xf32> to vector<1250x128xf32>
    %convert_element_type3A_51 = arith.truncf %slice3A_50 : vector<1250x128xf32> to vector<1250x128xbf16>
    %convert_element_type3A_52 = arith.truncf %get3A_17 : vector<128x16xf32> to vector<128x16xbf16>
    %dot_general3A_53 = arith.constant dense<0.000000e+00> : vector<1250x16xf32>
    %dot_general3A_54 = tpu.matmul %convert_element_type3A_51, %convert_element_type3A_52, %dot_general3A_53 {dimension_numbers = #tpu.dot_dimension_numbers<[1], [0], [0], [1], [0, 0, 1, 1], [], []>, transpose_lhs_hint = false} : vector<1250x128xbf16>, vector<128x16xbf16>, vector<1250x16xf32> -> vector<1250x16xf32>
    %concatenate3A = tpu.concatenate %dot_general3A_19, %dot_general3A_24, %dot_general3A_29, %dot_general3A_34, %dot_general3A_39, %dot_general3A_44, %dot_general3A_49, %dot_general3A_54 in 1 : vector<1250x16xf32>, vector<1250x16xf32>, vector<1250x16xf32>, vector<1250x16xf32>, vector<1250x16xf32>, vector<1250x16xf32>, vector<1250x16xf32>, vector<1250x16xf32> -> vector<1250x128xf32>
    %swap3A = arith.constant 0 : index
    %swap3A_55 = arith.constant 0 : index
    %swap3A_56 = vector.load %arg3[%swap3A, %swap3A_55] : memref<1264x128xf32, #tpu.memory_space<vmem>>, vector<1250x128xf32>
    tpu.vector_store %arg3[%swap3A, %swap3A_55], %rsqrt3A {strides = array<i32>} : memref<1264x128xf32, #tpu.memory_space<vmem>>, vector<1250x128xf32>,
    %mul3A = arith.mulf %concatenate3A, %rsqrt3A : vector<1250x128xf32>
    %swap3A_57 = arith.constant 0 : index
    %swap3A_58 = arith.constant 0 : index
    %swap3A_59 = vector.load %arg4[%swap3A_57, %swap3A_58] : memref<1264x128xf32, #tpu.memory_space<vmem>>, vector<1250x128xf32>
    tpu.vector_store %arg4[%swap3A_57, %swap3A_58], %mul3A {strides = array<i32>} : memref<1264x128xf32, #tpu.memory_space<vmem>>, vector<1250x128xf32>,
    return
  }
}

module attributes {stable_mosaic.version = 14 : i64} {
  func.func @_tc_mid_body(%arg0: memref<2x1264x128xf32, #tpu.memory_space<vmem>>, %arg1: memref<1264x128xf32, #tpu.memory_space<vmem>>, %arg2: memref<1264x128xf32, #tpu.memory_space<vmem>>, %arg3: memref<16xf32, #tpu.memory_space<vmem>>, %arg4: memref<16xf32, #tpu.memory_space<vmem>>, %arg5: memref<16xf32, #tpu.memory_space<vmem>>, %arg6: memref<16x16xf32, #tpu.memory_space<vmem>>, %arg7: memref<1264x128xf32, #tpu.memory_space<vmem>>) attributes {dimension_semantics = [], scalar_prefetch = 0 : i64, scratch_operands = 0 : i64, tpu.core_type = #tpu.core_type<tc>} {
    %get3A = arith.constant 0 : index
    %get3A_0 = arith.constant 0 : index
    %get3A_1 = vector.load %arg2[%get3A, %get3A_0] : memref<1264x128xf32, #tpu.memory_space<vmem>>, vector<1250x128xf32>
    %get3A_2 = arith.constant 0 : index
    %get3A_3 = arith.constant 0 : index
    %get3A_4 = arith.constant 0 : index
    %get3A_5 = vector.load %arg0[%get3A_2, %get3A_3, %get3A_4] : memref<2x1264x128xf32, #tpu.memory_space<vmem>>, vector<1x1250x128xf32>
    %get3A_6 = vector.shape_cast %get3A_5 : vector<1x1250x128xf32> to vector<1250x128xf32>
    %get3A_7 = arith.constant 1 : index
    %get3A_8 = arith.constant 0 : index
    %get3A_9 = arith.constant 0 : index
    %get3A_10 = vector.load %arg0[%get3A_7, %get3A_8, %get3A_9] : memref<2x1264x128xf32, #tpu.memory_space<vmem>>, vector<1x1250x128xf32>
    %get3A_11 = vector.shape_cast %get3A_10 : vector<1x1250x128xf32> to vector<1250x128xf32>
    %add3A = arith.addf %get3A_6, %get3A_11 : vector<1250x128xf32>
    %get3A_12 = arith.constant 0 : index
    %get3A_13 = arith.constant 0 : index
    %get3A_14 = vector.load %arg1[%get3A_12, %get3A_13] : memref<1264x128xf32, #tpu.memory_space<vmem>>, vector<1250x128xf32>
    %add3A_15 = arith.addf %add3A, %get3A_14 : vector<1250x128xf32>
    %mul3A = arith.mulf %add3A_15, %get3A_1 : vector<1250x128xf32>
    %get3A_16 = arith.constant 0 : index
    %get3A_17 = vector.load %arg3[%get3A_16] : memref<16xf32, #tpu.memory_space<vmem>>, vector<16xf32>
    %broadcast_in_dim3A = vector.shape_cast %get3A_17 : vector<16xf32> to vector<1x16xf32>
    %concatenate3A = tpu.concatenate %broadcast_in_dim3A, %broadcast_in_dim3A, %broadcast_in_dim3A, %broadcast_in_dim3A, %broadcast_in_dim3A, %broadcast_in_dim3A, %broadcast_in_dim3A, %broadcast_in_dim3A in 1 : vector<1x16xf32>, vector<1x16xf32>, vector<1x16xf32>, vector<1x16xf32>, vector<1x16xf32>, vector<1x16xf32>, vector<1x16xf32>, vector<1x16xf32> -> vector<1x128xf32>
    %add3A_18 = vector.broadcast %concatenate3A : vector<1x128xf32> to vector<1250x128xf32>
    %add3A_19 = arith.addf %mul3A, %add3A_18 : vector<1250x128xf32>
    %get3A_20 = arith.constant 0 : index
    %get3A_21 = vector.load %arg4[%get3A_20] : memref<16xf32, #tpu.memory_space<vmem>>, vector<16xf32>
    %broadcast_in_dim3A_22 = vector.shape_cast %get3A_21 : vector<16xf32> to vector<1x16xf32>
    %concatenate3A_23 = tpu.concatenate %broadcast_in_dim3A_22, %broadcast_in_dim3A_22, %broadcast_in_dim3A_22, %broadcast_in_dim3A_22, %broadcast_in_dim3A_22, %broadcast_in_dim3A_22, %broadcast_in_dim3A_22, %broadcast_in_dim3A_22 in 1 : vector<1x16xf32>, vector<1x16xf32>, vector<1x16xf32>, vector<1x16xf32>, vector<1x16xf32>, vector<1x16xf32>, vector<1x16xf32>, vector<1x16xf32> -> vector<1x128xf32>
    %get3A_24 = arith.constant 0 : index
    %get3A_25 = vector.load %arg5[%get3A_24] : memref<16xf32, #tpu.memory_space<vmem>>, vector<16xf32>
    %broadcast_in_dim3A_26 = vector.shape_cast %get3A_25 : vector<16xf32> to vector<1x16xf32>
    %concatenate3A_27 = tpu.concatenate %broadcast_in_dim3A_26, %broadcast_in_dim3A_26, %broadcast_in_dim3A_26, %broadcast_in_dim3A_26, %broadcast_in_dim3A_26, %broadcast_in_dim3A_26, %broadcast_in_dim3A_26, %broadcast_in_dim3A_26 in 1 : vector<1x16xf32>, vector<1x16xf32>, vector<1x16xf32>, vector<1x16xf32>, vector<1x16xf32>, vector<1x16xf32>, vector<1x16xf32>, vector<1x16xf32> -> vector<1x128xf32>
    %broadcast_in_dim3A_28 = arith.constant 1.000000e+00 : f32
    %broadcast_in_dim3A_29 = vector.broadcast %broadcast_in_dim3A_28 : f32 to vector<1x1250xf32>
    %dot_general3A = arith.constant dense<0.000000e+00> : vector<1x128xf32>
    %dot_general3A_30 = tpu.matmul %broadcast_in_dim3A_29, %add3A_19, %dot_general3A {dimension_numbers = #tpu.dot_dimension_numbers<[1], [0], [0], [1], [0, 0, 1, 1], [], []>, transpose_lhs_hint = false} : vector<1x1250xf32>, vector<1250x128xf32>, vector<1x128xf32> -> vector<1x128xf32>
    %slice3A = vector.extract_strided_slice %dot_general3A_30 {offsets = [0, 0], sizes = [1, 16], strides = [1, 1]} : vector<1x128xf32> to vector<1x16xf32>
    %slice3A_31 = vector.extract_strided_slice %dot_general3A_30 {offsets = [0, 16], sizes = [1, 16], strides = [1, 1]} : vector<1x128xf32> to vector<1x16xf32>
    %add3A_32 = arith.addf %slice3A, %slice3A_31 : vector<1x16xf32>
    %slice3A_33 = vector.extract_strided_slice %dot_general3A_30 {offsets = [0, 32], sizes = [1, 16], strides = [1, 1]} : vector<1x128xf32> to vector<1x16xf32>
    %add3A_34 = arith.addf %add3A_32, %slice3A_33 : vector<1x16xf32>
    %slice3A_35 = vector.extract_strided_slice %dot_general3A_30 {offsets = [0, 48], sizes = [1, 16], strides = [1, 1]} : vector<1x128xf32> to vector<1x16xf32>
    %add3A_36 = arith.addf %add3A_34, %slice3A_35 : vector<1x16xf32>
    %slice3A_37 = vector.extract_strided_slice %dot_general3A_30 {offsets = [0, 64], sizes = [1, 16], strides = [1, 1]} : vector<1x128xf32> to vector<1x16xf32>
    %add3A_38 = arith.addf %add3A_36, %slice3A_37 : vector<1x16xf32>
    %slice3A_39 = vector.extract_strided_slice %dot_general3A_30 {offsets = [0, 80], sizes = [1, 16], strides = [1, 1]} : vector<1x128xf32> to vector<1x16xf32>
    %add3A_40 = arith.addf %add3A_38, %slice3A_39 : vector<1x16xf32>
    %slice3A_41 = vector.extract_strided_slice %dot_general3A_30 {offsets = [0, 96], sizes = [1, 16], strides = [1, 1]} : vector<1x128xf32> to vector<1x16xf32>
    %add3A_42 = arith.addf %add3A_40, %slice3A_41 : vector<1x16xf32>
    %slice3A_43 = vector.extract_strided_slice %dot_general3A_30 {offsets = [0, 112], sizes = [1, 16], strides = [1, 1]} : vector<1x128xf32> to vector<1x16xf32>
    %add3A_44 = arith.addf %add3A_42, %slice3A_43 : vector<1x16xf32>
    %squeeze3A = vector.shape_cast %add3A_44 : vector<1x16xf32> to vector<16xf32>
    %broadcast_in_dim3A_45 = vector.shape_cast %squeeze3A : vector<16xf32> to vector<1x16xf32>
    %concatenate3A_46 = tpu.concatenate %broadcast_in_dim3A_45, %broadcast_in_dim3A_45, %broadcast_in_dim3A_45, %broadcast_in_dim3A_45, %broadcast_in_dim3A_45, %broadcast_in_dim3A_45, %broadcast_in_dim3A_45, %broadcast_in_dim3A_45 in 1 : vector<1x16xf32>, vector<1x16xf32>, vector<1x16xf32>, vector<1x16xf32>, vector<1x16xf32>, vector<1x16xf32>, vector<1x16xf32>, vector<1x16xf32> -> vector<1x128xf32>
    %mul3A_47 = arith.constant 9.99999974E-5 : f32
    %mul3A_48 = vector.broadcast %mul3A_47 : f32 to vector<1x128xf32>
    %mul3A_49 = arith.mulf %concatenate3A_46, %mul3A_48 : vector<1x128xf32>
    %sub3A = vector.broadcast %mul3A_49 : vector<1x128xf32> to vector<1250x128xf32>
    %sub3A_50 = arith.subf %add3A_19, %sub3A : vector<1250x128xf32>
    %mul3A_51 = arith.mulf %sub3A_50, %sub3A_50 : vector<1250x128xf32>
    %broadcast_in_dim3A_52 = arith.constant 1.000000e+00 : f32
    %broadcast_in_dim3A_53 = vector.broadcast %broadcast_in_dim3A_52 : f32 to vector<1x1250xf32>
    %dot_general3A_54 = arith.constant dense<0.000000e+00> : vector<1x128xf32>
    %dot_general3A_55 = tpu.matmul %broadcast_in_dim3A_53, %mul3A_51, %dot_general3A_54 {dimension_numbers = #tpu.dot_dimension_numbers<[1], [0], [0], [1], [0, 0, 1, 1], [], []>, transpose_lhs_hint = false} : vector<1x1250xf32>, vector<1250x128xf32>, vector<1x128xf32> -> vector<1x128xf32>
    %slice3A_56 = vector.extract_strided_slice %dot_general3A_55 {offsets = [0, 0], sizes = [1, 16], strides = [1, 1]} : vector<1x128xf32> to vector<1x16xf32>
    %slice3A_57 = vector.extract_strided_slice %dot_general3A_55 {offsets = [0, 16], sizes = [1, 16], strides = [1, 1]} : vector<1x128xf32> to vector<1x16xf32>
    %add3A_58 = arith.addf %slice3A_56, %slice3A_57 : vector<1x16xf32>
    %slice3A_59 = vector.extract_strided_slice %dot_general3A_55 {offsets = [0, 32], sizes = [1, 16], strides = [1, 1]} : vector<1x128xf32> to vector<1x16xf32>
    %add3A_60 = arith.addf %add3A_58, %slice3A_59 : vector<1x16xf32>
    %slice3A_61 = vector.extract_strided_slice %dot_general3A_55 {offsets = [0, 48], sizes = [1, 16], strides = [1, 1]} : vector<1x128xf32> to vector<1x16xf32>
    %add3A_62 = arith.addf %add3A_60, %slice3A_61 : vector<1x16xf32>
    %slice3A_63 = vector.extract_strided_slice %dot_general3A_55 {offsets = [0, 64], sizes = [1, 16], strides = [1, 1]} : vector<1x128xf32> to vector<1x16xf32>
    %add3A_64 = arith.addf %add3A_62, %slice3A_63 : vector<1x16xf32>
    %slice3A_65 = vector.extract_strided_slice %dot_general3A_55 {offsets = [0, 80], sizes = [1, 16], strides = [1, 1]} : vector<1x128xf32> to vector<1x16xf32>
    %add3A_66 = arith.addf %add3A_64, %slice3A_65 : vector<1x16xf32>
    %slice3A_67 = vector.extract_strided_slice %dot_general3A_55 {offsets = [0, 96], sizes = [1, 16], strides = [1, 1]} : vector<1x128xf32> to vector<1x16xf32>
    %add3A_68 = arith.addf %add3A_66, %slice3A_67 : vector<1x16xf32>
    %slice3A_69 = vector.extract_strided_slice %dot_general3A_55 {offsets = [0, 112], sizes = [1, 16], strides = [1, 1]} : vector<1x128xf32> to vector<1x16xf32>
    %add3A_70 = arith.addf %add3A_68, %slice3A_69 : vector<1x16xf32>
    %squeeze3A_71 = vector.shape_cast %add3A_70 : vector<1x16xf32> to vector<16xf32>
    %broadcast_in_dim3A_72 = vector.shape_cast %squeeze3A_71 : vector<16xf32> to vector<1x16xf32>
    %concatenate3A_73 = tpu.concatenate %broadcast_in_dim3A_72, %broadcast_in_dim3A_72, %broadcast_in_dim3A_72, %broadcast_in_dim3A_72, %broadcast_in_dim3A_72, %broadcast_in_dim3A_72, %broadcast_in_dim3A_72, %broadcast_in_dim3A_72 in 1 : vector<1x16xf32>, vector<1x16xf32>, vector<1x16xf32>, vector<1x16xf32>, vector<1x16xf32>, vector<1x16xf32>, vector<1x16xf32>, vector<1x16xf32> -> vector<1x128xf32>
    %mul3A_74 = arith.constant 9.99999974E-5 : f32
    %mul3A_75 = vector.broadcast %mul3A_74 : f32 to vector<1x128xf32>
    %mul3A_76 = arith.mulf %concatenate3A_73, %mul3A_75 : vector<1x128xf32>
    %add3A_77 = arith.constant 9.99999974E-6 : f32
    %add3A_78 = vector.broadcast %add3A_77 : f32 to vector<1x128xf32>
    %add3A_79 = arith.addf %mul3A_76, %add3A_78 : vector<1x128xf32>
    %sqrt3A = math.sqrt %add3A_79 : vector<1x128xf32>
    %div3A = vector.broadcast %sqrt3A : vector<1x128xf32> to vector<1250x128xf32>
    %div3A_80 = arith.divf %sub3A_50, %div3A : vector<1250x128xf32>
    %mul3A_81 = vector.broadcast %concatenate3A_23 : vector<1x128xf32> to vector<1250x128xf32>
    %mul3A_82 = arith.mulf %div3A_80, %mul3A_81 : vector<1250x128xf32>
    %add3A_83 = vector.broadcast %concatenate3A_27 : vector<1x128xf32> to vector<1250x128xf32>
    %add3A_84 = arith.addf %mul3A_82, %add3A_83 : vector<1250x128xf32>
    %integer_pow3A = arith.mulf %add3A_84, %add3A_84 : vector<1250x128xf32>
    %integer_pow3A_85 = arith.mulf %add3A_84, %integer_pow3A : vector<1250x128xf32>
    %mul3A_86 = arith.constant 4.471500e-02 : f32
    %mul3A_87 = vector.broadcast %mul3A_86 : f32 to vector<1250x128xf32>
    %mul3A_88 = arith.mulf %mul3A_87, %integer_pow3A_85 : vector<1250x128xf32>
    %add3A_89 = arith.addf %add3A_84, %mul3A_88 : vector<1250x128xf32>
    %mul3A_90 = arith.constant 0.797884583 : f32
    %mul3A_91 = vector.broadcast %mul3A_90 : f32 to vector<1250x128xf32>
    %mul3A_92 = arith.mulf %mul3A_91, %add3A_89 : vector<1250x128xf32>
    %tanh3A = math.tanh %mul3A_92 : vector<1250x128xf32>
    %add3A_93 = arith.constant 1.000000e+00 : f32
    %add3A_94 = vector.broadcast %add3A_93 : f32 to vector<1250x128xf32>
    %add3A_95 = arith.addf %add3A_94, %tanh3A : vector<1250x128xf32>
    %mul3A_96 = arith.constant 5.000000e-01 : f32
    %mul3A_97 = vector.broadcast %mul3A_96 : f32 to vector<1250x128xf32>
    %mul3A_98 = arith.mulf %mul3A_97, %add3A_95 : vector<1250x128xf32>
    %mul3A_99 = arith.mulf %add3A_84, %mul3A_98 : vector<1250x128xf32>
    %get3A_100 = arith.constant 0 : index
    %get3A_101 = arith.constant 0 : index
    %get3A_102 = vector.load %arg6[%get3A_100, %get3A_101] : memref<16x16xf32, #tpu.memory_space<vmem>>, vector<16x16xf32>
    %slice3A_103 = vector.extract_strided_slice %mul3A_99 {offsets = [0, 0], sizes = [1250, 16], strides = [1, 1]} : vector<1250x128xf32> to vector<1250x16xf32>
    %convert_element_type3A = arith.truncf %slice3A_103 : vector<1250x16xf32> to vector<1250x16xbf16>
    %convert_element_type3A_104 = arith.truncf %get3A_102 : vector<16x16xf32> to vector<16x16xbf16>
    %dot_general3A_105 = arith.constant dense<0.000000e+00> : vector<1250x16xf32>
    %dot_general3A_106 = tpu.matmul %convert_element_type3A, %convert_element_type3A_104, %dot_general3A_105 {dimension_numbers = #tpu.dot_dimension_numbers<[1], [0], [0], [1], [0, 0, 1, 1], [], []>, transpose_lhs_hint = false} : vector<1250x16xbf16>, vector<16x16xbf16>, vector<1250x16xf32> -> vector<1250x16xf32>
    %slice3A_107 = vector.extract_strided_slice %mul3A_99 {offsets = [0, 16], sizes = [1250, 16], strides = [1, 1]} : vector<1250x128xf32> to vector<1250x16xf32>
    %convert_element_type3A_108 = arith.truncf %slice3A_107 : vector<1250x16xf32> to vector<1250x16xbf16>
    %convert_element_type3A_109 = arith.truncf %get3A_102 : vector<16x16xf32> to vector<16x16xbf16>
    %dot_general3A_110 = arith.constant dense<0.000000e+00> : vector<1250x16xf32>
    %dot_general3A_111 = tpu.matmul %convert_element_type3A_108, %convert_element_type3A_109, %dot_general3A_110 {dimension_numbers = #tpu.dot_dimension_numbers<[1], [0], [0], [1], [0, 0, 1, 1], [], []>, transpose_lhs_hint = false} : vector<1250x16xbf16>, vector<16x16xbf16>, vector<1250x16xf32> -> vector<1250x16xf32>
    %slice3A_112 = vector.extract_strided_slice %mul3A_99 {offsets = [0, 32], sizes = [1250, 16], strides = [1, 1]} : vector<1250x128xf32> to vector<1250x16xf32>
    %convert_element_type3A_113 = arith.truncf %slice3A_112 : vector<1250x16xf32> to vector<1250x16xbf16>
    %convert_element_type3A_114 = arith.truncf %get3A_102 : vector<16x16xf32> to vector<16x16xbf16>
    %dot_general3A_115 = arith.constant dense<0.000000e+00> : vector<1250x16xf32>
    %dot_general3A_116 = tpu.matmul %convert_element_type3A_113, %convert_element_type3A_114, %dot_general3A_115 {dimension_numbers = #tpu.dot_dimension_numbers<[1], [0], [0], [1], [0, 0, 1, 1], [], []>, transpose_lhs_hint = false} : vector<1250x16xbf16>, vector<16x16xbf16>, vector<1250x16xf32> -> vector<1250x16xf32>
    %slice3A_117 = vector.extract_strided_slice %mul3A_99 {offsets = [0, 48], sizes = [1250, 16], strides = [1, 1]} : vector<1250x128xf32> to vector<1250x16xf32>
    %convert_element_type3A_118 = arith.truncf %slice3A_117 : vector<1250x16xf32> to vector<1250x16xbf16>
    %convert_element_type3A_119 = arith.truncf %get3A_102 : vector<16x16xf32> to vector<16x16xbf16>
    %dot_general3A_120 = arith.constant dense<0.000000e+00> : vector<1250x16xf32>
    %dot_general3A_121 = tpu.matmul %convert_element_type3A_118, %convert_element_type3A_119, %dot_general3A_120 {dimension_numbers = #tpu.dot_dimension_numbers<[1], [0], [0], [1], [0, 0, 1, 1], [], []>, transpose_lhs_hint = false} : vector<1250x16xbf16>, vector<16x16xbf16>, vector<1250x16xf32> -> vector<1250x16xf32>
    %slice3A_122 = vector.extract_strided_slice %mul3A_99 {offsets = [0, 64], sizes = [1250, 16], strides = [1, 1]} : vector<1250x128xf32> to vector<1250x16xf32>
    %convert_element_type3A_123 = arith.truncf %slice3A_122 : vector<1250x16xf32> to vector<1250x16xbf16>
    %convert_element_type3A_124 = arith.truncf %get3A_102 : vector<16x16xf32> to vector<16x16xbf16>
    %dot_general3A_125 = arith.constant dense<0.000000e+00> : vector<1250x16xf32>
    %dot_general3A_126 = tpu.matmul %convert_element_type3A_123, %convert_element_type3A_124, %dot_general3A_125 {dimension_numbers = #tpu.dot_dimension_numbers<[1], [0], [0], [1], [0, 0, 1, 1], [], []>, transpose_lhs_hint = false} : vector<1250x16xbf16>, vector<16x16xbf16>, vector<1250x16xf32> -> vector<1250x16xf32>
    %slice3A_127 = vector.extract_strided_slice %mul3A_99 {offsets = [0, 80], sizes = [1250, 16], strides = [1, 1]} : vector<1250x128xf32> to vector<1250x16xf32>
    %convert_element_type3A_128 = arith.truncf %slice3A_127 : vector<1250x16xf32> to vector<1250x16xbf16>
    %convert_element_type3A_129 = arith.truncf %get3A_102 : vector<16x16xf32> to vector<16x16xbf16>
    %dot_general3A_130 = arith.constant dense<0.000000e+00> : vector<1250x16xf32>
    %dot_general3A_131 = tpu.matmul %convert_element_type3A_128, %convert_element_type3A_129, %dot_general3A_130 {dimension_numbers = #tpu.dot_dimension_numbers<[1], [0], [0], [1], [0, 0, 1, 1], [], []>, transpose_lhs_hint = false} : vector<1250x16xbf16>, vector<16x16xbf16>, vector<1250x16xf32> -> vector<1250x16xf32>
    %slice3A_132 = vector.extract_strided_slice %mul3A_99 {offsets = [0, 96], sizes = [1250, 16], strides = [1, 1]} : vector<1250x128xf32> to vector<1250x16xf32>
    %convert_element_type3A_133 = arith.truncf %slice3A_132 : vector<1250x16xf32> to vector<1250x16xbf16>
    %convert_element_type3A_134 = arith.truncf %get3A_102 : vector<16x16xf32> to vector<16x16xbf16>
    %dot_general3A_135 = arith.constant dense<0.000000e+00> : vector<1250x16xf32>
    %dot_general3A_136 = tpu.matmul %convert_element_type3A_133, %convert_element_type3A_134, %dot_general3A_135 {dimension_numbers = #tpu.dot_dimension_numbers<[1], [0], [0], [1], [0, 0, 1, 1], [], []>, transpose_lhs_hint = false} : vector<1250x16xbf16>, vector<16x16xbf16>, vector<1250x16xf32> -> vector<1250x16xf32>
    %slice3A_137 = vector.extract_strided_slice %mul3A_99 {offsets = [0, 112], sizes = [1250, 16], strides = [1, 1]} : vector<1250x128xf32> to vector<1250x16xf32>
    %convert_element_type3A_138 = arith.truncf %slice3A_137 : vector<1250x16xf32> to vector<1250x16xbf16>
    %convert_element_type3A_139 = arith.truncf %get3A_102 : vector<16x16xf32> to vector<16x16xbf16>
    %dot_general3A_140 = arith.constant dense<0.000000e+00> : vector<1250x16xf32>
    %dot_general3A_141 = tpu.matmul %convert_element_type3A_138, %convert_element_type3A_139, %dot_general3A_140 {dimension_numbers = #tpu.dot_dimension_numbers<[1], [0], [0], [1], [0, 0, 1, 1], [], []>, transpose_lhs_hint = false} : vector<1250x16xbf16>, vector<16x16xbf16>, vector<1250x16xf32> -> vector<1250x16xf32>
    %concatenate3A_142 = tpu.concatenate %dot_general3A_106, %dot_general3A_111, %dot_general3A_116, %dot_general3A_121, %dot_general3A_126, %dot_general3A_131, %dot_general3A_136, %dot_general3A_141 in 1 : vector<1250x16xf32>, vector<1250x16xf32>, vector<1250x16xf32>, vector<1250x16xf32>, vector<1250x16xf32>, vector<1250x16xf32>, vector<1250x16xf32>, vector<1250x16xf32> -> vector<1250x128xf32>
    %mul3A_143 = arith.mulf %concatenate3A_142, %get3A_1 : vector<1250x128xf32>
    %swap3A = arith.constant 0 : index
    %swap3A_144 = arith.constant 0 : index
    %swap3A_145 = vector.load %arg7[%swap3A, %swap3A_144] : memref<1264x128xf32, #tpu.memory_space<vmem>>, vector<1250x128xf32>
    tpu.vector_store %arg7[%swap3A, %swap3A_144], %mul3A_143 {strides = array<i32>} : memref<1264x128xf32, #tpu.memory_space<vmem>>, vector<1250x128xf32>,
    return
  }
}

module attributes {stable_mosaic.version = 14 : i64} {
  func.func @_tc_mid2_body(%arg0: memref<2x1264x128xf32, #tpu.memory_space<vmem>>, %arg1: memref<1264x128xf32, #tpu.memory_space<vmem>>, %arg2: memref<1264x128xf32, #tpu.memory_space<vmem>>, %arg3: memref<16xf32, #tpu.memory_space<vmem>>, %arg4: memref<16xf32, #tpu.memory_space<vmem>>, %arg5: memref<16xf32, #tpu.memory_space<vmem>>, %arg6: memref<1264x128xf32, #tpu.memory_space<vmem>>) attributes {dimension_semantics = [], scalar_prefetch = 0 : i64, scratch_operands = 0 : i64, tpu.core_type = #tpu.core_type<tc>} {
    %get3A = arith.constant 0 : index
    %get3A_0 = arith.constant 0 : index
    %get3A_1 = vector.load %arg2[%get3A, %get3A_0] : memref<1264x128xf32, #tpu.memory_space<vmem>>, vector<1250x128xf32>
    %get3A_2 = arith.constant 0 : index
    %get3A_3 = arith.constant 0 : index
    %get3A_4 = arith.constant 0 : index
    %get3A_5 = vector.load %arg0[%get3A_2, %get3A_3, %get3A_4] : memref<2x1264x128xf32, #tpu.memory_space<vmem>>, vector<1x1250x128xf32>
    %get3A_6 = vector.shape_cast %get3A_5 : vector<1x1250x128xf32> to vector<1250x128xf32>
    %get3A_7 = arith.constant 1 : index
    %get3A_8 = arith.constant 0 : index
    %get3A_9 = arith.constant 0 : index
    %get3A_10 = vector.load %arg0[%get3A_7, %get3A_8, %get3A_9] : memref<2x1264x128xf32, #tpu.memory_space<vmem>>, vector<1x1250x128xf32>
    %get3A_11 = vector.shape_cast %get3A_10 : vector<1x1250x128xf32> to vector<1250x128xf32>
    %add3A = arith.addf %get3A_6, %get3A_11 : vector<1250x128xf32>
    %get3A_12 = arith.constant 0 : index
    %get3A_13 = arith.constant 0 : index
    %get3A_14 = vector.load %arg1[%get3A_12, %get3A_13] : memref<1264x128xf32, #tpu.memory_space<vmem>>, vector<1250x128xf32>
    %add3A_15 = arith.addf %add3A, %get3A_14 : vector<1250x128xf32>
    %mul3A = arith.mulf %add3A_15, %get3A_1 : vector<1250x128xf32>
    %get3A_16 = arith.constant 0 : index
    %get3A_17 = vector.load %arg3[%get3A_16] : memref<16xf32, #tpu.memory_space<vmem>>, vector<16xf32>
    %broadcast_in_dim3A = vector.shape_cast %get3A_17 : vector<16xf32> to vector<1x16xf32>
    %concatenate3A = tpu.concatenate %broadcast_in_dim3A, %broadcast_in_dim3A, %broadcast_in_dim3A, %broadcast_in_dim3A, %broadcast_in_dim3A, %broadcast_in_dim3A, %broadcast_in_dim3A, %broadcast_in_dim3A in 1 : vector<1x16xf32>, vector<1x16xf32>, vector<1x16xf32>, vector<1x16xf32>, vector<1x16xf32>, vector<1x16xf32>, vector<1x16xf32>, vector<1x16xf32> -> vector<1x128xf32>
    %add3A_18 = vector.broadcast %concatenate3A : vector<1x128xf32> to vector<1250x128xf32>
    %add3A_19 = arith.addf %mul3A, %add3A_18 : vector<1250x128xf32>
    %get3A_20 = arith.constant 0 : index
    %get3A_21 = vector.load %arg4[%get3A_20] : memref<16xf32, #tpu.memory_space<vmem>>, vector<16xf32>
    %broadcast_in_dim3A_22 = vector.shape_cast %get3A_21 : vector<16xf32> to vector<1x16xf32>
    %concatenate3A_23 = tpu.concatenate %broadcast_in_dim3A_22, %broadcast_in_dim3A_22, %broadcast_in_dim3A_22, %broadcast_in_dim3A_22, %broadcast_in_dim3A_22, %broadcast_in_dim3A_22, %broadcast_in_dim3A_22, %broadcast_in_dim3A_22 in 1 : vector<1x16xf32>, vector<1x16xf32>, vector<1x16xf32>, vector<1x16xf32>, vector<1x16xf32>, vector<1x16xf32>, vector<1x16xf32>, vector<1x16xf32> -> vector<1x128xf32>
    %get3A_24 = arith.constant 0 : index
    %get3A_25 = vector.load %arg5[%get3A_24] : memref<16xf32, #tpu.memory_space<vmem>>, vector<16xf32>
    %broadcast_in_dim3A_26 = vector.shape_cast %get3A_25 : vector<16xf32> to vector<1x16xf32>
    %concatenate3A_27 = tpu.concatenate %broadcast_in_dim3A_26, %broadcast_in_dim3A_26, %broadcast_in_dim3A_26, %broadcast_in_dim3A_26, %broadcast_in_dim3A_26, %broadcast_in_dim3A_26, %broadcast_in_dim3A_26, %broadcast_in_dim3A_26 in 1 : vector<1x16xf32>, vector<1x16xf32>, vector<1x16xf32>, vector<1x16xf32>, vector<1x16xf32>, vector<1x16xf32>, vector<1x16xf32>, vector<1x16xf32> -> vector<1x128xf32>
    %broadcast_in_dim3A_28 = arith.constant 1.000000e+00 : f32
    %broadcast_in_dim3A_29 = vector.broadcast %broadcast_in_dim3A_28 : f32 to vector<1x1250xf32>
    %dot_general3A = arith.constant dense<0.000000e+00> : vector<1x128xf32>
    %dot_general3A_30 = tpu.matmul %broadcast_in_dim3A_29, %add3A_19, %dot_general3A {dimension_numbers = #tpu.dot_dimension_numbers<[1], [0], [0], [1], [0, 0, 1, 1], [], []>, transpose_lhs_hint = false} : vector<1x1250xf32>, vector<1250x128xf32>, vector<1x128xf32> -> vector<1x128xf32>
    %slice3A = vector.extract_strided_slice %dot_general3A_30 {offsets = [0, 0], sizes = [1, 16], strides = [1, 1]} : vector<1x128xf32> to vector<1x16xf32>
    %slice3A_31 = vector.extract_strided_slice %dot_general3A_30 {offsets = [0, 16], sizes = [1, 16], strides = [1, 1]} : vector<1x128xf32> to vector<1x16xf32>
    %add3A_32 = arith.addf %slice3A, %slice3A_31 : vector<1x16xf32>
    %slice3A_33 = vector.extract_strided_slice %dot_general3A_30 {offsets = [0, 32], sizes = [1, 16], strides = [1, 1]} : vector<1x128xf32> to vector<1x16xf32>
    %add3A_34 = arith.addf %add3A_32, %slice3A_33 : vector<1x16xf32>
    %slice3A_35 = vector.extract_strided_slice %dot_general3A_30 {offsets = [0, 48], sizes = [1, 16], strides = [1, 1]} : vector<1x128xf32> to vector<1x16xf32>
    %add3A_36 = arith.addf %add3A_34, %slice3A_35 : vector<1x16xf32>
    %slice3A_37 = vector.extract_strided_slice %dot_general3A_30 {offsets = [0, 64], sizes = [1, 16], strides = [1, 1]} : vector<1x128xf32> to vector<1x16xf32>
    %add3A_38 = arith.addf %add3A_36, %slice3A_37 : vector<1x16xf32>
    %slice3A_39 = vector.extract_strided_slice %dot_general3A_30 {offsets = [0, 80], sizes = [1, 16], strides = [1, 1]} : vector<1x128xf32> to vector<1x16xf32>
    %add3A_40 = arith.addf %add3A_38, %slice3A_39 : vector<1x16xf32>
    %slice3A_41 = vector.extract_strided_slice %dot_general3A_30 {offsets = [0, 96], sizes = [1, 16], strides = [1, 1]} : vector<1x128xf32> to vector<1x16xf32>
    %add3A_42 = arith.addf %add3A_40, %slice3A_41 : vector<1x16xf32>
    %slice3A_43 = vector.extract_strided_slice %dot_general3A_30 {offsets = [0, 112], sizes = [1, 16], strides = [1, 1]} : vector<1x128xf32> to vector<1x16xf32>
    %add3A_44 = arith.addf %add3A_42, %slice3A_43 : vector<1x16xf32>
    %squeeze3A = vector.shape_cast %add3A_44 : vector<1x16xf32> to vector<16xf32>
    %broadcast_in_dim3A_45 = vector.shape_cast %squeeze3A : vector<16xf32> to vector<1x16xf32>
    %concatenate3A_46 = tpu.concatenate %broadcast_in_dim3A_45, %broadcast_in_dim3A_45, %broadcast_in_dim3A_45, %broadcast_in_dim3A_45, %broadcast_in_dim3A_45, %broadcast_in_dim3A_45, %broadcast_in_dim3A_45, %broadcast_in_dim3A_45 in 1 : vector<1x16xf32>, vector<1x16xf32>, vector<1x16xf32>, vector<1x16xf32>, vector<1x16xf32>, vector<1x16xf32>, vector<1x16xf32>, vector<1x16xf32> -> vector<1x128xf32>
    %mul3A_47 = arith.constant 9.99999974E-5 : f32
    %mul3A_48 = vector.broadcast %mul3A_47 : f32 to vector<1x128xf32>
    %mul3A_49 = arith.mulf %concatenate3A_46, %mul3A_48 : vector<1x128xf32>
    %sub3A = vector.broadcast %mul3A_49 : vector<1x128xf32> to vector<1250x128xf32>
    %sub3A_50 = arith.subf %add3A_19, %sub3A : vector<1250x128xf32>
    %mul3A_51 = arith.mulf %sub3A_50, %sub3A_50 : vector<1250x128xf32>
    %broadcast_in_dim3A_52 = arith.constant 1.000000e+00 : f32
    %broadcast_in_dim3A_53 = vector.broadcast %broadcast_in_dim3A_52 : f32 to vector<1x1250xf32>
    %dot_general3A_54 = arith.constant dense<0.000000e+00> : vector<1x128xf32>
    %dot_general3A_55 = tpu.matmul %broadcast_in_dim3A_53, %mul3A_51, %dot_general3A_54 {dimension_numbers = #tpu.dot_dimension_numbers<[1], [0], [0], [1], [0, 0, 1, 1], [], []>, transpose_lhs_hint = false} : vector<1x1250xf32>, vector<1250x128xf32>, vector<1x128xf32> -> vector<1x128xf32>
    %slice3A_56 = vector.extract_strided_slice %dot_general3A_55 {offsets = [0, 0], sizes = [1, 16], strides = [1, 1]} : vector<1x128xf32> to vector<1x16xf32>
    %slice3A_57 = vector.extract_strided_slice %dot_general3A_55 {offsets = [0, 16], sizes = [1, 16], strides = [1, 1]} : vector<1x128xf32> to vector<1x16xf32>
    %add3A_58 = arith.addf %slice3A_56, %slice3A_57 : vector<1x16xf32>
    %slice3A_59 = vector.extract_strided_slice %dot_general3A_55 {offsets = [0, 32], sizes = [1, 16], strides = [1, 1]} : vector<1x128xf32> to vector<1x16xf32>
    %add3A_60 = arith.addf %add3A_58, %slice3A_59 : vector<1x16xf32>
    %slice3A_61 = vector.extract_strided_slice %dot_general3A_55 {offsets = [0, 48], sizes = [1, 16], strides = [1, 1]} : vector<1x128xf32> to vector<1x16xf32>
    %add3A_62 = arith.addf %add3A_60, %slice3A_61 : vector<1x16xf32>
    %slice3A_63 = vector.extract_strided_slice %dot_general3A_55 {offsets = [0, 64], sizes = [1, 16], strides = [1, 1]} : vector<1x128xf32> to vector<1x16xf32>
    %add3A_64 = arith.addf %add3A_62, %slice3A_63 : vector<1x16xf32>
    %slice3A_65 = vector.extract_strided_slice %dot_general3A_55 {offsets = [0, 80], sizes = [1, 16], strides = [1, 1]} : vector<1x128xf32> to vector<1x16xf32>
    %add3A_66 = arith.addf %add3A_64, %slice3A_65 : vector<1x16xf32>
    %slice3A_67 = vector.extract_strided_slice %dot_general3A_55 {offsets = [0, 96], sizes = [1, 16], strides = [1, 1]} : vector<1x128xf32> to vector<1x16xf32>
    %add3A_68 = arith.addf %add3A_66, %slice3A_67 : vector<1x16xf32>
    %slice3A_69 = vector.extract_strided_slice %dot_general3A_55 {offsets = [0, 112], sizes = [1, 16], strides = [1, 1]} : vector<1x128xf32> to vector<1x16xf32>
    %add3A_70 = arith.addf %add3A_68, %slice3A_69 : vector<1x16xf32>
    %squeeze3A_71 = vector.shape_cast %add3A_70 : vector<1x16xf32> to vector<16xf32>
    %broadcast_in_dim3A_72 = vector.shape_cast %squeeze3A_71 : vector<16xf32> to vector<1x16xf32>
    %concatenate3A_73 = tpu.concatenate %broadcast_in_dim3A_72, %broadcast_in_dim3A_72, %broadcast_in_dim3A_72, %broadcast_in_dim3A_72, %broadcast_in_dim3A_72, %broadcast_in_dim3A_72, %broadcast_in_dim3A_72, %broadcast_in_dim3A_72 in 1 : vector<1x16xf32>, vector<1x16xf32>, vector<1x16xf32>, vector<1x16xf32>, vector<1x16xf32>, vector<1x16xf32>, vector<1x16xf32>, vector<1x16xf32> -> vector<1x128xf32>
    %mul3A_74 = arith.constant 9.99999974E-5 : f32
    %mul3A_75 = vector.broadcast %mul3A_74 : f32 to vector<1x128xf32>
    %mul3A_76 = arith.mulf %concatenate3A_73, %mul3A_75 : vector<1x128xf32>
    %add3A_77 = arith.constant 9.99999974E-6 : f32
    %add3A_78 = vector.broadcast %add3A_77 : f32 to vector<1x128xf32>
    %add3A_79 = arith.addf %mul3A_76, %add3A_78 : vector<1x128xf32>
    %sqrt3A = math.sqrt %add3A_79 : vector<1x128xf32>
    %div3A = vector.broadcast %sqrt3A : vector<1x128xf32> to vector<1250x128xf32>
    %div3A_80 = arith.divf %sub3A_50, %div3A : vector<1250x128xf32>
    %mul3A_81 = vector.broadcast %concatenate3A_23 : vector<1x128xf32> to vector<1250x128xf32>
    %mul3A_82 = arith.mulf %div3A_80, %mul3A_81 : vector<1250x128xf32>
    %add3A_83 = vector.broadcast %concatenate3A_27 : vector<1x128xf32> to vector<1250x128xf32>
    %add3A_84 = arith.addf %mul3A_82, %add3A_83 : vector<1250x128xf32>
    %integer_pow3A = arith.mulf %add3A_84, %add3A_84 : vector<1250x128xf32>
    %integer_pow3A_85 = arith.mulf %add3A_84, %integer_pow3A : vector<1250x128xf32>
    %mul3A_86 = arith.constant 4.471500e-02 : f32
    %mul3A_87 = vector.broadcast %mul3A_86 : f32 to vector<1250x128xf32>
    %mul3A_88 = arith.mulf %mul3A_87, %integer_pow3A_85 : vector<1250x128xf32>
    %add3A_89 = arith.addf %add3A_84, %mul3A_88 : vector<1250x128xf32>
    %mul3A_90 = arith.constant 0.797884583 : f32
    %mul3A_91 = vector.broadcast %mul3A_90 : f32 to vector<1250x128xf32>
    %mul3A_92 = arith.mulf %mul3A_91, %add3A_89 : vector<1250x128xf32>
    %tanh3A = math.tanh %mul3A_92 : vector<1250x128xf32>
    %add3A_93 = arith.constant 1.000000e+00 : f32
    %add3A_94 = vector.broadcast %add3A_93 : f32 to vector<1250x128xf32>
    %add3A_95 = arith.addf %add3A_94, %tanh3A : vector<1250x128xf32>
    %mul3A_96 = arith.constant 5.000000e-01 : f32
    %mul3A_97 = vector.broadcast %mul3A_96 : f32 to vector<1250x128xf32>
    %mul3A_98 = arith.mulf %mul3A_97, %add3A_95 : vector<1250x128xf32>
    %mul3A_99 = arith.mulf %add3A_84, %mul3A_98 : vector<1250x128xf32>
    %mul3A_100 = arith.mulf %mul3A_99, %get3A_1 : vector<1250x128xf32>
    %swap3A = arith.constant 0 : index
    %swap3A_101 = arith.constant 0 : index
    %swap3A_102 = vector.load %arg6[%swap3A, %swap3A_101] : memref<1264x128xf32, #tpu.memory_space<vmem>>, vector<1250x128xf32>
    tpu.vector_store %arg6[%swap3A, %swap3A_101], %mul3A_100 {strides = array<i32>} : memref<1264x128xf32, #tpu.memory_space<vmem>>, vector<1250x128xf32>,
    return
  }
}

module attributes {stable_mosaic.version = 14 : i64} {
  func.func @_tc_post_body(%arg0: memref<2x1264x128xf32, #tpu.memory_space<vmem>>, %arg1: memref<1264x128xf32, #tpu.memory_space<vmem>>, %arg2: memref<1264x128xf32, #tpu.memory_space<vmem>>, %arg3: memref<10000x128xf32, #tpu.memory_space<vmem>>, %arg4: memref<16x128xf32, #tpu.memory_space<vmem>>, %arg5: memref<128xf32, #tpu.memory_space<vmem>>, %arg6: memref<128xf32, #tpu.memory_space<vmem>>, %arg7: memref<128xf32, #tpu.memory_space<vmem>>, %arg8: memref<128x128xf32, #tpu.memory_space<vmem>>, %arg9: memref<128xf32, #tpu.memory_space<vmem>>, %arg10: memref<128x64xf32, #tpu.memory_space<vmem>>, %arg11: memref<64xf32, #tpu.memory_space<vmem>>, %arg12: memref<64x32xf32, #tpu.memory_space<vmem>>, %arg13: memref<32xf32, #tpu.memory_space<vmem>>, %arg14: memref<32x1xf32, #tpu.memory_space<vmem>>, %arg15: memref<1xf32, #tpu.memory_space<vmem>>, %arg16: memref<1x1xf32, #tpu.memory_space<vmem>>) attributes {dimension_semantics = [], scalar_prefetch = 0 : i64, scratch_operands = 0 : i64, tpu.core_type = #tpu.core_type<tc>} {
    %get3A = arith.constant 0 : index
    %get3A_0 = arith.constant 0 : index
    %get3A_1 = arith.constant 0 : index
    %get3A_2 = vector.load %arg0[%get3A, %get3A_0, %get3A_1] : memref<2x1264x128xf32, #tpu.memory_space<vmem>>, vector<1x1250x128xf32>
    %get3A_3 = vector.shape_cast %get3A_2 : vector<1x1250x128xf32> to vector<1250x128xf32>
    %get3A_4 = arith.constant 1 : index
    %get3A_5 = arith.constant 0 : index
    %get3A_6 = arith.constant 0 : index
    %get3A_7 = vector.load %arg0[%get3A_4, %get3A_5, %get3A_6] : memref<2x1264x128xf32, #tpu.memory_space<vmem>>, vector<1x1250x128xf32>
    %get3A_8 = vector.shape_cast %get3A_7 : vector<1x1250x128xf32> to vector<1250x128xf32>
    %add3A = arith.addf %get3A_3, %get3A_8 : vector<1250x128xf32>
    %get3A_9 = arith.constant 0 : index
    %get3A_10 = arith.constant 0 : index
    %get3A_11 = vector.load %arg1[%get3A_9, %get3A_10] : memref<1264x128xf32, #tpu.memory_space<vmem>>, vector<1250x128xf32>
    %add3A_12 = arith.addf %add3A, %get3A_11 : vector<1250x128xf32>
    %get3A_13 = arith.constant 0 : index
    %get3A_14 = arith.constant 0 : index
    %get3A_15 = vector.load %arg2[%get3A_13, %get3A_14] : memref<1264x128xf32, #tpu.memory_space<vmem>>, vector<1250x128xf32>
    %mul3A = arith.mulf %add3A_12, %get3A_15 : vector<1250x128xf32>
    %get3A_16 = arith.constant 0 : index
    %get3A_17 = arith.constant 0 : index
    %get3A_18 = vector.load %arg4[%get3A_16, %get3A_17] : memref<16x128xf32, #tpu.memory_space<vmem>>, vector<16x128xf32>
    %slice3A = vector.extract_strided_slice %mul3A {offsets = [0, 0], sizes = [1250, 16], strides = [1, 1]} : vector<1250x128xf32> to vector<1250x16xf32>
    %dot_general3A = arith.constant dense<0.000000e+00> : vector<1250x128xf32>
    %dot_general3A_19 = tpu.matmul %slice3A, %get3A_18, %dot_general3A {dimension_numbers = #tpu.dot_dimension_numbers<[1], [0], [0], [1], [0, 0, 1, 1], [], []>, transpose_lhs_hint = false} : vector<1250x16xf32>, vector<16x128xf32>, vector<1250x128xf32> -> vector<1250x128xf32>
    %slice3A_20 = vector.extract_strided_slice %mul3A {offsets = [0, 16], sizes = [1250, 16], strides = [1, 1]} : vector<1250x128xf32> to vector<1250x16xf32>
    %dot_general3A_21 = arith.constant dense<0.000000e+00> : vector<1250x128xf32>
    %dot_general3A_22 = tpu.matmul %slice3A_20, %get3A_18, %dot_general3A_21 {dimension_numbers = #tpu.dot_dimension_numbers<[1], [0], [0], [1], [0, 0, 1, 1], [], []>, transpose_lhs_hint = false} : vector<1250x16xf32>, vector<16x128xf32>, vector<1250x128xf32> -> vector<1250x128xf32>
    %slice3A_23 = vector.extract_strided_slice %mul3A {offsets = [0, 32], sizes = [1250, 16], strides = [1, 1]} : vector<1250x128xf32> to vector<1250x16xf32>
    %dot_general3A_24 = arith.constant dense<0.000000e+00> : vector<1250x128xf32>
    %dot_general3A_25 = tpu.matmul %slice3A_23, %get3A_18, %dot_general3A_24 {dimension_numbers = #tpu.dot_dimension_numbers<[1], [0], [0], [1], [0, 0, 1, 1], [], []>, transpose_lhs_hint = false} : vector<1250x16xf32>, vector<16x128xf32>, vector<1250x128xf32> -> vector<1250x128xf32>
    %slice3A_26 = vector.extract_strided_slice %mul3A {offsets = [0, 48], sizes = [1250, 16], strides = [1, 1]} : vector<1250x128xf32> to vector<1250x16xf32>
    %dot_general3A_27 = arith.constant dense<0.000000e+00> : vector<1250x128xf32>
    %dot_general3A_28 = tpu.matmul %slice3A_26, %get3A_18, %dot_general3A_27 {dimension_numbers = #tpu.dot_dimension_numbers<[1], [0], [0], [1], [0, 0, 1, 1], [], []>, transpose_lhs_hint = false} : vector<1250x16xf32>, vector<16x128xf32>, vector<1250x128xf32> -> vector<1250x128xf32>
    %slice3A_29 = vector.extract_strided_slice %mul3A {offsets = [0, 64], sizes = [1250, 16], strides = [1, 1]} : vector<1250x128xf32> to vector<1250x16xf32>
    %dot_general3A_30 = arith.constant dense<0.000000e+00> : vector<1250x128xf32>
    %dot_general3A_31 = tpu.matmul %slice3A_29, %get3A_18, %dot_general3A_30 {dimension_numbers = #tpu.dot_dimension_numbers<[1], [0], [0], [1], [0, 0, 1, 1], [], []>, transpose_lhs_hint = false} : vector<1250x16xf32>, vector<16x128xf32>, vector<1250x128xf32> -> vector<1250x128xf32>
    %slice3A_32 = vector.extract_strided_slice %mul3A {offsets = [0, 80], sizes = [1250, 16], strides = [1, 1]} : vector<1250x128xf32> to vector<1250x16xf32>
    %dot_general3A_33 = arith.constant dense<0.000000e+00> : vector<1250x128xf32>
    %dot_general3A_34 = tpu.matmul %slice3A_32, %get3A_18, %dot_general3A_33 {dimension_numbers = #tpu.dot_dimension_numbers<[1], [0], [0], [1], [0, 0, 1, 1], [], []>, transpose_lhs_hint = false} : vector<1250x16xf32>, vector<16x128xf32>, vector<1250x128xf32> -> vector<1250x128xf32>
    %slice3A_35 = vector.extract_strided_slice %mul3A {offsets = [0, 96], sizes = [1250, 16], strides = [1, 1]} : vector<1250x128xf32> to vector<1250x16xf32>
    %dot_general3A_36 = arith.constant dense<0.000000e+00> : vector<1250x128xf32>
    %dot_general3A_37 = tpu.matmul %slice3A_35, %get3A_18, %dot_general3A_36 {dimension_numbers = #tpu.dot_dimension_numbers<[1], [0], [0], [1], [0, 0, 1, 1], [], []>, transpose_lhs_hint = false} : vector<1250x16xf32>, vector<16x128xf32>, vector<1250x128xf32> -> vector<1250x128xf32>
    %slice3A_38 = vector.extract_strided_slice %mul3A {offsets = [0, 112], sizes = [1250, 16], strides = [1, 1]} : vector<1250x128xf32> to vector<1250x16xf32>
    %dot_general3A_39 = arith.constant dense<0.000000e+00> : vector<1250x128xf32>
    %dot_general3A_40 = tpu.matmul %slice3A_38, %get3A_18, %dot_general3A_39 {dimension_numbers = #tpu.dot_dimension_numbers<[1], [0], [0], [1], [0, 0, 1, 1], [], []>, transpose_lhs_hint = false} : vector<1250x16xf32>, vector<16x128xf32>, vector<1250x128xf32> -> vector<1250x128xf32>
    %concatenate3A = tpu.concatenate %dot_general3A_19, %dot_general3A_22, %dot_general3A_25, %dot_general3A_28, %dot_general3A_31, %dot_general3A_34, %dot_general3A_37, %dot_general3A_40 in 1 : vector<1250x128xf32>, vector<1250x128xf32>, vector<1250x128xf32>, vector<1250x128xf32>, vector<1250x128xf32>, vector<1250x128xf32>, vector<1250x128xf32>, vector<1250x128xf32> -> vector<1250x1024xf32>
    %get3A_41 = arith.constant 0 : index
    %get3A_42 = vector.load %arg5[%get3A_41] : memref<128xf32, #tpu.memory_space<vmem>>, vector<128xf32>
    %broadcast_in_dim3A = vector.shape_cast %get3A_42 : vector<128xf32> to vector<1x128xf32>
    %concatenate3A_43 = tpu.concatenate %broadcast_in_dim3A, %broadcast_in_dim3A, %broadcast_in_dim3A, %broadcast_in_dim3A, %broadcast_in_dim3A, %broadcast_in_dim3A, %broadcast_in_dim3A, %broadcast_in_dim3A in 1 : vector<1x128xf32>, vector<1x128xf32>, vector<1x128xf32>, vector<1x128xf32>, vector<1x128xf32>, vector<1x128xf32>, vector<1x128xf32>, vector<1x128xf32> -> vector<1x1024xf32>
    %add3A_44 = vector.broadcast %concatenate3A_43 : vector<1x1024xf32> to vector<1250x1024xf32>
    %add3A_45 = arith.addf %concatenate3A, %add3A_44 : vector<1250x1024xf32>
    %get3A_46 = arith.constant 0 : index
    %get3A_47 = vector.load %arg6[%get3A_46] : memref<128xf32, #tpu.memory_space<vmem>>, vector<128xf32>
    %broadcast_in_dim3A_48 = vector.shape_cast %get3A_47 : vector<128xf32> to vector<1x128xf32>
    %concatenate3A_49 = tpu.concatenate %broadcast_in_dim3A_48, %broadcast_in_dim3A_48, %broadcast_in_dim3A_48, %broadcast_in_dim3A_48, %broadcast_in_dim3A_48, %broadcast_in_dim3A_48, %broadcast_in_dim3A_48, %broadcast_in_dim3A_48 in 1 : vector<1x128xf32>, vector<1x128xf32>, vector<1x128xf32>, vector<1x128xf32>, vector<1x128xf32>, vector<1x128xf32>, vector<1x128xf32>, vector<1x128xf32> -> vector<1x1024xf32>
    %get3A_50 = arith.constant 0 : index
    %get3A_51 = vector.load %arg7[%get3A_50] : memref<128xf32, #tpu.memory_space<vmem>>, vector<128xf32>
    %broadcast_in_dim3A_52 = vector.shape_cast %get3A_51 : vector<128xf32> to vector<1x128xf32>
    %concatenate3A_53 = tpu.concatenate %broadcast_in_dim3A_52, %broadcast_in_dim3A_52, %broadcast_in_dim3A_52, %broadcast_in_dim3A_52, %broadcast_in_dim3A_52, %broadcast_in_dim3A_52, %broadcast_in_dim3A_52, %broadcast_in_dim3A_52 in 1 : vector<1x128xf32>, vector<1x128xf32>, vector<1x128xf32>, vector<1x128xf32>, vector<1x128xf32>, vector<1x128xf32>, vector<1x128xf32>, vector<1x128xf32> -> vector<1x1024xf32>
    %broadcast_in_dim3A_54 = arith.constant 1.000000e+00 : f32
    %broadcast_in_dim3A_55 = vector.broadcast %broadcast_in_dim3A_54 : f32 to vector<1x1250xf32>
    %dot_general3A_56 = arith.constant dense<0.000000e+00> : vector<1x1024xf32>
    %dot_general3A_57 = tpu.matmul %broadcast_in_dim3A_55, %add3A_45, %dot_general3A_56 {dimension_numbers = #tpu.dot_dimension_numbers<[1], [0], [0], [1], [0, 0, 1, 1], [], []>, transpose_lhs_hint = false} : vector<1x1250xf32>, vector<1250x1024xf32>, vector<1x1024xf32> -> vector<1x1024xf32>
    %slice3A_58 = vector.extract_strided_slice %dot_general3A_57 {offsets = [0, 0], sizes = [1, 128], strides = [1, 1]} : vector<1x1024xf32> to vector<1x128xf32>
    %slice3A_59 = vector.extract_strided_slice %dot_general3A_57 {offsets = [0, 128], sizes = [1, 128], strides = [1, 1]} : vector<1x1024xf32> to vector<1x128xf32>
    %add3A_60 = arith.addf %slice3A_58, %slice3A_59 : vector<1x128xf32>
    %slice3A_61 = vector.extract_strided_slice %dot_general3A_57 {offsets = [0, 256], sizes = [1, 128], strides = [1, 1]} : vector<1x1024xf32> to vector<1x128xf32>
    %add3A_62 = arith.addf %add3A_60, %slice3A_61 : vector<1x128xf32>
    %slice3A_63 = vector.extract_strided_slice %dot_general3A_57 {offsets = [0, 384], sizes = [1, 128], strides = [1, 1]} : vector<1x1024xf32> to vector<1x128xf32>
    %add3A_64 = arith.addf %add3A_62, %slice3A_63 : vector<1x128xf32>
    %slice3A_65 = vector.extract_strided_slice %dot_general3A_57 {offsets = [0, 512], sizes = [1, 128], strides = [1, 1]} : vector<1x1024xf32> to vector<1x128xf32>
    %add3A_66 = arith.addf %add3A_64, %slice3A_65 : vector<1x128xf32>
    %slice3A_67 = vector.extract_strided_slice %dot_general3A_57 {offsets = [0, 640], sizes = [1, 128], strides = [1, 1]} : vector<1x1024xf32> to vector<1x128xf32>
    %add3A_68 = arith.addf %add3A_66, %slice3A_67 : vector<1x128xf32>
    %slice3A_69 = vector.extract_strided_slice %dot_general3A_57 {offsets = [0, 768], sizes = [1, 128], strides = [1, 1]} : vector<1x1024xf32> to vector<1x128xf32>
    %add3A_70 = arith.addf %add3A_68, %slice3A_69 : vector<1x128xf32>
    %slice3A_71 = vector.extract_strided_slice %dot_general3A_57 {offsets = [0, 896], sizes = [1, 128], strides = [1, 1]} : vector<1x1024xf32> to vector<1x128xf32>
    %add3A_72 = arith.addf %add3A_70, %slice3A_71 : vector<1x128xf32>
    %squeeze3A = vector.shape_cast %add3A_72 : vector<1x128xf32> to vector<128xf32>
    %broadcast_in_dim3A_73 = vector.shape_cast %squeeze3A : vector<128xf32> to vector<1x128xf32>
    %concatenate3A_74 = tpu.concatenate %broadcast_in_dim3A_73, %broadcast_in_dim3A_73, %broadcast_in_dim3A_73, %broadcast_in_dim3A_73, %broadcast_in_dim3A_73, %broadcast_in_dim3A_73, %broadcast_in_dim3A_73, %broadcast_in_dim3A_73 in 1 : vector<1x128xf32>, vector<1x128xf32>, vector<1x128xf32>, vector<1x128xf32>, vector<1x128xf32>, vector<1x128xf32>, vector<1x128xf32>, vector<1x128xf32> -> vector<1x1024xf32>
    %mul3A_75 = arith.constant 9.99999974E-5 : f32
    %mul3A_76 = vector.broadcast %mul3A_75 : f32 to vector<1x1024xf32>
    %mul3A_77 = arith.mulf %concatenate3A_74, %mul3A_76 : vector<1x1024xf32>
    %sub3A = vector.broadcast %mul3A_77 : vector<1x1024xf32> to vector<1250x1024xf32>
    %sub3A_78 = arith.subf %add3A_45, %sub3A : vector<1250x1024xf32>
    %mul3A_79 = arith.mulf %sub3A_78, %sub3A_78 : vector<1250x1024xf32>
    %broadcast_in_dim3A_80 = arith.constant 1.000000e+00 : f32
    %broadcast_in_dim3A_81 = vector.broadcast %broadcast_in_dim3A_80 : f32 to vector<1x1250xf32>
    %dot_general3A_82 = arith.constant dense<0.000000e+00> : vector<1x1024xf32>
    %dot_general3A_83 = tpu.matmul %broadcast_in_dim3A_81, %mul3A_79, %dot_general3A_82 {dimension_numbers = #tpu.dot_dimension_numbers<[1], [0], [0], [1], [0, 0, 1, 1], [], []>, transpose_lhs_hint = false} : vector<1x1250xf32>, vector<1250x1024xf32>, vector<1x1024xf32> -> vector<1x1024xf32>
    %slice3A_84 = vector.extract_strided_slice %dot_general3A_83 {offsets = [0, 0], sizes = [1, 128], strides = [1, 1]} : vector<1x1024xf32> to vector<1x128xf32>
    %slice3A_85 = vector.extract_strided_slice %dot_general3A_83 {offsets = [0, 128], sizes = [1, 128], strides = [1, 1]} : vector<1x1024xf32> to vector<1x128xf32>
    %add3A_86 = arith.addf %slice3A_84, %slice3A_85 : vector<1x128xf32>
    %slice3A_87 = vector.extract_strided_slice %dot_general3A_83 {offsets = [0, 256], sizes = [1, 128], strides = [1, 1]} : vector<1x1024xf32> to vector<1x128xf32>
    %add3A_88 = arith.addf %add3A_86, %slice3A_87 : vector<1x128xf32>
    %slice3A_89 = vector.extract_strided_slice %dot_general3A_83 {offsets = [0, 384], sizes = [1, 128], strides = [1, 1]} : vector<1x1024xf32> to vector<1x128xf32>
    %add3A_90 = arith.addf %add3A_88, %slice3A_89 : vector<1x128xf32>
    %slice3A_91 = vector.extract_strided_slice %dot_general3A_83 {offsets = [0, 512], sizes = [1, 128], strides = [1, 1]} : vector<1x1024xf32> to vector<1x128xf32>
    %add3A_92 = arith.addf %add3A_90, %slice3A_91 : vector<1x128xf32>
    %slice3A_93 = vector.extract_strided_slice %dot_general3A_83 {offsets = [0, 640], sizes = [1, 128], strides = [1, 1]} : vector<1x1024xf32> to vector<1x128xf32>
    %add3A_94 = arith.addf %add3A_92, %slice3A_93 : vector<1x128xf32>
    %slice3A_95 = vector.extract_strided_slice %dot_general3A_83 {offsets = [0, 768], sizes = [1, 128], strides = [1, 1]} : vector<1x1024xf32> to vector<1x128xf32>
    %add3A_96 = arith.addf %add3A_94, %slice3A_95 : vector<1x128xf32>
    %slice3A_97 = vector.extract_strided_slice %dot_general3A_83 {offsets = [0, 896], sizes = [1, 128], strides = [1, 1]} : vector<1x1024xf32> to vector<1x128xf32>
    %add3A_98 = arith.addf %add3A_96, %slice3A_97 : vector<1x128xf32>
    %squeeze3A_99 = vector.shape_cast %add3A_98 : vector<1x128xf32> to vector<128xf32>
    %broadcast_in_dim3A_100 = vector.shape_cast %squeeze3A_99 : vector<128xf32> to vector<1x128xf32>
    %concatenate3A_101 = tpu.concatenate %broadcast_in_dim3A_100, %broadcast_in_dim3A_100, %broadcast_in_dim3A_100, %broadcast_in_dim3A_100, %broadcast_in_dim3A_100, %broadcast_in_dim3A_100, %broadcast_in_dim3A_100, %broadcast_in_dim3A_100 in 1 : vector<1x128xf32>, vector<1x128xf32>, vector<1x128xf32>, vector<1x128xf32>, vector<1x128xf32>, vector<1x128xf32>, vector<1x128xf32>, vector<1x128xf32> -> vector<1x1024xf32>
    %mul3A_102 = arith.constant 9.99999974E-5 : f32
    %mul3A_103 = vector.broadcast %mul3A_102 : f32 to vector<1x1024xf32>
    %mul3A_104 = arith.mulf %concatenate3A_101, %mul3A_103 : vector<1x1024xf32>
    %add3A_105 = arith.constant 9.99999974E-6 : f32
    %add3A_106 = vector.broadcast %add3A_105 : f32 to vector<1x1024xf32>
    %add3A_107 = arith.addf %mul3A_104, %add3A_106 : vector<1x1024xf32>
    %sqrt3A = math.sqrt %add3A_107 : vector<1x1024xf32>
    %div3A = vector.broadcast %sqrt3A : vector<1x1024xf32> to vector<1250x1024xf32>
    %div3A_108 = arith.divf %sub3A_78, %div3A : vector<1250x1024xf32>
    %mul3A_109 = vector.broadcast %concatenate3A_49 : vector<1x1024xf32> to vector<1250x1024xf32>
    %mul3A_110 = arith.mulf %div3A_108, %mul3A_109 : vector<1250x1024xf32>
    %add3A_111 = vector.broadcast %concatenate3A_53 : vector<1x1024xf32> to vector<1250x1024xf32>
    %add3A_112 = arith.addf %mul3A_110, %add3A_111 : vector<1250x1024xf32>
    %integer_pow3A = arith.mulf %add3A_112, %add3A_112 : vector<1250x1024xf32>
    %integer_pow3A_113 = arith.mulf %add3A_112, %integer_pow3A : vector<1250x1024xf32>
    %mul3A_114 = arith.constant 4.471500e-02 : f32
    %mul3A_115 = vector.broadcast %mul3A_114 : f32 to vector<1250x1024xf32>
    %mul3A_116 = arith.mulf %mul3A_115, %integer_pow3A_113 : vector<1250x1024xf32>
    %add3A_117 = arith.addf %add3A_112, %mul3A_116 : vector<1250x1024xf32>
    %mul3A_118 = arith.constant 0.797884583 : f32
    %mul3A_119 = vector.broadcast %mul3A_118 : f32 to vector<1250x1024xf32>
    %mul3A_120 = arith.mulf %mul3A_119, %add3A_117 : vector<1250x1024xf32>
    %tanh3A = math.tanh %mul3A_120 : vector<1250x1024xf32>
    %add3A_121 = arith.constant 1.000000e+00 : f32
    %add3A_122 = vector.broadcast %add3A_121 : f32 to vector<1250x1024xf32>
    %add3A_123 = arith.addf %add3A_122, %tanh3A : vector<1250x1024xf32>
    %mul3A_124 = arith.constant 5.000000e-01 : f32
    %mul3A_125 = vector.broadcast %mul3A_124 : f32 to vector<1250x1024xf32>
    %mul3A_126 = arith.mulf %mul3A_125, %add3A_123 : vector<1250x1024xf32>
    %mul3A_127 = arith.mulf %add3A_112, %mul3A_126 : vector<1250x1024xf32>
    %broadcast_in_dim3A_128 = arith.constant 1.000000e+00 : f32
    %broadcast_in_dim3A_129 = vector.broadcast %broadcast_in_dim3A_128 : f32 to vector<1x1250xf32>
    %dot_general3A_130 = arith.constant dense<0.000000e+00> : vector<1x1024xf32>
    %dot_general3A_131 = tpu.matmul %broadcast_in_dim3A_129, %mul3A_127, %dot_general3A_130 {dimension_numbers = #tpu.dot_dimension_numbers<[1], [0], [0], [1], [0, 0, 1, 1], [], []>, transpose_lhs_hint = false} : vector<1x1250xf32>, vector<1250x1024xf32>, vector<1x1024xf32> -> vector<1x1024xf32>
    %slice3A_132 = vector.extract_strided_slice %dot_general3A_131 {offsets = [0, 0], sizes = [1, 128], strides = [1, 1]} : vector<1x1024xf32> to vector<1x128xf32>
    %slice3A_133 = vector.extract_strided_slice %dot_general3A_131 {offsets = [0, 128], sizes = [1, 128], strides = [1, 1]} : vector<1x1024xf32> to vector<1x128xf32>
    %add3A_134 = arith.addf %slice3A_132, %slice3A_133 : vector<1x128xf32>
    %slice3A_135 = vector.extract_strided_slice %dot_general3A_131 {offsets = [0, 256], sizes = [1, 128], strides = [1, 1]} : vector<1x1024xf32> to vector<1x128xf32>
    %add3A_136 = arith.addf %add3A_134, %slice3A_135 : vector<1x128xf32>
    %slice3A_137 = vector.extract_strided_slice %dot_general3A_131 {offsets = [0, 384], sizes = [1, 128], strides = [1, 1]} : vector<1x1024xf32> to vector<1x128xf32>
    %add3A_138 = arith.addf %add3A_136, %slice3A_137 : vector<1x128xf32>
    %slice3A_139 = vector.extract_strided_slice %dot_general3A_131 {offsets = [0, 512], sizes = [1, 128], strides = [1, 1]} : vector<1x1024xf32> to vector<1x128xf32>
    %add3A_140 = arith.addf %add3A_138, %slice3A_139 : vector<1x128xf32>
    %slice3A_141 = vector.extract_strided_slice %dot_general3A_131 {offsets = [0, 640], sizes = [1, 128], strides = [1, 1]} : vector<1x1024xf32> to vector<1x128xf32>
    %add3A_142 = arith.addf %add3A_140, %slice3A_141 : vector<1x128xf32>
    %slice3A_143 = vector.extract_strided_slice %dot_general3A_131 {offsets = [0, 768], sizes = [1, 128], strides = [1, 1]} : vector<1x1024xf32> to vector<1x128xf32>
    %add3A_144 = arith.addf %add3A_142, %slice3A_143 : vector<1x128xf32>
    %slice3A_145 = vector.extract_strided_slice %dot_general3A_131 {offsets = [0, 896], sizes = [1, 128], strides = [1, 1]} : vector<1x1024xf32> to vector<1x128xf32>
    %add3A_146 = arith.addf %add3A_144, %slice3A_145 : vector<1x128xf32>
    %squeeze3A_147 = vector.shape_cast %add3A_146 : vector<1x128xf32> to vector<128xf32>
    %broadcast_in_dim3A_148 = vector.shape_cast %squeeze3A_147 : vector<128xf32> to vector<1x128xf32>
    %concatenate3A_149 = tpu.concatenate %broadcast_in_dim3A_148, %broadcast_in_dim3A_148, %broadcast_in_dim3A_148, %broadcast_in_dim3A_148, %broadcast_in_dim3A_148, %broadcast_in_dim3A_148, %broadcast_in_dim3A_148, %broadcast_in_dim3A_148 in 1 : vector<1x128xf32>, vector<1x128xf32>, vector<1x128xf32>, vector<1x128xf32>, vector<1x128xf32>, vector<1x128xf32>, vector<1x128xf32>, vector<1x128xf32> -> vector<1x1024xf32>
    %slice3A_150 = vector.extract_strided_slice %concatenate3A_149 {offsets = [0, 0], sizes = [1, 128], strides = [1, 1]} : vector<1x1024xf32> to vector<1x128xf32>
    %get3A_151 = arith.constant 0 : index
    %get3A_152 = arith.constant 0 : index
    %get3A_153 = vector.load %arg3[%get3A_151, %get3A_152] : memref<10000x128xf32, #tpu.memory_space<vmem>>, vector<10000x128xf32>
    %broadcast_in_dim3A_154 = arith.constant 1.000000e+00 : f32
    %broadcast_in_dim3A_155 = vector.broadcast %broadcast_in_dim3A_154 : f32 to vector<1x10000xf32>
    %dot_general3A_156 = arith.constant dense<0.000000e+00> : vector<1x128xf32>
    %dot_general3A_157 = tpu.matmul %broadcast_in_dim3A_155, %get3A_153, %dot_general3A_156 {dimension_numbers = #tpu.dot_dimension_numbers<[1], [0], [0], [1], [0, 0, 1, 1], [], []>, transpose_lhs_hint = false} : vector<1x10000xf32>, vector<10000x128xf32>, vector<1x128xf32> -> vector<1x128xf32>
    %add3A_158 = arith.addf %dot_general3A_157, %slice3A_150 : vector<1x128xf32>
    %mul3A_159 = arith.constant 9.99999974E-5 : f32
    %mul3A_160 = vector.broadcast %mul3A_159 : f32 to vector<1x128xf32>
    %mul3A_161 = arith.mulf %add3A_158, %mul3A_160 : vector<1x128xf32>
    %get3A_162 = arith.constant 0 : index
    %get3A_163 = arith.constant 0 : index
    %get3A_164 = vector.load %arg8[%get3A_162, %get3A_163] : memref<128x128xf32, #tpu.memory_space<vmem>>, vector<128x128xf32>
    %convert_element_type3A = arith.truncf %mul3A_161 : vector<1x128xf32> to vector<1x128xbf16>
    %convert_element_type3A_165 = arith.truncf %get3A_164 : vector<128x128xf32> to vector<128x128xbf16>
    %dot_general3A_166 = arith.constant dense<0.000000e+00> : vector<1x128xf32>
    %dot_general3A_167 = tpu.matmul %convert_element_type3A, %convert_element_type3A_165, %dot_general3A_166 {dimension_numbers = #tpu.dot_dimension_numbers<[1], [0], [0], [1], [0, 0, 1, 1], [], []>, transpose_lhs_hint = false} : vector<1x128xbf16>, vector<128x128xbf16>, vector<1x128xf32> -> vector<1x128xf32>
    %get3A_168 = arith.constant 0 : index
    %get3A_169 = vector.load %arg9[%get3A_168] : memref<128xf32, #tpu.memory_space<vmem>>, vector<128xf32>
    %broadcast_in_dim3A_170 = vector.shape_cast %get3A_169 : vector<128xf32> to vector<1x128xf32>
    %add3A_171 = arith.addf %dot_general3A_167, %broadcast_in_dim3A_170 : vector<1x128xf32>
    %integer_pow3A_172 = arith.mulf %add3A_171, %add3A_171 : vector<1x128xf32>
    %integer_pow3A_173 = arith.mulf %add3A_171, %integer_pow3A_172 : vector<1x128xf32>
    %mul3A_174 = arith.constant 4.471500e-02 : f32
    %mul3A_175 = vector.broadcast %mul3A_174 : f32 to vector<1x128xf32>
    %mul3A_176 = arith.mulf %mul3A_175, %integer_pow3A_173 : vector<1x128xf32>
    %add3A_177 = arith.addf %add3A_171, %mul3A_176 : vector<1x128xf32>
    %mul3A_178 = arith.constant 0.797884583 : f32
    %mul3A_179 = vector.broadcast %mul3A_178 : f32 to vector<1x128xf32>
    %mul3A_180 = arith.mulf %mul3A_179, %add3A_177 : vector<1x128xf32>
    %tanh3A_181 = math.tanh %mul3A_180 : vector<1x128xf32>
    %add3A_182 = arith.constant 1.000000e+00 : f32
    %add3A_183 = vector.broadcast %add3A_182 : f32 to vector<1x128xf32>
    %add3A_184 = arith.addf %add3A_183, %tanh3A_181 : vector<1x128xf32>
    %mul3A_185 = arith.constant 5.000000e-01 : f32
    %mul3A_186 = vector.broadcast %mul3A_185 : f32 to vector<1x128xf32>
    %mul3A_187 = arith.mulf %mul3A_186, %add3A_184 : vector<1x128xf32>
    %mul3A_188 = arith.mulf %add3A_171, %mul3A_187 : vector<1x128xf32>
    %get3A_189 = arith.constant 0 : index
    %get3A_190 = arith.constant 0 : index
    %get3A_191 = vector.load %arg10[%get3A_189, %get3A_190] : memref<128x64xf32, #tpu.memory_space<vmem>>, vector<128x64xf32>
    %convert_element_type3A_192 = arith.truncf %mul3A_188 : vector<1x128xf32> to vector<1x128xbf16>
    %convert_element_type3A_193 = arith.truncf %get3A_191 : vector<128x64xf32> to vector<128x64xbf16>
    %dot_general3A_194 = arith.constant dense<0.000000e+00> : vector<1x64xf32>
    %dot_general3A_195 = tpu.matmul %convert_element_type3A_192, %convert_element_type3A_193, %dot_general3A_194 {dimension_numbers = #tpu.dot_dimension_numbers<[1], [0], [0], [1], [0, 0, 1, 1], [], []>, transpose_lhs_hint = false} : vector<1x128xbf16>, vector<128x64xbf16>, vector<1x64xf32> -> vector<1x64xf32>
    %get3A_196 = arith.constant 0 : index
    %get3A_197 = vector.load %arg11[%get3A_196] : memref<64xf32, #tpu.memory_space<vmem>>, vector<64xf32>
    %broadcast_in_dim3A_198 = vector.shape_cast %get3A_197 : vector<64xf32> to vector<1x64xf32>
    %add3A_199 = arith.addf %dot_general3A_195, %broadcast_in_dim3A_198 : vector<1x64xf32>
    %integer_pow3A_200 = arith.mulf %add3A_199, %add3A_199 : vector<1x64xf32>
    %integer_pow3A_201 = arith.mulf %add3A_199, %integer_pow3A_200 : vector<1x64xf32>
    %mul3A_202 = arith.constant 4.471500e-02 : f32
    %mul3A_203 = vector.broadcast %mul3A_202 : f32 to vector<1x64xf32>
    %mul3A_204 = arith.mulf %mul3A_203, %integer_pow3A_201 : vector<1x64xf32>
    %add3A_205 = arith.addf %add3A_199, %mul3A_204 : vector<1x64xf32>
    %mul3A_206 = arith.constant 0.797884583 : f32
    %mul3A_207 = vector.broadcast %mul3A_206 : f32 to vector<1x64xf32>
    %mul3A_208 = arith.mulf %mul3A_207, %add3A_205 : vector<1x64xf32>
    %tanh3A_209 = math.tanh %mul3A_208 : vector<1x64xf32>
    %add3A_210 = arith.constant 1.000000e+00 : f32
    %add3A_211 = vector.broadcast %add3A_210 : f32 to vector<1x64xf32>
    %add3A_212 = arith.addf %add3A_211, %tanh3A_209 : vector<1x64xf32>
    %mul3A_213 = arith.constant 5.000000e-01 : f32
    %mul3A_214 = vector.broadcast %mul3A_213 : f32 to vector<1x64xf32>
    %mul3A_215 = arith.mulf %mul3A_214, %add3A_212 : vector<1x64xf32>
    %mul3A_216 = arith.mulf %add3A_199, %mul3A_215 : vector<1x64xf32>
    %get3A_217 = arith.constant 0 : index
    %get3A_218 = arith.constant 0 : index
    %get3A_219 = vector.load %arg12[%get3A_217, %get3A_218] : memref<64x32xf32, #tpu.memory_space<vmem>>, vector<64x32xf32>
    %convert_element_type3A_220 = arith.truncf %mul3A_216 : vector<1x64xf32> to vector<1x64xbf16>
    %convert_element_type3A_221 = arith.truncf %get3A_219 : vector<64x32xf32> to vector<64x32xbf16>
    %dot_general3A_222 = arith.constant dense<0.000000e+00> : vector<1x32xf32>
    %dot_general3A_223 = tpu.matmul %convert_element_type3A_220, %convert_element_type3A_221, %dot_general3A_222 {dimension_numbers = #tpu.dot_dimension_numbers<[1], [0], [0], [1], [0, 0, 1, 1], [], []>, transpose_lhs_hint = false} : vector<1x64xbf16>, vector<64x32xbf16>, vector<1x32xf32> -> vector<1x32xf32>
    %get3A_224 = arith.constant 0 : index
    %get3A_225 = vector.load %arg13[%get3A_224] : memref<32xf32, #tpu.memory_space<vmem>>, vector<32xf32>
    %broadcast_in_dim3A_226 = vector.shape_cast %get3A_225 : vector<32xf32> to vector<1x32xf32>
    %add3A_227 = arith.addf %dot_general3A_223, %broadcast_in_dim3A_226 : vector<1x32xf32>
    %integer_pow3A_228 = arith.mulf %add3A_227, %add3A_227 : vector<1x32xf32>
    %integer_pow3A_229 = arith.mulf %add3A_227, %integer_pow3A_228 : vector<1x32xf32>
    %mul3A_230 = arith.constant 4.471500e-02 : f32
    %mul3A_231 = vector.broadcast %mul3A_230 : f32 to vector<1x32xf32>
    %mul3A_232 = arith.mulf %mul3A_231, %integer_pow3A_229 : vector<1x32xf32>
    %add3A_233 = arith.addf %add3A_227, %mul3A_232 : vector<1x32xf32>
    %mul3A_234 = arith.constant 0.797884583 : f32
    %mul3A_235 = vector.broadcast %mul3A_234 : f32 to vector<1x32xf32>
    %mul3A_236 = arith.mulf %mul3A_235, %add3A_233 : vector<1x32xf32>
    %tanh3A_237 = math.tanh %mul3A_236 : vector<1x32xf32>
    %add3A_238 = arith.constant 1.000000e+00 : f32
    %add3A_239 = vector.broadcast %add3A_238 : f32 to vector<1x32xf32>
    %add3A_240 = arith.addf %add3A_239, %tanh3A_237 : vector<1x32xf32>
    %mul3A_241 = arith.constant 5.000000e-01 : f32
    %mul3A_242 = vector.broadcast %mul3A_241 : f32 to vector<1x32xf32>
    %mul3A_243 = arith.mulf %mul3A_242, %add3A_240 : vector<1x32xf32>
    %mul3A_244 = arith.mulf %add3A_227, %mul3A_243 : vector<1x32xf32>
    %get3A_245 = arith.constant 0 : index
    %get3A_246 = arith.constant 0 : index
    %get3A_247 = vector.load %arg14[%get3A_245, %get3A_246] : memref<32x1xf32, #tpu.memory_space<vmem>>, vector<32x1xf32>
    %convert_element_type3A_248 = arith.truncf %mul3A_244 : vector<1x32xf32> to vector<1x32xbf16>
    %convert_element_type3A_249 = arith.truncf %get3A_247 : vector<32x1xf32> to vector<32x1xbf16>
    %dot_general3A_250 = arith.constant dense<0.000000e+00> : vector<1x1xf32>
    %dot_general3A_251 = tpu.matmul %convert_element_type3A_248, %convert_element_type3A_249, %dot_general3A_250 {dimension_numbers = #tpu.dot_dimension_numbers<[1], [0], [0], [1], [0, 0, 1, 1], [], []>, transpose_lhs_hint = false} : vector<1x32xbf16>, vector<32x1xbf16>, vector<1x1xf32> -> vector<1x1xf32>
    %get3A_252 = arith.constant 0 : index
    %get3A_253 = vector.load %arg15[%get3A_252] : memref<1xf32, #tpu.memory_space<vmem>>, vector<1xf32>
    %broadcast_in_dim3A_254 = vector.shape_cast %get3A_253 : vector<1xf32> to vector<1x1xf32>
    %add3A_255 = arith.addf %dot_general3A_251, %broadcast_in_dim3A_254 : vector<1x1xf32>
    %swap3A = arith.constant 0 : index
    %swap3A_256 = arith.constant 0 : index
    %swap3A_257 = vector.load %arg16[%swap3A, %swap3A_256] : memref<1x1xf32, #tpu.memory_space<vmem>>, vector<1x1xf32>
    tpu.vector_store %arg16[%swap3A, %swap3A_256], %add3A_255 {strides = array<i32>} : memref<1x1xf32, #tpu.memory_space<vmem>>, vector<1x1xf32>,
    return
  }
}

</mosaic_0001>

<sc_bundles>
// kernel: kernel.10.cloned.1.call-start
scs
__scs_entry_jumppad:
0x0: {  	(pc) =	sbr.rel $0x88, $3  }
0x1: {  	(tag) =	ssettag $0x0;
	lr =	simm.s32 $0x1  }
0x2: {  	[smem:$0x3F8B] =	sst lr;
	_ =	strace $0xD0000000  }
0x3: {  	_ = 	snop  }
0x4: {  	_ = 	snop  }
0x5: {  	_ = 	snop  }
0x6: {  	_ = 	snop  }
0x7: {  	_ = 	snop  }
__scs_overlays_trampoline_lowered:
0x8: {  	[smem:$0x3F9A] =	sst s0  }
0x9: {  	[smem:$0x3F9B] =	sst s1  }
0xa: {  	[smem:$0x3F9C] =	sst s2  }
0xb: {  	[smem:$0x3F9D] =	sst s3  }
0xc: {  	[smem:$0x3F9E] =	sst s4  }
0xd: {  	[smem:$0x3F9F] =	sst s5  }
0xe: {  	[smem:$0x3FA0] =	sst s6  }
0xf: {  	[smem:$0x3FA1] =	sst s7  }
0x10: {  	[smem:$0x3FA2] =	sst s8  }
0x11: {  	[smem:$0x3FA3] =	sst s9;
	s0 =	simm.s32 @!p0 $0x0  }
0x12: {  	s1 =	sld [smem:$0x3F89];
	s0 =	simm.s32 @p0 $0x1  }
0x13: {  	[smem:$0x3FA4] =	sst s0;
	s0 =	simm.s32 @!p1 $0x0  }
0x14: {  	s2 =	sld [smem:$0x3F88];
	s0 =	simm.s32 @p1 $0x1  }
0x15: {  	[smem:$0x3FA5] =	sst s0;
	s0 =	simm.s32 @!p2 $0x0  }
0x16: {  	s3 =	sld [smem:$0x3FDB];
	s0 =	simm.s32 @p2 $0x1  }
0x17: {  	s4 =	simm.s32 $0x1BF5;
	[smem:$0x3FA7] =	sst s0  }
0x18: {  	s0 =	sld [smem:$0x3F8A];
	_ =	swait.ge [sflag:s4], $0x0  }
0x19: {  	s7 =	sld [smem:$0x3F8B]  }
0x1a: {  	s8 =	sadd.s32 $0xFFFFE003, lr  }
0x1b: {  	s9 =	sadd.s32 $0xFFFFFEF7, lr;
	s5 =	simm.s32 $0xFFFFFFFF;
	p2 =	slt.u32 s8, $0xFFFFF086  }
0x1c: {  	p1 =	slt.u32 s9, $0xF7A;
	s5 =	simm.s32 @!p2 $0x0  }
0x1d: {  	s5 =	simm.s32 @p1 $0x1;
	p0 =	seq.s32 s7, s2  }
0x1e: {  	s7 =	smul.u32 @!p0 $0xF7A, s2;
	p2 =	seq.s32 @!p0 s5, $0x0  }
0x1f: {  	s9 =	smul.u32 $0xF7A, s1;
	s8 =	simm.s32 @!p0 $0x1BF5;
	p2 =	por !p2, p0  }
0x20: {  	[sflag:s8] =	ssyncset.s32 @!p0 $0xFFFFF086;
	s6 =	sadd.s32 @!p0 s3, s7;
	s7 =	simm.s32 @!p0 $0x108  }
0x21: {  	s3 =	sadd.s32 s3, s9;
	s6 =	sadd.s32 @!p0 $0x88, s6;
	s7 =	simm.s32 @p2 $0x1082  }
0x22: {  	[simem:s7], [sflag:s8] =	dma.local @!p0 [hbm:s6], $0xF7A  }
0x23: {  	s9 =	sor.u32 $0xD0000000, s2;
	s6 =	simm.s32 $0x108;
	_ =	swait.ge @!p0 [sflag:s8], $0x0  }
0x24: {  	s3 =	sadd.s32 $0x88, s3;
	s6 =	simm.s32 @!p1 $0x1082;
	[sflag:s4] =	ssyncset.s32 $0xFFFFF086  }
0x25: {  	[simem:s6], [sflag:s4] =	dma.local [hbm:s3], $0xF7A  }
0x26: {  	[smem:$0x3F8B] =	sst s1;
	(tag) =	ssettag s2;
	_ =	strace s9  }
0x27: {  	s1 =	sld [smem:$0x3F9B]  }
0x28: {  	s2 =	sld [smem:$0x3F9C]  }
0x29: {  	s4 =	sld [smem:$0x3F9E]  }
0x2a: {  	p0 =	seq.s32 s5, $0x0;
	s5 =	sld [smem:$0x3F9F]  }
0x2b: {  	s6 =	sld [smem:$0x3FA0]  }
0x2c: {  	s7 =	sld [smem:$0x3FA1]  }
0x2d: {  	s3 =	simm.s32 $0x108;
	s8 =	sld [smem:$0x3FA2]  }
0x2e: {  	s3 =	simm.s32 @!p0 $0x1082;
	s9 =	sld [smem:$0x3FA3]  }
0x2f: {  	lr =	sadd.s32 s0, s3;
	s0 =	sld [smem:$0x3F9A]  }
0x30: {  	s3 =	sld [smem:$0x3F9D]  }
0x31: {  	[smem:$0x3FA6] =	sst s10  }
0x32: {  	s10 =	sld [smem:$0x3FA4];
	_ =	sdelay $0x3  }
0x33: {  	p0 =	seq.s32 s10, $0x1;
	s10 =	sld [smem:$0x3FA6];
	_ =	sdelay $0x3  }
0x34: {  	[smem:$0x3FA6] =	sst s10  }
0x35: {  	s10 =	sld [smem:$0x3FA5];
	_ =	sdelay $0x3  }
0x36: {  	p1 =	seq.s32 s10, $0x1;
	s10 =	sld [smem:$0x3FA6];
	_ =	sdelay $0x3  }
0x37: {  	[smem:$0x3FA6] =	sst s10  }
0x38: {  	s10 =	sld [smem:$0x3FA7]  }
0x39: {  	_ = 	snop;
	(pc) =	sbr.ind lr, $3  }
0x3a: {  	_ = 	snop  }
0x3b: {  	_ = 	snop  }
0x3c: {  	p2 =	seq.s32 s10, $0x1;
	s10 =	sld [smem:$0x3FA6]  }
0x3d: {  	_ =	shalt  }
0x3e: {  	_ =	shalt  }
0x3f: {  	_ =	shalt  }
0x40: {  	_ =	shalt  }
0x41: {  	_ =	shalt  }
0x42: {  	_ =	shalt  }
0x43: {  	_ =	shalt  }
0x44: {  	_ =	shalt  }
0x45: {  	_ =	shalt  }
0x46: {  	_ =	shalt  }
0x47: {  	_ =	shalt  }
0x48: {  	_ =	shalt  }
0x49: {  	_ =	shalt  }
0x4a: {  	_ =	shalt  }
0x4b: {  	_ =	shalt  }
0x4c: {  	_ =	shalt  }
0x4d: {  	_ =	shalt  }
0x4e: {  	_ =	shalt  }
0x4f: {  	_ =	shalt  }
0x50: {  	_ =	shalt  }
0x51: {  	_ =	shalt  }
0x52: {  	_ =	shalt  }
0x53: {  	_ =	shalt  }
0x54: {  	_ =	shalt  }
0x55: {  	_ =	shalt  }
0x56: {  	_ =	shalt  }
0x57: {  	_ =	shalt  }
0x58: {  	_ =	shalt  }
0x59: {  	_ =	shalt  }
0x5a: {  	_ =	shalt  }
0x5b: {  	_ =	shalt  }
0x5c: {  	_ =	shalt  }
0x5d: {  	_ =	shalt  }
0x5e: {  	_ =	shalt  }
0x5f: {  	_ =	shalt  }
0x60: {  	_ =	shalt  }
0x61: {  	_ =	shalt  }
0x62: {  	_ =	shalt  }
0x63: {  	_ =	shalt  }
0x64: {  	_ =	shalt  }
0x65: {  	_ =	shalt  }
0x66: {  	_ =	shalt  }
0x67: {  	_ =	shalt  }
0x68: {  	_ =	shalt  }
0x69: {  	_ =	shalt  }
0x6a: {  	_ =	shalt  }
0x6b: {  	_ =	shalt  }
0x6c: {  	_ =	shalt  }
0x6d: {  	_ =	shalt  }
0x6e: {  	_ =	shalt  }
0x6f: {  	_ =	shalt  }
0x70: {  	_ =	shalt  }
0x71: {  	_ =	shalt  }
0x72: {  	_ =	shalt  }
0x73: {  	_ =	shalt  }
0x74: {  	_ =	shalt  }
0x75: {  	_ =	shalt  }
0x76: {  	_ =	shalt  }
0x77: {  	_ =	shalt  }
0x78: {  	_ =	shalt  }
0x79: {  	_ =	shalt  }
0x7a: {  	_ =	shalt  }
0x7b: {  	_ =	shalt  }
0x7c: {  	_ =	shalt  }
0x7d: {  	_ =	shalt  }
0x7e: {  	_ =	shalt  }
0x7f: {  	_ =	shalt  }
0x80: {  	_ =	shalt  }
0x81: {  	_ =	shalt  }
0x82: {  	_ =	shalt  }
0x83: {  	_ =	shalt  }
0x84: {  	_ =	shalt  }
0x85: {  	_ =	shalt  }
0x86: {  	_ =	shalt  }
0x87: {  	_ =	shalt  }
.Lfunc_end0:
.L_simem_size_0:
called_computation_lowered:
.L_overlay_start_0:
0x88: {  	s2 =	sld [smem:$0x3FD9]  }
0x89: {  	s3 =	sld [smem:$0x3FFE];
	_ =	sdelay $0x1  }
0x8a: {  	s1 =	srdreg.scid  }
0x8b: {  	s0 =	sand.u32 $0x1, s1  }
0x8c: {  	s16 =	sshll.u32 s0, $0xA;
	s2 =	sadd.s32 s3, s2  }
0x8d: {  	s2 =	sadd.s32 s2, s16  }
0x8e: {  	[smem:$0x3FB2] =	sst s2  }
0x8f: {  	_ = 	snop  }
0x90: {  	(tm) =	ssettm $0x1  }
0x91: {  	s17 =	sld [smem:$0x3FFB];
	_ =	sdelay $0x3  }
0x92: {  	_ =	strace s17  }
0x93: {  	s2 =	sld [smem:$0x3FFC];
	_ =	sdelay $0x3  }
0x94: {  	_ =	strace s2  }
0x95: {  	s2 =	sld [smem:$0x3FFD];
	_ =	sdelay $0x3  }
0x96: {  	_ =	strace s2  }
0x97: {  	_ =	strace $0x8FFFFFFF  }
0x98: {  	s18 =	sld [smem:$0x3FDB];
	_ =	sdelay $0x1  }
0x99: {  	s19 =	simm.s32 $_scs_section_size  }
0x9a: {  	s4 =	simm.s32 $_size__tile_overlayer_lowered;
	s5 =	simm.s32 $_tile_overlayer_lowered  }
0x9b: {  	s22 =	simm.s32 $0x1BFF;
	s21 =	sshll.u32 s5, $0x1;
	s2 =	sadd.s32 s19, s18  }
0x9c: {  	s6 =	simm.s32 $0x0;
	s20 =	sshll.u32 s4, $0x1;
	s4 =	sadd.s32 s21, s2  }
0x9d: {  	[timem:s6], [sflag:s22] =	dma.local [hbm:s4], s20  }
0x9e: {  	_ =	swait.ge [sflag:s22], s20  }
0x9f: {  	s3 =	ssub.s32 $0x0, s20;
	[sflag:s22] =	ssyncset.done $0x0  }
0xa0: {  	[sflag:s22] =	ssyncadd.s32 s3;
	_ =	sdelay $0x1  }
0xa1: {  	s23 =	simm.s32 $0x1B8B  }
0xa2: {  	_ =	swait.ge [sflag:s23], $0x1  }
0xa3: {  	[sflag:s23] =	ssyncset.done $0x0  }
0xa4: {  	s25 =	simm.s32 $0x1B8E;
	s24 =	sld [smem:$0x3FFE];
	[sflag:s23] =	ssyncadd.s32 $0xFFFFFFFF  }
0xa5: {  	s26 =	simm.s32 $execute0_lowered;
	[smem:$0x3FD2] =	sst s25  }
0xa6: {  	s4 =	sshll.u32 s26, $0x1;
	_ =	strace $0x80000046;
	[dreg:$0x1] =	wrdreg $0xFFFFFFFF  }
0xa7: {  	s28 =	simm.s32 $_size_execute0_lowered;
	s2 =	sadd.s32 s2, s4;
	[dreg:$0x0] =	wrdreg $0x0  }
0xa8: {  	s4 =	sshll.u32 s28, $0x1;
	[dreg:$0x2] =	wrdreg s2  }
0xa9: {  	[dreg:$0x3] =	wrdreg s4  }
0xaa: {  	[dreg:$0x4] =	wrdreg $0xC0  }
0xab: {  	_ =	task [dreg:s6], $0x5FFFF  }
0xac: {  	[dreg:$0x1] =	wrdreg $0xFFFFFFFF  }
0xad: {  	[dreg:$0x0] =	wrdreg $0x60  }
0xae: {  	[dreg:$0x2] =	wrdreg s24  }
0xaf: {  	[dreg:$0x3] =	wrdreg $0x8CA00  }
0xb0: {  	[dreg:$0x4] =	wrdreg $0x9  }
0xb1: {  	_ =	task.clear_ibuf [dreg:s6], $0x5FFFF;
	_ =	strace $0x90000046  }
0xb2: {  	s29 =	simm.s32 $0x9;
	_ =	strace $0x80000048  }
0xb3: {  	_ =	swait.ge [sflag:s29], $0x1  }
0xb4: {  	[sflag:s29] =	ssyncadd.s32 $0xFFFFFFFF  }
0xb5: {  	_ =	strace $0x90000048  }
0xb6: {  	_ =	sfence  }
0xb7: {  	s30 =	sld [smem:$0x0];
	_ =	sdelay $0x2  }
0xb8: {  	s31 =	sshll.u32 s1, $0xD;
	s1 =	sshrl.u32 s1, $0x2  }
0xb9: {  	s3 =	sand.u32 $0x4000, s31;
	s1 =	sadd.s32 s1, s30  }
0xba: {  	s0 =	sor.u32 s3, s0;
	s1 =	sshll.u32 s1, $0x11  }
0xbb: {  	s0 =	sor.u32 s1, s0  }
0xbc: {  	s0 =	sadd.s32 $0x8F2B, s0  }
0xbd: {  	[sflag:s0] =	ssyncadd.remote.s32 $0x1  }
0xbe: {  	_ =	sfence.sel $0xFFFF  }
0xbf: {  	[dreg:$0x0] =	wrdreg $0xFFFFFFFF;
	(pc) =	sbr.abs _section_cstart, $3  }
0xc0: {  	[dreg:$0x1] =	wrdreg $0xFFFFFFFF  }
0xc1: {  	_ =	task.clear_ibuf [dreg:s6], $0x2FFFF;
	_ =	strace $0x9FFFFFFF  }
0xc2: {  	(tm) =	ssettm $0x7FFFFFFF  }
0xc3: {  	_ =	shalt  }
tec
execute0_lowered:
.L_overlay_start_1:
0x0: {  	(tag) =	ssettag $0x1  }
0x1: {  	s17 =	rddreg [dreg:$0x0]  }
0x2: {  	s2 =	rddreg [dreg:$0x1]  }
0x3: {  	s0 =	rddreg [dreg:$0x2];
	s1 =	stileid.u32  }
0x4: {  	s3 =	simm.s32 $0x0;
	s5 =	srdreg.scid;
	s18 =	smul.u32 $0x2780, s1  }
0x5: {  	[smem:$0x7FF] =	sst s3;
	s4 =	sadd.s32 $0x18E00, s17;
	s19 =	sand.u32 $0x1, s5  }
0x6: {  	s30 =	sshll.u32 s1, $0x6;
	_ =	strace $0x80000047;
	s6 =	sadd.s32 s18, s2  }
0x7: {  	s5 =	sor.u32 $0x1C02, s30;
	s7 =	sshrl.u32 s6, $0x3;
	s6 =	simm.s32 $0x2  }
0x8: {  	[spmem:s7], [sflag:s5] =	dma.local [hbm:s4], $0x4F0  }
0x9: {  	s9 =	sshll.u32 s19, $0x4;
	_ =	swait.ge [sflag:s6], $0x4F0  }
0xa: {  	s8 =	sadd.s32 $0x19400, s17;
	s9 =	sor.u32 s1, s9;
	[sflag:s6] =	ssyncset.done $0x0  }
0xb: {  	s10 =	smul.u32 $0x2710, s9;
	s9 =	simm.s32 $0xFA0;
	[sflag:s6] =	ssyncadd.s32 $0xFFFFFB10  }
0xc: {  	[tilespmem:s9], [sflag:$0x2] =	stream.linear.gather [hbm4b:s8+s3], $0x7D00, $0x38;
	[tilespmem:$0xB420] =	vst v63  }
0xd: {  	_ =	swait.ge [sflag:s6], $0x7D00  }
0xe: {  	s16 =	sadd.s32 $0xF040, s17;
	s20 =	sshrl.u32 s10, $0x3;
	[sflag:s6] =	ssyncset.done $0x0  }
0xf: {  	s10 =	sadd.s32 s20, s16;
	[sflag:s6] =	ssyncadd.s32 $0xFFFF8300  }
0x10: {  	[tilespmem:s3], [sflag:$0x1] =	stream.linear.gather [hbm4b:s10+s3], $0x7D0, $0x38;
	[tilespmem:$0xB420] =	vst v63  }
0x11: {  	s11 =	simm.s32 $0x1;
	[bflag:$0x0] =	sbarrier.arrive $0xFFFF  }
0x12: {  	_ =	swait.ge [sflag:s11], $0x7D0  }
0x13: {  	s12 =	sadd.s32 $0xFA, s20;
	[sflag:s11] =	ssyncset.done $0x0  }
0x14: {  	s13 =	simm.s32 $0x7D0;
	s12 =	sadd.s32 s16, s12;
	[sflag:s11] =	ssyncadd.s32 $0xFFFFF830  }
0x15: {  	[tilespmem:s13], [sflag:$0x1] =	stream.linear.gather [hbm4b:s12+s3], $0x7D0, $0x38;
	[tilespmem:$0xB420] =	vst v63  }
0x16: {  	_ = 	snop  }
0x17: {  	[spmem:s2] =	stream.indirect.scatter.add.f32 [tilespmem:s9], [sflag:$0x2], $0x10, s3, s13, $0xb8;
	[tilespmem:$0xB420] =	vst v63  }
0x18: {  	_ =	swait.ge [sflag:s6], $0x7D00  }
0x19: {  	[sflag:s6] =	ssyncset.done $0x0  }
0x1a: {  	[sflag:s6] =	ssyncadd.s32 $0xFFFF8300  }
0x1b: {  	_ =	swait.ge [sflag:s11], $0x7D0  }
0x1c: {  	s14 =	sadd.s32 $0x1F4, s20;
	[sflag:s11] =	ssyncset.done $0x0  }
0x1d: {  	s14 =	sadd.s32 s16, s14;
	[sflag:s11] =	ssyncadd.s32 $0xFFFFF830  }
0x1e: {  	[tilespmem:s3], [sflag:$0x1] =	stream.linear.gather [hbm4b:s14+s3], $0x7D0, $0x38;
	[tilespmem:$0xB420] =	vst v63  }
0x1f: {  	_ = 	snop  }
0x20: {  	[spmem:s2] =	stream.indirect.scatter.add.f32 [tilespmem:s9], [sflag:$0x2], $0x10, s13, s13, $0xb8;
	[tilespmem:$0xB420] =	vst v63  }
0x21: {  	_ =	swait.ge [sflag:s6], $0x7D00  }
0x22: {  	[sflag:s6] =	ssyncset.done $0x0  }
0x23: {  	[sflag:s6] =	ssyncadd.s32 $0xFFFF8300  }
0x24: {  	_ =	swait.ge [sflag:s11], $0x7D0  }
0x25: {  	s15 =	sadd.s32 $0x2EE, s20;
	[sflag:s11] =	ssyncset.done $0x0  }
0x26: {  	s15 =	sadd.s32 s16, s15;
	[sflag:s11] =	ssyncadd.s32 $0xFFFFF830  }
0x27: {  	[tilespmem:s13], [sflag:$0x1] =	stream.linear.gather [hbm4b:s15+s3], $0x7D0, $0x38;
	[tilespmem:$0xB420] =	vst v63  }
0x28: {  	_ = 	snop  }
0x29: {  	[spmem:s2] =	stream.indirect.scatter.add.f32 [tilespmem:s9], [sflag:$0x2], $0x10, s3, s13, $0xb8;
	[tilespmem:$0xB420] =	vst v63  }
0x2a: {  	_ =	swait.ge [sflag:s6], $0x7D00  }
0x2b: {  	[sflag:s6] =	ssyncset.done $0x0  }
0x2c: {  	[sflag:s6] =	ssyncadd.s32 $0xFFFF8300  }
0x2d: {  	_ =	swait.ge [sflag:s11], $0x7D0  }
0x2e: {  	s20 =	sadd.s32 $0x3E8, s20;
	[sflag:s11] =	ssyncset.done $0x0  }
0x2f: {  	s16 =	sadd.s32 s16, s20;
	[sflag:s11] =	ssyncadd.s32 $0xFFFFF830  }
0x30: {  	[tilespmem:s3], [sflag:$0x1] =	stream.linear.gather [hbm4b:s16+s3], $0x7D0, $0x38;
	[tilespmem:$0xB420] =	vst v63  }
0x31: {  	_ = 	snop  }
0x32: {  	[spmem:s2] =	stream.indirect.scatter.add.f32 [tilespmem:s9], [sflag:$0x2], $0x10, s13, s13, $0xb8;
	[tilespmem:$0xB420] =	vst v63  }
0x33: {  	_ =	swait.ge [sflag:s6], $0x7D00  }
0x34: {  	[sflag:s6] =	ssyncset.done $0x0  }
0x35: {  	[sflag:s6] =	ssyncadd.s32 $0xFFFF8300  }
0x36: {  	s31 =	smul.u32 $0x4F00, s19;
	s19 =	ssub.s32 $0x2, s19;
	_ =	swait.ge [sflag:s11], $0x7D0  }
0x37: {  	s21 =	sshrl.u32 s19, $0x1;
	[sflag:s11] =	ssyncset.done $0x0  }
0x38: {  	s19 =	ssub.s32 s19, s21;
	[sflag:s11] =	ssyncadd.s32 $0xFFFFF830  }
0x39: {  	[spmem:s2] =	stream.indirect.scatter.add.f32 [tilespmem:s9], [sflag:$0x2], $0x10, s3, s13, $0xb8;
	[tilespmem:$0xB420] =	vst v63  }
0x3a: {  	s18 =	sshrl.u32 s18, $0x3;
	s19 =	smax.u32 s19, $0x1;
	_ =	swait.ge [sflag:s6], $0x7D00  }
0x3b: {  	s17 =	sadd.s32 s31, s17;
	p0 =	sne.s32 s19, $0x1;
	[sflag:s6] =	ssyncset.done $0x0  }
.Ltmp0:
0x3c: {  	s17 =	sadd.s32 $0x1A400, s17;
	[sflag:s6] =	ssyncadd.s32 $0xFFFF8300;
	(pc) =	sbr.rel @!p0 .LBB2_2-.Ltmp0, $4  }
0x3d: {  	s17 =	sadd.s32 s18, s17;
	[bflag:$0x0] =	sbarrier.arrive $0xFFFF  }
0x3e: {  	[hbm:s17], [sflag:s5] =	dma.local [spmem:s7], $0x4F0  }
0x3f: {  	_ =	swait.ge [sflag:s6], $0x4F0  }
0x40: {  	s18 =	sadd.s32 $0xFFFFFFFF, s19;
	[sflag:s6] =	ssyncset.done $0x0  }
.LBB2_1:
0x41: {  	p0 =	sne.s32 s18, $0x1;
	s18 =	sadd.s32 $0xFFFFFFFF, s18;
	[sflag:s6] =	ssyncadd.s32 $0xFFFFFB10  }
0x42: {  	[spmem:s7], [sflag:s5] =	dma.local [hbm:s4], $0x4F0  }
0x43: {  	_ =	swait.ge [sflag:s6], $0x4F0  }
0x44: {  	[sflag:s6] =	ssyncset.done $0x0  }
0x45: {  	[sflag:s6] =	ssyncadd.s32 $0xFFFFFB10  }
0x46: {  	[tilespmem:s9], [sflag:$0x2] =	stream.linear.gather [hbm4b:s8+s3], $0x7D00, $0x38;
	[tilespmem:$0xB420] =	vst v63  }
0x47: {  	_ =	swait.ge [sflag:s6], $0x7D00  }
0x48: {  	[sflag:s6] =	ssyncset.done $0x0  }
0x49: {  	[sflag:s6] =	ssyncadd.s32 $0xFFFF8300  }
0x4a: {  	[tilespmem:s3], [sflag:$0x1] =	stream.linear.gather [hbm4b:s10+s3], $0x7D0, $0x38;
	[tilespmem:$0xB420] =	vst v63  }
0x4b: {  	[bflag:$0x0] =	sbarrier.arrive $0xFFFF  }
0x4c: {  	_ =	swait.ge [sflag:s11], $0x7D0  }
0x4d: {  	[sflag:s11] =	ssyncset.done $0x0  }
0x4e: {  	[sflag:s11] =	ssyncadd.s32 $0xFFFFF830  }
0x4f: {  	[tilespmem:s13], [sflag:$0x1] =	stream.linear.gather [hbm4b:s12+s3], $0x7D0, $0x38;
	[tilespmem:$0xB420] =	vst v63  }
0x50: {  	_ = 	snop  }
0x51: {  	[spmem:s2] =	stream.indirect.scatter.add.f32 [tilespmem:s9], [sflag:$0x2], $0x10, s3, s13, $0xb8;
	[tilespmem:$0xB420] =	vst v63  }
0x52: {  	_ =	swait.ge [sflag:s6], $0x7D00  }
0x53: {  	[sflag:s6] =	ssyncset.done $0x0  }
0x54: {  	[sflag:s6] =	ssyncadd.s32 $0xFFFF8300  }
0x55: {  	_ =	swait.ge [sflag:s11], $0x7D0  }
0x56: {  	[sflag:s11] =	ssyncset.done $0x0  }
0x57: {  	[sflag:s11] =	ssyncadd.s32 $0xFFFFF830  }
0x58: {  	[tilespmem:s3], [sflag:$0x1] =	stream.linear.gather [hbm4b:s14+s3], $0x7D0, $0x38;
	[tilespmem:$0xB420] =	vst v63  }
0x59: {  	_ = 	snop  }
0x5a: {  	[spmem:s2] =	stream.indirect.scatter.add.f32 [tilespmem:s9], [sflag:$0x2], $0x10, s13, s13, $0xb8;
	[tilespmem:$0xB420] =	vst v63  }
0x5b: {  	_ =	swait.ge [sflag:s6], $0x7D00  }
0x5c: {  	[sflag:s6] =	ssyncset.done $0x0  }
0x5d: {  	[sflag:s6] =	ssyncadd.s32 $0xFFFF8300  }
0x5e: {  	_ =	swait.ge [sflag:s11], $0x7D0  }
0x5f: {  	[sflag:s11] =	ssyncset.done $0x0  }
0x60: {  	[sflag:s11] =	ssyncadd.s32 $0xFFFFF830  }
0x61: {  	[tilespmem:s13], [sflag:$0x1] =	stream.linear.gather [hbm4b:s15+s3], $0x7D0, $0x38;
	[tilespmem:$0xB420] =	vst v63  }
0x62: {  	_ = 	snop  }
0x63: {  	[spmem:s2] =	stream.indirect.scatter.add.f32 [tilespmem:s9], [sflag:$0x2], $0x10, s3, s13, $0xb8;
	[tilespmem:$0xB420] =	vst v63  }
0x64: {  	_ =	swait.ge [sflag:s6], $0x7D00  }
0x65: {  	[sflag:s6] =	ssyncset.done $0x0  }
0x66: {  	[sflag:s6] =	ssyncadd.s32 $0xFFFF8300  }
0x67: {  	_ =	swait.ge [sflag:s11], $0x7D0  }
0x68: {  	[sflag:s11] =	ssyncset.done $0x0  }
0x69: {  	[sflag:s11] =	ssyncadd.s32 $0xFFFFF830  }
0x6a: {  	[tilespmem:s3], [sflag:$0x1] =	stream.linear.gather [hbm4b:s16+s3], $0x7D0, $0x38;
	[tilespmem:$0xB420] =	vst v63  }
0x6b: {  	_ = 	snop  }
0x6c: {  	[spmem:s2] =	stream.indirect.scatter.add.f32 [tilespmem:s9], [sflag:$0x2], $0x10, s13, s13, $0xb8;
	[tilespmem:$0xB420] =	vst v63  }
0x6d: {  	_ =	swait.ge [sflag:s6], $0x7D00  }
0x6e: {  	[sflag:s6] =	ssyncset.done $0x0  }
0x6f: {  	[sflag:s6] =	ssyncadd.s32 $0xFFFF8300  }
0x70: {  	_ =	swait.ge [sflag:s11], $0x7D0  }
0x71: {  	[sflag:s11] =	ssyncset.done $0x0  }
0x72: {  	[sflag:s11] =	ssyncadd.s32 $0xFFFFF830  }
0x73: {  	[spmem:s2] =	stream.indirect.scatter.add.f32 [tilespmem:s9], [sflag:$0x2], $0x10, s3, s13, $0xb8;
	[tilespmem:$0xB420] =	vst v63  }
0x74: {  	_ =	swait.ge [sflag:s6], $0x7D00  }
0x75: {  	[sflag:s6] =	ssyncset.done $0x0  }
.Ltmp1:
0x76: {  	[sflag:s6] =	ssyncadd.s32 $0xFFFF8300;
	(pc) =	sbr.rel @p0 .LBB2_1-.Ltmp1, $4  }
0x77: {  	[bflag:$0x0] =	sbarrier.arrive $0xFFFF  }
0x78: {  	[hbm:s17], [sflag:s5] =	dma.local [spmem:s7], $0x4F0  }
0x79: {  	_ =	swait.ge [sflag:s6], $0x4F0  }
0x7a: {  	[sflag:s6] =	ssyncset.done $0x0  }
.LBB2_2:
0x7b: {  	[sflag:s6] =	ssyncadd.s32 $0xFFFFFB10  }
0x7c: {  	_ =	sfence.sel $0x180000  }
0x7d: {  	[bflag:$0x0] =	sbarrier.arrive $0xFFFF  }
0x7e: {  	p0 =	sne.s32 s1, $0x0;
	_ =	strace $0x90000047  }
0x7f: {  	s0 =	sadd.s32 @!p0 $0x100000, s0;
	[bflag:$0x2] =	sbarrier.arrive $0xFFFF  }
0x80: {  	[sflag:s0] =	ssyncadd.tile.s32 @!p0 $0x1;
	_ =	shalt  }
.Lfunc_end2:
_tile_overlayer_lowered:
.L_overlay_start_2:
0x81: {  	(tag) =	ssettag $0x2  }
0x82: {  	s0 =	rddreg [dreg:$0x0];
	s2 =	stileid.u32  }
0x83: {  	s1 =	rddreg [dreg:$0x1];
	p0 =	sne.s32 s2, $0x0  }
0x84: {  	s3 =	rddreg [dreg:$0x2];
	[bflag:$0x3] =	sbarrier.arrive $0xFFFF;
	s2 =	simm.s32 @!p0 $0x1C02  }
0x85: {  	[timem:s3], [sflag:s2] =	dma.local @!p0 [hbm:s0], s1  }
0x86: {  	s0 =	simm.s32 @!p0 $0x2  }
0x87: {  	_ =	swait.ge @!p0 [sflag:s0], s1  }
0x88: {  	s1 =	ssub.s32 @!p0 $0x0, s1;
	[sflag:s0] =	ssyncset.done @!p0 $0x0  }
0x89: {  	[sflag:s0] =	ssyncadd.s32 @!p0 s1  }
0x8a: {  	[bflag:$0x3] =	sbarrier.arrive $0xFFFF  }
0x8b: {  	_ =	shalt  }

// kernel: kernel.13.cloned.1.call-start
scs
__scs_entry_jumppad:
0x0: {  	(pc) =	sbr.rel $0x88, $3  }
0x1: {  	(tag) =	ssettag $0x0;
	lr =	simm.s32 $0x1  }
0x2: {  	[smem:$0x3F8B] =	sst lr;
	_ =	strace $0xD0000000  }
0x3: {  	_ = 	snop  }
0x4: {  	_ = 	snop  }
0x5: {  	_ = 	snop  }
0x6: {  	_ = 	snop  }
0x7: {  	_ = 	snop  }
__scs_overlays_trampoline_lowered:
0x8: {  	[smem:$0x3F9A] =	sst s0  }
0x9: {  	[smem:$0x3F9B] =	sst s1  }
0xa: {  	[smem:$0x3F9C] =	sst s2  }
0xb: {  	[smem:$0x3F9D] =	sst s3  }
0xc: {  	[smem:$0x3F9E] =	sst s4  }
0xd: {  	[smem:$0x3F9F] =	sst s5  }
0xe: {  	[smem:$0x3FA0] =	sst s6  }
0xf: {  	[smem:$0x3FA1] =	sst s7  }
0x10: {  	[smem:$0x3FA2] =	sst s8  }
0x11: {  	[smem:$0x3FA3] =	sst s9;
	s0 =	simm.s32 @!p0 $0x0  }
0x12: {  	s1 =	sld [smem:$0x3F89];
	s0 =	simm.s32 @p0 $0x1  }
0x13: {  	[smem:$0x3FA4] =	sst s0;
	s0 =	simm.s32 @!p1 $0x0  }
0x14: {  	s2 =	sld [smem:$0x3F88];
	s0 =	simm.s32 @p1 $0x1  }
0x15: {  	[smem:$0x3FA5] =	sst s0;
	s0 =	simm.s32 @!p2 $0x0  }
0x16: {  	s3 =	sld [smem:$0x3FDB];
	s0 =	simm.s32 @p2 $0x1  }
0x17: {  	s4 =	simm.s32 $0x1BF5;
	[smem:$0x3FA7] =	sst s0  }
0x18: {  	s0 =	sld [smem:$0x3F8A];
	_ =	swait.ge [sflag:s4], $0x0  }
0x19: {  	s7 =	sld [smem:$0x3F8B]  }
0x1a: {  	s8 =	sadd.s32 $0xFFFFE003, lr  }
0x1b: {  	s9 =	sadd.s32 $0xFFFFFEF7, lr;
	s5 =	simm.s32 $0xFFFFFFFF;
	p2 =	slt.u32 s8, $0xFFFFF086  }
0x1c: {  	p1 =	slt.u32 s9, $0xF7A;
	s5 =	simm.s32 @!p2 $0x0  }
0x1d: {  	s5 =	simm.s32 @p1 $0x1;
	p0 =	seq.s32 s7, s2  }
0x1e: {  	s7 =	smul.u32 @!p0 $0xF7A, s2;
	p2 =	seq.s32 @!p0 s5, $0x0  }
0x1f: {  	s9 =	smul.u32 $0xF7A, s1;
	s8 =	simm.s32 @!p0 $0x1BF5;
	p2 =	por !p2, p0  }
0x20: {  	[sflag:s8] =	ssyncset.s32 @!p0 $0xFFFFF086;
	s6 =	sadd.s32 @!p0 s3, s7;
	s7 =	simm.s32 @!p0 $0x108  }
0x21: {  	s3 =	sadd.s32 s3, s9;
	s6 =	sadd.s32 @!p0 $0x88, s6;
	s7 =	simm.s32 @p2 $0x1082  }
0x22: {  	[simem:s7], [sflag:s8] =	dma.local @!p0 [hbm:s6], $0xF7A  }
0x23: {  	s9 =	sor.u32 $0xD0000000, s2;
	s6 =	simm.s32 $0x108;
	_ =	swait.ge @!p0 [sflag:s8], $0x0  }
0x24: {  	s3 =	sadd.s32 $0x88, s3;
	s6 =	simm.s32 @!p1 $0x1082;
	[sflag:s4] =	ssyncset.s32 $0xFFFFF086  }
0x25: {  	[simem:s6], [sflag:s4] =	dma.local [hbm:s3], $0xF7A  }
0x26: {  	[smem:$0x3F8B] =	sst s1;
	(tag) =	ssettag s2;
	_ =	strace s9  }
0x27: {  	s1 =	sld [smem:$0x3F9B]  }
0x28: {  	s2 =	sld [smem:$0x3F9C]  }
0x29: {  	s4 =	sld [smem:$0x3F9E]  }
0x2a: {  	p0 =	seq.s32 s5, $0x0;
	s5 =	sld [smem:$0x3F9F]  }
0x2b: {  	s6 =	sld [smem:$0x3FA0]  }
0x2c: {  	s7 =	sld [smem:$0x3FA1]  }
0x2d: {  	s3 =	simm.s32 $0x108;
	s8 =	sld [smem:$0x3FA2]  }
0x2e: {  	s3 =	simm.s32 @!p0 $0x1082;
	s9 =	sld [smem:$0x3FA3]  }
0x2f: {  	lr =	sadd.s32 s0, s3;
	s0 =	sld [smem:$0x3F9A]  }
0x30: {  	s3 =	sld [smem:$0x3F9D]  }
0x31: {  	[smem:$0x3FA6] =	sst s10  }
0x32: {  	s10 =	sld [smem:$0x3FA4];
	_ =	sdelay $0x3  }
0x33: {  	p0 =	seq.s32 s10, $0x1;
	s10 =	sld [smem:$0x3FA6];
	_ =	sdelay $0x3  }
0x34: {  	[smem:$0x3FA6] =	sst s10  }
0x35: {  	s10 =	sld [smem:$0x3FA5];
	_ =	sdelay $0x3  }
0x36: {  	p1 =	seq.s32 s10, $0x1;
	s10 =	sld [smem:$0x3FA6];
	_ =	sdelay $0x3  }
0x37: {  	[smem:$0x3FA6] =	sst s10  }
0x38: {  	s10 =	sld [smem:$0x3FA7]  }
0x39: {  	_ = 	snop;
	(pc) =	sbr.ind lr, $3  }
0x3a: {  	_ = 	snop  }
0x3b: {  	_ = 	snop  }
0x3c: {  	p2 =	seq.s32 s10, $0x1;
	s10 =	sld [smem:$0x3FA6]  }
0x3d: {  	_ =	shalt  }
0x3e: {  	_ =	shalt  }
0x3f: {  	_ =	shalt  }
0x40: {  	_ =	shalt  }
0x41: {  	_ =	shalt  }
0x42: {  	_ =	shalt  }
0x43: {  	_ =	shalt  }
0x44: {  	_ =	shalt  }
0x45: {  	_ =	shalt  }
0x46: {  	_ =	shalt  }
0x47: {  	_ =	shalt  }
0x48: {  	_ =	shalt  }
0x49: {  	_ =	shalt  }
0x4a: {  	_ =	shalt  }
0x4b: {  	_ =	shalt  }
0x4c: {  	_ =	shalt  }
0x4d: {  	_ =	shalt  }
0x4e: {  	_ =	shalt  }
0x4f: {  	_ =	shalt  }
0x50: {  	_ =	shalt  }
0x51: {  	_ =	shalt  }
0x52: {  	_ =	shalt  }
0x53: {  	_ =	shalt  }
0x54: {  	_ =	shalt  }
0x55: {  	_ =	shalt  }
0x56: {  	_ =	shalt  }
0x57: {  	_ =	shalt  }
0x58: {  	_ =	shalt  }
0x59: {  	_ =	shalt  }
0x5a: {  	_ =	shalt  }
0x5b: {  	_ =	shalt  }
0x5c: {  	_ =	shalt  }
0x5d: {  	_ =	shalt  }
0x5e: {  	_ =	shalt  }
0x5f: {  	_ =	shalt  }
0x60: {  	_ =	shalt  }
0x61: {  	_ =	shalt  }
0x62: {  	_ =	shalt  }
0x63: {  	_ =	shalt  }
0x64: {  	_ =	shalt  }
0x65: {  	_ =	shalt  }
0x66: {  	_ =	shalt  }
0x67: {  	_ =	shalt  }
0x68: {  	_ =	shalt  }
0x69: {  	_ =	shalt  }
0x6a: {  	_ =	shalt  }
0x6b: {  	_ =	shalt  }
0x6c: {  	_ =	shalt  }
0x6d: {  	_ =	shalt  }
0x6e: {  	_ =	shalt  }
0x6f: {  	_ =	shalt  }
0x70: {  	_ =	shalt  }
0x71: {  	_ =	shalt  }
0x72: {  	_ =	shalt  }
0x73: {  	_ =	shalt  }
0x74: {  	_ =	shalt  }
0x75: {  	_ =	shalt  }
0x76: {  	_ =	shalt  }
0x77: {  	_ =	shalt  }
0x78: {  	_ =	shalt  }
0x79: {  	_ =	shalt  }
0x7a: {  	_ =	shalt  }
0x7b: {  	_ =	shalt  }
0x7c: {  	_ =	shalt  }
0x7d: {  	_ =	shalt  }
0x7e: {  	_ =	shalt  }
0x7f: {  	_ =	shalt  }
0x80: {  	_ =	shalt  }
0x81: {  	_ =	shalt  }
0x82: {  	_ =	shalt  }
0x83: {  	_ =	shalt  }
0x84: {  	_ =	shalt  }
0x85: {  	_ =	shalt  }
0x86: {  	_ =	shalt  }
0x87: {  	_ =	shalt  }
.Lfunc_end0:
.L_simem_size_0:
called_computation.1_lowered:
.L_overlay_start_0:
0x88: {  	s2 =	sld [smem:$0x3FD9]  }
0x89: {  	s3 =	sld [smem:$0x3FFE];
	_ =	sdelay $0x1  }
0x8a: {  	s1 =	srdreg.scid  }
0x8b: {  	s0 =	sand.u32 $0x1, s1  }
0x8c: {  	s16 =	sshll.u32 s0, $0xA;
	s2 =	sadd.s32 s3, s2  }
0x8d: {  	s2 =	sadd.s32 s2, s16  }
0x8e: {  	[smem:$0x3FB2] =	sst s2  }
0x8f: {  	_ = 	snop  }
0x90: {  	(tm) =	ssettm $0x1  }
0x91: {  	s17 =	sld [smem:$0x3FFB];
	_ =	sdelay $0x3  }
0x92: {  	_ =	strace s17  }
0x93: {  	s2 =	sld [smem:$0x3FFC];
	_ =	sdelay $0x3  }
0x94: {  	_ =	strace s2  }
0x95: {  	s2 =	sld [smem:$0x3FFD];
	_ =	sdelay $0x3  }
0x96: {  	_ =	strace s2  }
0x97: {  	_ =	strace $0x8FFFFFFF  }
0x98: {  	s18 =	sld [smem:$0x3FDB];
	_ =	sdelay $0x1  }
0x99: {  	s19 =	simm.s32 $_scs_section_size  }
0x9a: {  	s4 =	simm.s32 $_size__tile_overlayer_lowered;
	s5 =	simm.s32 $_tile_overlayer_lowered  }
0x9b: {  	s22 =	simm.s32 $0x1BFF;
	s21 =	sshll.u32 s5, $0x1;
	s2 =	sadd.s32 s19, s18  }
0x9c: {  	s6 =	simm.s32 $0x0;
	s20 =	sshll.u32 s4, $0x1;
	s4 =	sadd.s32 s21, s2  }
0x9d: {  	[timem:s6], [sflag:s22] =	dma.local [hbm:s4], s20  }
0x9e: {  	_ =	swait.ge [sflag:s22], s20  }
0x9f: {  	s3 =	ssub.s32 $0x0, s20;
	[sflag:s22] =	ssyncset.done $0x0  }
0xa0: {  	[sflag:s22] =	ssyncadd.s32 s3;
	_ =	sdelay $0x1  }
0xa1: {  	s23 =	simm.s32 $0x1B8B  }
0xa2: {  	_ =	swait.ge [sflag:s23], $0x1  }
0xa3: {  	[sflag:s23] =	ssyncset.done $0x0  }
0xa4: {  	s25 =	simm.s32 $0x1B8E;
	s24 =	sld [smem:$0x3FFE];
	[sflag:s23] =	ssyncadd.s32 $0xFFFFFFFF  }
0xa5: {  	s26 =	simm.s32 $execute0_lowered;
	[smem:$0x3FD2] =	sst s25  }
0xa6: {  	s4 =	sshll.u32 s26, $0x1;
	_ =	strace $0x80000049;
	[dreg:$0x1] =	wrdreg $0xFFFFFFFF  }
0xa7: {  	s28 =	simm.s32 $_size_execute0_lowered;
	s2 =	sadd.s32 s2, s4;
	[dreg:$0x0] =	wrdreg $0x0  }
0xa8: {  	s4 =	sshll.u32 s28, $0x1;
	[dreg:$0x2] =	wrdreg s2  }
0xa9: {  	[dreg:$0x3] =	wrdreg s4  }
0xaa: {  	[dreg:$0x4] =	wrdreg $0xC0  }
0xab: {  	_ =	task [dreg:s6], $0x5FFFF  }
0xac: {  	[dreg:$0x1] =	wrdreg $0xFFFFFFFF  }
0xad: {  	[dreg:$0x0] =	wrdreg $0x60  }
0xae: {  	[dreg:$0x2] =	wrdreg s24  }
0xaf: {  	[dreg:$0x3] =	wrdreg $0x119400  }
0xb0: {  	[dreg:$0x4] =	wrdreg $0x140C00  }
0xb1: {  	[dreg:$0x5] =	wrdreg $0x9  }
0xb2: {  	_ =	task.clear_ibuf [dreg:s6], $0x6FFFF;
	_ =	strace $0x90000049  }
0xb3: {  	s29 =	simm.s32 $0x9;
	_ =	strace $0x8000004B  }
0xb4: {  	_ =	swait.ge [sflag:s29], $0x1  }
0xb5: {  	[sflag:s29] =	ssyncadd.s32 $0xFFFFFFFF  }
0xb6: {  	_ =	strace $0x9000004B  }
0xb7: {  	_ =	sfence  }
0xb8: {  	s30 =	sld [smem:$0x0];
	_ =	sdelay $0x2  }
0xb9: {  	s31 =	sshll.u32 s1, $0xD;
	s1 =	sshrl.u32 s1, $0x2  }
0xba: {  	s3 =	sand.u32 $0x4000, s31;
	s1 =	sadd.s32 s1, s30  }
0xbb: {  	s0 =	sor.u32 s3, s0;
	s1 =	sshll.u32 s1, $0x11  }
0xbc: {  	s0 =	sor.u32 s1, s0  }
0xbd: {  	s0 =	sadd.s32 $0x8F2B, s0  }
0xbe: {  	[sflag:s0] =	ssyncadd.remote.s32 $0x1  }
0xbf: {  	_ =	sfence.sel $0xFFFF  }
0xc0: {  	[dreg:$0x0] =	wrdreg $0xFFFFFFFF;
	(pc) =	sbr.abs _section_cstart, $3  }
0xc1: {  	[dreg:$0x1] =	wrdreg $0xFFFFFFFF  }
0xc2: {  	_ =	task.clear_ibuf [dreg:s6], $0x2FFFF;
	_ =	strace $0x9FFFFFFF  }
0xc3: {  	(tm) =	ssettm $0x7FFFFFFF  }
tec
execute0_lowered:
.L_overlay_start_1:
0x0: {  	(tag) =	ssettag $0x1  }
0x1: {  	s0 =	rddreg [dreg:$0x0]  }
0x2: {  	s2 =	rddreg [dreg:$0x1]  }
0x3: {  	s3 =	rddreg [dreg:$0x2];
	s29 =	stileid.u32  }
0x4: {  	s28 =	rddreg [dreg:$0x3];
	s4 =	simm.s32 $0x0;
	s5 =	srdreg.scid  }
0x5: {  	s16 =	simm.s32 $0x1770;
	p0 =	por $0x0, $0x0;
	s1 =	smul.u32 $0x2780, s29  }
0x6: {  	[smem:$0x7FF] =	sst s4;
	s5 =	sand.u32 $0x1, s5;
	s7 =	sadd.s32 $0x18E00, s0  }
0x7: {  	s10 =	sadd.s32 $0x5400, s0;
	s12 =	sshll.u32 s29, $0x6;
	_ =	strace $0x8000004A  }
0x8: {  	s9 =	smul.u32 $0x4F00, s5;
	[dreg:$0x4] =	wrdreg s7;
	s26 =	sshll.u32 s5, $0x4  }
0x9: {  	s5 =	ssub.s32 $0x2, s5;
	s8 =	sshrl.u32 s1, $0x3;
	s7 =	sor.u32 s29, s26  }
0xa: {  	s11 =	sshrl.u32 s5, $0x1;
	s13 =	sadd.s32 s1, s2;
	s1 =	sadd.s32 s1, s3  }
0xb: {  	s6 =	sadd.s32 s8, s0;
	s9 =	sadd.s32 s9, s0;
	s7 =	smul.u32 $0x2710, s7  }
0xc: {  	s11 =	ssub.s32 s5, s11;
	s5 =	sor.u32 $0x1C03, s12;
	s12 =	sadd.s32 $0xF040, s0  }
0xd: {  	s26 =	sshrl.u32 s1, $0x3;
	s1 =	rddreg [dreg:$0x4];
	s6 =	sadd.s32 $0x19400, s6  }
0xe: {  	s31 =	sadd.s32 $0x1E400, s9;
	s18 =	smax.u32 s11, $0x1;
	s9 =	simm.s32 $0xFA0  }
0xf: {  	s11 =	simm.s32 $0x1F40;
	s14 =	sshrl.u32 s7, $0x3;
	[dreg:$0x5] =	wrdreg s6  }
0x10: {  	s7 =	sshrl.u32 s13, $0x3;
	s6 =	simm.s32 $0x3;
	s13 =	simm.s32 $0x1  }
0x11: {  	s8 =	sadd.s32 s8, s31;
	p1 =	sne.s32 s18, $0x1;
	s0 =	sadd.s32 $0xFFFFFFFF, s18  }
.Ltmp0:
0x12: {  	s18 =	simm.s32 $0x9C40;
	s30 =	sadd.s32 s10, s14;
	(pc) =	sbr.rel @!p1 .LBB2_5-.Ltmp0, $4  }
0x13: {  	s23 =	sadd.s32 $0xFA, s14;
	s21 =	sadd.s32 $0x1F4, s14;
	s19 =	sadd.s32 $0x2EE, s14  }
0x14: {  	s15 =	sadd.s32 $0x3E8, s14;
	s25 =	sadd.s32 s14, s12;
	s14 =	simm.s32 $0x2  }
0x15: {  	[dreg:$0x6] =	wrdreg s30;
	s24 =	sadd.s32 s10, s23;
	s22 =	sadd.s32 s10, s21  }
0x16: {  	s20 =	sadd.s32 s10, s19;
	s17 =	sadd.s32 s10, s15;
	s10 =	simm.s32 $0x7D0  }
0x17: {  	[spmem:s7], [sflag:s5] =	dma.local [hbm:s1], $0x4F0  }
0x18: {  	_ =	swait.ge [sflag:s6], $0x4F0  }
0x19: {  	[sflag:s6] =	ssyncset.done $0x0  }
0x1a: {  	s1 =	rddreg [dreg:$0x5];
	[sflag:s6] =	ssyncadd.s32 $0xFFFFFB10  }
0x1b: {  	[spmem:s26], [sflag:s5] =	dma.local [hbm:s1], $0x4F0  }
0x1c: {  	_ =	swait.ge [sflag:s6], $0x4F0  }
0x1d: {  	[sflag:s6] =	ssyncset.done $0x0  }
0x1e: {  	s1 =	rddreg [dreg:$0x6];
	[sflag:s6] =	ssyncadd.s32 $0xFFFFFB10  }
0x1f: {  	[tilespmem:s4], [sflag:$0x1] =	stream.linear.gather [hbm4b:s1+s4], $0x7D0, $0x38;
	[tilespmem:$0x16840] =	vst v63  }
0x20: {  	_ = 	snop  }
0x21: {  	[tilespmem:s9], [sflag:$0x1] =	stream.linear.gather [hbm4b:s25+s4], $0x7D0, $0x38;
	[tilespmem:$0x16840] =	vst v63  }
0x22: {  	_ =	swait.ge [sflag:s13], $0x7D0  }
0x23: {  	[sflag:s13] =	ssyncset.done $0x0  }
0x24: {  	[sflag:s13] =	ssyncadd.s32 $0xFFFFF830  }
0x25: {  	_ =	swait.ge [sflag:s13], $0x7D0  }
0x26: {  	[sflag:s13] =	ssyncset.done $0x0  }
0x27: {  	[sflag:s13] =	ssyncadd.s32 $0xFFFFF830  }
0x28: {  	[bflag:$0x0] =	sbarrier.arrive $0xFFFF  }
0x29: {  	[tilespmem:s11], [sflag:$0x2] =	stream.indirect.gather [spmem:s3], $0x10, s4, s10, $0xb8;
	[tilespmem:$0x16840] =	vst v63  }
0x2a: {  	_ = 	snop  }
0x2b: {  	[tilespmem:s10], [sflag:$0x1] =	stream.linear.gather [hbm4b:s24+s4], $0x7D0, $0x38;
	[tilespmem:$0x16840] =	vst v63  }
0x2c: {  	s28 =	sadd.s32 s23, s12  }
0x2d: {  	[tilespmem:s16], [sflag:$0x1] =	stream.linear.gather [hbm4b:s28+s4], $0x7D0, $0x38;
	[tilespmem:$0x16840] =	vst v63  }
0x2e: {  	_ =	swait.ge [sflag:s14], $0x7D00  }
0x2f: {  	[sflag:s14] =	ssyncset.done $0x0  }
0x30: {  	[sflag:s14] =	ssyncadd.s32 $0xFFFF8300  }
0x31: {  	_ =	swait.ge [sflag:s13], $0x7D0  }
0x32: {  	[sflag:s13] =	ssyncset.done $0x0  }
0x33: {  	[sflag:s13] =	ssyncadd.s32 $0xFFFFF830  }
0x34: {  	_ =	swait.ge [sflag:s13], $0x7D0  }
0x35: {  	[sflag:s13] =	ssyncset.done $0x0  }
0x36: {  	[sflag:s13] =	ssyncadd.s32 $0xFFFFF830  }
0x37: {  	[tilespmem:s18], [sflag:$0x2] =	stream.indirect.gather [spmem:s3], $0x10, s10, s10, $0xb8;
	[tilespmem:$0x16840] =	vst v63  }
0x38: {  	_ = 	snop  }
0x39: {  	[spmem:s2] =	stream.indirect.scatter.add.f32 [tilespmem:s11], [sflag:$0x3], $0x10, s9, s10, $0xb8;
	[tilespmem:$0x16840] =	vst v63  }
0x3a: {  	_ =	swait.ge [sflag:s6], $0x7D00  }
0x3b: {  	[sflag:s6] =	ssyncset.done $0x0  }
0x3c: {  	[sflag:s6] =	ssyncadd.s32 $0xFFFF8300  }
0x3d: {  	[tilespmem:s4], [sflag:$0x1] =	stream.linear.gather [hbm4b:s22+s4], $0x7D0, $0x38;
	[tilespmem:$0x16840] =	vst v63  }
0x3e: {  	s29 =	sadd.s32 s12, s21  }
0x3f: {  	[tilespmem:s9], [sflag:$0x1] =	stream.linear.gather [hbm4b:s29+s4], $0x7D0, $0x38;
	[tilespmem:$0x16840] =	vst v63  }
0x40: {  	_ =	swait.ge [sflag:s14], $0x7D00  }
0x41: {  	[sflag:s14] =	ssyncset.done $0x0  }
0x42: {  	[sflag:s14] =	ssyncadd.s32 $0xFFFF8300  }
0x43: {  	_ =	swait.ge [sflag:s13], $0x7D0  }
0x44: {  	[sflag:s13] =	ssyncset.done $0x0  }
0x45: {  	[sflag:s13] =	ssyncadd.s32 $0xFFFFF830  }
0x46: {  	_ =	swait.ge [sflag:s13], $0x7D0  }
0x47: {  	[sflag:s13] =	ssyncset.done $0x0  }
0x48: {  	[sflag:s13] =	ssyncadd.s32 $0xFFFFF830  }
0x49: {  	[tilespmem:s11], [sflag:$0x2] =	stream.indirect.gather [spmem:s3], $0x10, s4, s10, $0xb8;
	[tilespmem:$0x16840] =	vst v63  }
0x4a: {  	_ = 	snop  }
0x4b: {  	[spmem:s2] =	stream.indirect.scatter.add.f32 [tilespmem:s18], [sflag:$0x3], $0x10, s16, s10, $0xb8;
	[tilespmem:$0x16840] =	vst v63  }
0x4c: {  	_ =	swait.ge [sflag:s6], $0x7D00  }
0x4d: {  	[sflag:s6] =	ssyncset.done $0x0  }
0x4e: {  	[sflag:s6] =	ssyncadd.s32 $0xFFFF8300  }
0x4f: {  	[tilespmem:s10], [sflag:$0x1] =	stream.linear.gather [hbm4b:s20+s4], $0x7D0, $0x38;
	[tilespmem:$0x16840] =	vst v63  }
0x50: {  	s30 =	sadd.s32 s12, s19  }
0x51: {  	[tilespmem:s16], [sflag:$0x1] =	stream.linear.gather [hbm4b:s30+s4], $0x7D0, $0x38;
	[tilespmem:$0x16840] =	vst v63  }
0x52: {  	_ =	swait.ge [sflag:s14], $0x7D00  }
0x53: {  	[sflag:s14] =	ssyncset.done $0x0  }
0x54: {  	[sflag:s14] =	ssyncadd.s32 $0xFFFF8300  }
0x55: {  	_ =	swait.ge [sflag:s13], $0x7D0  }
0x56: {  	[sflag:s13] =	ssyncset.done $0x0  }
0x57: {  	[sflag:s13] =	ssyncadd.s32 $0xFFFFF830  }
0x58: {  	_ =	swait.ge [sflag:s13], $0x7D0  }
0x59: {  	[sflag:s13] =	ssyncset.done $0x0  }
0x5a: {  	[sflag:s13] =	ssyncadd.s32 $0xFFFFF830  }
0x5b: {  	[tilespmem:s18], [sflag:$0x2] =	stream.indirect.gather [spmem:s3], $0x10, s10, s10, $0xb8;
	[tilespmem:$0x16840] =	vst v63  }
0x5c: {  	_ = 	snop  }
0x5d: {  	[spmem:s2] =	stream.indirect.scatter.add.f32 [tilespmem:s11], [sflag:$0x3], $0x10, s9, s10, $0xb8;
	[tilespmem:$0x16840] =	vst v63  }
0x5e: {  	_ =	swait.ge [sflag:s6], $0x7D00  }
0x5f: {  	[sflag:s6] =	ssyncset.done $0x0  }
0x60: {  	[sflag:s6] =	ssyncadd.s32 $0xFFFF8300  }
0x61: {  	[tilespmem:s4], [sflag:$0x1] =	stream.linear.gather [hbm4b:s17+s4], $0x7D0, $0x38;
	[tilespmem:$0x16840] =	vst v63  }
0x62: {  	s31 =	sadd.s32 s12, s15  }
0x63: {  	[tilespmem:s9], [sflag:$0x1] =	stream.linear.gather [hbm4b:s31+s4], $0x7D0, $0x38;
	[tilespmem:$0x16840] =	vst v63  }
0x64: {  	_ =	swait.ge [sflag:s14], $0x7D00  }
0x65: {  	[sflag:s14] =	ssyncset.done $0x0  }
0x66: {  	[sflag:s14] =	ssyncadd.s32 $0xFFFF8300  }
0x67: {  	_ =	swait.ge [sflag:s13], $0x7D0  }
0x68: {  	[sflag:s13] =	ssyncset.done $0x0  }
0x69: {  	[sflag:s13] =	ssyncadd.s32 $0xFFFFF830  }
0x6a: {  	_ =	swait.ge [sflag:s13], $0x7D0  }
0x6b: {  	[sflag:s13] =	ssyncset.done $0x0  }
0x6c: {  	[sflag:s13] =	ssyncadd.s32 $0xFFFFF830  }
0x6d: {  	[tilespmem:s11], [sflag:$0x2] =	stream.indirect.gather [spmem:s3], $0x10, s4, s10, $0xb8;
	[tilespmem:$0x16840] =	vst v63  }
0x6e: {  	_ = 	snop  }
0x6f: {  	[spmem:s2] =	stream.indirect.scatter.add.f32 [tilespmem:s18], [sflag:$0x3], $0x10, s16, s10, $0xb8;
	[tilespmem:$0x16840] =	vst v63  }
0x70: {  	_ =	swait.ge [sflag:s6], $0x7D00  }
0x71: {  	[sflag:s6] =	ssyncset.done $0x0  }
0x72: {  	[sflag:s6] =	ssyncadd.s32 $0xFFFF8300  }
0x73: {  	_ =	swait.ge [sflag:s14], $0x7D00  }
0x74: {  	[sflag:s14] =	ssyncset.done $0x0  }
0x75: {  	[sflag:s14] =	ssyncadd.s32 $0xFFFF8300  }
0x76: {  	[spmem:s2] =	stream.indirect.scatter.add.f32 [tilespmem:s11], [sflag:$0x3], $0x10, s9, s10, $0xb8;
	[tilespmem:$0x16840] =	vst v63  }
0x77: {  	_ =	swait.ge [sflag:s6], $0x7D00  }
0x78: {  	p1 =	sne.s32 s0, $0x1;
	[sflag:s6] =	ssyncset.done $0x0  }
.Ltmp1:
0x79: {  	[sflag:s6] =	ssyncadd.s32 $0xFFFF8300;
	(pc) =	sbr.rel @!p1 .LBB2_2-.Ltmp1, $4  }
0x7a: {  	[bflag:$0x0] =	sbarrier.arrive $0xFFFF  }
0x7b: {  	[hbm:s8], [sflag:s5] =	dma.local [spmem:s7], $0x4F0  }
0x7c: {  	s0 =	sadd.s32 $0xFFFFFFFF, s0;
	_ =	swait.ge [sflag:s6], $0x4F0  }
0x7d: {  	p0 =	por $0x1, $0x1;
	s1 =	rddreg [dreg:$0x4];
	[sflag:s6] =	ssyncset.done $0x0  }
.LBB2_3:
0x7e: {  	[sflag:s6] =	ssyncadd.s32 $0xFFFFFB10  }
0x7f: {  	[spmem:s7], [sflag:s5] =	dma.local [hbm:s1], $0x4F0  }
0x80: {  	_ =	swait.ge [sflag:s6], $0x4F0  }
0x81: {  	[sflag:s6] =	ssyncset.done $0x0  }
0x82: {  	s1 =	rddreg [dreg:$0x5];
	[sflag:s6] =	ssyncadd.s32 $0xFFFFFB10  }
0x83: {  	[spmem:s26], [sflag:s5] =	dma.local [hbm:s1], $0x4F0  }
0x84: {  	_ =	swait.ge [sflag:s6], $0x4F0  }
0x85: {  	[sflag:s6] =	ssyncset.done $0x0  }
0x86: {  	s1 =	rddreg [dreg:$0x6];
	[sflag:s6] =	ssyncadd.s32 $0xFFFFFB10  }
0x87: {  	[tilespmem:s4], [sflag:$0x1] =	stream.linear.gather [hbm4b:s1+s4], $0x7D0, $0x38;
	[tilespmem:$0x16840] =	vst v63  }
0x88: {  	_ = 	snop  }
0x89: {  	[tilespmem:s9], [sflag:$0x1] =	stream.linear.gather [hbm4b:s25+s4], $0x7D0, $0x38;
	[tilespmem:$0x16840] =	vst v63  }
0x8a: {  	_ =	swait.ge [sflag:s13], $0x7D0  }
0x8b: {  	[sflag:s13] =	ssyncset.done $0x0  }
0x8c: {  	[sflag:s13] =	ssyncadd.s32 $0xFFFFF830  }
0x8d: {  	_ =	swait.ge [sflag:s13], $0x7D0  }
0x8e: {  	[sflag:s13] =	ssyncset.done $0x0  }
0x8f: {  	[sflag:s13] =	ssyncadd.s32 $0xFFFFF830  }
0x90: {  	[bflag:$0x0] =	sbarrier.arrive $0xFFFF  }
0x91: {  	[tilespmem:s11], [sflag:$0x2] =	stream.indirect.gather [spmem:s3], $0x10, s4, s10, $0xb8;
	[tilespmem:$0x16840] =	vst v63  }
0x92: {  	_ = 	snop  }
0x93: {  	[tilespmem:s10], [sflag:$0x1] =	stream.linear.gather [hbm4b:s24+s4], $0x7D0, $0x38;
	[tilespmem:$0x16840] =	vst v63  }
0x94: {  	_ = 	snop  }
0x95: {  	[tilespmem:s16], [sflag:$0x1] =	stream.linear.gather [hbm4b:s28+s4], $0x7D0, $0x38;
	[tilespmem:$0x16840] =	vst v63  }
0x96: {  	_ =	swait.ge [sflag:s14], $0x7D00  }
0x97: {  	[sflag:s14] =	ssyncset.done $0x0  }
0x98: {  	[sflag:s14] =	ssyncadd.s32 $0xFFFF8300  }
0x99: {  	_ =	swait.ge [sflag:s13], $0x7D0  }
0x9a: {  	[sflag:s13] =	ssyncset.done $0x0  }
0x9b: {  	[sflag:s13] =	ssyncadd.s32 $0xFFFFF830  }
0x9c: {  	_ =	swait.ge [sflag:s13], $0x7D0  }
0x9d: {  	[sflag:s13] =	ssyncset.done $0x0  }
0x9e: {  	[sflag:s13] =	ssyncadd.s32 $0xFFFFF830  }
0x9f: {  	[tilespmem:s18], [sflag:$0x2] =	stream.indirect.gather [spmem:s3], $0x10, s10, s10, $0xb8;
	[tilespmem:$0x16840] =	vst v63  }
0xa0: {  	_ = 	snop  }
0xa1: {  	[spmem:s2] =	stream.indirect.scatter.add.f32 [tilespmem:s11], [sflag:$0x3], $0x10, s9, s10, $0xb8;
	[tilespmem:$0x16840] =	vst v63  }
0xa2: {  	_ =	swait.ge [sflag:s6], $0x7D00  }
0xa3: {  	[sflag:s6] =	ssyncset.done $0x0  }
0xa4: {  	[sflag:s6] =	ssyncadd.s32 $0xFFFF8300  }
0xa5: {  	[tilespmem:s4], [sflag:$0x1] =	stream.linear.gather [hbm4b:s22+s4], $0x7D0, $0x38;
	[tilespmem:$0x16840] =	vst v63  }
0xa6: {  	_ = 	snop  }
0xa7: {  	[tilespmem:s9], [sflag:$0x1] =	stream.linear.gather [hbm4b:s29+s4], $0x7D0, $0x38;
	[tilespmem:$0x16840] =	vst v63  }
0xa8: {  	_ =	swait.ge [sflag:s14], $0x7D00  }
0xa9: {  	[sflag:s14] =	ssyncset.done $0x0  }
0xaa: {  	[sflag:s14] =	ssyncadd.s32 $0xFFFF8300  }
0xab: {  	_ =	swait.ge [sflag:s13], $0x7D0  }
0xac: {  	[sflag:s13] =	ssyncset.done $0x0  }
0xad: {  	[sflag:s13] =	ssyncadd.s32 $0xFFFFF830  }
0xae: {  	_ =	swait.ge [sflag:s13], $0x7D0  }
0xaf: {  	[sflag:s13] =	ssyncset.done $0x0  }
0xb0: {  	[sflag:s13] =	ssyncadd.s32 $0xFFFFF830  }
0xb1: {  	[tilespmem:s11], [sflag:$0x2] =	stream.indirect.gather [spmem:s3], $0x10, s4, s10, $0xb8;
	[tilespmem:$0x16840] =	vst v63  }
0xb2: {  	_ = 	snop  }
0xb3: {  	[spmem:s2] =	stream.indirect.scatter.add.f32 [tilespmem:s18], [sflag:$0x3], $0x10, s16, s10, $0xb8;
	[tilespmem:$0x16840] =	vst v63  }
0xb4: {  	_ =	swait.ge [sflag:s6], $0x7D00  }
0xb5: {  	[sflag:s6] =	ssyncset.done $0x0  }
0xb6: {  	[sflag:s6] =	ssyncadd.s32 $0xFFFF8300  }
0xb7: {  	[tilespmem:s10], [sflag:$0x1] =	stream.linear.gather [hbm4b:s20+s4], $0x7D0, $0x38;
	[tilespmem:$0x16840] =	vst v63  }
0xb8: {  	_ = 	snop  }
0xb9: {  	[tilespmem:s16], [sflag:$0x1] =	stream.linear.gather [hbm4b:s30+s4], $0x7D0, $0x38;
	[tilespmem:$0x16840] =	vst v63  }
0xba: {  	_ =	swait.ge [sflag:s14], $0x7D00  }
0xbb: {  	[sflag:s14] =	ssyncset.done $0x0  }
0xbc: {  	[sflag:s14] =	ssyncadd.s32 $0xFFFF8300  }
0xbd: {  	_ =	swait.ge [sflag:s13], $0x7D0  }
0xbe: {  	[sflag:s13] =	ssyncset.done $0x0  }
0xbf: {  	[sflag:s13] =	ssyncadd.s32 $0xFFFFF830  }
0xc0: {  	_ =	swait.ge [sflag:s13], $0x7D0  }
0xc1: {  	[sflag:s13] =	ssyncset.done $0x0  }
0xc2: {  	[sflag:s13] =	ssyncadd.s32 $0xFFFFF830  }
0xc3: {  	[tilespmem:s18], [sflag:$0x2] =	stream.indirect.gather [spmem:s3], $0x10, s10, s10, $0xb8;
	[tilespmem:$0x16840] =	vst v63  }
0xc4: {  	_ = 	snop  }
0xc5: {  	[spmem:s2] =	stream.indirect.scatter.add.f32 [tilespmem:s11], [sflag:$0x3], $0x10, s9, s10, $0xb8;
	[tilespmem:$0x16840] =	vst v63  }
0xc6: {  	_ =	swait.ge [sflag:s6], $0x7D00  }
0xc7: {  	[sflag:s6] =	ssyncset.done $0x0  }
0xc8: {  	[sflag:s6] =	ssyncadd.s32 $0xFFFF8300  }
0xc9: {  	[tilespmem:s4], [sflag:$0x1] =	stream.linear.gather [hbm4b:s17+s4], $0x7D0, $0x38;
	[tilespmem:$0x16840] =	vst v63  }
0xca: {  	_ = 	snop  }
0xcb: {  	[tilespmem:s9], [sflag:$0x1] =	stream.linear.gather [hbm4b:s31+s4], $0x7D0, $0x38;
	[tilespmem:$0x16840] =	vst v63  }
0xcc: {  	_ =	swait.ge [sflag:s14], $0x7D00  }
0xcd: {  	[sflag:s14] =	ssyncset.done $0x0  }
0xce: {  	[sflag:s14] =	ssyncadd.s32 $0xFFFF8300  }
0xcf: {  	_ =	swait.ge [sflag:s13], $0x7D0  }
0xd0: {  	[sflag:s13] =	ssyncset.done $0x0  }
0xd1: {  	[sflag:s13] =	ssyncadd.s32 $0xFFFFF830  }
0xd2: {  	_ =	swait.ge [sflag:s13], $0x7D0  }
0xd3: {  	[sflag:s13] =	ssyncset.done $0x0  }
0xd4: {  	[sflag:s13] =	ssyncadd.s32 $0xFFFFF830  }
0xd5: {  	[tilespmem:s11], [sflag:$0x2] =	stream.indirect.gather [spmem:s3], $0x10, s4, s10, $0xb8;
	[tilespmem:$0x16840] =	vst v63  }
0xd6: {  	_ = 	snop  }
0xd7: {  	[spmem:s2] =	stream.indirect.scatter.add.f32 [tilespmem:s18], [sflag:$0x3], $0x10, s16, s10, $0xb8;
	[tilespmem:$0x16840] =	vst v63  }
0xd8: {  	_ =	swait.ge [sflag:s6], $0x7D00  }
0xd9: {  	[sflag:s6] =	ssyncset.done $0x0  }
0xda: {  	[sflag:s6] =	ssyncadd.s32 $0xFFFF8300  }
0xdb: {  	_ =	swait.ge [sflag:s14], $0x7D00  }
0xdc: {  	[sflag:s14] =	ssyncset.done $0x0  }
0xdd: {  	[sflag:s14] =	ssyncadd.s32 $0xFFFF8300  }
0xde: {  	[spmem:s2] =	stream.indirect.scatter.add.f32 [tilespmem:s11], [sflag:$0x3], $0x10, s9, s10, $0xb8;
	[tilespmem:$0x16840] =	vst v63  }
0xdf: {  	_ =	swait.ge [sflag:s6], $0x7D00  }
0xe0: {  	p1 =	sne.s32 s0, $0x1;
	[sflag:s6] =	ssyncset.done $0x0  }
.Ltmp2:
0xe1: {  	[sflag:s6] =	ssyncadd.s32 $0xFFFF8300;
	(pc) =	sbr.rel @p1 .LBB2_3-.Ltmp2, $4  }
0xe2: {  	[bflag:$0x0] =	sbarrier.arrive $0xFFFF  }
0xe3: {  	[hbm:s8], [sflag:s5] =	dma.local [spmem:s7], $0x4F0  }
0xe4: {  	_ =	swait.ge [sflag:s6], $0x4F0  }
0xe5: {  	s0 =	sadd.s32 $0xFFFFFFFF, s0;
	s1 =	rddreg [dreg:$0x4];
	[sflag:s6] =	ssyncset.done $0x0  }
0xe6: {  	s28 =	rddreg [dreg:$0x3];
	s29 =	stileid.u32  }
.LBB2_5:
0xe7: {  	[sflag:s6] =	ssyncadd.s32 @p0 $0xFFFFFB10  }
0xe8: {  	[spmem:s7], [sflag:s5] =	dma.local [hbm:s1], $0x4F0  }
0xe9: {  	_ =	swait.ge [sflag:s6], $0x4F0  }
0xea: {  	[sflag:s6] =	ssyncset.done $0x0  }
0xeb: {  	s0 =	rddreg [dreg:$0x5];
	[sflag:s6] =	ssyncadd.s32 $0xFFFFFB10  }
0xec: {  	[spmem:s26], [sflag:s5] =	dma.local [hbm:s0], $0x4F0  }
0xed: {  	_ =	swait.ge [sflag:s6], $0x4F0  }
0xee: {  	[sflag:s6] =	ssyncset.done $0x0  }
0xef: {  	s1 =	rddreg [dreg:$0x6];
	[sflag:s6] =	ssyncadd.s32 $0xFFFFFB10  }
0xf0: {  	[tilespmem:s4], [sflag:$0x1] =	stream.linear.gather [hbm4b:s1+s4], $0x7D0, $0x38;
	[tilespmem:$0x16840] =	vst v63  }
0xf1: {  	_ = 	snop  }
0xf2: {  	[tilespmem:s9], [sflag:$0x1] =	stream.linear.gather [hbm4b:s25+s4], $0x7D0, $0x38;
	[tilespmem:$0x16840] =	vst v63  }
0xf3: {  	_ =	swait.ge [sflag:s13], $0x7D0  }
0xf4: {  	[sflag:s13] =	ssyncset.done $0x0  }
0xf5: {  	[sflag:s13] =	ssyncadd.s32 $0xFFFFF830  }
0xf6: {  	_ =	swait.ge [sflag:s13], $0x7D0  }
0xf7: {  	[sflag:s13] =	ssyncset.done $0x0  }
0xf8: {  	[sflag:s13] =	ssyncadd.s32 $0xFFFFF830  }
0xf9: {  	[bflag:$0x0] =	sbarrier.arrive $0xFFFF  }
0xfa: {  	[tilespmem:s11], [sflag:$0x2] =	stream.indirect.gather [spmem:s3], $0x10, s4, s10, $0xb8;
	[tilespmem:$0x16840] =	vst v63  }
0xfb: {  	_ = 	snop  }
0xfc: {  	[tilespmem:s10], [sflag:$0x1] =	stream.linear.gather [hbm4b:s24+s4], $0x7D0, $0x38;
	[tilespmem:$0x16840] =	vst v63  }
0xfd: {  	s25 =	sadd.s32 s23, s12  }
0xfe: {  	[tilespmem:s16], [sflag:$0x1] =	stream.linear.gather [hbm4b:s25+s4], $0x7D0, $0x38;
	[tilespmem:$0x16840] =	vst v63  }
0xff: {  	_ =	swait.ge [sflag:s14], $0x7D00  }
0x100: {  	[sflag:s14] =	ssyncset.done $0x0  }
0x101: {  	[sflag:s14] =	ssyncadd.s32 $0xFFFF8300  }
0x102: {  	_ =	swait.ge [sflag:s13], $0x7D0  }
0x103: {  	[sflag:s13] =	ssyncset.done $0x0  }
0x104: {  	[sflag:s13] =	ssyncadd.s32 $0xFFFFF830  }
0x105: {  	_ =	swait.ge [sflag:s13], $0x7D0  }
0x106: {  	[sflag:s13] =	ssyncset.done $0x0  }
0x107: {  	[sflag:s13] =	ssyncadd.s32 $0xFFFFF830  }
0x108: {  	[tilespmem:s18], [sflag:$0x2] =	stream.indirect.gather [spmem:s3], $0x10, s10, s10, $0xb8;
	[tilespmem:$0x16840] =	vst v63  }
0x109: {  	_ = 	snop  }
0x10a: {  	[spmem:s2] =	stream.indirect.scatter.add.f32 [tilespmem:s11], [sflag:$0x3], $0x10, s9, s10, $0xb8;
	[tilespmem:$0x16840] =	vst v63  }
0x10b: {  	_ =	swait.ge [sflag:s6], $0x7D00  }
0x10c: {  	[sflag:s6] =	ssyncset.done $0x0  }
0x10d: {  	[sflag:s6] =	ssyncadd.s32 $0xFFFF8300  }
0x10e: {  	[tilespmem:s4], [sflag:$0x1] =	stream.linear.gather [hbm4b:s22+s4], $0x7D0, $0x38;
	[tilespmem:$0x16840] =	vst v63  }
0x10f: {  	s26 =	sadd.s32 s12, s21  }
0x110: {  	[tilespmem:s9], [sflag:$0x1] =	stream.linear.gather [hbm4b:s26+s4], $0x7D0, $0x38;
	[tilespmem:$0x16840] =	vst v63  }
0x111: {  	_ =	swait.ge [sflag:s14], $0x7D00  }
0x112: {  	[sflag:s14] =	ssyncset.done $0x0  }
0x113: {  	[sflag:s14] =	ssyncadd.s32 $0xFFFF8300  }
0x114: {  	_ =	swait.ge [sflag:s13], $0x7D0  }
0x115: {  	[sflag:s13] =	ssyncset.done $0x0  }
0x116: {  	[sflag:s13] =	ssyncadd.s32 $0xFFFFF830  }
0x117: {  	_ =	swait.ge [sflag:s13], $0x7D0  }
0x118: {  	[sflag:s13] =	ssyncset.done $0x0  }
0x119: {  	[sflag:s13] =	ssyncadd.s32 $0xFFFFF830  }
0x11a: {  	[tilespmem:s11], [sflag:$0x2] =	stream.indirect.gather [spmem:s3], $0x10, s4, s10, $0xb8;
	[tilespmem:$0x16840] =	vst v63  }
0x11b: {  	_ = 	snop  }
0x11c: {  	[spmem:s2] =	stream.indirect.scatter.add.f32 [tilespmem:s18], [sflag:$0x3], $0x10, s16, s10, $0xb8;
	[tilespmem:$0x16840] =	vst v63  }
0x11d: {  	_ =	swait.ge [sflag:s6], $0x7D00  }
0x11e: {  	[sflag:s6] =	ssyncset.done $0x0  }
0x11f: {  	[sflag:s6] =	ssyncadd.s32 $0xFFFF8300  }
0x120: {  	[tilespmem:s10], [sflag:$0x1] =	stream.linear.gather [hbm4b:s20+s4], $0x7D0, $0x38;
	[tilespmem:$0x16840] =	vst v63  }
0x121: {  	s30 =	sadd.s32 s12, s19  }
0x122: {  	[tilespmem:s16], [sflag:$0x1] =	stream.linear.gather [hbm4b:s30+s4], $0x7D0, $0x38;
	[tilespmem:$0x16840] =	vst v63  }
0x123: {  	_ =	swait.ge [sflag:s14], $0x7D00  }
0x124: {  	[sflag:s14] =	ssyncset.done $0x0  }
0x125: {  	[sflag:s14] =	ssyncadd.s32 $0xFFFF8300  }
0x126: {  	_ =	swait.ge [sflag:s13], $0x7D0  }
0x127: {  	[sflag:s13] =	ssyncset.done $0x0  }
0x128: {  	[sflag:s13] =	ssyncadd.s32 $0xFFFFF830  }
0x129: {  	_ =	swait.ge [sflag:s13], $0x7D0  }
0x12a: {  	[sflag:s13] =	ssyncset.done $0x0  }
0x12b: {  	[sflag:s13] =	ssyncadd.s32 $0xFFFFF830  }
0x12c: {  	[tilespmem:s18], [sflag:$0x2] =	stream.indirect.gather [spmem:s3], $0x10, s10, s10, $0xb8;
	[tilespmem:$0x16840] =	vst v63  }
0x12d: {  	_ = 	snop  }
0x12e: {  	[spmem:s2] =	stream.indirect.scatter.add.f32 [tilespmem:s11], [sflag:$0x3], $0x10, s9, s10, $0xb8;
	[tilespmem:$0x16840] =	vst v63  }
0x12f: {  	_ =	swait.ge [sflag:s6], $0x7D00  }
0x130: {  	[sflag:s6] =	ssyncset.done $0x0  }
0x131: {  	[sflag:s6] =	ssyncadd.s32 $0xFFFF8300  }
0x132: {  	[tilespmem:s4], [sflag:$0x1] =	stream.linear.gather [hbm4b:s17+s4], $0x7D0, $0x38;
	[tilespmem:$0x16840] =	vst v63  }
0x133: {  	s31 =	sadd.s32 s12, s15  }
0x134: {  	[tilespmem:s9], [sflag:$0x1] =	stream.linear.gather [hbm4b:s31+s4], $0x7D0, $0x38;
	[tilespmem:$0x16840] =	vst v63  }
0x135: {  	_ =	swait.ge [sflag:s14], $0x7D00  }
0x136: {  	[sflag:s14] =	ssyncset.done $0x0  }
0x137: {  	[sflag:s14] =	ssyncadd.s32 $0xFFFF8300  }
0x138: {  	_ =	swait.ge [sflag:s13], $0x7D0  }
0x139: {  	[sflag:s13] =	ssyncset.done $0x0  }
0x13a: {  	[sflag:s13] =	ssyncadd.s32 $0xFFFFF830  }
0x13b: {  	_ =	swait.ge [sflag:s13], $0x7D0  }
0x13c: {  	[sflag:s13] =	ssyncset.done $0x0  }
0x13d: {  	[sflag:s13] =	ssyncadd.s32 $0xFFFFF830  }
0x13e: {  	[tilespmem:s11], [sflag:$0x2] =	stream.indirect.gather [spmem:s3], $0x10, s4, s10, $0xb8;
	[tilespmem:$0x16840] =	vst v63  }
0x13f: {  	_ = 	snop  }
0x140: {  	[spmem:s2] =	stream.indirect.scatter.add.f32 [tilespmem:s18], [sflag:$0x3], $0x10, s16, s10, $0xb8;
	[tilespmem:$0x16840] =	vst v63  }
0x141: {  	_ =	swait.ge [sflag:s6], $0x7D00  }
0x142: {  	[sflag:s6] =	ssyncset.done $0x0  }
0x143: {  	[sflag:s6] =	ssyncadd.s32 $0xFFFF8300  }
0x144: {  	_ =	swait.ge [sflag:s14], $0x7D00  }
0x145: {  	[sflag:s14] =	ssyncset.done $0x0  }
0x146: {  	[sflag:s14] =	ssyncadd.s32 $0xFFFF8300  }
0x147: {  	[spmem:s2] =	stream.indirect.scatter.add.f32 [tilespmem:s11], [sflag:$0x3], $0x10, s9, s10, $0xb8;
	[tilespmem:$0x16840] =	vst v63  }
0x148: {  	_ =	swait.ge [sflag:s6], $0x7D00  }
0x149: {  	[sflag:s6] =	ssyncset.done $0x0  }
0x14a: {  	[sflag:s6] =	ssyncadd.s32 $0xFFFF8300  }
0x14b: {  	[bflag:$0x0] =	sbarrier.arrive $0xFFFF  }
0x14c: {  	[hbm:s8], [sflag:s5] =	dma.local [spmem:s7], $0x4F0  }
0x14d: {  	_ =	swait.ge [sflag:s6], $0x4F0  }
0x14e: {  	[sflag:s6] =	ssyncset.done $0x0  }
0x14f: {  	[sflag:s6] =	ssyncadd.s32 $0xFFFFFB10  }
0x150: {  	_ =	sfence.sel $0x180000  }
0x151: {  	[bflag:$0x0] =	sbarrier.arrive $0xFFFF  }
0x152: {  	p0 =	sne.s32 s29, $0x0;
	_ =	strace $0x9000004A  }
0x153: {  	s0 =	sadd.s32 @!p0 $0x100000, s28;
	[bflag:$0x2] =	sbarrier.arrive $0xFFFF  }
0x154: {  	[sflag:s0] =	ssyncadd.tile.s32 @!p0 $0x1;
	_ =	shalt  }
.LBB2_2:
.Ltmp3:
0x155: {  	(pc) =	sbr.rel .LBB2_5-.Ltmp3, $2  }
0x156: {  	_ =	sdelay $0x2  }
0x157: {  	s28 =	rddreg [dreg:$0x3];
	s29 =	stileid.u32  }
.Lfunc_end2:
_tile_overlayer_lowered:
.L_overlay_start_2:
0x158: {  	(tag) =	ssettag $0x2  }
0x159: {  	s0 =	rddreg [dreg:$0x0];
	s2 =	stileid.u32  }
0x15a: {  	s1 =	rddreg [dreg:$0x1];
	p0 =	sne.s32 s2, $0x0  }
0x15b: {  	s3 =	rddreg [dreg:$0x2];
	[bflag:$0x3] =	sbarrier.arrive $0xFFFF;
	s2 =	simm.s32 @!p0 $0x1C03  }
0x15c: {  	[timem:s3], [sflag:s2] =	dma.local @!p0 [hbm:s0], s1  }
0x15d: {  	s0 =	simm.s32 @!p0 $0x3  }
0x15e: {  	_ =	swait.ge @!p0 [sflag:s0], s1  }
0x15f: {  	s1 =	ssub.s32 @!p0 $0x0, s1;
	[sflag:s0] =	ssyncset.done @!p0 $0x0  }
0x160: {  	[sflag:s0] =	ssyncadd.s32 @!p0 s1  }
0x161: {  	[bflag:$0x3] =	sbarrier.arrive $0xFFFF  }
0x162: {  	_ =	shalt  }

// kernel: kernel.16.cloned.1.call-start
scs
__scs_entry_jumppad:
0x0: {  	(pc) =	sbr.rel $0x88, $3  }
0x1: {  	(tag) =	ssettag $0x0;
	lr =	simm.s32 $0x1  }
0x2: {  	[smem:$0x3F8B] =	sst lr;
	_ =	strace $0xD0000000  }
0x3: {  	_ = 	snop  }
0x4: {  	_ = 	snop  }
0x5: {  	_ = 	snop  }
0x6: {  	_ = 	snop  }
0x7: {  	_ = 	snop  }
__scs_overlays_trampoline_lowered:
0x8: {  	[smem:$0x3F9A] =	sst s0  }
0x9: {  	[smem:$0x3F9B] =	sst s1  }
0xa: {  	[smem:$0x3F9C] =	sst s2  }
0xb: {  	[smem:$0x3F9D] =	sst s3  }
0xc: {  	[smem:$0x3F9E] =	sst s4  }
0xd: {  	[smem:$0x3F9F] =	sst s5  }
0xe: {  	[smem:$0x3FA0] =	sst s6  }
0xf: {  	[smem:$0x3FA1] =	sst s7  }
0x10: {  	[smem:$0x3FA2] =	sst s8  }
0x11: {  	[smem:$0x3FA3] =	sst s9;
	s0 =	simm.s32 @!p0 $0x0  }
0x12: {  	s1 =	sld [smem:$0x3F89];
	s0 =	simm.s32 @p0 $0x1  }
0x13: {  	[smem:$0x3FA4] =	sst s0;
	s0 =	simm.s32 @!p1 $0x0  }
0x14: {  	s2 =	sld [smem:$0x3F88];
	s0 =	simm.s32 @p1 $0x1  }
0x15: {  	[smem:$0x3FA5] =	sst s0;
	s0 =	simm.s32 @!p2 $0x0  }
0x16: {  	s3 =	sld [smem:$0x3FDB];
	s0 =	simm.s32 @p2 $0x1  }
0x17: {  	s4 =	simm.s32 $0x1BF5;
	[smem:$0x3FA7] =	sst s0  }
0x18: {  	s0 =	sld [smem:$0x3F8A];
	_ =	swait.ge [sflag:s4], $0x0  }
0x19: {  	s7 =	sld [smem:$0x3F8B]  }
0x1a: {  	s8 =	sadd.s32 $0xFFFFE003, lr  }
0x1b: {  	s9 =	sadd.s32 $0xFFFFFEF7, lr;
	s5 =	simm.s32 $0xFFFFFFFF;
	p2 =	slt.u32 s8, $0xFFFFF086  }
0x1c: {  	p1 =	slt.u32 s9, $0xF7A;
	s5 =	simm.s32 @!p2 $0x0  }
0x1d: {  	s5 =	simm.s32 @p1 $0x1;
	p0 =	seq.s32 s7, s2  }
0x1e: {  	s7 =	smul.u32 @!p0 $0xF7A, s2;
	p2 =	seq.s32 @!p0 s5, $0x0  }
0x1f: {  	s9 =	smul.u32 $0xF7A, s1;
	s8 =	simm.s32 @!p0 $0x1BF5;
	p2 =	por !p2, p0  }
0x20: {  	[sflag:s8] =	ssyncset.s32 @!p0 $0xFFFFF086;
	s6 =	sadd.s32 @!p0 s3, s7;
	s7 =	simm.s32 @!p0 $0x108  }
0x21: {  	s3 =	sadd.s32 s3, s9;
	s6 =	sadd.s32 @!p0 $0x88, s6;
	s7 =	simm.s32 @p2 $0x1082  }
0x22: {  	[simem:s7], [sflag:s8] =	dma.local @!p0 [hbm:s6], $0xF7A  }
0x23: {  	s9 =	sor.u32 $0xD0000000, s2;
	s6 =	simm.s32 $0x108;
	_ =	swait.ge @!p0 [sflag:s8], $0x0  }
0x24: {  	s3 =	sadd.s32 $0x88, s3;
	s6 =	simm.s32 @!p1 $0x1082;
	[sflag:s4] =	ssyncset.s32 $0xFFFFF086  }
0x25: {  	[simem:s6], [sflag:s4] =	dma.local [hbm:s3], $0xF7A  }
0x26: {  	[smem:$0x3F8B] =	sst s1;
	(tag) =	ssettag s2;
	_ =	strace s9  }
0x27: {  	s1 =	sld [smem:$0x3F9B]  }
0x28: {  	s2 =	sld [smem:$0x3F9C]  }
0x29: {  	s4 =	sld [smem:$0x3F9E]  }
0x2a: {  	p0 =	seq.s32 s5, $0x0;
	s5 =	sld [smem:$0x3F9F]  }
0x2b: {  	s6 =	sld [smem:$0x3FA0]  }
0x2c: {  	s7 =	sld [smem:$0x3FA1]  }
0x2d: {  	s3 =	simm.s32 $0x108;
	s8 =	sld [smem:$0x3FA2]  }
0x2e: {  	s3 =	simm.s32 @!p0 $0x1082;
	s9 =	sld [smem:$0x3FA3]  }
0x2f: {  	lr =	sadd.s32 s0, s3;
	s0 =	sld [smem:$0x3F9A]  }
0x30: {  	s3 =	sld [smem:$0x3F9D]  }
0x31: {  	[smem:$0x3FA6] =	sst s10  }
0x32: {  	s10 =	sld [smem:$0x3FA4];
	_ =	sdelay $0x3  }
0x33: {  	p0 =	seq.s32 s10, $0x1;
	s10 =	sld [smem:$0x3FA6];
	_ =	sdelay $0x3  }
0x34: {  	[smem:$0x3FA6] =	sst s10  }
0x35: {  	s10 =	sld [smem:$0x3FA5];
	_ =	sdelay $0x3  }
0x36: {  	p1 =	seq.s32 s10, $0x1;
	s10 =	sld [smem:$0x3FA6];
	_ =	sdelay $0x3  }
0x37: {  	[smem:$0x3FA6] =	sst s10  }
0x38: {  	s10 =	sld [smem:$0x3FA7]  }
0x39: {  	_ = 	snop;
	(pc) =	sbr.ind lr, $3  }
0x3a: {  	_ = 	snop  }
0x3b: {  	_ = 	snop  }
0x3c: {  	p2 =	seq.s32 s10, $0x1;
	s10 =	sld [smem:$0x3FA6]  }
0x3d: {  	_ =	shalt  }
0x3e: {  	_ =	shalt  }
0x3f: {  	_ =	shalt  }
0x40: {  	_ =	shalt  }
0x41: {  	_ =	shalt  }
0x42: {  	_ =	shalt  }
0x43: {  	_ =	shalt  }
0x44: {  	_ =	shalt  }
0x45: {  	_ =	shalt  }
0x46: {  	_ =	shalt  }
0x47: {  	_ =	shalt  }
0x48: {  	_ =	shalt  }
0x49: {  	_ =	shalt  }
0x4a: {  	_ =	shalt  }
0x4b: {  	_ =	shalt  }
0x4c: {  	_ =	shalt  }
0x4d: {  	_ =	shalt  }
0x4e: {  	_ =	shalt  }
0x4f: {  	_ =	shalt  }
0x50: {  	_ =	shalt  }
0x51: {  	_ =	shalt  }
0x52: {  	_ =	shalt  }
0x53: {  	_ =	shalt  }
0x54: {  	_ =	shalt  }
0x55: {  	_ =	shalt  }
0x56: {  	_ =	shalt  }
0x57: {  	_ =	shalt  }
0x58: {  	_ =	shalt  }
0x59: {  	_ =	shalt  }
0x5a: {  	_ =	shalt  }
0x5b: {  	_ =	shalt  }
0x5c: {  	_ =	shalt  }
0x5d: {  	_ =	shalt  }
0x5e: {  	_ =	shalt  }
0x5f: {  	_ =	shalt  }
0x60: {  	_ =	shalt  }
0x61: {  	_ =	shalt  }
0x62: {  	_ =	shalt  }
0x63: {  	_ =	shalt  }
0x64: {  	_ =	shalt  }
0x65: {  	_ =	shalt  }
0x66: {  	_ =	shalt  }
0x67: {  	_ =	shalt  }
0x68: {  	_ =	shalt  }
0x69: {  	_ =	shalt  }
0x6a: {  	_ =	shalt  }
0x6b: {  	_ =	shalt  }
0x6c: {  	_ =	shalt  }
0x6d: {  	_ =	shalt  }
0x6e: {  	_ =	shalt  }
0x6f: {  	_ =	shalt  }
0x70: {  	_ =	shalt  }
0x71: {  	_ =	shalt  }
0x72: {  	_ =	shalt  }
0x73: {  	_ =	shalt  }
0x74: {  	_ =	shalt  }
0x75: {  	_ =	shalt  }
0x76: {  	_ =	shalt  }
0x77: {  	_ =	shalt  }
0x78: {  	_ =	shalt  }
0x79: {  	_ =	shalt  }
0x7a: {  	_ =	shalt  }
0x7b: {  	_ =	shalt  }
0x7c: {  	_ =	shalt  }
0x7d: {  	_ =	shalt  }
0x7e: {  	_ =	shalt  }
0x7f: {  	_ =	shalt  }
0x80: {  	_ =	shalt  }
0x81: {  	_ =	shalt  }
0x82: {  	_ =	shalt  }
0x83: {  	_ =	shalt  }
0x84: {  	_ =	shalt  }
0x85: {  	_ =	shalt  }
0x86: {  	_ =	shalt  }
0x87: {  	_ =	shalt  }
.Lfunc_end0:
.L_simem_size_0:
called_computation.2_lowered:
.L_overlay_start_0:
0x88: {  	s2 =	sld [smem:$0x3FD9]  }
0x89: {  	s3 =	sld [smem:$0x3FFE];
	_ =	sdelay $0x1  }
0x8a: {  	s1 =	srdreg.scid  }
0x8b: {  	s0 =	sand.u32 $0x1, s1  }
0x8c: {  	s16 =	sshll.u32 s0, $0xA;
	s2 =	sadd.s32 s3, s2  }
0x8d: {  	s2 =	sadd.s32 s2, s16  }
0x8e: {  	[smem:$0x3FB2] =	sst s2  }
0x8f: {  	_ = 	snop  }
0x90: {  	(tm) =	ssettm $0x1  }
0x91: {  	s17 =	sld [smem:$0x3FFB];
	_ =	sdelay $0x3  }
0x92: {  	_ =	strace s17  }
0x93: {  	s2 =	sld [smem:$0x3FFC];
	_ =	sdelay $0x3  }
0x94: {  	_ =	strace s2  }
0x95: {  	s2 =	sld [smem:$0x3FFD];
	_ =	sdelay $0x3  }
0x96: {  	_ =	strace s2  }
0x97: {  	_ =	strace $0x8FFFFFFF  }
0x98: {  	s18 =	sld [smem:$0x3FDB];
	_ =	sdelay $0x1  }
0x99: {  	s19 =	simm.s32 $_scs_section_size  }
0x9a: {  	s4 =	simm.s32 $_size__tile_overlayer_lowered;
	s5 =	simm.s32 $_tile_overlayer_lowered  }
0x9b: {  	s22 =	simm.s32 $0x1BFF;
	s21 =	sshll.u32 s5, $0x1;
	s2 =	sadd.s32 s19, s18  }
0x9c: {  	s6 =	simm.s32 $0x0;
	s20 =	sshll.u32 s4, $0x1;
	s4 =	sadd.s32 s21, s2  }
0x9d: {  	[timem:s6], [sflag:s22] =	dma.local [hbm:s4], s20  }
0x9e: {  	_ =	swait.ge [sflag:s22], s20  }
0x9f: {  	s3 =	ssub.s32 $0x0, s20;
	[sflag:s22] =	ssyncset.done $0x0  }
0xa0: {  	[sflag:s22] =	ssyncadd.s32 s3;
	_ =	sdelay $0x1  }
0xa1: {  	s23 =	simm.s32 $0x1B8B  }
0xa2: {  	_ =	swait.ge [sflag:s23], $0x1  }
0xa3: {  	[sflag:s23] =	ssyncset.done $0x0  }
0xa4: {  	s25 =	simm.s32 $0x1B8E;
	s24 =	sld [smem:$0x3FFE];
	[sflag:s23] =	ssyncadd.s32 $0xFFFFFFFF  }
0xa5: {  	s26 =	simm.s32 $execute0_lowered;
	[smem:$0x3FD2] =	sst s25  }
0xa6: {  	s4 =	sshll.u32 s26, $0x1;
	_ =	strace $0x8000004C;
	[dreg:$0x1] =	wrdreg $0xFFFFFFFF  }
0xa7: {  	s28 =	simm.s32 $_size_execute0_lowered;
	s2 =	sadd.s32 s2, s4;
	[dreg:$0x0] =	wrdreg $0x0  }
0xa8: {  	s4 =	sshll.u32 s28, $0x1;
	[dreg:$0x2] =	wrdreg s2  }
0xa9: {  	[dreg:$0x3] =	wrdreg s4  }
0xaa: {  	[dreg:$0x4] =	wrdreg $0xC0  }
0xab: {  	_ =	task [dreg:s6], $0x5FFFF  }
0xac: {  	[dreg:$0x1] =	wrdreg $0xFFFFFFFF  }
0xad: {  	[dreg:$0x0] =	wrdreg $0x60  }
0xae: {  	[dreg:$0x2] =	wrdreg s24  }
0xaf: {  	[dreg:$0x3] =	wrdreg $0x119400  }
0xb0: {  	[dreg:$0x4] =	wrdreg $0x140C00  }
0xb1: {  	[dreg:$0x5] =	wrdreg $0x9  }
0xb2: {  	_ =	task.clear_ibuf [dreg:s6], $0x6FFFF;
	_ =	strace $0x9000004C  }
0xb3: {  	s29 =	simm.s32 $0x9;
	_ =	strace $0x8000004E  }
0xb4: {  	_ =	swait.ge [sflag:s29], $0x1  }
0xb5: {  	[sflag:s29] =	ssyncadd.s32 $0xFFFFFFFF  }
0xb6: {  	_ =	strace $0x9000004E  }
0xb7: {  	_ =	sfence  }
0xb8: {  	s30 =	sld [smem:$0x0];
	_ =	sdelay $0x2  }
0xb9: {  	s31 =	sshll.u32 s1, $0xD;
	s1 =	sshrl.u32 s1, $0x2  }
0xba: {  	s3 =	sand.u32 $0x4000, s31;
	s1 =	sadd.s32 s1, s30  }
0xbb: {  	s0 =	sor.u32 s3, s0;
	s1 =	sshll.u32 s1, $0x11  }
0xbc: {  	s0 =	sor.u32 s1, s0  }
0xbd: {  	s0 =	sadd.s32 $0x8F2B, s0  }
0xbe: {  	[sflag:s0] =	ssyncadd.remote.s32 $0x1  }
0xbf: {  	_ =	sfence.sel $0xFFFF  }
0xc0: {  	[dreg:$0x0] =	wrdreg $0xFFFFFFFF;
	(pc) =	sbr.abs _section_cstart, $3  }
0xc1: {  	[dreg:$0x1] =	wrdreg $0xFFFFFFFF  }
0xc2: {  	_ =	task.clear_ibuf [dreg:s6], $0x2FFFF;
	_ =	strace $0x9FFFFFFF  }
0xc3: {  	(tm) =	ssettm $0x7FFFFFFF  }
tec
execute0_lowered:
.L_overlay_start_1:
0x0: {  	(tag) =	ssettag $0x1  }
0x1: {  	s0 =	rddreg [dreg:$0x0]  }
0x2: {  	s2 =	rddreg [dreg:$0x1]  }
0x3: {  	s3 =	rddreg [dreg:$0x2];
	s29 =	stileid.u32  }
0x4: {  	s28 =	rddreg [dreg:$0x3];
	s4 =	simm.s32 $0x0;
	s5 =	srdreg.scid  }
0x5: {  	s16 =	simm.s32 $0x1770;
	p0 =	por $0x0, $0x0;
	s1 =	smul.u32 $0x2780, s29  }
0x6: {  	[smem:$0x7FF] =	sst s4;
	s5 =	sand.u32 $0x1, s5;
	s7 =	sadd.s32 $0x18E00, s0  }
0x7: {  	s10 =	sadd.s32 $0x5400, s0;
	s12 =	sshll.u32 s29, $0x6;
	_ =	strace $0x8000004D  }
0x8: {  	s9 =	smul.u32 $0x4F00, s5;
	[dreg:$0x4] =	wrdreg s7;
	s26 =	sshll.u32 s5, $0x4  }
0x9: {  	s5 =	ssub.s32 $0x2, s5;
	s8 =	sshrl.u32 s1, $0x3;
	s7 =	sor.u32 s29, s26  }
0xa: {  	s11 =	sshrl.u32 s5, $0x1;
	s13 =	sadd.s32 s1, s2;
	s1 =	sadd.s32 s1, s3  }
0xb: {  	s6 =	sadd.s32 s8, s0;
	s9 =	sadd.s32 s9, s0;
	s7 =	smul.u32 $0x2710, s7  }
0xc: {  	s11 =	ssub.s32 s5, s11;
	s5 =	sor.u32 $0x1C03, s12;
	s12 =	sadd.s32 $0xF040, s0  }
0xd: {  	s26 =	sshrl.u32 s1, $0x3;
	s1 =	rddreg [dreg:$0x4];
	s6 =	sadd.s32 $0x19400, s6  }
0xe: {  	s31 =	sadd.s32 $0x1E400, s9;
	s18 =	smax.u32 s11, $0x1;
	s9 =	simm.s32 $0xFA0  }
0xf: {  	s11 =	simm.s32 $0x1F40;
	s14 =	sshrl.u32 s7, $0x3;
	[dreg:$0x5] =	wrdreg s6  }
0x10: {  	s7 =	sshrl.u32 s13, $0x3;
	s6 =	simm.s32 $0x3;
	s13 =	simm.s32 $0x1  }
0x11: {  	s8 =	sadd.s32 s8, s31;
	p1 =	sne.s32 s18, $0x1;
	s0 =	sadd.s32 $0xFFFFFFFF, s18  }
.Ltmp0:
0x12: {  	s18 =	simm.s32 $0x9C40;
	s30 =	sadd.s32 s10, s14;
	(pc) =	sbr.rel @!p1 .LBB2_5-.Ltmp0, $4  }
0x13: {  	s23 =	sadd.s32 $0xFA, s14;
	s21 =	sadd.s32 $0x1F4, s14;
	s19 =	sadd.s32 $0x2EE, s14  }
0x14: {  	s15 =	sadd.s32 $0x3E8, s14;
	s25 =	sadd.s32 s14, s12;
	s14 =	simm.s32 $0x2  }
0x15: {  	[dreg:$0x6] =	wrdreg s30;
	s24 =	sadd.s32 s10, s23;
	s22 =	sadd.s32 s10, s21  }
0x16: {  	s20 =	sadd.s32 s10, s19;
	s17 =	sadd.s32 s10, s15;
	s10 =	simm.s32 $0x7D0  }
0x17: {  	[spmem:s7], [sflag:s5] =	dma.local [hbm:s1], $0x4F0  }
0x18: {  	_ =	swait.ge [sflag:s6], $0x4F0  }
0x19: {  	[sflag:s6] =	ssyncset.done $0x0  }
0x1a: {  	s1 =	rddreg [dreg:$0x5];
	[sflag:s6] =	ssyncadd.s32 $0xFFFFFB10  }
0x1b: {  	[spmem:s26], [sflag:s5] =	dma.local [hbm:s1], $0x4F0  }
0x1c: {  	_ =	swait.ge [sflag:s6], $0x4F0  }
0x1d: {  	[sflag:s6] =	ssyncset.done $0x0  }
0x1e: {  	s1 =	rddreg [dreg:$0x6];
	[sflag:s6] =	ssyncadd.s32 $0xFFFFFB10  }
0x1f: {  	[tilespmem:s4], [sflag:$0x1] =	stream.linear.gather [hbm4b:s1+s4], $0x7D0, $0x38;
	[tilespmem:$0x16840] =	vst v63  }
0x20: {  	_ = 	snop  }
0x21: {  	[tilespmem:s9], [sflag:$0x1] =	stream.linear.gather [hbm4b:s25+s4], $0x7D0, $0x38;
	[tilespmem:$0x16840] =	vst v63  }
0x22: {  	_ =	swait.ge [sflag:s13], $0x7D0  }
0x23: {  	[sflag:s13] =	ssyncset.done $0x0  }
0x24: {  	[sflag:s13] =	ssyncadd.s32 $0xFFFFF830  }
0x25: {  	_ =	swait.ge [sflag:s13], $0x7D0  }
0x26: {  	[sflag:s13] =	ssyncset.done $0x0  }
0x27: {  	[sflag:s13] =	ssyncadd.s32 $0xFFFFF830  }
0x28: {  	[bflag:$0x0] =	sbarrier.arrive $0xFFFF  }
0x29: {  	[tilespmem:s11], [sflag:$0x2] =	stream.indirect.gather [spmem:s3], $0x10, s4, s10, $0xb8;
	[tilespmem:$0x16840] =	vst v63  }
0x2a: {  	_ = 	snop  }
0x2b: {  	[tilespmem:s10], [sflag:$0x1] =	stream.linear.gather [hbm4b:s24+s4], $0x7D0, $0x38;
	[tilespmem:$0x16840] =	vst v63  }
0x2c: {  	s28 =	sadd.s32 s23, s12  }
0x2d: {  	[tilespmem:s16], [sflag:$0x1] =	stream.linear.gather [hbm4b:s28+s4], $0x7D0, $0x38;
	[tilespmem:$0x16840] =	vst v63  }
0x2e: {  	_ =	swait.ge [sflag:s14], $0x7D00  }
0x2f: {  	[sflag:s14] =	ssyncset.done $0x0  }
0x30: {  	[sflag:s14] =	ssyncadd.s32 $0xFFFF8300  }
0x31: {  	_ =	swait.ge [sflag:s13], $0x7D0  }
0x32: {  	[sflag:s13] =	ssyncset.done $0x0  }
0x33: {  	[sflag:s13] =	ssyncadd.s32 $0xFFFFF830  }
0x34: {  	_ =	swait.ge [sflag:s13], $0x7D0  }
0x35: {  	[sflag:s13] =	ssyncset.done $0x0  }
0x36: {  	[sflag:s13] =	ssyncadd.s32 $0xFFFFF830  }
0x37: {  	[tilespmem:s18], [sflag:$0x2] =	stream.indirect.gather [spmem:s3], $0x10, s10, s10, $0xb8;
	[tilespmem:$0x16840] =	vst v63  }
0x38: {  	_ = 	snop  }
0x39: {  	[spmem:s2] =	stream.indirect.scatter.add.f32 [tilespmem:s11], [sflag:$0x3], $0x10, s9, s10, $0xb8;
	[tilespmem:$0x16840] =	vst v63  }
0x3a: {  	_ =	swait.ge [sflag:s6], $0x7D00  }
0x3b: {  	[sflag:s6] =	ssyncset.done $0x0  }
0x3c: {  	[sflag:s6] =	ssyncadd.s32 $0xFFFF8300  }
0x3d: {  	[tilespmem:s4], [sflag:$0x1] =	stream.linear.gather [hbm4b:s22+s4], $0x7D0, $0x38;
	[tilespmem:$0x16840] =	vst v63  }
0x3e: {  	s29 =	sadd.s32 s12, s21  }
0x3f: {  	[tilespmem:s9], [sflag:$0x1] =	stream.linear.gather [hbm4b:s29+s4], $0x7D0, $0x38;
	[tilespmem:$0x16840] =	vst v63  }
0x40: {  	_ =	swait.ge [sflag:s14], $0x7D00  }
0x41: {  	[sflag:s14] =	ssyncset.done $0x0  }
0x42: {  	[sflag:s14] =	ssyncadd.s32 $0xFFFF8300  }
0x43: {  	_ =	swait.ge [sflag:s13], $0x7D0  }
0x44: {  	[sflag:s13] =	ssyncset.done $0x0  }
0x45: {  	[sflag:s13] =	ssyncadd.s32 $0xFFFFF830  }
0x46: {  	_ =	swait.ge [sflag:s13], $0x7D0  }
0x47: {  	[sflag:s13] =	ssyncset.done $0x0  }
0x48: {  	[sflag:s13] =	ssyncadd.s32 $0xFFFFF830  }
0x49: {  	[tilespmem:s11], [sflag:$0x2] =	stream.indirect.gather [spmem:s3], $0x10, s4, s10, $0xb8;
	[tilespmem:$0x16840] =	vst v63  }
0x4a: {  	_ = 	snop  }
0x4b: {  	[spmem:s2] =	stream.indirect.scatter.add.f32 [tilespmem:s18], [sflag:$0x3], $0x10, s16, s10, $0xb8;
	[tilespmem:$0x16840] =	vst v63  }
0x4c: {  	_ =	swait.ge [sflag:s6], $0x7D00  }
0x4d: {  	[sflag:s6] =	ssyncset.done $0x0  }
0x4e: {  	[sflag:s6] =	ssyncadd.s32 $0xFFFF8300  }
0x4f: {  	[tilespmem:s10], [sflag:$0x1] =	stream.linear.gather [hbm4b:s20+s4], $0x7D0, $0x38;
	[tilespmem:$0x16840] =	vst v63  }
0x50: {  	s30 =	sadd.s32 s12, s19  }
0x51: {  	[tilespmem:s16], [sflag:$0x1] =	stream.linear.gather [hbm4b:s30+s4], $0x7D0, $0x38;
	[tilespmem:$0x16840] =	vst v63  }
0x52: {  	_ =	swait.ge [sflag:s14], $0x7D00  }
0x53: {  	[sflag:s14] =	ssyncset.done $0x0  }
0x54: {  	[sflag:s14] =	ssyncadd.s32 $0xFFFF8300  }
0x55: {  	_ =	swait.ge [sflag:s13], $0x7D0  }
0x56: {  	[sflag:s13] =	ssyncset.done $0x0  }
0x57: {  	[sflag:s13] =	ssyncadd.s32 $0xFFFFF830  }
0x58: {  	_ =	swait.ge [sflag:s13], $0x7D0  }
0x59: {  	[sflag:s13] =	ssyncset.done $0x0  }
0x5a: {  	[sflag:s13] =	ssyncadd.s32 $0xFFFFF830  }
0x5b: {  	[tilespmem:s18], [sflag:$0x2] =	stream.indirect.gather [spmem:s3], $0x10, s10, s10, $0xb8;
	[tilespmem:$0x16840] =	vst v63  }
0x5c: {  	_ = 	snop  }
0x5d: {  	[spmem:s2] =	stream.indirect.scatter.add.f32 [tilespmem:s11], [sflag:$0x3], $0x10, s9, s10, $0xb8;
	[tilespmem:$0x16840] =	vst v63  }
0x5e: {  	_ =	swait.ge [sflag:s6], $0x7D00  }
0x5f: {  	[sflag:s6] =	ssyncset.done $0x0  }
0x60: {  	[sflag:s6] =	ssyncadd.s32 $0xFFFF8300  }
0x61: {  	[tilespmem:s4], [sflag:$0x1] =	stream.linear.gather [hbm4b:s17+s4], $0x7D0, $0x38;
	[tilespmem:$0x16840] =	vst v63  }
0x62: {  	s31 =	sadd.s32 s12, s15  }
0x63: {  	[tilespmem:s9], [sflag:$0x1] =	stream.linear.gather [hbm4b:s31+s4], $0x7D0, $0x38;
	[tilespmem:$0x16840] =	vst v63  }
0x64: {  	_ =	swait.ge [sflag:s14], $0x7D00  }
0x65: {  	[sflag:s14] =	ssyncset.done $0x0  }
0x66: {  	[sflag:s14] =	ssyncadd.s32 $0xFFFF8300  }
0x67: {  	_ =	swait.ge [sflag:s13], $0x7D0  }
0x68: {  	[sflag:s13] =	ssyncset.done $0x0  }
0x69: {  	[sflag:s13] =	ssyncadd.s32 $0xFFFFF830  }
0x6a: {  	_ =	swait.ge [sflag:s13], $0x7D0  }
0x6b: {  	[sflag:s13] =	ssyncset.done $0x0  }
0x6c: {  	[sflag:s13] =	ssyncadd.s32 $0xFFFFF830  }
0x6d: {  	[tilespmem:s11], [sflag:$0x2] =	stream.indirect.gather [spmem:s3], $0x10, s4, s10, $0xb8;
	[tilespmem:$0x16840] =	vst v63  }
0x6e: {  	_ = 	snop  }
0x6f: {  	[spmem:s2] =	stream.indirect.scatter.add.f32 [tilespmem:s18], [sflag:$0x3], $0x10, s16, s10, $0xb8;
	[tilespmem:$0x16840] =	vst v63  }
0x70: {  	_ =	swait.ge [sflag:s6], $0x7D00  }
0x71: {  	[sflag:s6] =	ssyncset.done $0x0  }
0x72: {  	[sflag:s6] =	ssyncadd.s32 $0xFFFF8300  }
0x73: {  	_ =	swait.ge [sflag:s14], $0x7D00  }
0x74: {  	[sflag:s14] =	ssyncset.done $0x0  }
0x75: {  	[sflag:s14] =	ssyncadd.s32 $0xFFFF8300  }
0x76: {  	[spmem:s2] =	stream.indirect.scatter.add.f32 [tilespmem:s11], [sflag:$0x3], $0x10, s9, s10, $0xb8;
	[tilespmem:$0x16840] =	vst v63  }
0x77: {  	_ =	swait.ge [sflag:s6], $0x7D00  }
0x78: {  	p1 =	sne.s32 s0, $0x1;
	[sflag:s6] =	ssyncset.done $0x0  }
.Ltmp1:
0x79: {  	[sflag:s6] =	ssyncadd.s32 $0xFFFF8300;
	(pc) =	sbr.rel @!p1 .LBB2_2-.Ltmp1, $4  }
0x7a: {  	[bflag:$0x0] =	sbarrier.arrive $0xFFFF  }
0x7b: {  	[hbm:s8], [sflag:s5] =	dma.local [spmem:s7], $0x4F0  }
0x7c: {  	s0 =	sadd.s32 $0xFFFFFFFF, s0;
	_ =	swait.ge [sflag:s6], $0x4F0  }
0x7d: {  	p0 =	por $0x1, $0x1;
	s1 =	rddreg [dreg:$0x4];
	[sflag:s6] =	ssyncset.done $0x0  }
.LBB2_3:
0x7e: {  	[sflag:s6] =	ssyncadd.s32 $0xFFFFFB10  }
0x7f: {  	[spmem:s7], [sflag:s5] =	dma.local [hbm:s1], $0x4F0  }
0x80: {  	_ =	swait.ge [sflag:s6], $0x4F0  }
0x81: {  	[sflag:s6] =	ssyncset.done $0x0  }
0x82: {  	s1 =	rddreg [dreg:$0x5];
	[sflag:s6] =	ssyncadd.s32 $0xFFFFFB10  }
0x83: {  	[spmem:s26], [sflag:s5] =	dma.local [hbm:s1], $0x4F0  }
0x84: {  	_ =	swait.ge [sflag:s6], $0x4F0  }
0x85: {  	[sflag:s6] =	ssyncset.done $0x0  }
0x86: {  	s1 =	rddreg [dreg:$0x6];
	[sflag:s6] =	ssyncadd.s32 $0xFFFFFB10  }
0x87: {  	[tilespmem:s4], [sflag:$0x1] =	stream.linear.gather [hbm4b:s1+s4], $0x7D0, $0x38;
	[tilespmem:$0x16840] =	vst v63  }
0x88: {  	_ = 	snop  }
0x89: {  	[tilespmem:s9], [sflag:$0x1] =	stream.linear.gather [hbm4b:s25+s4], $0x7D0, $0x38;
	[tilespmem:$0x16840] =	vst v63  }
0x8a: {  	_ =	swait.ge [sflag:s13], $0x7D0  }
0x8b: {  	[sflag:s13] =	ssyncset.done $0x0  }
0x8c: {  	[sflag:s13] =	ssyncadd.s32 $0xFFFFF830  }
0x8d: {  	_ =	swait.ge [sflag:s13], $0x7D0  }
0x8e: {  	[sflag:s13] =	ssyncset.done $0x0  }
0x8f: {  	[sflag:s13] =	ssyncadd.s32 $0xFFFFF830  }
0x90: {  	[bflag:$0x0] =	sbarrier.arrive $0xFFFF  }
0x91: {  	[tilespmem:s11], [sflag:$0x2] =	stream.indirect.gather [spmem:s3], $0x10, s4, s10, $0xb8;
	[tilespmem:$0x16840] =	vst v63  }
0x92: {  	_ = 	snop  }
0x93: {  	[tilespmem:s10], [sflag:$0x1] =	stream.linear.gather [hbm4b:s24+s4], $0x7D0, $0x38;
	[tilespmem:$0x16840] =	vst v63  }
0x94: {  	_ = 	snop  }
0x95: {  	[tilespmem:s16], [sflag:$0x1] =	stream.linear.gather [hbm4b:s28+s4], $0x7D0, $0x38;
	[tilespmem:$0x16840] =	vst v63  }
0x96: {  	_ =	swait.ge [sflag:s14], $0x7D00  }
0x97: {  	[sflag:s14] =	ssyncset.done $0x0  }
0x98: {  	[sflag:s14] =	ssyncadd.s32 $0xFFFF8300  }
0x99: {  	_ =	swait.ge [sflag:s13], $0x7D0  }
0x9a: {  	[sflag:s13] =	ssyncset.done $0x0  }
0x9b: {  	[sflag:s13] =	ssyncadd.s32 $0xFFFFF830  }
0x9c: {  	_ =	swait.ge [sflag:s13], $0x7D0  }
0x9d: {  	[sflag:s13] =	ssyncset.done $0x0  }
0x9e: {  	[sflag:s13] =	ssyncadd.s32 $0xFFFFF830  }
0x9f: {  	[tilespmem:s18], [sflag:$0x2] =	stream.indirect.gather [spmem:s3], $0x10, s10, s10, $0xb8;
	[tilespmem:$0x16840] =	vst v63  }
0xa0: {  	_ = 	snop  }
0xa1: {  	[spmem:s2] =	stream.indirect.scatter.add.f32 [tilespmem:s11], [sflag:$0x3], $0x10, s9, s10, $0xb8;
	[tilespmem:$0x16840] =	vst v63  }
0xa2: {  	_ =	swait.ge [sflag:s6], $0x7D00  }
0xa3: {  	[sflag:s6] =	ssyncset.done $0x0  }
0xa4: {  	[sflag:s6] =	ssyncadd.s32 $0xFFFF8300  }
0xa5: {  	[tilespmem:s4], [sflag:$0x1] =	stream.linear.gather [hbm4b:s22+s4], $0x7D0, $0x38;
	[tilespmem:$0x16840] =	vst v63  }
0xa6: {  	_ = 	snop  }
0xa7: {  	[tilespmem:s9], [sflag:$0x1] =	stream.linear.gather [hbm4b:s29+s4], $0x7D0, $0x38;
	[tilespmem:$0x16840] =	vst v63  }
0xa8: {  	_ =	swait.ge [sflag:s14], $0x7D00  }
0xa9: {  	[sflag:s14] =	ssyncset.done $0x0  }
0xaa: {  	[sflag:s14] =	ssyncadd.s32 $0xFFFF8300  }
0xab: {  	_ =	swait.ge [sflag:s13], $0x7D0  }
0xac: {  	[sflag:s13] =	ssyncset.done $0x0  }
0xad: {  	[sflag:s13] =	ssyncadd.s32 $0xFFFFF830  }
0xae: {  	_ =	swait.ge [sflag:s13], $0x7D0  }
0xaf: {  	[sflag:s13] =	ssyncset.done $0x0  }
0xb0: {  	[sflag:s13] =	ssyncadd.s32 $0xFFFFF830  }
0xb1: {  	[tilespmem:s11], [sflag:$0x2] =	stream.indirect.gather [spmem:s3], $0x10, s4, s10, $0xb8;
	[tilespmem:$0x16840] =	vst v63  }
0xb2: {  	_ = 	snop  }
0xb3: {  	[spmem:s2] =	stream.indirect.scatter.add.f32 [tilespmem:s18], [sflag:$0x3], $0x10, s16, s10, $0xb8;
	[tilespmem:$0x16840] =	vst v63  }
0xb4: {  	_ =	swait.ge [sflag:s6], $0x7D00  }
0xb5: {  	[sflag:s6] =	ssyncset.done $0x0  }
0xb6: {  	[sflag:s6] =	ssyncadd.s32 $0xFFFF8300  }
0xb7: {  	[tilespmem:s10], [sflag:$0x1] =	stream.linear.gather [hbm4b:s20+s4], $0x7D0, $0x38;
	[tilespmem:$0x16840] =	vst v63  }
0xb8: {  	_ = 	snop  }
0xb9: {  	[tilespmem:s16], [sflag:$0x1] =	stream.linear.gather [hbm4b:s30+s4], $0x7D0, $0x38;
	[tilespmem:$0x16840] =	vst v63  }
0xba: {  	_ =	swait.ge [sflag:s14], $0x7D00  }
0xbb: {  	[sflag:s14] =	ssyncset.done $0x0  }
0xbc: {  	[sflag:s14] =	ssyncadd.s32 $0xFFFF8300  }
0xbd: {  	_ =	swait.ge [sflag:s13], $0x7D0  }
0xbe: {  	[sflag:s13] =	ssyncset.done $0x0  }
0xbf: {  	[sflag:s13] =	ssyncadd.s32 $0xFFFFF830  }
0xc0: {  	_ =	swait.ge [sflag:s13], $0x7D0  }
0xc1: {  	[sflag:s13] =	ssyncset.done $0x0  }
0xc2: {  	[sflag:s13] =	ssyncadd.s32 $0xFFFFF830  }
0xc3: {  	[tilespmem:s18], [sflag:$0x2] =	stream.indirect.gather [spmem:s3], $0x10, s10, s10, $0xb8;
	[tilespmem:$0x16840] =	vst v63  }
0xc4: {  	_ = 	snop  }
0xc5: {  	[spmem:s2] =	stream.indirect.scatter.add.f32 [tilespmem:s11], [sflag:$0x3], $0x10, s9, s10, $0xb8;
	[tilespmem:$0x16840] =	vst v63  }
0xc6: {  	_ =	swait.ge [sflag:s6], $0x7D00  }
0xc7: {  	[sflag:s6] =	ssyncset.done $0x0  }
0xc8: {  	[sflag:s6] =	ssyncadd.s32 $0xFFFF8300  }
0xc9: {  	[tilespmem:s4], [sflag:$0x1] =	stream.linear.gather [hbm4b:s17+s4], $0x7D0, $0x38;
	[tilespmem:$0x16840] =	vst v63  }
0xca: {  	_ = 	snop  }
0xcb: {  	[tilespmem:s9], [sflag:$0x1] =	stream.linear.gather [hbm4b:s31+s4], $0x7D0, $0x38;
	[tilespmem:$0x16840] =	vst v63  }
0xcc: {  	_ =	swait.ge [sflag:s14], $0x7D00  }
0xcd: {  	[sflag:s14] =	ssyncset.done $0x0  }
0xce: {  	[sflag:s14] =	ssyncadd.s32 $0xFFFF8300  }
0xcf: {  	_ =	swait.ge [sflag:s13], $0x7D0  }
0xd0: {  	[sflag:s13] =	ssyncset.done $0x0  }
0xd1: {  	[sflag:s13] =	ssyncadd.s32 $0xFFFFF830  }
0xd2: {  	_ =	swait.ge [sflag:s13], $0x7D0  }
0xd3: {  	[sflag:s13] =	ssyncset.done $0x0  }
0xd4: {  	[sflag:s13] =	ssyncadd.s32 $0xFFFFF830  }
0xd5: {  	[tilespmem:s11], [sflag:$0x2] =	stream.indirect.gather [spmem:s3], $0x10, s4, s10, $0xb8;
	[tilespmem:$0x16840] =	vst v63  }
0xd6: {  	_ = 	snop  }
0xd7: {  	[spmem:s2] =	stream.indirect.scatter.add.f32 [tilespmem:s18], [sflag:$0x3], $0x10, s16, s10, $0xb8;
	[tilespmem:$0x16840] =	vst v63  }
0xd8: {  	_ =	swait.ge [sflag:s6], $0x7D00  }
0xd9: {  	[sflag:s6] =	ssyncset.done $0x0  }
0xda: {  	[sflag:s6] =	ssyncadd.s32 $0xFFFF8300  }
0xdb: {  	_ =	swait.ge [sflag:s14], $0x7D00  }
0xdc: {  	[sflag:s14] =	ssyncset.done $0x0  }
0xdd: {  	[sflag:s14] =	ssyncadd.s32 $0xFFFF8300  }
0xde: {  	[spmem:s2] =	stream.indirect.scatter.add.f32 [tilespmem:s11], [sflag:$0x3], $0x10, s9, s10, $0xb8;
	[tilespmem:$0x16840] =	vst v63  }
0xdf: {  	_ =	swait.ge [sflag:s6], $0x7D00  }
0xe0: {  	p1 =	sne.s32 s0, $0x1;
	[sflag:s6] =	ssyncset.done $0x0  }
.Ltmp2:
0xe1: {  	[sflag:s6] =	ssyncadd.s32 $0xFFFF8300;
	(pc) =	sbr.rel @p1 .LBB2_3-.Ltmp2, $4  }
0xe2: {  	[bflag:$0x0] =	sbarrier.arrive $0xFFFF  }
0xe3: {  	[hbm:s8], [sflag:s5] =	dma.local [spmem:s7], $0x4F0  }
0xe4: {  	_ =	swait.ge [sflag:s6], $0x4F0  }
0xe5: {  	s0 =	sadd.s32 $0xFFFFFFFF, s0;
	s1 =	rddreg [dreg:$0x4];
	[sflag:s6] =	ssyncset.done $0x0  }
0xe6: {  	s28 =	rddreg [dreg:$0x3];
	s29 =	stileid.u32  }
.LBB2_5:
0xe7: {  	[sflag:s6] =	ssyncadd.s32 @p0 $0xFFFFFB10  }
0xe8: {  	[spmem:s7], [sflag:s5] =	dma.local [hbm:s1], $0x4F0  }
0xe9: {  	_ =	swait.ge [sflag:s6], $0x4F0  }
0xea: {  	[sflag:s6] =	ssyncset.done $0x0  }
0xeb: {  	s0 =	rddreg [dreg:$0x5];
	[sflag:s6] =	ssyncadd.s32 $0xFFFFFB10  }
0xec: {  	[spmem:s26], [sflag:s5] =	dma.local [hbm:s0], $0x4F0  }
0xed: {  	_ =	swait.ge [sflag:s6], $0x4F0  }
0xee: {  	[sflag:s6] =	ssyncset.done $0x0  }
0xef: {  	s1 =	rddreg [dreg:$0x6];
	[sflag:s6] =	ssyncadd.s32 $0xFFFFFB10  }
0xf0: {  	[tilespmem:s4], [sflag:$0x1] =	stream.linear.gather [hbm4b:s1+s4], $0x7D0, $0x38;
	[tilespmem:$0x16840] =	vst v63  }
0xf1: {  	_ = 	snop  }
0xf2: {  	[tilespmem:s9], [sflag:$0x1] =	stream.linear.gather [hbm4b:s25+s4], $0x7D0, $0x38;
	[tilespmem:$0x16840] =	vst v63  }
0xf3: {  	_ =	swait.ge [sflag:s13], $0x7D0  }
0xf4: {  	[sflag:s13] =	ssyncset.done $0x0  }
0xf5: {  	[sflag:s13] =	ssyncadd.s32 $0xFFFFF830  }
0xf6: {  	_ =	swait.ge [sflag:s13], $0x7D0  }
0xf7: {  	[sflag:s13] =	ssyncset.done $0x0  }
0xf8: {  	[sflag:s13] =	ssyncadd.s32 $0xFFFFF830  }
0xf9: {  	[bflag:$0x0] =	sbarrier.arrive $0xFFFF  }
0xfa: {  	[tilespmem:s11], [sflag:$0x2] =	stream.indirect.gather [spmem:s3], $0x10, s4, s10, $0xb8;
	[tilespmem:$0x16840] =	vst v63  }
0xfb: {  	_ = 	snop  }
0xfc: {  	[tilespmem:s10], [sflag:$0x1] =	stream.linear.gather [hbm4b:s24+s4], $0x7D0, $0x38;
	[tilespmem:$0x16840] =	vst v63  }
0xfd: {  	s25 =	sadd.s32 s23, s12  }
0xfe: {  	[tilespmem:s16], [sflag:$0x1] =	stream.linear.gather [hbm4b:s25+s4], $0x7D0, $0x38;
	[tilespmem:$0x16840] =	vst v63  }
0xff: {  	_ =	swait.ge [sflag:s14], $0x7D00  }
0x100: {  	[sflag:s14] =	ssyncset.done $0x0  }
0x101: {  	[sflag:s14] =	ssyncadd.s32 $0xFFFF8300  }
0x102: {  	_ =	swait.ge [sflag:s13], $0x7D0  }
0x103: {  	[sflag:s13] =	ssyncset.done $0x0  }
0x104: {  	[sflag:s13] =	ssyncadd.s32 $0xFFFFF830  }
0x105: {  	_ =	swait.ge [sflag:s13], $0x7D0  }
0x106: {  	[sflag:s13] =	ssyncset.done $0x0  }
0x107: {  	[sflag:s13] =	ssyncadd.s32 $0xFFFFF830  }
0x108: {  	[tilespmem:s18], [sflag:$0x2] =	stream.indirect.gather [spmem:s3], $0x10, s10, s10, $0xb8;
	[tilespmem:$0x16840] =	vst v63  }
0x109: {  	_ = 	snop  }
0x10a: {  	[spmem:s2] =	stream.indirect.scatter.add.f32 [tilespmem:s11], [sflag:$0x3], $0x10, s9, s10, $0xb8;
	[tilespmem:$0x16840] =	vst v63  }
0x10b: {  	_ =	swait.ge [sflag:s6], $0x7D00  }
0x10c: {  	[sflag:s6] =	ssyncset.done $0x0  }
0x10d: {  	[sflag:s6] =	ssyncadd.s32 $0xFFFF8300  }
0x10e: {  	[tilespmem:s4], [sflag:$0x1] =	stream.linear.gather [hbm4b:s22+s4], $0x7D0, $0x38;
	[tilespmem:$0x16840] =	vst v63  }
0x10f: {  	s26 =	sadd.s32 s12, s21  }
0x110: {  	[tilespmem:s9], [sflag:$0x1] =	stream.linear.gather [hbm4b:s26+s4], $0x7D0, $0x38;
	[tilespmem:$0x16840] =	vst v63  }
0x111: {  	_ =	swait.ge [sflag:s14], $0x7D00  }
0x112: {  	[sflag:s14] =	ssyncset.done $0x0  }
0x113: {  	[sflag:s14] =	ssyncadd.s32 $0xFFFF8300  }
0x114: {  	_ =	swait.ge [sflag:s13], $0x7D0  }
0x115: {  	[sflag:s13] =	ssyncset.done $0x0  }
0x116: {  	[sflag:s13] =	ssyncadd.s32 $0xFFFFF830  }
0x117: {  	_ =	swait.ge [sflag:s13], $0x7D0  }
0x118: {  	[sflag:s13] =	ssyncset.done $0x0  }
0x119: {  	[sflag:s13] =	ssyncadd.s32 $0xFFFFF830  }
0x11a: {  	[tilespmem:s11], [sflag:$0x2] =	stream.indirect.gather [spmem:s3], $0x10, s4, s10, $0xb8;
	[tilespmem:$0x16840] =	vst v63  }
0x11b: {  	_ = 	snop  }
0x11c: {  	[spmem:s2] =	stream.indirect.scatter.add.f32 [tilespmem:s18], [sflag:$0x3], $0x10, s16, s10, $0xb8;
	[tilespmem:$0x16840] =	vst v63  }
0x11d: {  	_ =	swait.ge [sflag:s6], $0x7D00  }
0x11e: {  	[sflag:s6] =	ssyncset.done $0x0  }
0x11f: {  	[sflag:s6] =	ssyncadd.s32 $0xFFFF8300  }
0x120: {  	[tilespmem:s10], [sflag:$0x1] =	stream.linear.gather [hbm4b:s20+s4], $0x7D0, $0x38;
	[tilespmem:$0x16840] =	vst v63  }
0x121: {  	s30 =	sadd.s32 s12, s19  }
0x122: {  	[tilespmem:s16], [sflag:$0x1] =	stream.linear.gather [hbm4b:s30+s4], $0x7D0, $0x38;
	[tilespmem:$0x16840] =	vst v63  }
0x123: {  	_ =	swait.ge [sflag:s14], $0x7D00  }
0x124: {  	[sflag:s14] =	ssyncset.done $0x0  }
0x125: {  	[sflag:s14] =	ssyncadd.s32 $0xFFFF8300  }
0x126: {  	_ =	swait.ge [sflag:s13], $0x7D0  }
0x127: {  	[sflag:s13] =	ssyncset.done $0x0  }
0x128: {  	[sflag:s13] =	ssyncadd.s32 $0xFFFFF830  }
0x129: {  	_ =	swait.ge [sflag:s13], $0x7D0  }
0x12a: {  	[sflag:s13] =	ssyncset.done $0x0  }
0x12b: {  	[sflag:s13] =	ssyncadd.s32 $0xFFFFF830  }
0x12c: {  	[tilespmem:s18], [sflag:$0x2] =	stream.indirect.gather [spmem:s3], $0x10, s10, s10, $0xb8;
	[tilespmem:$0x16840] =	vst v63  }
0x12d: {  	_ = 	snop  }
0x12e: {  	[spmem:s2] =	stream.indirect.scatter.add.f32 [tilespmem:s11], [sflag:$0x3], $0x10, s9, s10, $0xb8;
	[tilespmem:$0x16840] =	vst v63  }
0x12f: {  	_ =	swait.ge [sflag:s6], $0x7D00  }
0x130: {  	[sflag:s6] =	ssyncset.done $0x0  }
0x131: {  	[sflag:s6] =	ssyncadd.s32 $0xFFFF8300  }
0x132: {  	[tilespmem:s4], [sflag:$0x1] =	stream.linear.gather [hbm4b:s17+s4], $0x7D0, $0x38;
	[tilespmem:$0x16840] =	vst v63  }
0x133: {  	s31 =	sadd.s32 s12, s15  }
0x134: {  	[tilespmem:s9], [sflag:$0x1] =	stream.linear.gather [hbm4b:s31+s4], $0x7D0, $0x38;
	[tilespmem:$0x16840] =	vst v63  }
0x135: {  	_ =	swait.ge [sflag:s14], $0x7D00  }
0x136: {  	[sflag:s14] =	ssyncset.done $0x0  }
0x137: {  	[sflag:s14] =	ssyncadd.s32 $0xFFFF8300  }
0x138: {  	_ =	swait.ge [sflag:s13], $0x7D0  }
0x139: {  	[sflag:s13] =	ssyncset.done $0x0  }
0x13a: {  	[sflag:s13] =	ssyncadd.s32 $0xFFFFF830  }
0x13b: {  	_ =	swait.ge [sflag:s13], $0x7D0  }
0x13c: {  	[sflag:s13] =	ssyncset.done $0x0  }
0x13d: {  	[sflag:s13] =	ssyncadd.s32 $0xFFFFF830  }
0x13e: {  	[tilespmem:s11], [sflag:$0x2] =	stream.indirect.gather [spmem:s3], $0x10, s4, s10, $0xb8;
	[tilespmem:$0x16840] =	vst v63  }
0x13f: {  	_ = 	snop  }
0x140: {  	[spmem:s2] =	stream.indirect.scatter.add.f32 [tilespmem:s18], [sflag:$0x3], $0x10, s16, s10, $0xb8;
	[tilespmem:$0x16840] =	vst v63  }
0x141: {  	_ =	swait.ge [sflag:s6], $0x7D00  }
0x142: {  	[sflag:s6] =	ssyncset.done $0x0  }
0x143: {  	[sflag:s6] =	ssyncadd.s32 $0xFFFF8300  }
0x144: {  	_ =	swait.ge [sflag:s14], $0x7D00  }
0x145: {  	[sflag:s14] =	ssyncset.done $0x0  }
0x146: {  	[sflag:s14] =	ssyncadd.s32 $0xFFFF8300  }
0x147: {  	[spmem:s2] =	stream.indirect.scatter.add.f32 [tilespmem:s11], [sflag:$0x3], $0x10, s9, s10, $0xb8;
	[tilespmem:$0x16840] =	vst v63  }
0x148: {  	_ =	swait.ge [sflag:s6], $0x7D00  }
0x149: {  	[sflag:s6] =	ssyncset.done $0x0  }
0x14a: {  	[sflag:s6] =	ssyncadd.s32 $0xFFFF8300  }
0x14b: {  	[bflag:$0x0] =	sbarrier.arrive $0xFFFF  }
0x14c: {  	[hbm:s8], [sflag:s5] =	dma.local [spmem:s7], $0x4F0  }
0x14d: {  	_ =	swait.ge [sflag:s6], $0x4F0  }
0x14e: {  	[sflag:s6] =	ssyncset.done $0x0  }
0x14f: {  	[sflag:s6] =	ssyncadd.s32 $0xFFFFFB10  }
0x150: {  	_ =	sfence.sel $0x180000  }
0x151: {  	[bflag:$0x0] =	sbarrier.arrive $0xFFFF  }
0x152: {  	p0 =	sne.s32 s29, $0x0;
	_ =	strace $0x9000004D  }
0x153: {  	s0 =	sadd.s32 @!p0 $0x100000, s28;
	[bflag:$0x2] =	sbarrier.arrive $0xFFFF  }
0x154: {  	[sflag:s0] =	ssyncadd.tile.s32 @!p0 $0x1;
	_ =	shalt  }
.LBB2_2:
.Ltmp3:
0x155: {  	(pc) =	sbr.rel .LBB2_5-.Ltmp3, $2  }
0x156: {  	_ =	sdelay $0x2  }
0x157: {  	s28 =	rddreg [dreg:$0x3];
	s29 =	stileid.u32  }
.Lfunc_end2:
_tile_overlayer_lowered:
.L_overlay_start_2:
0x158: {  	(tag) =	ssettag $0x2  }
0x159: {  	s0 =	rddreg [dreg:$0x0];
	s2 =	stileid.u32  }
0x15a: {  	s1 =	rddreg [dreg:$0x1];
	p0 =	sne.s32 s2, $0x0  }
0x15b: {  	s3 =	rddreg [dreg:$0x2];
	[bflag:$0x3] =	sbarrier.arrive $0xFFFF;
	s2 =	simm.s32 @!p0 $0x1C03  }
0x15c: {  	[timem:s3], [sflag:s2] =	dma.local @!p0 [hbm:s0], s1  }
0x15d: {  	s0 =	simm.s32 @!p0 $0x3  }
0x15e: {  	_ =	swait.ge @!p0 [sflag:s0], s1  }
0x15f: {  	s1 =	ssub.s32 @!p0 $0x0, s1;
	[sflag:s0] =	ssyncset.done @!p0 $0x0  }
0x160: {  	[sflag:s0] =	ssyncadd.s32 @!p0 s1  }
0x161: {  	[bflag:$0x3] =	sbarrier.arrive $0xFFFF  }
0x162: {  	_ =	shalt  }

// kernel: kernel.19.cloned.1.call-start
scs
__scs_entry_jumppad:
0x0: {  	(pc) =	sbr.rel $0x88, $3  }
0x1: {  	(tag) =	ssettag $0x0;
	lr =	simm.s32 $0x1  }
0x2: {  	[smem:$0x3F8B] =	sst lr;
	_ =	strace $0xD0000000  }
0x3: {  	_ = 	snop  }
0x4: {  	_ = 	snop  }
0x5: {  	_ = 	snop  }
0x6: {  	_ = 	snop  }
0x7: {  	_ = 	snop  }
__scs_overlays_trampoline_lowered:
0x8: {  	[smem:$0x3F9A] =	sst s0  }
0x9: {  	[smem:$0x3F9B] =	sst s1  }
0xa: {  	[smem:$0x3F9C] =	sst s2  }
0xb: {  	[smem:$0x3F9D] =	sst s3  }
0xc: {  	[smem:$0x3F9E] =	sst s4  }
0xd: {  	[smem:$0x3F9F] =	sst s5  }
0xe: {  	[smem:$0x3FA0] =	sst s6  }
0xf: {  	[smem:$0x3FA1] =	sst s7  }
0x10: {  	[smem:$0x3FA2] =	sst s8  }
0x11: {  	[smem:$0x3FA3] =	sst s9;
	s0 =	simm.s32 @!p0 $0x0  }
0x12: {  	s1 =	sld [smem:$0x3F89];
	s0 =	simm.s32 @p0 $0x1  }
0x13: {  	[smem:$0x3FA4] =	sst s0;
	s0 =	simm.s32 @!p1 $0x0  }
0x14: {  	s2 =	sld [smem:$0x3F88];
	s0 =	simm.s32 @p1 $0x1  }
0x15: {  	[smem:$0x3FA5] =	sst s0;
	s0 =	simm.s32 @!p2 $0x0  }
0x16: {  	s3 =	sld [smem:$0x3FDB];
	s0 =	simm.s32 @p2 $0x1  }
0x17: {  	s4 =	simm.s32 $0x1BF5;
	[smem:$0x3FA7] =	sst s0  }
0x18: {  	s0 =	sld [smem:$0x3F8A];
	_ =	swait.ge [sflag:s4], $0x0  }
0x19: {  	s7 =	sld [smem:$0x3F8B]  }
0x1a: {  	s8 =	sadd.s32 $0xFFFFE003, lr  }
0x1b: {  	s9 =	sadd.s32 $0xFFFFFEF7, lr;
	s5 =	simm.s32 $0xFFFFFFFF;
	p2 =	slt.u32 s8, $0xFFFFF086  }
0x1c: {  	p1 =	slt.u32 s9, $0xF7A;
	s5 =	simm.s32 @!p2 $0x0  }
0x1d: {  	s5 =	simm.s32 @p1 $0x1;
	p0 =	seq.s32 s7, s2  }
0x1e: {  	s7 =	smul.u32 @!p0 $0xF7A, s2;
	p2 =	seq.s32 @!p0 s5, $0x0  }
0x1f: {  	s9 =	smul.u32 $0xF7A, s1;
	s8 =	simm.s32 @!p0 $0x1BF5;
	p2 =	por !p2, p0  }
0x20: {  	[sflag:s8] =	ssyncset.s32 @!p0 $0xFFFFF086;
	s6 =	sadd.s32 @!p0 s3, s7;
	s7 =	simm.s32 @!p0 $0x108  }
0x21: {  	s3 =	sadd.s32 s3, s9;
	s6 =	sadd.s32 @!p0 $0x88, s6;
	s7 =	simm.s32 @p2 $0x1082  }
0x22: {  	[simem:s7], [sflag:s8] =	dma.local @!p0 [hbm:s6], $0xF7A  }
0x23: {  	s9 =	sor.u32 $0xD0000000, s2;
	s6 =	simm.s32 $0x108;
	_ =	swait.ge @!p0 [sflag:s8], $0x0  }
0x24: {  	s3 =	sadd.s32 $0x88, s3;
	s6 =	simm.s32 @!p1 $0x1082;
	[sflag:s4] =	ssyncset.s32 $0xFFFFF086  }
0x25: {  	[simem:s6], [sflag:s4] =	dma.local [hbm:s3], $0xF7A  }
0x26: {  	[smem:$0x3F8B] =	sst s1;
	(tag) =	ssettag s2;
	_ =	strace s9  }
0x27: {  	s1 =	sld [smem:$0x3F9B]  }
0x28: {  	s2 =	sld [smem:$0x3F9C]  }
0x29: {  	s4 =	sld [smem:$0x3F9E]  }
0x2a: {  	p0 =	seq.s32 s5, $0x0;
	s5 =	sld [smem:$0x3F9F]  }
0x2b: {  	s6 =	sld [smem:$0x3FA0]  }
0x2c: {  	s7 =	sld [smem:$0x3FA1]  }
0x2d: {  	s3 =	simm.s32 $0x108;
	s8 =	sld [smem:$0x3FA2]  }
0x2e: {  	s3 =	simm.s32 @!p0 $0x1082;
	s9 =	sld [smem:$0x3FA3]  }
0x2f: {  	lr =	sadd.s32 s0, s3;
	s0 =	sld [smem:$0x3F9A]  }
0x30: {  	s3 =	sld [smem:$0x3F9D]  }
0x31: {  	[smem:$0x3FA6] =	sst s10  }
0x32: {  	s10 =	sld [smem:$0x3FA4];
	_ =	sdelay $0x3  }
0x33: {  	p0 =	seq.s32 s10, $0x1;
	s10 =	sld [smem:$0x3FA6];
	_ =	sdelay $0x3  }
0x34: {  	[smem:$0x3FA6] =	sst s10  }
0x35: {  	s10 =	sld [smem:$0x3FA5];
	_ =	sdelay $0x3  }
0x36: {  	p1 =	seq.s32 s10, $0x1;
	s10 =	sld [smem:$0x3FA6];
	_ =	sdelay $0x3  }
0x37: {  	[smem:$0x3FA6] =	sst s10  }
0x38: {  	s10 =	sld [smem:$0x3FA7]  }
0x39: {  	_ = 	snop;
	(pc) =	sbr.ind lr, $3  }
0x3a: {  	_ = 	snop  }
0x3b: {  	_ = 	snop  }
0x3c: {  	p2 =	seq.s32 s10, $0x1;
	s10 =	sld [smem:$0x3FA6]  }
0x3d: {  	_ =	shalt  }
0x3e: {  	_ =	shalt  }
0x3f: {  	_ =	shalt  }
0x40: {  	_ =	shalt  }
0x41: {  	_ =	shalt  }
0x42: {  	_ =	shalt  }
0x43: {  	_ =	shalt  }
0x44: {  	_ =	shalt  }
0x45: {  	_ =	shalt  }
0x46: {  	_ =	shalt  }
0x47: {  	_ =	shalt  }
0x48: {  	_ =	shalt  }
0x49: {  	_ =	shalt  }
0x4a: {  	_ =	shalt  }
0x4b: {  	_ =	shalt  }
0x4c: {  	_ =	shalt  }
0x4d: {  	_ =	shalt  }
0x4e: {  	_ =	shalt  }
0x4f: {  	_ =	shalt  }
0x50: {  	_ =	shalt  }
0x51: {  	_ =	shalt  }
0x52: {  	_ =	shalt  }
0x53: {  	_ =	shalt  }
0x54: {  	_ =	shalt  }
0x55: {  	_ =	shalt  }
0x56: {  	_ =	shalt  }
0x57: {  	_ =	shalt  }
0x58: {  	_ =	shalt  }
0x59: {  	_ =	shalt  }
0x5a: {  	_ =	shalt  }
0x5b: {  	_ =	shalt  }
0x5c: {  	_ =	shalt  }
0x5d: {  	_ =	shalt  }
0x5e: {  	_ =	shalt  }
0x5f: {  	_ =	shalt  }
0x60: {  	_ =	shalt  }
0x61: {  	_ =	shalt  }
0x62: {  	_ =	shalt  }
0x63: {  	_ =	shalt  }
0x64: {  	_ =	shalt  }
0x65: {  	_ =	shalt  }
0x66: {  	_ =	shalt  }
0x67: {  	_ =	shalt  }
0x68: {  	_ =	shalt  }
0x69: {  	_ =	shalt  }
0x6a: {  	_ =	shalt  }
0x6b: {  	_ =	shalt  }
0x6c: {  	_ =	shalt  }
0x6d: {  	_ =	shalt  }
0x6e: {  	_ =	shalt  }
0x6f: {  	_ =	shalt  }
0x70: {  	_ =	shalt  }
0x71: {  	_ =	shalt  }
0x72: {  	_ =	shalt  }
0x73: {  	_ =	shalt  }
0x74: {  	_ =	shalt  }
0x75: {  	_ =	shalt  }
0x76: {  	_ =	shalt  }
0x77: {  	_ =	shalt  }
0x78: {  	_ =	shalt  }
0x79: {  	_ =	shalt  }
0x7a: {  	_ =	shalt  }
0x7b: {  	_ =	shalt  }
0x7c: {  	_ =	shalt  }
0x7d: {  	_ =	shalt  }
0x7e: {  	_ =	shalt  }
0x7f: {  	_ =	shalt  }
0x80: {  	_ =	shalt  }
0x81: {  	_ =	shalt  }
0x82: {  	_ =	shalt  }
0x83: {  	_ =	shalt  }
0x84: {  	_ =	shalt  }
0x85: {  	_ =	shalt  }
0x86: {  	_ =	shalt  }
0x87: {  	_ =	shalt  }
.Lfunc_end0:
.L_simem_size_0:
called_computation.3_lowered:
.L_overlay_start_0:
0x88: {  	s2 =	sld [smem:$0x3FD9]  }
0x89: {  	s3 =	sld [smem:$0x3FFE];
	_ =	sdelay $0x1  }
0x8a: {  	s1 =	srdreg.scid  }
0x8b: {  	s0 =	sand.u32 $0x1, s1  }
0x8c: {  	s16 =	sshll.u32 s0, $0xA;
	s2 =	sadd.s32 s3, s2  }
0x8d: {  	s2 =	sadd.s32 s2, s16  }
0x8e: {  	[smem:$0x3FB2] =	sst s2  }
0x8f: {  	_ = 	snop  }
0x90: {  	(tm) =	ssettm $0x1  }
0x91: {  	s17 =	sld [smem:$0x3FFB];
	_ =	sdelay $0x3  }
0x92: {  	_ =	strace s17  }
0x93: {  	s2 =	sld [smem:$0x3FFC];
	_ =	sdelay $0x3  }
0x94: {  	_ =	strace s2  }
0x95: {  	s2 =	sld [smem:$0x3FFD];
	_ =	sdelay $0x3  }
0x96: {  	_ =	strace s2  }
0x97: {  	_ =	strace $0x8FFFFFFF  }
0x98: {  	s18 =	sld [smem:$0x3FDB];
	_ =	sdelay $0x1  }
0x99: {  	s19 =	simm.s32 $_scs_section_size  }
0x9a: {  	s4 =	simm.s32 $_size__tile_overlayer_lowered;
	s5 =	simm.s32 $_tile_overlayer_lowered  }
0x9b: {  	s22 =	simm.s32 $0x1BFF;
	s21 =	sshll.u32 s5, $0x1;
	s2 =	sadd.s32 s19, s18  }
0x9c: {  	s6 =	simm.s32 $0x0;
	s20 =	sshll.u32 s4, $0x1;
	s4 =	sadd.s32 s21, s2  }
0x9d: {  	[timem:s6], [sflag:s22] =	dma.local [hbm:s4], s20  }
0x9e: {  	_ =	swait.ge [sflag:s22], s20  }
0x9f: {  	s3 =	ssub.s32 $0x0, s20;
	[sflag:s22] =	ssyncset.done $0x0  }
0xa0: {  	[sflag:s22] =	ssyncadd.s32 s3;
	_ =	sdelay $0x1  }
0xa1: {  	s23 =	simm.s32 $0x1B8B  }
0xa2: {  	_ =	swait.ge [sflag:s23], $0x1  }
0xa3: {  	[sflag:s23] =	ssyncset.done $0x0  }
0xa4: {  	s25 =	simm.s32 $0x1B8E;
	s24 =	sld [smem:$0x3FFE];
	[sflag:s23] =	ssyncadd.s32 $0xFFFFFFFF  }
0xa5: {  	s26 =	simm.s32 $execute0_lowered;
	[smem:$0x3FD2] =	sst s25  }
0xa6: {  	s4 =	sshll.u32 s26, $0x1;
	_ =	strace $0x8000004F;
	[dreg:$0x1] =	wrdreg $0xFFFFFFFF  }
0xa7: {  	s28 =	simm.s32 $_size_execute0_lowered;
	s2 =	sadd.s32 s2, s4;
	[dreg:$0x0] =	wrdreg $0x0  }
0xa8: {  	s4 =	sshll.u32 s28, $0x1;
	[dreg:$0x2] =	wrdreg s2  }
0xa9: {  	[dreg:$0x3] =	wrdreg s4  }
0xaa: {  	[dreg:$0x4] =	wrdreg $0xC0  }
0xab: {  	_ =	task [dreg:s6], $0x5FFFF  }
0xac: {  	[dreg:$0x1] =	wrdreg $0xFFFFFFFF  }
0xad: {  	[dreg:$0x0] =	wrdreg $0x60  }
0xae: {  	[dreg:$0x2] =	wrdreg s24  }
0xaf: {  	[dreg:$0x3] =	wrdreg $0x119400  }
0xb0: {  	[dreg:$0x4] =	wrdreg $0x140C00  }
0xb1: {  	[dreg:$0x5] =	wrdreg $0x9  }
0xb2: {  	_ =	task.clear_ibuf [dreg:s6], $0x6FFFF;
	_ =	strace $0x9000004F  }
0xb3: {  	s29 =	simm.s32 $0x9;
	_ =	strace $0x80000051  }
0xb4: {  	_ =	swait.ge [sflag:s29], $0x1  }
0xb5: {  	[sflag:s29] =	ssyncadd.s32 $0xFFFFFFFF  }
0xb6: {  	_ =	strace $0x90000051  }
0xb7: {  	_ =	sfence  }
0xb8: {  	s30 =	sld [smem:$0x0];
	_ =	sdelay $0x2  }
0xb9: {  	s31 =	sshll.u32 s1, $0xD;
	s1 =	sshrl.u32 s1, $0x2  }
0xba: {  	s3 =	sand.u32 $0x4000, s31;
	s1 =	sadd.s32 s1, s30  }
0xbb: {  	s0 =	sor.u32 s3, s0;
	s1 =	sshll.u32 s1, $0x11  }
0xbc: {  	s0 =	sor.u32 s1, s0  }
0xbd: {  	s0 =	sadd.s32 $0x8F2B, s0  }
0xbe: {  	[sflag:s0] =	ssyncadd.remote.s32 $0x1  }
0xbf: {  	_ =	sfence.sel $0xFFFF  }
0xc0: {  	[dreg:$0x0] =	wrdreg $0xFFFFFFFF;
	(pc) =	sbr.abs _section_cstart, $3  }
0xc1: {  	[dreg:$0x1] =	wrdreg $0xFFFFFFFF  }
0xc2: {  	_ =	task.clear_ibuf [dreg:s6], $0x2FFFF;
	_ =	strace $0x9FFFFFFF  }
0xc3: {  	(tm) =	ssettm $0x7FFFFFFF  }
tec
execute0_lowered:
.L_overlay_start_1:
0x0: {  	(tag) =	ssettag $0x1  }
0x1: {  	s0 =	rddreg [dreg:$0x0]  }
0x2: {  	s2 =	rddreg [dreg:$0x1]  }
0x3: {  	s3 =	rddreg [dreg:$0x2];
	s29 =	stileid.u32  }
0x4: {  	s28 =	rddreg [dreg:$0x3];
	s4 =	simm.s32 $0x0;
	s5 =	srdreg.scid  }
0x5: {  	s16 =	simm.s32 $0x1770;
	p0 =	por $0x0, $0x0;
	s1 =	smul.u32 $0x2780, s29  }
0x6: {  	[smem:$0x7FF] =	sst s4;
	s5 =	sand.u32 $0x1, s5;
	s7 =	sadd.s32 $0x18E00, s0  }
0x7: {  	s10 =	sadd.s32 $0x5400, s0;
	s12 =	sshll.u32 s29, $0x6;
	_ =	strace $0x80000050  }
0x8: {  	s9 =	smul.u32 $0x4F00, s5;
	[dreg:$0x4] =	wrdreg s7;
	s26 =	sshll.u32 s5, $0x4  }
0x9: {  	s5 =	ssub.s32 $0x2, s5;
	s8 =	sshrl.u32 s1, $0x3;
	s7 =	sor.u32 s29, s26  }
0xa: {  	s11 =	sshrl.u32 s5, $0x1;
	s13 =	sadd.s32 s1, s2;
	s1 =	sadd.s32 s1, s3  }
0xb: {  	s6 =	sadd.s32 s8, s0;
	s9 =	sadd.s32 s9, s0;
	s7 =	smul.u32 $0x2710, s7  }
0xc: {  	s11 =	ssub.s32 s5, s11;
	s5 =	sor.u32 $0x1C03, s12;
	s12 =	sadd.s32 $0xF040, s0  }
0xd: {  	s26 =	sshrl.u32 s1, $0x3;
	s1 =	rddreg [dreg:$0x4];
	s6 =	sadd.s32 $0x19400, s6  }
0xe: {  	s31 =	sadd.s32 $0x1E400, s9;
	s18 =	smax.u32 s11, $0x1;
	s9 =	simm.s32 $0xFA0  }
0xf: {  	s11 =	simm.s32 $0x1F40;
	s14 =	sshrl.u32 s7, $0x3;
	[dreg:$0x5] =	wrdreg s6  }
0x10: {  	s7 =	sshrl.u32 s13, $0x3;
	s6 =	simm.s32 $0x3;
	s13 =	simm.s32 $0x1  }
0x11: {  	s8 =	sadd.s32 s8, s31;
	p1 =	sne.s32 s18, $0x1;
	s0 =	sadd.s32 $0xFFFFFFFF, s18  }
.Ltmp0:
0x12: {  	s18 =	simm.s32 $0x9C40;
	s30 =	sadd.s32 s10, s14;
	(pc) =	sbr.rel @!p1 .LBB2_5-.Ltmp0, $4  }
0x13: {  	s23 =	sadd.s32 $0xFA, s14;
	s21 =	sadd.s32 $0x1F4, s14;
	s19 =	sadd.s32 $0x2EE, s14  }
0x14: {  	s15 =	sadd.s32 $0x3E8, s14;
	s25 =	sadd.s32 s14, s12;
	s14 =	simm.s32 $0x2  }
0x15: {  	[dreg:$0x6] =	wrdreg s30;
	s24 =	sadd.s32 s10, s23;
	s22 =	sadd.s32 s10, s21  }
0x16: {  	s20 =	sadd.s32 s10, s19;
	s17 =	sadd.s32 s10, s15;
	s10 =	simm.s32 $0x7D0  }
0x17: {  	[spmem:s7], [sflag:s5] =	dma.local [hbm:s1], $0x4F0  }
0x18: {  	_ =	swait.ge [sflag:s6], $0x4F0  }
0x19: {  	[sflag:s6] =	ssyncset.done $0x0  }
0x1a: {  	s1 =	rddreg [dreg:$0x5];
	[sflag:s6] =	ssyncadd.s32 $0xFFFFFB10  }
0x1b: {  	[spmem:s26], [sflag:s5] =	dma.local [hbm:s1], $0x4F0  }
0x1c: {  	_ =	swait.ge [sflag:s6], $0x4F0  }
0x1d: {  	[sflag:s6] =	ssyncset.done $0x0  }
0x1e: {  	s1 =	rddreg [dreg:$0x6];
	[sflag:s6] =	ssyncadd.s32 $0xFFFFFB10  }
0x1f: {  	[tilespmem:s4], [sflag:$0x1] =	stream.linear.gather [hbm4b:s1+s4], $0x7D0, $0x38;
	[tilespmem:$0x16840] =	vst v63  }
0x20: {  	_ = 	snop  }
0x21: {  	[tilespmem:s9], [sflag:$0x1] =	stream.linear.gather [hbm4b:s25+s4], $0x7D0, $0x38;
	[tilespmem:$0x16840] =	vst v63  }
0x22: {  	_ =	swait.ge [sflag:s13], $0x7D0  }
0x23: {  	[sflag:s13] =	ssyncset.done $0x0  }
0x24: {  	[sflag:s13] =	ssyncadd.s32 $0xFFFFF830  }
0x25: {  	_ =	swait.ge [sflag:s13], $0x7D0  }
0x26: {  	[sflag:s13] =	ssyncset.done $0x0  }
0x27: {  	[sflag:s13] =	ssyncadd.s32 $0xFFFFF830  }
0x28: {  	[bflag:$0x0] =	sbarrier.arrive $0xFFFF  }
0x29: {  	[tilespmem:s11], [sflag:$0x2] =	stream.indirect.gather [spmem:s3], $0x10, s4, s10, $0xb8;
	[tilespmem:$0x16840] =	vst v63  }
0x2a: {  	_ = 	snop  }
0x2b: {  	[tilespmem:s10], [sflag:$0x1] =	stream.linear.gather [hbm4b:s24+s4], $0x7D0, $0x38;
	[tilespmem:$0x16840] =	vst v63  }
0x2c: {  	s28 =	sadd.s32 s23, s12  }
0x2d: {  	[tilespmem:s16], [sflag:$0x1] =	stream.linear.gather [hbm4b:s28+s4], $0x7D0, $0x38;
	[tilespmem:$0x16840] =	vst v63  }
0x2e: {  	_ =	swait.ge [sflag:s14], $0x7D00  }
0x2f: {  	[sflag:s14] =	ssyncset.done $0x0  }
0x30: {  	[sflag:s14] =	ssyncadd.s32 $0xFFFF8300  }
0x31: {  	_ =	swait.ge [sflag:s13], $0x7D0  }
0x32: {  	[sflag:s13] =	ssyncset.done $0x0  }
0x33: {  	[sflag:s13] =	ssyncadd.s32 $0xFFFFF830  }
0x34: {  	_ =	swait.ge [sflag:s13], $0x7D0  }
0x35: {  	[sflag:s13] =	ssyncset.done $0x0  }
0x36: {  	[sflag:s13] =	ssyncadd.s32 $0xFFFFF830  }
0x37: {  	[tilespmem:s18], [sflag:$0x2] =	stream.indirect.gather [spmem:s3], $0x10, s10, s10, $0xb8;
	[tilespmem:$0x16840] =	vst v63  }
0x38: {  	_ = 	snop  }
0x39: {  	[spmem:s2] =	stream.indirect.scatter.add.f32 [tilespmem:s11], [sflag:$0x3], $0x10, s9, s10, $0xb8;
	[tilespmem:$0x16840] =	vst v63  }
0x3a: {  	_ =	swait.ge [sflag:s6], $0x7D00  }
0x3b: {  	[sflag:s6] =	ssyncset.done $0x0  }
0x3c: {  	[sflag:s6] =	ssyncadd.s32 $0xFFFF8300  }
0x3d: {  	[tilespmem:s4], [sflag:$0x1] =	stream.linear.gather [hbm4b:s22+s4], $0x7D0, $0x38;
	[tilespmem:$0x16840] =	vst v63  }
0x3e: {  	s29 =	sadd.s32 s12, s21  }
0x3f: {  	[tilespmem:s9], [sflag:$0x1] =	stream.linear.gather [hbm4b:s29+s4], $0x7D0, $0x38;
	[tilespmem:$0x16840] =	vst v63  }
0x40: {  	_ =	swait.ge [sflag:s14], $0x7D00  }
0x41: {  	[sflag:s14] =	ssyncset.done $0x0  }
0x42: {  	[sflag:s14] =	ssyncadd.s32 $0xFFFF8300  }
0x43: {  	_ =	swait.ge [sflag:s13], $0x7D0  }
0x44: {  	[sflag:s13] =	ssyncset.done $0x0  }
0x45: {  	[sflag:s13] =	ssyncadd.s32 $0xFFFFF830  }
0x46: {  	_ =	swait.ge [sflag:s13], $0x7D0  }
0x47: {  	[sflag:s13] =	ssyncset.done $0x0  }
0x48: {  	[sflag:s13] =	ssyncadd.s32 $0xFFFFF830  }
0x49: {  	[tilespmem:s11], [sflag:$0x2] =	stream.indirect.gather [spmem:s3], $0x10, s4, s10, $0xb8;
	[tilespmem:$0x16840] =	vst v63  }
0x4a: {  	_ = 	snop  }
0x4b: {  	[spmem:s2] =	stream.indirect.scatter.add.f32 [tilespmem:s18], [sflag:$0x3], $0x10, s16, s10, $0xb8;
	[tilespmem:$0x16840] =	vst v63  }
0x4c: {  	_ =	swait.ge [sflag:s6], $0x7D00  }
0x4d: {  	[sflag:s6] =	ssyncset.done $0x0  }
0x4e: {  	[sflag:s6] =	ssyncadd.s32 $0xFFFF8300  }
0x4f: {  	[tilespmem:s10], [sflag:$0x1] =	stream.linear.gather [hbm4b:s20+s4], $0x7D0, $0x38;
	[tilespmem:$0x16840] =	vst v63  }
0x50: {  	s30 =	sadd.s32 s12, s19  }
0x51: {  	[tilespmem:s16], [sflag:$0x1] =	stream.linear.gather [hbm4b:s30+s4], $0x7D0, $0x38;
	[tilespmem:$0x16840] =	vst v63  }
0x52: {  	_ =	swait.ge [sflag:s14], $0x7D00  }
0x53: {  	[sflag:s14] =	ssyncset.done $0x0  }
0x54: {  	[sflag:s14] =	ssyncadd.s32 $0xFFFF8300  }
0x55: {  	_ =	swait.ge [sflag:s13], $0x7D0  }
0x56: {  	[sflag:s13] =	ssyncset.done $0x0  }
0x57: {  	[sflag:s13] =	ssyncadd.s32 $0xFFFFF830  }
0x58: {  	_ =	swait.ge [sflag:s13], $0x7D0  }
0x59: {  	[sflag:s13] =	ssyncset.done $0x0  }
0x5a: {  	[sflag:s13] =	ssyncadd.s32 $0xFFFFF830  }
0x5b: {  	[tilespmem:s18], [sflag:$0x2] =	stream.indirect.gather [spmem:s3], $0x10, s10, s10, $0xb8;
	[tilespmem:$0x16840] =	vst v63  }
0x5c: {  	_ = 	snop  }
0x5d: {  	[spmem:s2] =	stream.indirect.scatter.add.f32 [tilespmem:s11], [sflag:$0x3], $0x10, s9, s10, $0xb8;
	[tilespmem:$0x16840] =	vst v63  }
0x5e: {  	_ =	swait.ge [sflag:s6], $0x7D00  }
0x5f: {  	[sflag:s6] =	ssyncset.done $0x0  }
0x60: {  	[sflag:s6] =	ssyncadd.s32 $0xFFFF8300  }
0x61: {  	[tilespmem:s4], [sflag:$0x1] =	stream.linear.gather [hbm4b:s17+s4], $0x7D0, $0x38;
	[tilespmem:$0x16840] =	vst v63  }
0x62: {  	s31 =	sadd.s32 s12, s15  }
0x63: {  	[tilespmem:s9], [sflag:$0x1] =	stream.linear.gather [hbm4b:s31+s4], $0x7D0, $0x38;
	[tilespmem:$0x16840] =	vst v63  }
0x64: {  	_ =	swait.ge [sflag:s14], $0x7D00  }
0x65: {  	[sflag:s14] =	ssyncset.done $0x0  }
0x66: {  	[sflag:s14] =	ssyncadd.s32 $0xFFFF8300  }
0x67: {  	_ =	swait.ge [sflag:s13], $0x7D0  }
0x68: {  	[sflag:s13] =	ssyncset.done $0x0  }
0x69: {  	[sflag:s13] =	ssyncadd.s32 $0xFFFFF830  }
0x6a: {  	_ =	swait.ge [sflag:s13], $0x7D0  }
0x6b: {  	[sflag:s13] =	ssyncset.done $0x0  }
0x6c: {  	[sflag:s13] =	ssyncadd.s32 $0xFFFFF830  }
0x6d: {  	[tilespmem:s11], [sflag:$0x2] =	stream.indirect.gather [spmem:s3], $0x10, s4, s10, $0xb8;
	[tilespmem:$0x16840] =	vst v63  }
0x6e: {  	_ = 	snop  }
0x6f: {  	[spmem:s2] =	stream.indirect.scatter.add.f32 [tilespmem:s18], [sflag:$0x3], $0x10, s16, s10, $0xb8;
	[tilespmem:$0x16840] =	vst v63  }
0x70: {  	_ =	swait.ge [sflag:s6], $0x7D00  }
0x71: {  	[sflag:s6] =	ssyncset.done $0x0  }
0x72: {  	[sflag:s6] =	ssyncadd.s32 $0xFFFF8300  }
0x73: {  	_ =	swait.ge [sflag:s14], $0x7D00  }
0x74: {  	[sflag:s14] =	ssyncset.done $0x0  }
0x75: {  	[sflag:s14] =	ssyncadd.s32 $0xFFFF8300  }
0x76: {  	[spmem:s2] =	stream.indirect.scatter.add.f32 [tilespmem:s11], [sflag:$0x3], $0x10, s9, s10, $0xb8;
	[tilespmem:$0x16840] =	vst v63  }
0x77: {  	_ =	swait.ge [sflag:s6], $0x7D00  }
0x78: {  	p1 =	sne.s32 s0, $0x1;
	[sflag:s6] =	ssyncset.done $0x0  }
.Ltmp1:
0x79: {  	[sflag:s6] =	ssyncadd.s32 $0xFFFF8300;
	(pc) =	sbr.rel @!p1 .LBB2_2-.Ltmp1, $4  }
0x7a: {  	[bflag:$0x0] =	sbarrier.arrive $0xFFFF  }
0x7b: {  	[hbm:s8], [sflag:s5] =	dma.local [spmem:s7], $0x4F0  }
0x7c: {  	s0 =	sadd.s32 $0xFFFFFFFF, s0;
	_ =	swait.ge [sflag:s6], $0x4F0  }
0x7d: {  	p0 =	por $0x1, $0x1;
	s1 =	rddreg [dreg:$0x4];
	[sflag:s6] =	ssyncset.done $0x0  }
.LBB2_3:
0x7e: {  	[sflag:s6] =	ssyncadd.s32 $0xFFFFFB10  }
0x7f: {  	[spmem:s7], [sflag:s5] =	dma.local [hbm:s1], $0x4F0  }
0x80: {  	_ =	swait.ge [sflag:s6], $0x4F0  }
0x81: {  	[sflag:s6] =	ssyncset.done $0x0  }
0x82: {  	s1 =	rddreg [dreg:$0x5];
	[sflag:s6] =	ssyncadd.s32 $0xFFFFFB10  }
0x83: {  	[spmem:s26], [sflag:s5] =	dma.local [hbm:s1], $0x4F0  }
0x84: {  	_ =	swait.ge [sflag:s6], $0x4F0  }
0x85: {  	[sflag:s6] =	ssyncset.done $0x0  }
0x86: {  	s1 =	rddreg [dreg:$0x6];
	[sflag:s6] =	ssyncadd.s32 $0xFFFFFB10  }
0x87: {  	[tilespmem:s4], [sflag:$0x1] =	stream.linear.gather [hbm4b:s1+s4], $0x7D0, $0x38;
	[tilespmem:$0x16840] =	vst v63  }
0x88: {  	_ = 	snop  }
0x89: {  	[tilespmem:s9], [sflag:$0x1] =	stream.linear.gather [hbm4b:s25+s4], $0x7D0, $0x38;
	[tilespmem:$0x16840] =	vst v63  }
0x8a: {  	_ =	swait.ge [sflag:s13], $0x7D0  }
0x8b: {  	[sflag:s13] =	ssyncset.done $0x0  }
0x8c: {  	[sflag:s13] =	ssyncadd.s32 $0xFFFFF830  }
0x8d: {  	_ =	swait.ge [sflag:s13], $0x7D0  }
0x8e: {  	[sflag:s13] =	ssyncset.done $0x0  }
0x8f: {  	[sflag:s13] =	ssyncadd.s32 $0xFFFFF830  }
0x90: {  	[bflag:$0x0] =	sbarrier.arrive $0xFFFF  }
0x91: {  	[tilespmem:s11], [sflag:$0x2] =	stream.indirect.gather [spmem:s3], $0x10, s4, s10, $0xb8;
	[tilespmem:$0x16840] =	vst v63  }
0x92: {  	_ = 	snop  }
0x93: {  	[tilespmem:s10], [sflag:$0x1] =	stream.linear.gather [hbm4b:s24+s4], $0x7D0, $0x38;
	[tilespmem:$0x16840] =	vst v63  }
0x94: {  	_ = 	snop  }
0x95: {  	[tilespmem:s16], [sflag:$0x1] =	stream.linear.gather [hbm4b:s28+s4], $0x7D0, $0x38;
	[tilespmem:$0x16840] =	vst v63  }
0x96: {  	_ =	swait.ge [sflag:s14], $0x7D00  }
0x97: {  	[sflag:s14] =	ssyncset.done $0x0  }
0x98: {  	[sflag:s14] =	ssyncadd.s32 $0xFFFF8300  }
0x99: {  	_ =	swait.ge [sflag:s13], $0x7D0  }
0x9a: {  	[sflag:s13] =	ssyncset.done $0x0  }
0x9b: {  	[sflag:s13] =	ssyncadd.s32 $0xFFFFF830  }
0x9c: {  	_ =	swait.ge [sflag:s13], $0x7D0  }
0x9d: {  	[sflag:s13] =	ssyncset.done $0x0  }
0x9e: {  	[sflag:s13] =	ssyncadd.s32 $0xFFFFF830  }
0x9f: {  	[tilespmem:s18], [sflag:$0x2] =	stream.indirect.gather [spmem:s3], $0x10, s10, s10, $0xb8;
	[tilespmem:$0x16840] =	vst v63  }
0xa0: {  	_ = 	snop  }
0xa1: {  	[spmem:s2] =	stream.indirect.scatter.add.f32 [tilespmem:s11], [sflag:$0x3], $0x10, s9, s10, $0xb8;
	[tilespmem:$0x16840] =	vst v63  }
0xa2: {  	_ =	swait.ge [sflag:s6], $0x7D00  }
0xa3: {  	[sflag:s6] =	ssyncset.done $0x0  }
0xa4: {  	[sflag:s6] =	ssyncadd.s32 $0xFFFF8300  }
0xa5: {  	[tilespmem:s4], [sflag:$0x1] =	stream.linear.gather [hbm4b:s22+s4], $0x7D0, $0x38;
	[tilespmem:$0x16840] =	vst v63  }
0xa6: {  	_ = 	snop  }
0xa7: {  	[tilespmem:s9], [sflag:$0x1] =	stream.linear.gather [hbm4b:s29+s4], $0x7D0, $0x38;
	[tilespmem:$0x16840] =	vst v63  }
0xa8: {  	_ =	swait.ge [sflag:s14], $0x7D00  }
0xa9: {  	[sflag:s14] =	ssyncset.done $0x0  }
0xaa: {  	[sflag:s14] =	ssyncadd.s32 $0xFFFF8300  }
0xab: {  	_ =	swait.ge [sflag:s13], $0x7D0  }
0xac: {  	[sflag:s13] =	ssyncset.done $0x0  }
0xad: {  	[sflag:s13] =	ssyncadd.s32 $0xFFFFF830  }
0xae: {  	_ =	swait.ge [sflag:s13], $0x7D0  }
0xaf: {  	[sflag:s13] =	ssyncset.done $0x0  }
0xb0: {  	[sflag:s13] =	ssyncadd.s32 $0xFFFFF830  }
0xb1: {  	[tilespmem:s11], [sflag:$0x2] =	stream.indirect.gather [spmem:s3], $0x10, s4, s10, $0xb8;
	[tilespmem:$0x16840] =	vst v63  }
0xb2: {  	_ = 	snop  }
0xb3: {  	[spmem:s2] =	stream.indirect.scatter.add.f32 [tilespmem:s18], [sflag:$0x3], $0x10, s16, s10, $0xb8;
	[tilespmem:$0x16840] =	vst v63  }
0xb4: {  	_ =	swait.ge [sflag:s6], $0x7D00  }
0xb5: {  	[sflag:s6] =	ssyncset.done $0x0  }
0xb6: {  	[sflag:s6] =	ssyncadd.s32 $0xFFFF8300  }
0xb7: {  	[tilespmem:s10], [sflag:$0x1] =	stream.linear.gather [hbm4b:s20+s4], $0x7D0, $0x38;
	[tilespmem:$0x16840] =	vst v63  }
0xb8: {  	_ = 	snop  }
0xb9: {  	[tilespmem:s16], [sflag:$0x1] =	stream.linear.gather [hbm4b:s30+s4], $0x7D0, $0x38;
	[tilespmem:$0x16840] =	vst v63  }
0xba: {  	_ =	swait.ge [sflag:s14], $0x7D00  }
0xbb: {  	[sflag:s14] =	ssyncset.done $0x0  }
0xbc: {  	[sflag:s14] =	ssyncadd.s32 $0xFFFF8300  }
0xbd: {  	_ =	swait.ge [sflag:s13], $0x7D0  }
0xbe: {  	[sflag:s13] =	ssyncset.done $0x0  }
0xbf: {  	[sflag:s13] =	ssyncadd.s32 $0xFFFFF830  }
0xc0: {  	_ =	swait.ge [sflag:s13], $0x7D0  }
0xc1: {  	[sflag:s13] =	ssyncset.done $0x0  }
0xc2: {  	[sflag:s13] =	ssyncadd.s32 $0xFFFFF830  }
0xc3: {  	[tilespmem:s18], [sflag:$0x2] =	stream.indirect.gather [spmem:s3], $0x10, s10, s10, $0xb8;
	[tilespmem:$0x16840] =	vst v63  }
0xc4: {  	_ = 	snop  }
0xc5: {  	[spmem:s2] =	stream.indirect.scatter.add.f32 [tilespmem:s11], [sflag:$0x3], $0x10, s9, s10, $0xb8;
	[tilespmem:$0x16840] =	vst v63  }
0xc6: {  	_ =	swait.ge [sflag:s6], $0x7D00  }
0xc7: {  	[sflag:s6] =	ssyncset.done $0x0  }
0xc8: {  	[sflag:s6] =	ssyncadd.s32 $0xFFFF8300  }
0xc9: {  	[tilespmem:s4], [sflag:$0x1] =	stream.linear.gather [hbm4b:s17+s4], $0x7D0, $0x38;
	[tilespmem:$0x16840] =	vst v63  }
0xca: {  	_ = 	snop  }
0xcb: {  	[tilespmem:s9], [sflag:$0x1] =	stream.linear.gather [hbm4b:s31+s4], $0x7D0, $0x38;
	[tilespmem:$0x16840] =	vst v63  }
0xcc: {  	_ =	swait.ge [sflag:s14], $0x7D00  }
0xcd: {  	[sflag:s14] =	ssyncset.done $0x0  }
0xce: {  	[sflag:s14] =	ssyncadd.s32 $0xFFFF8300  }
0xcf: {  	_ =	swait.ge [sflag:s13], $0x7D0  }
0xd0: {  	[sflag:s13] =	ssyncset.done $0x0  }
0xd1: {  	[sflag:s13] =	ssyncadd.s32 $0xFFFFF830  }
0xd2: {  	_ =	swait.ge [sflag:s13], $0x7D0  }
0xd3: {  	[sflag:s13] =	ssyncset.done $0x0  }
0xd4: {  	[sflag:s13] =	ssyncadd.s32 $0xFFFFF830  }
0xd5: {  	[tilespmem:s11], [sflag:$0x2] =	stream.indirect.gather [spmem:s3], $0x10, s4, s10, $0xb8;
	[tilespmem:$0x16840] =	vst v63  }
0xd6: {  	_ = 	snop  }
0xd7: {  	[spmem:s2] =	stream.indirect.scatter.add.f32 [tilespmem:s18], [sflag:$0x3], $0x10, s16, s10, $0xb8;
	[tilespmem:$0x16840] =	vst v63  }
0xd8: {  	_ =	swait.ge [sflag:s6], $0x7D00  }
0xd9: {  	[sflag:s6] =	ssyncset.done $0x0  }
0xda: {  	[sflag:s6] =	ssyncadd.s32 $0xFFFF8300  }
0xdb: {  	_ =	swait.ge [sflag:s14], $0x7D00  }
0xdc: {  	[sflag:s14] =	ssyncset.done $0x0  }
0xdd: {  	[sflag:s14] =	ssyncadd.s32 $0xFFFF8300  }
0xde: {  	[spmem:s2] =	stream.indirect.scatter.add.f32 [tilespmem:s11], [sflag:$0x3], $0x10, s9, s10, $0xb8;
	[tilespmem:$0x16840] =	vst v63  }
0xdf: {  	_ =	swait.ge [sflag:s6], $0x7D00  }
0xe0: {  	p1 =	sne.s32 s0, $0x1;
	[sflag:s6] =	ssyncset.done $0x0  }
.Ltmp2:
0xe1: {  	[sflag:s6] =	ssyncadd.s32 $0xFFFF8300;
	(pc) =	sbr.rel @p1 .LBB2_3-.Ltmp2, $4  }
0xe2: {  	[bflag:$0x0] =	sbarrier.arrive $0xFFFF  }
0xe3: {  	[hbm:s8], [sflag:s5] =	dma.local [spmem:s7], $0x4F0  }
0xe4: {  	_ =	swait.ge [sflag:s6], $0x4F0  }
0xe5: {  	s0 =	sadd.s32 $0xFFFFFFFF, s0;
	s1 =	rddreg [dreg:$0x4];
	[sflag:s6] =	ssyncset.done $0x0  }
0xe6: {  	s28 =	rddreg [dreg:$0x3];
	s29 =	stileid.u32  }
.LBB2_5:
0xe7: {  	[sflag:s6] =	ssyncadd.s32 @p0 $0xFFFFFB10  }
0xe8: {  	[spmem:s7], [sflag:s5] =	dma.local [hbm:s1], $0x4F0  }
0xe9: {  	_ =	swait.ge [sflag:s6], $0x4F0  }
0xea: {  	[sflag:s6] =	ssyncset.done $0x0  }
0xeb: {  	s0 =	rddreg [dreg:$0x5];
	[sflag:s6] =	ssyncadd.s32 $0xFFFFFB10  }
0xec: {  	[spmem:s26], [sflag:s5] =	dma.local [hbm:s0], $0x4F0  }
0xed: {  	_ =	swait.ge [sflag:s6], $0x4F0  }
0xee: {  	[sflag:s6] =	ssyncset.done $0x0  }
0xef: {  	s1 =	rddreg [dreg:$0x6];
	[sflag:s6] =	ssyncadd.s32 $0xFFFFFB10  }
0xf0: {  	[tilespmem:s4], [sflag:$0x1] =	stream.linear.gather [hbm4b:s1+s4], $0x7D0, $0x38;
	[tilespmem:$0x16840] =	vst v63  }
0xf1: {  	_ = 	snop  }
0xf2: {  	[tilespmem:s9], [sflag:$0x1] =	stream.linear.gather [hbm4b:s25+s4], $0x7D0, $0x38;
	[tilespmem:$0x16840] =	vst v63  }
0xf3: {  	_ =	swait.ge [sflag:s13], $0x7D0  }
0xf4: {  	[sflag:s13] =	ssyncset.done $0x0  }
0xf5: {  	[sflag:s13] =	ssyncadd.s32 $0xFFFFF830  }
0xf6: {  	_ =	swait.ge [sflag:s13], $0x7D0  }
0xf7: {  	[sflag:s13] =	ssyncset.done $0x0  }
0xf8: {  	[sflag:s13] =	ssyncadd.s32 $0xFFFFF830  }
0xf9: {  	[bflag:$0x0] =	sbarrier.arrive $0xFFFF  }
0xfa: {  	[tilespmem:s11], [sflag:$0x2] =	stream.indirect.gather [spmem:s3], $0x10, s4, s10, $0xb8;
	[tilespmem:$0x16840] =	vst v63  }
0xfb: {  	_ = 	snop  }
0xfc: {  	[tilespmem:s10], [sflag:$0x1] =	stream.linear.gather [hbm4b:s24+s4], $0x7D0, $0x38;
	[tilespmem:$0x16840] =	vst v63  }
0xfd: {  	s25 =	sadd.s32 s23, s12  }
0xfe: {  	[tilespmem:s16], [sflag:$0x1] =	stream.linear.gather [hbm4b:s25+s4], $0x7D0, $0x38;
	[tilespmem:$0x16840] =	vst v63  }
0xff: {  	_ =	swait.ge [sflag:s14], $0x7D00  }
0x100: {  	[sflag:s14] =	ssyncset.done $0x0  }
0x101: {  	[sflag:s14] =	ssyncadd.s32 $0xFFFF8300  }
0x102: {  	_ =	swait.ge [sflag:s13], $0x7D0  }
0x103: {  	[sflag:s13] =	ssyncset.done $0x0  }
0x104: {  	[sflag:s13] =	ssyncadd.s32 $0xFFFFF830  }
0x105: {  	_ =	swait.ge [sflag:s13], $0x7D0  }
0x106: {  	[sflag:s13] =	ssyncset.done $0x0  }
0x107: {  	[sflag:s13] =	ssyncadd.s32 $0xFFFFF830  }
0x108: {  	[tilespmem:s18], [sflag:$0x2] =	stream.indirect.gather [spmem:s3], $0x10, s10, s10, $0xb8;
	[tilespmem:$0x16840] =	vst v63  }
0x109: {  	_ = 	snop  }
0x10a: {  	[spmem:s2] =	stream.indirect.scatter.add.f32 [tilespmem:s11], [sflag:$0x3], $0x10, s9, s10, $0xb8;
	[tilespmem:$0x16840] =	vst v63  }
0x10b: {  	_ =	swait.ge [sflag:s6], $0x7D00  }
0x10c: {  	[sflag:s6] =	ssyncset.done $0x0  }
0x10d: {  	[sflag:s6] =	ssyncadd.s32 $0xFFFF8300  }
0x10e: {  	[tilespmem:s4], [sflag:$0x1] =	stream.linear.gather [hbm4b:s22+s4], $0x7D0, $0x38;
	[tilespmem:$0x16840] =	vst v63  }
0x10f: {  	s26 =	sadd.s32 s12, s21  }
0x110: {  	[tilespmem:s9], [sflag:$0x1] =	stream.linear.gather [hbm4b:s26+s4], $0x7D0, $0x38;
	[tilespmem:$0x16840] =	vst v63  }
0x111: {  	_ =	swait.ge [sflag:s14], $0x7D00  }
0x112: {  	[sflag:s14] =	ssyncset.done $0x0  }
0x113: {  	[sflag:s14] =	ssyncadd.s32 $0xFFFF8300  }
0x114: {  	_ =	swait.ge [sflag:s13], $0x7D0  }
0x115: {  	[sflag:s13] =	ssyncset.done $0x0  }
0x116: {  	[sflag:s13] =	ssyncadd.s32 $0xFFFFF830  }
0x117: {  	_ =	swait.ge [sflag:s13], $0x7D0  }
0x118: {  	[sflag:s13] =	ssyncset.done $0x0  }
0x119: {  	[sflag:s13] =	ssyncadd.s32 $0xFFFFF830  }
0x11a: {  	[tilespmem:s11], [sflag:$0x2] =	stream.indirect.gather [spmem:s3], $0x10, s4, s10, $0xb8;
	[tilespmem:$0x16840] =	vst v63  }
0x11b: {  	_ = 	snop  }
0x11c: {  	[spmem:s2] =	stream.indirect.scatter.add.f32 [tilespmem:s18], [sflag:$0x3], $0x10, s16, s10, $0xb8;
	[tilespmem:$0x16840] =	vst v63  }
0x11d: {  	_ =	swait.ge [sflag:s6], $0x7D00  }
0x11e: {  	[sflag:s6] =	ssyncset.done $0x0  }
0x11f: {  	[sflag:s6] =	ssyncadd.s32 $0xFFFF8300  }
0x120: {  	[tilespmem:s10], [sflag:$0x1] =	stream.linear.gather [hbm4b:s20+s4], $0x7D0, $0x38;
	[tilespmem:$0x16840] =	vst v63  }
0x121: {  	s30 =	sadd.s32 s12, s19  }
0x122: {  	[tilespmem:s16], [sflag:$0x1] =	stream.linear.gather [hbm4b:s30+s4], $0x7D0, $0x38;
	[tilespmem:$0x16840] =	vst v63  }
0x123: {  	_ =	swait.ge [sflag:s14], $0x7D00  }
0x124: {  	[sflag:s14] =	ssyncset.done $0x0  }
0x125: {  	[sflag:s14] =	ssyncadd.s32 $0xFFFF8300  }
0x126: {  	_ =	swait.ge [sflag:s13], $0x7D0  }
0x127: {  	[sflag:s13] =	ssyncset.done $0x0  }
0x128: {  	[sflag:s13] =	ssyncadd.s32 $0xFFFFF830  }
0x129: {  	_ =	swait.ge [sflag:s13], $0x7D0  }
0x12a: {  	[sflag:s13] =	ssyncset.done $0x0  }
0x12b: {  	[sflag:s13] =	ssyncadd.s32 $0xFFFFF830  }
0x12c: {  	[tilespmem:s18], [sflag:$0x2] =	stream.indirect.gather [spmem:s3], $0x10, s10, s10, $0xb8;
	[tilespmem:$0x16840] =	vst v63  }
0x12d: {  	_ = 	snop  }
0x12e: {  	[spmem:s2] =	stream.indirect.scatter.add.f32 [tilespmem:s11], [sflag:$0x3], $0x10, s9, s10, $0xb8;
	[tilespmem:$0x16840] =	vst v63  }
0x12f: {  	_ =	swait.ge [sflag:s6], $0x7D00  }
0x130: {  	[sflag:s6] =	ssyncset.done $0x0  }
0x131: {  	[sflag:s6] =	ssyncadd.s32 $0xFFFF8300  }
0x132: {  	[tilespmem:s4], [sflag:$0x1] =	stream.linear.gather [hbm4b:s17+s4], $0x7D0, $0x38;
	[tilespmem:$0x16840] =	vst v63  }
0x133: {  	s31 =	sadd.s32 s12, s15  }
0x134: {  	[tilespmem:s9], [sflag:$0x1] =	stream.linear.gather [hbm4b:s31+s4], $0x7D0, $0x38;
	[tilespmem:$0x16840] =	vst v63  }
0x135: {  	_ =	swait.ge [sflag:s14], $0x7D00  }
0x136: {  	[sflag:s14] =	ssyncset.done $0x0  }
0x137: {  	[sflag:s14] =	ssyncadd.s32 $0xFFFF8300  }
0x138: {  	_ =	swait.ge [sflag:s13], $0x7D0  }
0x139: {  	[sflag:s13] =	ssyncset.done $0x0  }
0x13a: {  	[sflag:s13] =	ssyncadd.s32 $0xFFFFF830  }
0x13b: {  	_ =	swait.ge [sflag:s13], $0x7D0  }
0x13c: {  	[sflag:s13] =	ssyncset.done $0x0  }
0x13d: {  	[sflag:s13] =	ssyncadd.s32 $0xFFFFF830  }
0x13e: {  	[tilespmem:s11], [sflag:$0x2] =	stream.indirect.gather [spmem:s3], $0x10, s4, s10, $0xb8;
	[tilespmem:$0x16840] =	vst v63  }
0x13f: {  	_ = 	snop  }
0x140: {  	[spmem:s2] =	stream.indirect.scatter.add.f32 [tilespmem:s18], [sflag:$0x3], $0x10, s16, s10, $0xb8;
	[tilespmem:$0x16840] =	vst v63  }
0x141: {  	_ =	swait.ge [sflag:s6], $0x7D00  }
0x142: {  	[sflag:s6] =	ssyncset.done $0x0  }
0x143: {  	[sflag:s6] =	ssyncadd.s32 $0xFFFF8300  }
0x144: {  	_ =	swait.ge [sflag:s14], $0x7D00  }
0x145: {  	[sflag:s14] =	ssyncset.done $0x0  }
0x146: {  	[sflag:s14] =	ssyncadd.s32 $0xFFFF8300  }
0x147: {  	[spmem:s2] =	stream.indirect.scatter.add.f32 [tilespmem:s11], [sflag:$0x3], $0x10, s9, s10, $0xb8;
	[tilespmem:$0x16840] =	vst v63  }
0x148: {  	_ =	swait.ge [sflag:s6], $0x7D00  }
0x149: {  	[sflag:s6] =	ssyncset.done $0x0  }
0x14a: {  	[sflag:s6] =	ssyncadd.s32 $0xFFFF8300  }
0x14b: {  	[bflag:$0x0] =	sbarrier.arrive $0xFFFF  }
0x14c: {  	[hbm:s8], [sflag:s5] =	dma.local [spmem:s7], $0x4F0  }
0x14d: {  	_ =	swait.ge [sflag:s6], $0x4F0  }
0x14e: {  	[sflag:s6] =	ssyncset.done $0x0  }
0x14f: {  	[sflag:s6] =	ssyncadd.s32 $0xFFFFFB10  }
0x150: {  	_ =	sfence.sel $0x180000  }
0x151: {  	[bflag:$0x0] =	sbarrier.arrive $0xFFFF  }
0x152: {  	p0 =	sne.s32 s29, $0x0;
	_ =	strace $0x90000050  }
0x153: {  	s0 =	sadd.s32 @!p0 $0x100000, s28;
	[bflag:$0x2] =	sbarrier.arrive $0xFFFF  }
0x154: {  	[sflag:s0] =	ssyncadd.tile.s32 @!p0 $0x1;
	_ =	shalt  }
.LBB2_2:
.Ltmp3:
0x155: {  	(pc) =	sbr.rel .LBB2_5-.Ltmp3, $2  }
0x156: {  	_ =	sdelay $0x2  }
0x157: {  	s28 =	rddreg [dreg:$0x3];
	s29 =	stileid.u32  }
.Lfunc_end2:
_tile_overlayer_lowered:
.L_overlay_start_2:
0x158: {  	(tag) =	ssettag $0x2  }
0x159: {  	s0 =	rddreg [dreg:$0x0];
	s2 =	stileid.u32  }
0x15a: {  	s1 =	rddreg [dreg:$0x1];
	p0 =	sne.s32 s2, $0x0  }
0x15b: {  	s3 =	rddreg [dreg:$0x2];
	[bflag:$0x3] =	sbarrier.arrive $0xFFFF;
	s2 =	simm.s32 @!p0 $0x1C03  }
0x15c: {  	[timem:s3], [sflag:s2] =	dma.local @!p0 [hbm:s0], s1  }
0x15d: {  	s0 =	simm.s32 @!p0 $0x3  }
0x15e: {  	_ =	swait.ge @!p0 [sflag:s0], s1  }
0x15f: {  	s1 =	ssub.s32 @!p0 $0x0, s1;
	[sflag:s0] =	ssyncset.done @!p0 $0x0  }
0x160: {  	[sflag:s0] =	ssyncadd.s32 @!p0 s1  }
0x161: {  	[bflag:$0x3] =	sbarrier.arrive $0xFFFF  }
0x162: {  	_ =	shalt  }

</sc_bundles>
